<compile_context>
chip_gen: v7x
topology: tpu7x:2x2x1
jax: 0.10.2.dev20260603
libtpu: 0.0.44.dev20260713+nightly
codegen_flags: <defaults>
</compile_context>

<pallas_src>
import functools

import jax
import jax.numpy as jnp
from jax import lax
from jax.experimental import pallas as pl
from jax.experimental.pallas import tpu as pltpu
from jax.experimental.pallas import tpu_sc as plsc

_TOP_K = 4096
_DET_THRESHOLD = 0.05
_H = 512
_W = 512
_N = _H * _W
_B = 8
_Q = _N // 4
_NBINS = 512
_CAND = 6144
_CANDPAD = _CAND + 16
_BLK = _CANDPAD // 16
_SCALE = float(1 << 24)

_NEG_INF = float("-inf")


def _nms_kernel(x_ref, out_ref):
    x = x_ref[0]
    m = x
    for s in (1, 2):
        left = jnp.concatenate(
            [x[:, s:], jnp.full((_H, s), _NEG_INF, jnp.float32)], axis=1
        )
        right = jnp.concatenate(
            [jnp.full((_H, s), _NEG_INF, jnp.float32), x[:, :-s]], axis=1
        )
        m = jnp.maximum(m, jnp.maximum(left, right))
    v = m
    for s in (1, 2):
        up = jnp.concatenate(
            [m[s:, :], jnp.full((s, _W), _NEG_INF, jnp.float32)], axis=0
        )
        down = jnp.concatenate(
            [jnp.full((s, _W), _NEG_INF, jnp.float32), m[:-s, :]], axis=0
        )
        v = jnp.maximum(v, jnp.maximum(up, down))
    pos = (x == v) & (x > _DET_THRESHOLD)
    out_ref[0] = jnp.where(pos, x, jnp.float32(-1.0))


def _nms_scores(heatmap):
    return pl.pallas_call(
        _nms_kernel,
        grid=(_B,),
        in_specs=[pl.BlockSpec((1, _H, _W), lambda b: (b, 0, 0))],
        out_specs=pl.BlockSpec((1, _H, _W), lambda b: (b, 0, 0)),
        out_shape=jax.ShapeDtypeStruct(heatmap.shape, jnp.float32),
    )(heatmap)


def _topk_body(scores, xs, ys, ss,
               quart_v, h2_v, histq_v, hloc_v, hd2_v, off_v, cnt2_v,
               cau_v, cai_v, cbu_v, cbi_v,
               ox_v, oy_v, os_v,
               hist_sh, candu_sh, candi_sh):
    cid = lax.axis_index("c")
    sid = lax.axis_index("s")
    row = sid // 4
    q = sid % 4
    b = cid * 4 + row

    lane = lax.iota(jnp.int32, 16)
    zeros16 = jnp.zeros((16,), jnp.int32)
    ones16 = jnp.ones((16,), jnp.int32)

    pltpu.sync_copy(scores.at[b, pl.ds(q * _Q, _Q)], quart_v)

    def zero_h2(c, _):
        h2_v[pl.ds(c * 16, 16)] = zeros16
        return 0

    lax.fori_loop(0, 16 * _NBINS // 16, zero_h2, 0)

    def zero_cand(i, _):
        cau_v[pl.ds(i * 16, 16)] = zeros16
        cai_v[pl.ds(i * 16, 16)] = zeros16
        return 0

    lax.fori_loop(0, _CANDPAD // 16, zero_cand, 0)

    def hist_inner(i, _):
        v = quart_v[pl.ds(i * 16, 16)]
        m = v > 0.0
        u = (v * _SCALE).astype(jnp.int32)
        u = jnp.where(m, u, 0)
        bin_ = jax.lax.shift_right_logical(u, 15)
        plsc.addupdate_scatter(h2_v, [lane * _NBINS + bin_], ones16, mask=m)
        return 0

    lax.fori_loop(0, _Q // 16, hist_inner, 0)

    def reduce_h2(c, _):
        acc = zeros16
        for l in range(16):
            acc = acc + h2_v[pl.ds(l * _NBINS + c * 16, 16)]
        hloc_v[pl.ds(c * 16, 16)] = acc
        return 0

    lax.fori_loop(0, _NBINS // 16, reduce_h2, 0)

    pltpu.sync_copy(hloc_v, hist_sh.at[pl.ds(pl.multiple_of(sid * _NBINS, 8), _NBINS)])

    @pl.when(q == 0)
    def _():
        ro = pl.multiple_of(row * _CANDPAD, 8)
        pltpu.sync_copy(cau_v, candu_sh.at[pl.ds(ro, _CANDPAD)])
        pltpu.sync_copy(cai_v, candi_sh.at[pl.ds(ro, _CANDPAD)])

    plsc.subcore_barrier()

    for j in range(4):
        pltpu.sync_copy(
            hist_sh.at[pl.ds(
                pl.multiple_of((row * 4 + j) * _NBINS, 8), _NBINS)],
            histq_v.at[pl.ds(j * _NBINS, _NBINS)])

    def scan_step(k, carry):
        cnt, b_star, found = carry
        c = (_NBINS // 16 - 1) - k
        acc = zeros16
        for j in range(4):
            acc = acc + histq_v[pl.ds(j * _NBINS + c * 16, 16)]
        suf = lax.rev(plsc.cumsum(lax.rev(acc, (0,))), (0,)) + cnt
        ge = (suf >= _TOP_K).astype(jnp.int32)
        pc = jnp.sum(ge)
        has = pc > 0
        bs_c = c * 16 + pc - 1
        take = jnp.logical_and(jnp.logical_not(found), has)
        b_star = jnp.where(take, bs_c, b_star)
        found = jnp.logical_or(found, has)
        return (cnt + jnp.sum(acc), b_star, found)

    _, b_star, found = lax.fori_loop(
        0, _NBINS // 16, scan_step,
        (jnp.int32(0), jnp.int32(0), jnp.bool_(False)))
    b_star = jnp.where(found, b_star, 0)
    thresh_u = b_star * jnp.int32(1 << 15)

    def cnt_step(c, carry):
        bsel = ((c * 16 + lane) >= b_star).astype(jnp.int32)
        cnts = []
        for j in range(4):
            hv = histq_v[pl.ds(j * _NBINS + c * 16, 16)]
            cnts.append(carry[j] + jnp.sum(hv * bsel))
        return tuple(cnts)

    cnt4 = lax.fori_loop(
        0, _NBINS // 16, cnt_step,
        (jnp.int32(0), jnp.int32(0), jnp.int32(0), jnp.int32(0)))
    start = jnp.int32(0)
    for j in range(4):
        r8 = ((cnt4[j] + 7) // 8) * 8
        start = start + jnp.where(q > j, r8, 0)
    start = pl.multiple_of(jnp.minimum(start, _CAND), 8)

    def ext_inner(i, off):
        v = quart_v[pl.ds(i * 16, 16)]
        u = (v * _SCALE).astype(jnp.int32)
        m = jnp.logical_and(v > 0.0, u >= thresh_u)
        mi = m.astype(jnp.int32)
        pref = plsc.cumsum(mi) - mi
        pos = jnp.minimum(off + pref, _CAND + lane)
        idx = q * _Q + i * 16 + lane
        plsc.store_scatter(cau_v, [pos], u, mask=m)
        plsc.store_scatter(cai_v, [pos], idx, mask=m)
        return off + jnp.sum(mi)

    n = lax.fori_loop(0, _Q // 16, ext_inner, jnp.int32(0))
    n8 = ((n + 7) // 8) * 8
    n8 = jnp.minimum(n8, _CANDPAD - start)

    def piece64(j, _):
        o64 = pl.multiple_of(row * _CANDPAD + start + j * 64, 8)
        pltpu.sync_copy(cau_v.at[pl.ds(pl.multiple_of(j * 64, 8), 64)],
                        candu_sh.at[pl.ds(o64, 64)])
        pltpu.sync_copy(cai_v.at[pl.ds(pl.multiple_of(j * 64, 8), 64)],
                        candi_sh.at[pl.ds(o64, 64)])
        return 0

    nfull = n8 // 64
    lax.fori_loop(0, nfull, piece64, 0)

    def piece8(t, _):
        o = nfull * 64 + t * 8
        o8 = pl.multiple_of(row * _CANDPAD + start + o, 8)
        ol = pl.multiple_of(o, 8)
        pltpu.sync_copy(cau_v.at[pl.ds(ol, 8)], candu_sh.at[pl.ds(o8, 8)])
        pltpu.sync_copy(cai_v.at[pl.ds(ol, 8)], candi_sh.at[pl.ds(o8, 8)])
        return 0

    lax.fori_loop(0, (n8 % 64) // 8, piece8, 0)

    plsc.subcore_barrier()

    @pl.when(q == 0)
    def _():
        ro = pl.multiple_of(row * _CANDPAD, 8)
        pltpu.sync_copy(candu_sh.at[pl.ds(ro, _CANDPAD)], cau_v)
        pltpu.sync_copy(candi_sh.at[pl.ds(ro, _CANDPAD)], cai_v)

        blk_base = lane * _BLK
        for p, (su, si, du, di) in enumerate(
                [(cau_v, cai_v, cbu_v, cbi_v),
                 (cbu_v, cbi_v, cau_v, cai_v),
                 (cau_v, cai_v, cbu_v, cbi_v)]):
            shift = 8 * p

            def zero_hd(c, _):
                hd2_v[pl.ds(c * 16, 16)] = zeros16
                return 0

            lax.fori_loop(0, 256, zero_hd, 0)

            def dig_hist(r, _, su=su, shift=shift):
                uv = plsc.load_gather(su, [blk_base + r])
                d = jax.lax.shift_right_logical(uv, shift) & 255
                plsc.addupdate_scatter(hd2_v, [lane * 256 + d], ones16)
                return 0

            lax.fori_loop(0, _BLK, dig_hist, 0)

            def dig_off(k, run):
                c = 15 - k
                acc = zeros16
                for l in range(16):
                    acc = acc + hd2_v[pl.ds(l * 256 + c * 16, 16)]
                suf = lax.rev(plsc.cumsum(lax.rev(acc, (0,))), (0,)) + run
                off_v[pl.ds(c * 16, 16)] = suf - acc
                return run + jnp.sum(acc)

            lax.fori_loop(0, 16, dig_off, jnp.int32(0))

            def cnt_init(c, _):
                acc = off_v[pl.ds(c * 16, 16)]
                for l in range(16):
                    cnt2_v[pl.ds(l * 256 + c * 16, 16)] = acc
                    acc = acc + hd2_v[pl.ds(l * 256 + c * 16, 16)]
                return 0

            lax.fori_loop(0, 16, cnt_init, 0)

            def perm(r, _, su=su, si=si, du=du, di=di, shift=shift):
                uv = plsc.load_gather(su, [blk_base + r])
                iv = plsc.load_gather(si, [blk_base + r])
                d = jax.lax.shift_right_logical(uv, shift) & 255
                cidx = lane * 256 + d
                pos = plsc.load_gather(cnt2_v, [cidx])
                plsc.store_scatter(du, [pos], uv)
                plsc.store_scatter(di, [pos], iv)
                plsc.store_scatter(cnt2_v, [cidx], pos + 1)
                return 0

            lax.fori_loop(0, _BLK, perm, 0)

        def emit(i, _):
            uv = cbu_v[pl.ds(i * 16, 16)]
            iv = cbi_v[pl.ds(i * 16, 16)]
            valid = uv > 0
            s = jnp.where(valid, uv.astype(jnp.float32) * (1.0 / _SCALE),
                          -1.0)
            x = jnp.where(valid, (iv & (_W - 1)).astype(jnp.float32), 0.0)
            y = jnp.where(
                valid,
                jax.lax.shift_right_logical(iv, 9).astype(jnp.float32), 0.0)
            os_v[pl.ds(i * 16, 16)] = s
            ox_v[pl.ds(i * 16, 16)] = x
            oy_v[pl.ds(i * 16, 16)] = y
            return 0

        lax.fori_loop(0, _TOP_K // 16, emit, 0)
        pltpu.sync_copy(os_v, ss.at[b])
        pltpu.sync_copy(ox_v, xs.at[b])
        pltpu.sync_copy(oy_v, ys.at[b])


_sc_topk = functools.partial(
    pl.kernel,
    mesh=plsc.VectorSubcoreMesh(core_axis_name="c", subcore_axis_name="s"),
    compiler_params=pltpu.CompilerParams(needs_layout_passes=False),
    out_type=[
        jax.ShapeDtypeStruct((_B, _TOP_K), jnp.float32),
        jax.ShapeDtypeStruct((_B, _TOP_K), jnp.float32),
        jax.ShapeDtypeStruct((_B, _TOP_K), jnp.float32),
    ],
    scratch_types=[
        pltpu.VMEM((_Q,), jnp.float32),
        pltpu.VMEM((16 * _NBINS,), jnp.int32),
        pltpu.VMEM((4 * _NBINS,), jnp.int32),
        pltpu.VMEM((_NBINS,), jnp.int32),
        pltpu.VMEM((16 * 256,), jnp.int32),
        pltpu.VMEM((256,), jnp.int32),
        pltpu.VMEM((16 * 256,), jnp.int32),
        pltpu.VMEM((_CANDPAD,), jnp.int32),
        pltpu.VMEM((_CANDPAD,), jnp.int32),
        pltpu.VMEM((_CANDPAD,), jnp.int32),
        pltpu.VMEM((_CANDPAD,), jnp.int32),
        pltpu.VMEM((_TOP_K,), jnp.float32),
        pltpu.VMEM((_TOP_K,), jnp.float32),
        pltpu.VMEM((_TOP_K,), jnp.float32),
        pltpu.VMEM_SHARED((16 * _NBINS,), jnp.int32),
        pltpu.VMEM_SHARED((4 * _CANDPAD,), jnp.int32),
        pltpu.VMEM_SHARED((4 * _CANDPAD,), jnp.int32),
    ],
)(_topk_body)


def kernel(heatmap):
    scores = _nms_scores(heatmap)
    flat = scores.reshape(_B, _N)
    xs, ys, ss = _sc_topk(flat)
    mkpts = jnp.stack([xs, ys], axis=-1)
    return mkpts, ss

# --- scband reference (transcript-rebuilt; emitter-appended) ---
"""Pipeline reference for scband-xfeat-24953759990305 (READ-ONLY COPY).

The authoritative reference and input builder live on the scoring server;
editing this copy changes nothing except your own understanding.
"""

import jax, jax.numpy as jnp
import numpy as np

TOP_K = 4096
DET_THRESHOLD = 0.05
KERNEL_SIZE = 5


def setup_inputs(seed: int = 0) -> dict:
    key = jax.random.key(seed)
    # K1h keypoint heatmap (B, H, W), values in [0,1) like post-softmax scores
    heatmap = jax.random.uniform(key, (8, 512, 512), dtype=jnp.float32)
    return {"heatmap": heatmap}


def reference(heatmap):
    """Faithful port of XFeat.NMS + score sorting / top-k keypoint selection
    from detectAndCompute. NMS keeps pixels that are the local max in a
    kernel_size x kernel_size window and exceed detection_threshold; surviving
    keypoints are ranked by score and the best top_k (x, y) coords are kept,
    with invalid slots zeroed (matching the zero-padding + scores=-1 masking
    in the original TF code)."""
    B, H, W = heatmap.shape
    pad = KERNEL_SIZE // 2
    # local max via 5x5 max-pool, stride 1, SAME padding (tf MaxPool equivalent)
    local_max = jax.lax.reduce_window(
        heatmap,
        -jnp.inf,
        jax.lax.max,
        (1, KERNEL_SIZE, KERNEL_SIZE),
        (1, 1, 1),
        [(0, 0), (pad, pad), (pad, pad)],
    )
    pos = (heatmap == local_max) & (heatmap > DET_THRESHOLD)
    # suppressed pixels get score -1 (matches tf.where(..., -1, scores))
    scores = jnp.where(pos, heatmap, -1.0)
    flat = scores.reshape(B, H * W)
    # argsort(-scores)[:, :top_k] == top_k by score
    top_scores, top_idx = jax.lax.top_k(flat, TOP_K)
    ys = (top_idx // W).astype(jnp.float32)
    xs = (top_idx % W).astype(jnp.float32)
    mkpts = jnp.stack([xs, ys], axis=-1)  # (B, top_k, 2) in (x, y) order
    valid = top_scores[..., None] > 0
    mkpts = jnp.where(valid, mkpts, 0.0)
    return mkpts, top_scores

if __name__ == "__main__":
    import jax
    _d = setup_inputs()
    print(jax.jit(kernel)(*tuple(_d.values())))

</pallas_src>

<mosaic_0001>
#map = affine_map<(d0, d1) -> (0, 0)>
module attributes {stable_mosaic.version = 14 : i64} {
  func.func @_topk_body(%arg0: i32, %arg1: i32, %arg2: memref<8x262144xf32, #tpu.memory_space<hbm>>, %arg3: memref<8x4096xf32, #tpu.memory_space<hbm>>, %arg4: memref<8x4096xf32, #tpu.memory_space<hbm>>, %arg5: memref<8x4096xf32, #tpu.memory_space<hbm>>, %arg6: memref<65536xf32, #tpu.memory_space<vmem>>, %arg7: memref<8192xi32, #tpu.memory_space<vmem>>, %arg8: memref<2048xi32, #tpu.memory_space<vmem>>, %arg9: memref<512xi32, #tpu.memory_space<vmem>>, %arg10: memref<4096xi32, #tpu.memory_space<vmem>>, %arg11: memref<256xi32, #tpu.memory_space<vmem>>, %arg12: memref<4096xi32, #tpu.memory_space<vmem>>, %arg13: memref<6160xi32, #tpu.memory_space<vmem>>, %arg14: memref<6160xi32, #tpu.memory_space<vmem>>, %arg15: memref<6160xi32, #tpu.memory_space<vmem>>, %arg16: memref<6160xi32, #tpu.memory_space<vmem>>, %arg17: memref<4096xf32, #tpu.memory_space<vmem>>, %arg18: memref<4096xf32, #tpu.memory_space<vmem>>, %arg19: memref<4096xf32, #tpu.memory_space<vmem>>, %arg20: memref<8192xi32, #tpu.memory_space<vmem_shared>>, %arg21: memref<24640xi32, #tpu.memory_space<vmem_shared>>, %arg22: memref<24640xi32, #tpu.memory_space<vmem_shared>>) attributes {dimension_semantics = [#tpu.dimension_semantics<core_parallel>, #tpu.dimension_semantics<subcore_parallel>], iteration_bounds = array<i64: 2, 16>, scalar_prefetch = 0 : i64, scratch_operands = 17 : i64, tpu.core_type = #tpu.core_type<sc_vector_subcore>, window_params = [{transform_indices = #map}, {transform_indices = #map}, {transform_indices = #map}, {transform_indices = #map}]} {
    %jit3A = arith.constant 4 : i32
    %div3A = arith.divsi %arg1, %jit3A : i32
    %sign3A = arith.constant 0 : i32
    %sign3A_0 = arith.cmpi sgt, %arg1, %sign3A : i32
    %sign3A_1 = arith.extui %sign3A_0 : i1 to i32
    %sign3A_2 = arith.constant 0 : i32
    %sign3A_3 = arith.cmpi slt, %arg1, %sign3A_2 : i32
    %sign3A_4 = arith.extui %sign3A_3 : i1 to i32
    %sign3A_5 = arith.subi %sign3A_1, %sign3A_4 : i32
    %sign3A_6 = arith.constant 0 : i32
    %sign3A_7 = arith.cmpi sgt, %jit3A, %sign3A_6 : i32
    %sign3A_8 = arith.extui %sign3A_7 : i1 to i32
    %sign3A_9 = arith.constant 0 : i32
    %sign3A_10 = arith.cmpi slt, %jit3A, %sign3A_9 : i32
    %sign3A_11 = arith.extui %sign3A_10 : i1 to i32
    %sign3A_12 = arith.subi %sign3A_8, %sign3A_11 : i32
    %ne3A = arith.cmpi ne, %sign3A_5, %sign3A_12 : i32
    %rem3A = arith.remsi %arg1, %jit3A : i32
    %ne3A_13 = arith.constant 0 : i32
    %ne3A_14 = arith.cmpi ne, %rem3A, %ne3A_13 : i32
    %and3A = arith.andi %ne3A, %ne3A_14 : i1
    %sub3A = arith.constant 1 : i32
    %sub3A_15 = arith.subi %div3A, %sub3A : i32
    %select_n3A = arith.select %and3A, %sub3A_15, %div3A : i32
    %jit3A_16 = arith.constant 4 : i32
    %eq3A = arith.constant 0 : i32
    %eq3A_17 = arith.cmpi eq, %jit3A_16, %eq3A : i32
    %jit3A_18 = arith.constant 1 : i32
    %select_n3A_19 = arith.select %eq3A_17, %jit3A_18, %jit3A_16 : i32
    %rem3A_20 = arith.remsi %arg1, %select_n3A_19 : i32
    %ne3A_21 = arith.constant 0 : i32
    %ne3A_22 = arith.cmpi ne, %rem3A_20, %ne3A_21 : i32
    %lt3A = arith.constant 0 : i32
    %lt3A_23 = arith.cmpi slt, %rem3A_20, %lt3A : i32
    %lt3A_24 = arith.constant 0 : i32
    %lt3A_25 = arith.cmpi slt, %select_n3A_19, %lt3A_24 : i32
    %ne3A_26 = arith.xori %lt3A_23, %lt3A_25 : i1
    %and3A_27 = arith.andi %ne3A_26, %ne3A_22 : i1
    %add3A = arith.addi %rem3A_20, %select_n3A_19 : i32
    %select_n3A_28 = arith.select %and3A_27, %add3A, %rem3A_20 : i32
    %mul3A = arith.constant 4 : i32
    %mul3A_29 = arith.muli %arg0, %mul3A : i32
    %add3A_30 = arith.addi %mul3A_29, %select_n3A : i32
    %iota3A = tpu.iota {dimensions = array<i32: 0>} : vector<16xi32>
    %broadcast_in_dim3A = arith.constant 0 : i32
    %broadcast_in_dim3A_31 = vector.broadcast %broadcast_in_dim3A : i32 to vector<16xi32>
    %broadcast_in_dim3A_32 = arith.constant 1 : i32
    %broadcast_in_dim3A_33 = vector.broadcast %broadcast_in_dim3A_32 : i32 to vector<16xi32>
    %mul3A_34 = arith.constant 65536 : i32
    %mul3A_35 = arith.muli %select_n3A_28, %mul3A_34 : i32
    "tpu.region"() ({
      %run_scoped3A = tpu.sem_alloc : memref<!tpu.dma_semaphore, #tpu.memory_space<semaphore_mem>>
      %dma_start3A = tpu.memref_slice %arg2[%add3A_30, %mul3A_35] : memref<8x262144xf32, #tpu.memory_space<hbm>> -> memref<1x65536xf32, #tpu.memory_space<hbm>>
      %dma_start3A_384 = tpu.memref_squeeze %dma_start3A : memref<1x65536xf32, #tpu.memory_space<hbm>> -> memref<65536xf32, #tpu.memory_space<hbm>>
      %dma_start3A_385 = tpu.memref_slice %arg2[%add3A_30, %mul3A_35] : memref<8x262144xf32, #tpu.memory_space<hbm>> -> memref<1x65536xf32, #tpu.memory_space<hbm>>
      %dma_start3A_386 = tpu.memref_squeeze %dma_start3A_385 : memref<1x65536xf32, #tpu.memory_space<hbm>> -> memref<65536xf32, #tpu.memory_space<hbm>>
      tpu.enqueue_dma source(%dma_start3A_386 : memref<65536xf32, #tpu.memory_space<hbm>>) target(%arg6 : memref<65536xf32, #tpu.memory_space<vmem>>) target_semaphore(%run_scoped3A : memref<!tpu.dma_semaphore, #tpu.memory_space<semaphore_mem>>)
      %dma_wait3A = tpu.memref_slice %arg2[%add3A_30, %mul3A_35] : memref<8x262144xf32, #tpu.memory_space<hbm>> -> memref<1x65536xf32, #tpu.memory_space<hbm>>
      %dma_wait3A_387 = tpu.memref_squeeze %dma_wait3A : memref<1x65536xf32, #tpu.memory_space<hbm>> -> memref<65536xf32, #tpu.memory_space<hbm>>
      %dma_wait3A_388 = tpu.memref_slice %arg2[%add3A_30, %mul3A_35] : memref<8x262144xf32, #tpu.memory_space<hbm>> -> memref<1x65536xf32, #tpu.memory_space<hbm>>
      %dma_wait3A_389 = tpu.memref_squeeze %dma_wait3A_388 : memref<1x65536xf32, #tpu.memory_space<hbm>> -> memref<65536xf32, #tpu.memory_space<hbm>>
      tpu.wait_dma2 semaphore(%run_scoped3A : memref<!tpu.dma_semaphore, #tpu.memory_space<semaphore_mem>>) src(%dma_wait3A_389 : memref<65536xf32, #tpu.memory_space<hbm>>) dst(%arg6 : memref<65536xf32, #tpu.memory_space<vmem>>)
      tpu.yield
    }) : () -> ()
    %scan3A = arith.constant 0 : i32
    %scan3A_36 = arith.constant 0 : i32
    %scan3A_37 = arith.constant 512 : i32
    %scan3A_38 = arith.addi %scan3A_36, %scan3A_37 : i32
    %scan3A_39 = arith.constant 1 : i32
    %scan3A_40 = scf.for %scan3A_384 = %scan3A_36 to %scan3A_38 step %scan3A_39 iter_args(%scan3A_385 = %scan3A) -> (i32)  : i32 {
      %mul3A_386 = arith.constant 16 : i32
      %mul3A_387 = arith.muli %scan3A_384, %mul3A_386 : i32
      %swap3A = arith.index_cast %mul3A_387 : i32 to index
      %swap3A_388 = tpu.vector_load %arg7[%swap3A] {strides = array<i32>} : memref<8192xi32, #tpu.memory_space<vmem>>, vector<16xi32>,
      tpu.vector_store %arg7[%swap3A], %broadcast_in_dim3A_31 {strides = array<i32>} : memref<8192xi32, #tpu.memory_space<vmem>>, vector<16xi32>,
      %scan3A_389 = arith.constant 0 : i32
      scf.yield %scan3A_389 : i32
    }
    %scan3A_41 = arith.constant 512 : i32
    %scan3A_42 = arith.constant 0 : i32
    %scan3A_43 = arith.constant 0 : i32
    %scan3A_44 = arith.constant 385 : i32
    %scan3A_45 = arith.addi %scan3A_43, %scan3A_44 : i32
    %scan3A_46 = arith.constant 1 : i32
    %scan3A_47 = scf.for %scan3A_384 = %scan3A_43 to %scan3A_45 step %scan3A_46 iter_args(%scan3A_385 = %scan3A_42) -> (i32)  : i32 {
      %mul3A_386 = arith.constant 16 : i32
      %mul3A_387 = arith.muli %scan3A_384, %mul3A_386 : i32
      %swap3A = arith.index_cast %mul3A_387 : i32 to index
      %swap3A_388 = tpu.vector_load %arg13[%swap3A] {strides = array<i32>} : memref<6160xi32, #tpu.memory_space<vmem>>, vector<16xi32>,
      tpu.vector_store %arg13[%swap3A], %broadcast_in_dim3A_31 {strides = array<i32>} : memref<6160xi32, #tpu.memory_space<vmem>>, vector<16xi32>,
      %mul3A_389 = arith.constant 16 : i32
      %mul3A_390 = arith.muli %scan3A_384, %mul3A_389 : i32
      %swap3A_391 = arith.index_cast %mul3A_390 : i32 to index
      %swap3A_392 = tpu.vector_load %arg14[%swap3A_391] {strides = array<i32>} : memref<6160xi32, #tpu.memory_space<vmem>>, vector<16xi32>,
      tpu.vector_store %arg14[%swap3A_391], %broadcast_in_dim3A_31 {strides = array<i32>} : memref<6160xi32, #tpu.memory_space<vmem>>, vector<16xi32>,
      %scan3A_393 = arith.constant 0 : i32
      scf.yield %scan3A_393 : i32
    }
    %scan3A_48 = arith.constant 385 : i32
    %scan3A_49 = arith.constant 0 : i32
    %scan3A_50 = arith.constant 0 : i32
    %scan3A_51 = arith.constant 4096 : i32
    %scan3A_52 = arith.addi %scan3A_50, %scan3A_51 : i32
    %scan3A_53 = arith.constant 1 : i32
    %scan3A_54 = scf.for %scan3A_384 = %scan3A_50 to %scan3A_52 step %scan3A_53 iter_args(%scan3A_385 = %scan3A_49) -> (i32)  : i32 {
      %mul3A_386 = arith.constant 16 : i32
      %mul3A_387 = arith.muli %scan3A_384, %mul3A_386 : i32
      %get3A = arith.index_cast %mul3A_387 : i32 to index
      %get3A_388 = tpu.vector_load %arg6[%get3A] {strides = array<i32>} : memref<65536xf32, #tpu.memory_space<vmem>>, vector<16xf32>,
      %gt3A_389 = arith.constant 0.000000e+00 : f32
      %gt3A_390 = vector.broadcast %gt3A_389 : f32 to vector<16xf32>
      %gt3A_391 = arith.cmpf ogt, %get3A_388, %gt3A_390 : vector<16xf32>
      %mul3A_392 = arith.constant 0x4B800000 : f32
      %mul3A_393 = vector.broadcast %mul3A_392 : f32 to vector<16xf32>
      %mul3A_394 = arith.mulf %get3A_388, %mul3A_393 : vector<16xf32>
      %convert_element_type3A_395 = arith.fptosi %mul3A_394 : vector<16xf32> to vector<16xi32>
      %jit3A_396 = arith.constant 0 : i32
      %broadcast_in_dim3A_397 = vector.broadcast %jit3A_396 : i32 to vector<16xi32>
      %select_n3A_398 = arith.select %gt3A_391, %convert_element_type3A_395, %broadcast_in_dim3A_397 : vector<16xi1>, vector<16xi32>
      %shift_right_logical3A = arith.constant 15 : i32
      %shift_right_logical3A_399 = vector.broadcast %shift_right_logical3A : i32 to vector<16xi32>
      %shift_right_logical3A_400 = arith.shrui %select_n3A_398, %shift_right_logical3A_399 : vector<16xi32>
      %mul3A_401 = arith.constant 512 : i32
      %mul3A_402 = vector.broadcast %mul3A_401 : i32 to vector<16xi32>
      %mul3A_403 = arith.muli %iota3A, %mul3A_402 : vector<16xi32>
      %add3A_404 = arith.addi %mul3A_403, %shift_right_logical3A_400 : vector<16xi32>
      tpu.vector_store_idx %arg7[%add3A_404], %broadcast_in_dim3A_33 masked %gt3A_391 {add = true} : memref<8192xi32, #tpu.memory_space<vmem>>[vector<16xi32>], vector<16xi32>, vector<16xi1>
      %scan3A_405 = arith.constant 0 : i32
      scf.yield %scan3A_405 : i32
    }
    %scan3A_55 = arith.constant 4096 : i32
    %scan3A_56 = arith.constant 0 : i32
    %scan3A_57 = arith.constant 0 : i32
    %scan3A_58 = arith.constant 32 : i32
    %scan3A_59 = arith.addi %scan3A_57, %scan3A_58 : i32
    %scan3A_60 = arith.constant 1 : i32
    %scan3A_61 = scf.for %scan3A_384 = %scan3A_57 to %scan3A_59 step %scan3A_60 iter_args(%scan3A_385 = %scan3A_56) -> (i32)  : i32 {
      %mul3A_386 = arith.constant 16 : i32
      %mul3A_387 = arith.muli %scan3A_384, %mul3A_386 : i32
      %add3A_388 = arith.constant 0 : i32
      %add3A_389 = arith.addi %add3A_388, %mul3A_387 : i32
      %get3A = arith.index_cast %add3A_389 : i32 to index
      %get3A_390 = tpu.vector_load %arg7[%get3A] {strides = array<i32>} : memref<8192xi32, #tpu.memory_space<vmem>>, vector<16xi32>,
      %add3A_391 = arith.addi %broadcast_in_dim3A_31, %get3A_390 : vector<16xi32>
      %mul3A_392 = arith.constant 16 : i32
      %mul3A_393 = arith.muli %scan3A_384, %mul3A_392 : i32
      %add3A_394 = arith.constant 512 : i32
      %add3A_395 = arith.addi %add3A_394, %mul3A_393 : i32
      %get3A_396 = arith.index_cast %add3A_395 : i32 to index
      %get3A_397 = tpu.vector_load %arg7[%get3A_396] {strides = array<i32>} : memref<8192xi32, #tpu.memory_space<vmem>>, vector<16xi32>,
      %add3A_398 = arith.addi %add3A_391, %get3A_397 : vector<16xi32>
      %mul3A_399 = arith.constant 16 : i32
      %mul3A_400 = arith.muli %scan3A_384, %mul3A_399 : i32
      %add3A_401 = arith.constant 1024 : i32
      %add3A_402 = arith.addi %add3A_401, %mul3A_400 : i32
      %get3A_403 = arith.index_cast %add3A_402 : i32 to index
      %get3A_404 = tpu.vector_load %arg7[%get3A_403] {strides = array<i32>} : memref<8192xi32, #tpu.memory_space<vmem>>, vector<16xi32>,
      %add3A_405 = arith.addi %add3A_398, %get3A_404 : vector<16xi32>
      %mul3A_406 = arith.constant 16 : i32
      %mul3A_407 = arith.muli %scan3A_384, %mul3A_406 : i32
      %add3A_408 = arith.constant 1536 : i32
      %add3A_409 = arith.addi %add3A_408, %mul3A_407 : i32
      %get3A_410 = arith.index_cast %add3A_409 : i32 to index
      %get3A_411 = tpu.vector_load %arg7[%get3A_410] {strides = array<i32>} : memref<8192xi32, #tpu.memory_space<vmem>>, vector<16xi32>,
      %add3A_412 = arith.addi %add3A_405, %get3A_411 : vector<16xi32>
      %mul3A_413 = arith.constant 16 : i32
      %mul3A_414 = arith.muli %scan3A_384, %mul3A_413 : i32
      %add3A_415 = arith.constant 2048 : i32
      %add3A_416 = arith.addi %add3A_415, %mul3A_414 : i32
      %get3A_417 = arith.index_cast %add3A_416 : i32 to index
      %get3A_418 = tpu.vector_load %arg7[%get3A_417] {strides = array<i32>} : memref<8192xi32, #tpu.memory_space<vmem>>, vector<16xi32>,
      %add3A_419 = arith.addi %add3A_412, %get3A_418 : vector<16xi32>
      %mul3A_420 = arith.constant 16 : i32
      %mul3A_421 = arith.muli %scan3A_384, %mul3A_420 : i32
      %add3A_422 = arith.constant 2560 : i32
      %add3A_423 = arith.addi %add3A_422, %mul3A_421 : i32
      %get3A_424 = arith.index_cast %add3A_423 : i32 to index
      %get3A_425 = tpu.vector_load %arg7[%get3A_424] {strides = array<i32>} : memref<8192xi32, #tpu.memory_space<vmem>>, vector<16xi32>,
      %add3A_426 = arith.addi %add3A_419, %get3A_425 : vector<16xi32>
      %mul3A_427 = arith.constant 16 : i32
      %mul3A_428 = arith.muli %scan3A_384, %mul3A_427 : i32
      %add3A_429 = arith.constant 3072 : i32
      %add3A_430 = arith.addi %add3A_429, %mul3A_428 : i32
      %get3A_431 = arith.index_cast %add3A_430 : i32 to index
      %get3A_432 = tpu.vector_load %arg7[%get3A_431] {strides = array<i32>} : memref<8192xi32, #tpu.memory_space<vmem>>, vector<16xi32>,
      %add3A_433 = arith.addi %add3A_426, %get3A_432 : vector<16xi32>
      %mul3A_434 = arith.constant 16 : i32
      %mul3A_435 = arith.muli %scan3A_384, %mul3A_434 : i32
      %add3A_436 = arith.constant 3584 : i32
      %add3A_437 = arith.addi %add3A_436, %mul3A_435 : i32
      %get3A_438 = arith.index_cast %add3A_437 : i32 to index
      %get3A_439 = tpu.vector_load %arg7[%get3A_438] {strides = array<i32>} : memref<8192xi32, #tpu.memory_space<vmem>>, vector<16xi32>,
      %add3A_440 = arith.addi %add3A_433, %get3A_439 : vector<16xi32>
      %mul3A_441 = arith.constant 16 : i32
      %mul3A_442 = arith.muli %scan3A_384, %mul3A_441 : i32
      %add3A_443 = arith.constant 4096 : i32
      %add3A_444 = arith.addi %add3A_443, %mul3A_442 : i32
      %get3A_445 = arith.index_cast %add3A_444 : i32 to index
      %get3A_446 = tpu.vector_load %arg7[%get3A_445] {strides = array<i32>} : memref<8192xi32, #tpu.memory_space<vmem>>, vector<16xi32>,
      %add3A_447 = arith.addi %add3A_440, %get3A_446 : vector<16xi32>
      %mul3A_448 = arith.constant 16 : i32
      %mul3A_449 = arith.muli %scan3A_384, %mul3A_448 : i32
      %add3A_450 = arith.constant 4608 : i32
      %add3A_451 = arith.addi %add3A_450, %mul3A_449 : i32
      %get3A_452 = arith.index_cast %add3A_451 : i32 to index
      %get3A_453 = tpu.vector_load %arg7[%get3A_452] {strides = array<i32>} : memref<8192xi32, #tpu.memory_space<vmem>>, vector<16xi32>,
      %add3A_454 = arith.addi %add3A_447, %get3A_453 : vector<16xi32>
      %mul3A_455 = arith.constant 16 : i32
      %mul3A_456 = arith.muli %scan3A_384, %mul3A_455 : i32
      %add3A_457 = arith.constant 5120 : i32
      %add3A_458 = arith.addi %add3A_457, %mul3A_456 : i32
      %get3A_459 = arith.index_cast %add3A_458 : i32 to index
      %get3A_460 = tpu.vector_load %arg7[%get3A_459] {strides = array<i32>} : memref<8192xi32, #tpu.memory_space<vmem>>, vector<16xi32>,
      %add3A_461 = arith.addi %add3A_454, %get3A_460 : vector<16xi32>
      %mul3A_462 = arith.constant 16 : i32
      %mul3A_463 = arith.muli %scan3A_384, %mul3A_462 : i32
      %add3A_464 = arith.constant 5632 : i32
      %add3A_465 = arith.addi %add3A_464, %mul3A_463 : i32
      %get3A_466 = arith.index_cast %add3A_465 : i32 to index
      %get3A_467 = tpu.vector_load %arg7[%get3A_466] {strides = array<i32>} : memref<8192xi32, #tpu.memory_space<vmem>>, vector<16xi32>,
      %add3A_468 = arith.addi %add3A_461, %get3A_467 : vector<16xi32>
      %mul3A_469 = arith.constant 16 : i32
      %mul3A_470 = arith.muli %scan3A_384, %mul3A_469 : i32
      %add3A_471 = arith.constant 6144 : i32
      %add3A_472 = arith.addi %add3A_471, %mul3A_470 : i32
      %get3A_473 = arith.index_cast %add3A_472 : i32 to index
      %get3A_474 = tpu.vector_load %arg7[%get3A_473] {strides = array<i32>} : memref<8192xi32, #tpu.memory_space<vmem>>, vector<16xi32>,
      %add3A_475 = arith.addi %add3A_468, %get3A_474 : vector<16xi32>
      %mul3A_476 = arith.constant 16 : i32
      %mul3A_477 = arith.muli %scan3A_384, %mul3A_476 : i32
      %add3A_478 = arith.constant 6656 : i32
      %add3A_479 = arith.addi %add3A_478, %mul3A_477 : i32
      %get3A_480 = arith.index_cast %add3A_479 : i32 to index
      %get3A_481 = tpu.vector_load %arg7[%get3A_480] {strides = array<i32>} : memref<8192xi32, #tpu.memory_space<vmem>>, vector<16xi32>,
      %add3A_482 = arith.addi %add3A_475, %get3A_481 : vector<16xi32>
      %mul3A_483 = arith.constant 16 : i32
      %mul3A_484 = arith.muli %scan3A_384, %mul3A_483 : i32
      %add3A_485 = arith.constant 7168 : i32
      %add3A_486 = arith.addi %add3A_485, %mul3A_484 : i32
      %get3A_487 = arith.index_cast %add3A_486 : i32 to index
      %get3A_488 = tpu.vector_load %arg7[%get3A_487] {strides = array<i32>} : memref<8192xi32, #tpu.memory_space<vmem>>, vector<16xi32>,
      %add3A_489 = arith.addi %add3A_482, %get3A_488 : vector<16xi32>
      %mul3A_490 = arith.constant 16 : i32
      %mul3A_491 = arith.muli %scan3A_384, %mul3A_490 : i32
      %add3A_492 = arith.constant 7680 : i32
      %add3A_493 = arith.addi %add3A_492, %mul3A_491 : i32
      %get3A_494 = arith.index_cast %add3A_493 : i32 to index
      %get3A_495 = tpu.vector_load %arg7[%get3A_494] {strides = array<i32>} : memref<8192xi32, #tpu.memory_space<vmem>>, vector<16xi32>,
      %add3A_496 = arith.addi %add3A_489, %get3A_495 : vector<16xi32>
      %mul3A_497 = arith.constant 16 : i32
      %mul3A_498 = arith.muli %scan3A_384, %mul3A_497 : i32
      %swap3A = arith.index_cast %mul3A_498 : i32 to index
      %swap3A_499 = tpu.vector_load %arg9[%swap3A] {strides = array<i32>} : memref<512xi32, #tpu.memory_space<vmem>>, vector<16xi32>,
      tpu.vector_store %arg9[%swap3A], %add3A_496 {strides = array<i32>} : memref<512xi32, #tpu.memory_space<vmem>>, vector<16xi32>,
      %scan3A_500 = arith.constant 0 : i32
      scf.yield %scan3A_500 : i32
    }
    %scan3A_62 = arith.constant 32 : i32
    %mul3A_63 = arith.constant 512 : i32
    %mul3A_64 = arith.muli %arg1, %mul3A_63 : i32
    %multiple_of3A = tpu.assume_multiple %mul3A_64, 8 : i32
    "tpu.region"() ({
      %run_scoped3A = tpu.sem_alloc : memref<!tpu.dma_semaphore, #tpu.memory_space<semaphore_mem>>
      %dma_start3A = tpu.memref_slice %arg20[%multiple_of3A] : memref<8192xi32, #tpu.memory_space<vmem_shared>> -> memref<512xi32, #tpu.memory_space<vmem_shared>>
      %dma_start3A_384 = tpu.memref_slice %arg20[%multiple_of3A] : memref<8192xi32, #tpu.memory_space<vmem_shared>> -> memref<512xi32, #tpu.memory_space<vmem_shared>>
      tpu.enqueue_dma source(%arg9 : memref<512xi32, #tpu.memory_space<vmem>>) target(%dma_start3A_384 : memref<512xi32, #tpu.memory_space<vmem_shared>>) target_semaphore(%run_scoped3A : memref<!tpu.dma_semaphore, #tpu.memory_space<semaphore_mem>>)
      %dma_wait3A = tpu.memref_slice %arg20[%multiple_of3A] : memref<8192xi32, #tpu.memory_space<vmem_shared>> -> memref<512xi32, #tpu.memory_space<vmem_shared>>
      %dma_wait3A_385 = tpu.memref_slice %arg20[%multiple_of3A] : memref<8192xi32, #tpu.memory_space<vmem_shared>> -> memref<512xi32, #tpu.memory_space<vmem_shared>>
      tpu.wait_dma2 semaphore(%run_scoped3A : memref<!tpu.dma_semaphore, #tpu.memory_space<semaphore_mem>>) src(%arg9 : memref<512xi32, #tpu.memory_space<vmem>>) dst(%dma_wait3A_385 : memref<512xi32, #tpu.memory_space<vmem_shared>>)
      tpu.yield
    }) : () -> ()
    %eq3A_65 = arith.constant 0 : i32
    %eq3A_66 = arith.cmpi eq, %select_n3A_28, %eq3A_65 : i32
    %convert_element_type3A = arith.extui %eq3A_66 : i1 to i32
    %cond3A = arith.constant 0 : i32
    %cond3A_67 = arith.cmpi ne, %convert_element_type3A, %cond3A : i32
    scf.if %cond3A_67 {
      %mul3A_384 = arith.constant 6160 : i32
      %mul3A_385 = arith.muli %select_n3A, %mul3A_384 : i32
      %multiple_of3A_386 = tpu.assume_multiple %mul3A_385, 8 : i32
      "tpu.region"() ({
        %run_scoped3A = tpu.sem_alloc : memref<!tpu.dma_semaphore, #tpu.memory_space<semaphore_mem>>
        %dma_start3A = tpu.memref_slice %arg21[%multiple_of3A_386] : memref<24640xi32, #tpu.memory_space<vmem_shared>> -> memref<6160xi32, #tpu.memory_space<vmem_shared>>
        %dma_start3A_387 = tpu.memref_slice %arg21[%multiple_of3A_386] : memref<24640xi32, #tpu.memory_space<vmem_shared>> -> memref<6160xi32, #tpu.memory_space<vmem_shared>>
        tpu.enqueue_dma source(%arg13 : memref<6160xi32, #tpu.memory_space<vmem>>) target(%dma_start3A_387 : memref<6160xi32, #tpu.memory_space<vmem_shared>>) target_semaphore(%run_scoped3A : memref<!tpu.dma_semaphore, #tpu.memory_space<semaphore_mem>>)
        %dma_wait3A = tpu.memref_slice %arg21[%multiple_of3A_386] : memref<24640xi32, #tpu.memory_space<vmem_shared>> -> memref<6160xi32, #tpu.memory_space<vmem_shared>>
        %dma_wait3A_388 = tpu.memref_slice %arg21[%multiple_of3A_386] : memref<24640xi32, #tpu.memory_space<vmem_shared>> -> memref<6160xi32, #tpu.memory_space<vmem_shared>>
        tpu.wait_dma2 semaphore(%run_scoped3A : memref<!tpu.dma_semaphore, #tpu.memory_space<semaphore_mem>>) src(%arg13 : memref<6160xi32, #tpu.memory_space<vmem>>) dst(%dma_wait3A_388 : memref<6160xi32, #tpu.memory_space<vmem_shared>>)
        tpu.yield
      }) : () -> ()
      "tpu.region"() ({
        %run_scoped3A = tpu.sem_alloc : memref<!tpu.dma_semaphore, #tpu.memory_space<semaphore_mem>>
        %dma_start3A = tpu.memref_slice %arg22[%multiple_of3A_386] : memref<24640xi32, #tpu.memory_space<vmem_shared>> -> memref<6160xi32, #tpu.memory_space<vmem_shared>>
        %dma_start3A_387 = tpu.memref_slice %arg22[%multiple_of3A_386] : memref<24640xi32, #tpu.memory_space<vmem_shared>> -> memref<6160xi32, #tpu.memory_space<vmem_shared>>
        tpu.enqueue_dma source(%arg14 : memref<6160xi32, #tpu.memory_space<vmem>>) target(%dma_start3A_387 : memref<6160xi32, #tpu.memory_space<vmem_shared>>) target_semaphore(%run_scoped3A : memref<!tpu.dma_semaphore, #tpu.memory_space<semaphore_mem>>)
        %dma_wait3A = tpu.memref_slice %arg22[%multiple_of3A_386] : memref<24640xi32, #tpu.memory_space<vmem_shared>> -> memref<6160xi32, #tpu.memory_space<vmem_shared>>
        %dma_wait3A_388 = tpu.memref_slice %arg22[%multiple_of3A_386] : memref<24640xi32, #tpu.memory_space<vmem_shared>> -> memref<6160xi32, #tpu.memory_space<vmem_shared>>
        tpu.wait_dma2 semaphore(%run_scoped3A : memref<!tpu.dma_semaphore, #tpu.memory_space<semaphore_mem>>) src(%arg14 : memref<6160xi32, #tpu.memory_space<vmem>>) dst(%dma_wait3A_388 : memref<6160xi32, #tpu.memory_space<vmem_shared>>)
        tpu.yield
      }) : () -> ()
    } else {
    }
    %barrier3A = arith.constant 0 : index
    tpu.barrier barrier_id(%barrier3A)
    %mul3A_68 = arith.constant 4 : i32
    %mul3A_69 = arith.muli %select_n3A, %mul3A_68 : i32
    %add3A_70 = arith.constant 0 : i32
    %add3A_71 = arith.addi %mul3A_69, %add3A_70 : i32
    %mul3A_72 = arith.constant 512 : i32
    %mul3A_73 = arith.muli %add3A_71, %mul3A_72 : i32
    %multiple_of3A_74 = tpu.assume_multiple %mul3A_73, 8 : i32
    "tpu.region"() ({
      %run_scoped3A = tpu.sem_alloc : memref<!tpu.dma_semaphore, #tpu.memory_space<semaphore_mem>>
      %dma_start3A = arith.constant 0 : i32
      %dma_start3A_384 = tpu.memref_slice %arg8[%dma_start3A] : memref<2048xi32, #tpu.memory_space<vmem>> -> memref<512xi32, #tpu.memory_space<vmem>>
      %dma_start3A_385 = tpu.memref_slice %arg20[%multiple_of3A_74] : memref<8192xi32, #tpu.memory_space<vmem_shared>> -> memref<512xi32, #tpu.memory_space<vmem_shared>>
      %dma_start3A_386 = arith.constant 0 : i32
      %dma_start3A_387 = tpu.memref_slice %arg8[%dma_start3A_386] : memref<2048xi32, #tpu.memory_space<vmem>> -> memref<512xi32, #tpu.memory_space<vmem>>
      %dma_start3A_388 = tpu.memref_slice %arg20[%multiple_of3A_74] : memref<8192xi32, #tpu.memory_space<vmem_shared>> -> memref<512xi32, #tpu.memory_space<vmem_shared>>
      tpu.enqueue_dma source(%dma_start3A_388 : memref<512xi32, #tpu.memory_space<vmem_shared>>) target(%dma_start3A_387 : memref<512xi32, #tpu.memory_space<vmem>>) target_semaphore(%run_scoped3A : memref<!tpu.dma_semaphore, #tpu.memory_space<semaphore_mem>>)
      %dma_wait3A = arith.constant 0 : i32
      %dma_wait3A_389 = tpu.memref_slice %arg8[%dma_wait3A] : memref<2048xi32, #tpu.memory_space<vmem>> -> memref<512xi32, #tpu.memory_space<vmem>>
      %dma_wait3A_390 = tpu.memref_slice %arg20[%multiple_of3A_74] : memref<8192xi32, #tpu.memory_space<vmem_shared>> -> memref<512xi32, #tpu.memory_space<vmem_shared>>
      %dma_wait3A_391 = arith.constant 0 : i32
      %dma_wait3A_392 = tpu.memref_slice %arg8[%dma_wait3A_391] : memref<2048xi32, #tpu.memory_space<vmem>> -> memref<512xi32, #tpu.memory_space<vmem>>
      %dma_wait3A_393 = tpu.memref_slice %arg20[%multiple_of3A_74] : memref<8192xi32, #tpu.memory_space<vmem_shared>> -> memref<512xi32, #tpu.memory_space<vmem_shared>>
      tpu.wait_dma2 semaphore(%run_scoped3A : memref<!tpu.dma_semaphore, #tpu.memory_space<semaphore_mem>>) src(%dma_wait3A_393 : memref<512xi32, #tpu.memory_space<vmem_shared>>) dst(%dma_wait3A_392 : memref<512xi32, #tpu.memory_space<vmem>>)
      tpu.yield
    }) : () -> ()
    %mul3A_75 = arith.constant 4 : i32
    %mul3A_76 = arith.muli %select_n3A, %mul3A_75 : i32
    %add3A_77 = arith.constant 1 : i32
    %add3A_78 = arith.addi %mul3A_76, %add3A_77 : i32
    %mul3A_79 = arith.constant 512 : i32
    %mul3A_80 = arith.muli %add3A_78, %mul3A_79 : i32
    %multiple_of3A_81 = tpu.assume_multiple %mul3A_80, 8 : i32
    "tpu.region"() ({
      %run_scoped3A = tpu.sem_alloc : memref<!tpu.dma_semaphore, #tpu.memory_space<semaphore_mem>>
      %dma_start3A = arith.constant 512 : i32
      %dma_start3A_384 = tpu.memref_slice %arg8[%dma_start3A] : memref<2048xi32, #tpu.memory_space<vmem>> -> memref<512xi32, #tpu.memory_space<vmem>>
      %dma_start3A_385 = tpu.memref_slice %arg20[%multiple_of3A_81] : memref<8192xi32, #tpu.memory_space<vmem_shared>> -> memref<512xi32, #tpu.memory_space<vmem_shared>>
      %dma_start3A_386 = arith.constant 512 : i32
      %dma_start3A_387 = tpu.memref_slice %arg8[%dma_start3A_386] : memref<2048xi32, #tpu.memory_space<vmem>> -> memref<512xi32, #tpu.memory_space<vmem>>
      %dma_start3A_388 = tpu.memref_slice %arg20[%multiple_of3A_81] : memref<8192xi32, #tpu.memory_space<vmem_shared>> -> memref<512xi32, #tpu.memory_space<vmem_shared>>
      tpu.enqueue_dma source(%dma_start3A_388 : memref<512xi32, #tpu.memory_space<vmem_shared>>) target(%dma_start3A_387 : memref<512xi32, #tpu.memory_space<vmem>>) target_semaphore(%run_scoped3A : memref<!tpu.dma_semaphore, #tpu.memory_space<semaphore_mem>>)
      %dma_wait3A = arith.constant 512 : i32
      %dma_wait3A_389 = tpu.memref_slice %arg8[%dma_wait3A] : memref<2048xi32, #tpu.memory_space<vmem>> -> memref<512xi32, #tpu.memory_space<vmem>>
      %dma_wait3A_390 = tpu.memref_slice %arg20[%multiple_of3A_81] : memref<8192xi32, #tpu.memory_space<vmem_shared>> -> memref<512xi32, #tpu.memory_space<vmem_shared>>
      %dma_wait3A_391 = arith.constant 512 : i32
      %dma_wait3A_392 = tpu.memref_slice %arg8[%dma_wait3A_391] : memref<2048xi32, #tpu.memory_space<vmem>> -> memref<512xi32, #tpu.memory_space<vmem>>
      %dma_wait3A_393 = tpu.memref_slice %arg20[%multiple_of3A_81] : memref<8192xi32, #tpu.memory_space<vmem_shared>> -> memref<512xi32, #tpu.memory_space<vmem_shared>>
      tpu.wait_dma2 semaphore(%run_scoped3A : memref<!tpu.dma_semaphore, #tpu.memory_space<semaphore_mem>>) src(%dma_wait3A_393 : memref<512xi32, #tpu.memory_space<vmem_shared>>) dst(%dma_wait3A_392 : memref<512xi32, #tpu.memory_space<vmem>>)
      tpu.yield
    }) : () -> ()
    %mul3A_82 = arith.constant 4 : i32
    %mul3A_83 = arith.muli %select_n3A, %mul3A_82 : i32
    %add3A_84 = arith.constant 2 : i32
    %add3A_85 = arith.addi %mul3A_83, %add3A_84 : i32
    %mul3A_86 = arith.constant 512 : i32
    %mul3A_87 = arith.muli %add3A_85, %mul3A_86 : i32
    %multiple_of3A_88 = tpu.assume_multiple %mul3A_87, 8 : i32
    "tpu.region"() ({
      %run_scoped3A = tpu.sem_alloc : memref<!tpu.dma_semaphore, #tpu.memory_space<semaphore_mem>>
      %dma_start3A = arith.constant 1024 : i32
      %dma_start3A_384 = tpu.memref_slice %arg8[%dma_start3A] : memref<2048xi32, #tpu.memory_space<vmem>> -> memref<512xi32, #tpu.memory_space<vmem>>
      %dma_start3A_385 = tpu.memref_slice %arg20[%multiple_of3A_88] : memref<8192xi32, #tpu.memory_space<vmem_shared>> -> memref<512xi32, #tpu.memory_space<vmem_shared>>
      %dma_start3A_386 = arith.constant 1024 : i32
      %dma_start3A_387 = tpu.memref_slice %arg8[%dma_start3A_386] : memref<2048xi32, #tpu.memory_space<vmem>> -> memref<512xi32, #tpu.memory_space<vmem>>
      %dma_start3A_388 = tpu.memref_slice %arg20[%multiple_of3A_88] : memref<8192xi32, #tpu.memory_space<vmem_shared>> -> memref<512xi32, #tpu.memory_space<vmem_shared>>
      tpu.enqueue_dma source(%dma_start3A_388 : memref<512xi32, #tpu.memory_space<vmem_shared>>) target(%dma_start3A_387 : memref<512xi32, #tpu.memory_space<vmem>>) target_semaphore(%run_scoped3A : memref<!tpu.dma_semaphore, #tpu.memory_space<semaphore_mem>>)
      %dma_wait3A = arith.constant 1024 : i32
      %dma_wait3A_389 = tpu.memref_slice %arg8[%dma_wait3A] : memref<2048xi32, #tpu.memory_space<vmem>> -> memref<512xi32, #tpu.memory_space<vmem>>
      %dma_wait3A_390 = tpu.memref_slice %arg20[%multiple_of3A_88] : memref<8192xi32, #tpu.memory_space<vmem_shared>> -> memref<512xi32, #tpu.memory_space<vmem_shared>>
      %dma_wait3A_391 = arith.constant 1024 : i32
      %dma_wait3A_392 = tpu.memref_slice %arg8[%dma_wait3A_391] : memref<2048xi32, #tpu.memory_space<vmem>> -> memref<512xi32, #tpu.memory_space<vmem>>
      %dma_wait3A_393 = tpu.memref_slice %arg20[%multiple_of3A_88] : memref<8192xi32, #tpu.memory_space<vmem_shared>> -> memref<512xi32, #tpu.memory_space<vmem_shared>>
      tpu.wait_dma2 semaphore(%run_scoped3A : memref<!tpu.dma_semaphore, #tpu.memory_space<semaphore_mem>>) src(%dma_wait3A_393 : memref<512xi32, #tpu.memory_space<vmem_shared>>) dst(%dma_wait3A_392 : memref<512xi32, #tpu.memory_space<vmem>>)
      tpu.yield
    }) : () -> ()
    %mul3A_89 = arith.constant 4 : i32
    %mul3A_90 = arith.muli %select_n3A, %mul3A_89 : i32
    %add3A_91 = arith.constant 3 : i32
    %add3A_92 = arith.addi %mul3A_90, %add3A_91 : i32
    %mul3A_93 = arith.constant 512 : i32
    %mul3A_94 = arith.muli %add3A_92, %mul3A_93 : i32
    %multiple_of3A_95 = tpu.assume_multiple %mul3A_94, 8 : i32
    "tpu.region"() ({
      %run_scoped3A = tpu.sem_alloc : memref<!tpu.dma_semaphore, #tpu.memory_space<semaphore_mem>>
      %dma_start3A = arith.constant 1536 : i32
      %dma_start3A_384 = tpu.memref_slice %arg8[%dma_start3A] : memref<2048xi32, #tpu.memory_space<vmem>> -> memref<512xi32, #tpu.memory_space<vmem>>
      %dma_start3A_385 = tpu.memref_slice %arg20[%multiple_of3A_95] : memref<8192xi32, #tpu.memory_space<vmem_shared>> -> memref<512xi32, #tpu.memory_space<vmem_shared>>
      %dma_start3A_386 = arith.constant 1536 : i32
      %dma_start3A_387 = tpu.memref_slice %arg8[%dma_start3A_386] : memref<2048xi32, #tpu.memory_space<vmem>> -> memref<512xi32, #tpu.memory_space<vmem>>
      %dma_start3A_388 = tpu.memref_slice %arg20[%multiple_of3A_95] : memref<8192xi32, #tpu.memory_space<vmem_shared>> -> memref<512xi32, #tpu.memory_space<vmem_shared>>
      tpu.enqueue_dma source(%dma_start3A_388 : memref<512xi32, #tpu.memory_space<vmem_shared>>) target(%dma_start3A_387 : memref<512xi32, #tpu.memory_space<vmem>>) target_semaphore(%run_scoped3A : memref<!tpu.dma_semaphore, #tpu.memory_space<semaphore_mem>>)
      %dma_wait3A = arith.constant 1536 : i32
      %dma_wait3A_389 = tpu.memref_slice %arg8[%dma_wait3A] : memref<2048xi32, #tpu.memory_space<vmem>> -> memref<512xi32, #tpu.memory_space<vmem>>
      %dma_wait3A_390 = tpu.memref_slice %arg20[%multiple_of3A_95] : memref<8192xi32, #tpu.memory_space<vmem_shared>> -> memref<512xi32, #tpu.memory_space<vmem_shared>>
      %dma_wait3A_391 = arith.constant 1536 : i32
      %dma_wait3A_392 = tpu.memref_slice %arg8[%dma_wait3A_391] : memref<2048xi32, #tpu.memory_space<vmem>> -> memref<512xi32, #tpu.memory_space<vmem>>
      %dma_wait3A_393 = tpu.memref_slice %arg20[%multiple_of3A_95] : memref<8192xi32, #tpu.memory_space<vmem_shared>> -> memref<512xi32, #tpu.memory_space<vmem_shared>>
      tpu.wait_dma2 semaphore(%run_scoped3A : memref<!tpu.dma_semaphore, #tpu.memory_space<semaphore_mem>>) src(%dma_wait3A_393 : memref<512xi32, #tpu.memory_space<vmem_shared>>) dst(%dma_wait3A_392 : memref<512xi32, #tpu.memory_space<vmem>>)
      tpu.yield
    }) : () -> ()
    %scan3A_96 = arith.constant 0 : i32
    %scan3A_97 = arith.constant 0 : i32
    %scan3A_98 = arith.constant false
    %scan3A_99 = arith.constant 0 : i32
    %scan3A_100 = arith.constant 32 : i32
    %scan3A_101 = arith.addi %scan3A_99, %scan3A_100 : i32
    %scan3A_102 = arith.constant 1 : i32
    %scan3A_103:3 = scf.for %scan3A_384 = %scan3A_99 to %scan3A_101 step %scan3A_102 iter_args(%scan3A_385 = %scan3A_96, %scan3A_386 = %scan3A_97, %scan3A_387 = %scan3A_98) -> (i32, i32, i1)  : i32 {
      %sub3A_388 = arith.constant 31 : i32
      %sub3A_389 = arith.subi %sub3A_388, %scan3A_384 : i32
      %mul3A_390 = arith.constant 16 : i32
      %mul3A_391 = arith.muli %sub3A_389, %mul3A_390 : i32
      %add3A_392 = arith.constant 0 : i32
      %add3A_393 = arith.addi %add3A_392, %mul3A_391 : i32
      %get3A = arith.index_cast %add3A_393 : i32 to index
      %get3A_394 = tpu.vector_load %arg8[%get3A] {strides = array<i32>} : memref<2048xi32, #tpu.memory_space<vmem>>, vector<16xi32>,
      %add3A_395 = arith.addi %broadcast_in_dim3A_31, %get3A_394 : vector<16xi32>
      %mul3A_396 = arith.constant 16 : i32
      %mul3A_397 = arith.muli %sub3A_389, %mul3A_396 : i32
      %add3A_398 = arith.constant 512 : i32
      %add3A_399 = arith.addi %add3A_398, %mul3A_397 : i32
      %get3A_400 = arith.index_cast %add3A_399 : i32 to index
      %get3A_401 = tpu.vector_load %arg8[%get3A_400] {strides = array<i32>} : memref<2048xi32, #tpu.memory_space<vmem>>, vector<16xi32>,
      %add3A_402 = arith.addi %add3A_395, %get3A_401 : vector<16xi32>
      %mul3A_403 = arith.constant 16 : i32
      %mul3A_404 = arith.muli %sub3A_389, %mul3A_403 : i32
      %add3A_405 = arith.constant 1024 : i32
      %add3A_406 = arith.addi %add3A_405, %mul3A_404 : i32
      %get3A_407 = arith.index_cast %add3A_406 : i32 to index
      %get3A_408 = tpu.vector_load %arg8[%get3A_407] {strides = array<i32>} : memref<2048xi32, #tpu.memory_space<vmem>>, vector<16xi32>,
      %add3A_409 = arith.addi %add3A_402, %get3A_408 : vector<16xi32>
      %mul3A_410 = arith.constant 16 : i32
      %mul3A_411 = arith.muli %sub3A_389, %mul3A_410 : i32
      %add3A_412 = arith.constant 1536 : i32
      %add3A_413 = arith.addi %add3A_412, %mul3A_411 : i32
      %get3A_414 = arith.index_cast %add3A_413 : i32 to index
      %get3A_415 = tpu.vector_load %arg8[%get3A_414] {strides = array<i32>} : memref<2048xi32, #tpu.memory_space<vmem>>, vector<16xi32>,
      %add3A_416 = arith.addi %add3A_409, %get3A_415 : vector<16xi32>
      %rev3A = arith.constant 15 : i32
      %rev3A_417 = vector.broadcast %rev3A : i32 to vector<16xi32>
      %rev3A_418 = tpu.iota {dimensions = array<i32: 0>} : vector<16xi32>
      %rev3A_419 = arith.subi %rev3A_417, %rev3A_418 : vector<16xi32>
      %rev3A_420 = tpu.dynamic_gather %add3A_416[%rev3A_419] in [0] : vector<16xi32>, vector<16xi32> -> vector<16xi32>
      %broadcast_in_dim3A_421 = arith.constant true
      %broadcast_in_dim3A_422 = vector.broadcast %broadcast_in_dim3A_421 : i1 to vector<16xi1>
      %masked_cumsum3A = tpu.scan <sum>, %rev3A_420 masked %broadcast_in_dim3A_422 : vector<16xi32>, vector<16xi1> -> vector<16xi32>
      %rev3A_423 = arith.constant 15 : i32
      %rev3A_424 = vector.broadcast %rev3A_423 : i32 to vector<16xi32>
      %rev3A_425 = tpu.iota {dimensions = array<i32: 0>} : vector<16xi32>
      %rev3A_426 = arith.subi %rev3A_424, %rev3A_425 : vector<16xi32>
      %rev3A_427 = tpu.dynamic_gather %masked_cumsum3A[%rev3A_426] in [0] : vector<16xi32>, vector<16xi32> -> vector<16xi32>
      %add3A_428 = vector.broadcast %scan3A_385 : i32 to vector<16xi32>
      %add3A_429 = arith.addi %rev3A_427, %add3A_428 : vector<16xi32>
      %ge3A = arith.constant 4096 : i32
      %ge3A_430 = vector.broadcast %ge3A : i32 to vector<16xi32>
      %ge3A_431 = arith.cmpi sge, %add3A_429, %ge3A_430 : vector<16xi32>
      %convert_element_type3A_432 = arith.extui %ge3A_431 : vector<16xi1> to vector<16xi32>
      %reduce_sum3A = arith.constant true
      %reduce_sum3A_433 = vector.broadcast %reduce_sum3A : i1 to vector<16xi1>
      %reduce_sum3A_434 = tpu.scan <sum>, %convert_element_type3A_432 masked %reduce_sum3A_433 : vector<16xi32>, vector<16xi1> -> vector<16xi32>
      %reduce_sum3A_435 = vector.extract %reduce_sum3A_434[15] : i32 from vector<16xi32>
      %gt3A_436 = arith.constant 0 : i32
      %gt3A_437 = arith.cmpi sgt, %reduce_sum3A_435, %gt3A_436 : i32
      %mul3A_438 = arith.constant 16 : i32
      %mul3A_439 = arith.muli %sub3A_389, %mul3A_438 : i32
      %add3A_440 = arith.addi %mul3A_439, %reduce_sum3A_435 : i32
      %sub3A_441 = arith.constant 1 : i32
      %sub3A_442 = arith.subi %add3A_440, %sub3A_441 : i32
      %not3A = arith.constant true
      %not3A_443 = arith.xori %scan3A_387, %not3A : i1
      %and3A_444 = arith.andi %not3A_443, %gt3A_437 : i1
      %select_n3A_445 = arith.select %and3A_444, %sub3A_442, %scan3A_386 : i32
      %or3A = arith.ori %scan3A_387, %gt3A_437 : i1
      %reduce_sum3A_446 = arith.constant true
      %reduce_sum3A_447 = vector.broadcast %reduce_sum3A_446 : i1 to vector<16xi1>
      %reduce_sum3A_448 = tpu.scan <sum>, %add3A_416 masked %reduce_sum3A_447 : vector<16xi32>, vector<16xi1> -> vector<16xi32>
      %reduce_sum3A_449 = vector.extract %reduce_sum3A_448[15] : i32 from vector<16xi32>
      %add3A_450 = arith.addi %scan3A_385, %reduce_sum3A_449 : i32
      scf.yield %add3A_450, %select_n3A_445, %or3A : i32, i32, i1
    }
    %scan3A_104 = arith.constant 32 : i32
    %jit3A_105 = arith.constant 0 : i32
    %select_n3A_106 = arith.select %scan3A_103#2, %scan3A_103#1, %jit3A_105 : i32
    %mul3A_107 = arith.constant 32768 : i32
    %mul3A_108 = arith.muli %select_n3A_106, %mul3A_107 : i32
    %scan3A_109 = arith.constant 0 : i32
    %scan3A_110 = arith.constant 0 : i32
    %scan3A_111 = arith.constant 0 : i32
    %scan3A_112 = arith.constant 0 : i32
    %scan3A_113 = arith.constant 0 : i32
    %scan3A_114 = arith.constant 32 : i32
    %scan3A_115 = arith.addi %scan3A_113, %scan3A_114 : i32
    %scan3A_116 = arith.constant 1 : i32
    %scan3A_117:4 = scf.for %scan3A_384 = %scan3A_113 to %scan3A_115 step %scan3A_116 iter_args(%scan3A_385 = %scan3A_109, %scan3A_386 = %scan3A_110, %scan3A_387 = %scan3A_111, %scan3A_388 = %scan3A_112) -> (i32, i32, i32, i32)  : i32 {
      %mul3A_389 = arith.constant 16 : i32
      %mul3A_390 = arith.muli %scan3A_384, %mul3A_389 : i32
      %add3A_391 = vector.broadcast %mul3A_390 : i32 to vector<16xi32>
      %add3A_392 = arith.addi %add3A_391, %iota3A : vector<16xi32>
      %ge3A = vector.broadcast %select_n3A_106 : i32 to vector<16xi32>
      %ge3A_393 = arith.cmpi sge, %add3A_392, %ge3A : vector<16xi32>
      %convert_element_type3A_394 = arith.extui %ge3A_393 : vector<16xi1> to vector<16xi32>
      %mul3A_395 = arith.constant 16 : i32
      %mul3A_396 = arith.muli %scan3A_384, %mul3A_395 : i32
      %add3A_397 = arith.constant 0 : i32
      %add3A_398 = arith.addi %add3A_397, %mul3A_396 : i32
      %get3A = arith.index_cast %add3A_398 : i32 to index
      %get3A_399 = tpu.vector_load %arg8[%get3A] {strides = array<i32>} : memref<2048xi32, #tpu.memory_space<vmem>>, vector<16xi32>,
      %mul3A_400 = arith.muli %get3A_399, %convert_element_type3A_394 : vector<16xi32>
      %reduce_sum3A = arith.constant true
      %reduce_sum3A_401 = vector.broadcast %reduce_sum3A : i1 to vector<16xi1>
      %reduce_sum3A_402 = tpu.scan <sum>, %mul3A_400 masked %reduce_sum3A_401 : vector<16xi32>, vector<16xi1> -> vector<16xi32>
      %reduce_sum3A_403 = vector.extract %reduce_sum3A_402[15] : i32 from vector<16xi32>
      %add3A_404 = arith.addi %scan3A_385, %reduce_sum3A_403 : i32
      %mul3A_405 = arith.constant 16 : i32
      %mul3A_406 = arith.muli %scan3A_384, %mul3A_405 : i32
      %add3A_407 = arith.constant 512 : i32
      %add3A_408 = arith.addi %add3A_407, %mul3A_406 : i32
      %get3A_409 = arith.index_cast %add3A_408 : i32 to index
      %get3A_410 = tpu.vector_load %arg8[%get3A_409] {strides = array<i32>} : memref<2048xi32, #tpu.memory_space<vmem>>, vector<16xi32>,
      %mul3A_411 = arith.muli %get3A_410, %convert_element_type3A_394 : vector<16xi32>
      %reduce_sum3A_412 = arith.constant true
      %reduce_sum3A_413 = vector.broadcast %reduce_sum3A_412 : i1 to vector<16xi1>
      %reduce_sum3A_414 = tpu.scan <sum>, %mul3A_411 masked %reduce_sum3A_413 : vector<16xi32>, vector<16xi1> -> vector<16xi32>
      %reduce_sum3A_415 = vector.extract %reduce_sum3A_414[15] : i32 from vector<16xi32>
      %add3A_416 = arith.addi %scan3A_386, %reduce_sum3A_415 : i32
      %mul3A_417 = arith.constant 16 : i32
      %mul3A_418 = arith.muli %scan3A_384, %mul3A_417 : i32
      %add3A_419 = arith.constant 1024 : i32
      %add3A_420 = arith.addi %add3A_419, %mul3A_418 : i32
      %get3A_421 = arith.index_cast %add3A_420 : i32 to index
      %get3A_422 = tpu.vector_load %arg8[%get3A_421] {strides = array<i32>} : memref<2048xi32, #tpu.memory_space<vmem>>, vector<16xi32>,
      %mul3A_423 = arith.muli %get3A_422, %convert_element_type3A_394 : vector<16xi32>
      %reduce_sum3A_424 = arith.constant true
      %reduce_sum3A_425 = vector.broadcast %reduce_sum3A_424 : i1 to vector<16xi1>
      %reduce_sum3A_426 = tpu.scan <sum>, %mul3A_423 masked %reduce_sum3A_425 : vector<16xi32>, vector<16xi1> -> vector<16xi32>
      %reduce_sum3A_427 = vector.extract %reduce_sum3A_426[15] : i32 from vector<16xi32>
      %add3A_428 = arith.addi %scan3A_387, %reduce_sum3A_427 : i32
      %mul3A_429 = arith.constant 16 : i32
      %mul3A_430 = arith.muli %scan3A_384, %mul3A_429 : i32
      %add3A_431 = arith.constant 1536 : i32
      %add3A_432 = arith.addi %add3A_431, %mul3A_430 : i32
      %get3A_433 = arith.index_cast %add3A_432 : i32 to index
      %get3A_434 = tpu.vector_load %arg8[%get3A_433] {strides = array<i32>} : memref<2048xi32, #tpu.memory_space<vmem>>, vector<16xi32>,
      %mul3A_435 = arith.muli %get3A_434, %convert_element_type3A_394 : vector<16xi32>
      %reduce_sum3A_436 = arith.constant true
      %reduce_sum3A_437 = vector.broadcast %reduce_sum3A_436 : i1 to vector<16xi1>
      %reduce_sum3A_438 = tpu.scan <sum>, %mul3A_435 masked %reduce_sum3A_437 : vector<16xi32>, vector<16xi1> -> vector<16xi32>
      %reduce_sum3A_439 = vector.extract %reduce_sum3A_438[15] : i32 from vector<16xi32>
      %add3A_440 = arith.addi %scan3A_388, %reduce_sum3A_439 : i32
      scf.yield %add3A_404, %add3A_416, %add3A_428, %add3A_440 : i32, i32, i32, i32
    }
    %scan3A_118 = arith.constant 32 : i32
    %add3A_119 = arith.constant 7 : i32
    %add3A_120 = arith.addi %scan3A_117#0, %add3A_119 : i32
    %jit3A_121 = arith.constant 8 : i32
    %div3A_122 = arith.divsi %add3A_120, %jit3A_121 : i32
    %sign3A_123 = arith.constant 0 : i32
    %sign3A_124 = arith.cmpi sgt, %add3A_120, %sign3A_123 : i32
    %sign3A_125 = arith.extui %sign3A_124 : i1 to i32
    %sign3A_126 = arith.constant 0 : i32
    %sign3A_127 = arith.cmpi slt, %add3A_120, %sign3A_126 : i32
    %sign3A_128 = arith.extui %sign3A_127 : i1 to i32
    %sign3A_129 = arith.subi %sign3A_125, %sign3A_128 : i32
    %sign3A_130 = arith.constant 0 : i32
    %sign3A_131 = arith.cmpi sgt, %jit3A_121, %sign3A_130 : i32
    %sign3A_132 = arith.extui %sign3A_131 : i1 to i32
    %sign3A_133 = arith.constant 0 : i32
    %sign3A_134 = arith.cmpi slt, %jit3A_121, %sign3A_133 : i32
    %sign3A_135 = arith.extui %sign3A_134 : i1 to i32
    %sign3A_136 = arith.subi %sign3A_132, %sign3A_135 : i32
    %ne3A_137 = arith.cmpi ne, %sign3A_129, %sign3A_136 : i32
    %rem3A_138 = arith.remsi %add3A_120, %jit3A_121 : i32
    %ne3A_139 = arith.constant 0 : i32
    %ne3A_140 = arith.cmpi ne, %rem3A_138, %ne3A_139 : i32
    %and3A_141 = arith.andi %ne3A_137, %ne3A_140 : i1
    %sub3A_142 = arith.constant 1 : i32
    %sub3A_143 = arith.subi %div3A_122, %sub3A_142 : i32
    %select_n3A_144 = arith.select %and3A_141, %sub3A_143, %div3A_122 : i32
    %mul3A_145 = arith.constant 8 : i32
    %mul3A_146 = arith.muli %select_n3A_144, %mul3A_145 : i32
    %gt3A = arith.constant 0 : i32
    %gt3A_147 = arith.cmpi sgt, %select_n3A_28, %gt3A : i32
    %jit3A_148 = arith.constant 0 : i32
    %select_n3A_149 = arith.select %gt3A_147, %mul3A_146, %jit3A_148 : i32
    %add3A_150 = arith.constant 0 : i32
    %add3A_151 = arith.addi %add3A_150, %select_n3A_149 : i32
    %add3A_152 = arith.constant 7 : i32
    %add3A_153 = arith.addi %scan3A_117#1, %add3A_152 : i32
    %jit3A_154 = arith.constant 8 : i32
    %div3A_155 = arith.divsi %add3A_153, %jit3A_154 : i32
    %sign3A_156 = arith.constant 0 : i32
    %sign3A_157 = arith.cmpi sgt, %add3A_153, %sign3A_156 : i32
    %sign3A_158 = arith.extui %sign3A_157 : i1 to i32
    %sign3A_159 = arith.constant 0 : i32
    %sign3A_160 = arith.cmpi slt, %add3A_153, %sign3A_159 : i32
    %sign3A_161 = arith.extui %sign3A_160 : i1 to i32
    %sign3A_162 = arith.subi %sign3A_158, %sign3A_161 : i32
    %sign3A_163 = arith.constant 0 : i32
    %sign3A_164 = arith.cmpi sgt, %jit3A_154, %sign3A_163 : i32
    %sign3A_165 = arith.extui %sign3A_164 : i1 to i32
    %sign3A_166 = arith.constant 0 : i32
    %sign3A_167 = arith.cmpi slt, %jit3A_154, %sign3A_166 : i32
    %sign3A_168 = arith.extui %sign3A_167 : i1 to i32
    %sign3A_169 = arith.subi %sign3A_165, %sign3A_168 : i32
    %ne3A_170 = arith.cmpi ne, %sign3A_162, %sign3A_169 : i32
    %rem3A_171 = arith.remsi %add3A_153, %jit3A_154 : i32
    %ne3A_172 = arith.constant 0 : i32
    %ne3A_173 = arith.cmpi ne, %rem3A_171, %ne3A_172 : i32
    %and3A_174 = arith.andi %ne3A_170, %ne3A_173 : i1
    %sub3A_175 = arith.constant 1 : i32
    %sub3A_176 = arith.subi %div3A_155, %sub3A_175 : i32
    %select_n3A_177 = arith.select %and3A_174, %sub3A_176, %div3A_155 : i32
    %mul3A_178 = arith.constant 8 : i32
    %mul3A_179 = arith.muli %select_n3A_177, %mul3A_178 : i32
    %gt3A_180 = arith.constant 1 : i32
    %gt3A_181 = arith.cmpi sgt, %select_n3A_28, %gt3A_180 : i32
    %jit3A_182 = arith.constant 0 : i32
    %select_n3A_183 = arith.select %gt3A_181, %mul3A_179, %jit3A_182 : i32
    %add3A_184 = arith.addi %add3A_151, %select_n3A_183 : i32
    %add3A_185 = arith.constant 7 : i32
    %add3A_186 = arith.addi %scan3A_117#2, %add3A_185 : i32
    %jit3A_187 = arith.constant 8 : i32
    %div3A_188 = arith.divsi %add3A_186, %jit3A_187 : i32
    %sign3A_189 = arith.constant 0 : i32
    %sign3A_190 = arith.cmpi sgt, %add3A_186, %sign3A_189 : i32
    %sign3A_191 = arith.extui %sign3A_190 : i1 to i32
    %sign3A_192 = arith.constant 0 : i32
    %sign3A_193 = arith.cmpi slt, %add3A_186, %sign3A_192 : i32
    %sign3A_194 = arith.extui %sign3A_193 : i1 to i32
    %sign3A_195 = arith.subi %sign3A_191, %sign3A_194 : i32
    %sign3A_196 = arith.constant 0 : i32
    %sign3A_197 = arith.cmpi sgt, %jit3A_187, %sign3A_196 : i32
    %sign3A_198 = arith.extui %sign3A_197 : i1 to i32
    %sign3A_199 = arith.constant 0 : i32
    %sign3A_200 = arith.cmpi slt, %jit3A_187, %sign3A_199 : i32
    %sign3A_201 = arith.extui %sign3A_200 : i1 to i32
    %sign3A_202 = arith.subi %sign3A_198, %sign3A_201 : i32
    %ne3A_203 = arith.cmpi ne, %sign3A_195, %sign3A_202 : i32
    %rem3A_204 = arith.remsi %add3A_186, %jit3A_187 : i32
    %ne3A_205 = arith.constant 0 : i32
    %ne3A_206 = arith.cmpi ne, %rem3A_204, %ne3A_205 : i32
    %and3A_207 = arith.andi %ne3A_203, %ne3A_206 : i1
    %sub3A_208 = arith.constant 1 : i32
    %sub3A_209 = arith.subi %div3A_188, %sub3A_208 : i32
    %select_n3A_210 = arith.select %and3A_207, %sub3A_209, %div3A_188 : i32
    %mul3A_211 = arith.constant 8 : i32
    %mul3A_212 = arith.muli %select_n3A_210, %mul3A_211 : i32
    %gt3A_213 = arith.constant 2 : i32
    %gt3A_214 = arith.cmpi sgt, %select_n3A_28, %gt3A_213 : i32
    %jit3A_215 = arith.constant 0 : i32
    %select_n3A_216 = arith.select %gt3A_214, %mul3A_212, %jit3A_215 : i32
    %add3A_217 = arith.addi %add3A_184, %select_n3A_216 : i32
    %add3A_218 = arith.constant 7 : i32
    %add3A_219 = arith.addi %scan3A_117#3, %add3A_218 : i32
    %jit3A_220 = arith.constant 8 : i32
    %div3A_221 = arith.divsi %add3A_219, %jit3A_220 : i32
    %sign3A_222 = arith.constant 0 : i32
    %sign3A_223 = arith.cmpi sgt, %add3A_219, %sign3A_222 : i32
    %sign3A_224 = arith.extui %sign3A_223 : i1 to i32
    %sign3A_225 = arith.constant 0 : i32
    %sign3A_226 = arith.cmpi slt, %add3A_219, %sign3A_225 : i32
    %sign3A_227 = arith.extui %sign3A_226 : i1 to i32
    %sign3A_228 = arith.subi %sign3A_224, %sign3A_227 : i32
    %sign3A_229 = arith.constant 0 : i32
    %sign3A_230 = arith.cmpi sgt, %jit3A_220, %sign3A_229 : i32
    %sign3A_231 = arith.extui %sign3A_230 : i1 to i32
    %sign3A_232 = arith.constant 0 : i32
    %sign3A_233 = arith.cmpi slt, %jit3A_220, %sign3A_232 : i32
    %sign3A_234 = arith.extui %sign3A_233 : i1 to i32
    %sign3A_235 = arith.subi %sign3A_231, %sign3A_234 : i32
    %ne3A_236 = arith.cmpi ne, %sign3A_228, %sign3A_235 : i32
    %rem3A_237 = arith.remsi %add3A_219, %jit3A_220 : i32
    %ne3A_238 = arith.constant 0 : i32
    %ne3A_239 = arith.cmpi ne, %rem3A_237, %ne3A_238 : i32
    %and3A_240 = arith.andi %ne3A_236, %ne3A_239 : i1
    %sub3A_241 = arith.constant 1 : i32
    %sub3A_242 = arith.subi %div3A_221, %sub3A_241 : i32
    %select_n3A_243 = arith.select %and3A_240, %sub3A_242, %div3A_221 : i32
    %mul3A_244 = arith.constant 8 : i32
    %mul3A_245 = arith.muli %select_n3A_243, %mul3A_244 : i32
    %gt3A_246 = arith.constant 3 : i32
    %gt3A_247 = arith.cmpi sgt, %select_n3A_28, %gt3A_246 : i32
    %jit3A_248 = arith.constant 0 : i32
    %select_n3A_249 = arith.select %gt3A_247, %mul3A_245, %jit3A_248 : i32
    %add3A_250 = arith.addi %add3A_217, %select_n3A_249 : i32
    %min3A = arith.constant 6144 : i32
    %min3A_251 = arith.minsi %add3A_250, %min3A : i32
    %multiple_of3A_252 = tpu.assume_multiple %min3A_251, 8 : i32
    %scan3A_253 = arith.constant 0 : i32
    %scan3A_254 = arith.constant 0 : i32
    %scan3A_255 = arith.constant 4096 : i32
    %scan3A_256 = arith.addi %scan3A_254, %scan3A_255 : i32
    %scan3A_257 = arith.constant 1 : i32
    %scan3A_258 = scf.for %scan3A_384 = %scan3A_254 to %scan3A_256 step %scan3A_257 iter_args(%scan3A_385 = %scan3A_253) -> (i32)  : i32 {
      %mul3A_386 = arith.constant 16 : i32
      %mul3A_387 = arith.muli %scan3A_384, %mul3A_386 : i32
      %get3A = arith.index_cast %mul3A_387 : i32 to index
      %get3A_388 = tpu.vector_load %arg6[%get3A] {strides = array<i32>} : memref<65536xf32, #tpu.memory_space<vmem>>, vector<16xf32>,
      %mul3A_389 = arith.constant 0x4B800000 : f32
      %mul3A_390 = vector.broadcast %mul3A_389 : f32 to vector<16xf32>
      %mul3A_391 = arith.mulf %get3A_388, %mul3A_390 : vector<16xf32>
      %convert_element_type3A_392 = arith.fptosi %mul3A_391 : vector<16xf32> to vector<16xi32>
      %gt3A_393 = arith.constant 0.000000e+00 : f32
      %gt3A_394 = vector.broadcast %gt3A_393 : f32 to vector<16xf32>
      %gt3A_395 = arith.cmpf ogt, %get3A_388, %gt3A_394 : vector<16xf32>
      %ge3A = vector.broadcast %mul3A_108 : i32 to vector<16xi32>
      %ge3A_396 = arith.cmpi sge, %convert_element_type3A_392, %ge3A : vector<16xi32>
      %and3A_397 = arith.andi %gt3A_395, %ge3A_396 : vector<16xi1>
      %convert_element_type3A_398 = arith.extui %and3A_397 : vector<16xi1> to vector<16xi32>
      %broadcast_in_dim3A_399 = arith.constant true
      %broadcast_in_dim3A_400 = vector.broadcast %broadcast_in_dim3A_399 : i1 to vector<16xi1>
      %masked_cumsum3A = tpu.scan <sum>, %convert_element_type3A_398 masked %broadcast_in_dim3A_400 : vector<16xi32>, vector<16xi1> -> vector<16xi32>
      %sub3A_401 = arith.subi %masked_cumsum3A, %convert_element_type3A_398 : vector<16xi32>
      %add3A_402 = vector.broadcast %scan3A_385 : i32 to vector<16xi32>
      %add3A_403 = arith.addi %add3A_402, %sub3A_401 : vector<16xi32>
      %add3A_404 = arith.constant 6144 : i32
      %add3A_405 = vector.broadcast %add3A_404 : i32 to vector<16xi32>
      %add3A_406 = arith.addi %add3A_405, %iota3A : vector<16xi32>
      %min3A_407 = arith.minsi %add3A_403, %add3A_406 : vector<16xi32>
      %mul3A_408 = arith.constant 65536 : i32
      %mul3A_409 = arith.muli %select_n3A_28, %mul3A_408 : i32
      %mul3A_410 = arith.constant 16 : i32
      %mul3A_411 = arith.muli %scan3A_384, %mul3A_410 : i32
      %add3A_412 = arith.addi %mul3A_409, %mul3A_411 : i32
      %add3A_413 = vector.broadcast %add3A_412 : i32 to vector<16xi32>
      %add3A_414 = arith.addi %add3A_413, %iota3A : vector<16xi32>
      tpu.vector_store_idx %arg13[%min3A_407], %convert_element_type3A_392 masked %and3A_397 : memref<6160xi32, #tpu.memory_space<vmem>>[vector<16xi32>], vector<16xi32>, vector<16xi1>
      tpu.vector_store_idx %arg14[%min3A_407], %add3A_414 masked %and3A_397 : memref<6160xi32, #tpu.memory_space<vmem>>[vector<16xi32>], vector<16xi32>, vector<16xi1>
      %reduce_sum3A = arith.constant true
      %reduce_sum3A_415 = vector.broadcast %reduce_sum3A : i1 to vector<16xi1>
      %reduce_sum3A_416 = tpu.scan <sum>, %convert_element_type3A_398 masked %reduce_sum3A_415 : vector<16xi32>, vector<16xi1> -> vector<16xi32>
      %reduce_sum3A_417 = vector.extract %reduce_sum3A_416[15] : i32 from vector<16xi32>
      %add3A_418 = arith.addi %scan3A_385, %reduce_sum3A_417 : i32
      scf.yield %add3A_418 : i32
    }
    %scan3A_259 = arith.constant 4096 : i32
    %add3A_260 = arith.constant 7 : i32
    %add3A_261 = arith.addi %scan3A_258, %add3A_260 : i32
    %jit3A_262 = arith.constant 8 : i32
    %div3A_263 = arith.divsi %add3A_261, %jit3A_262 : i32
    %sign3A_264 = arith.constant 0 : i32
    %sign3A_265 = arith.cmpi sgt, %add3A_261, %sign3A_264 : i32
    %sign3A_266 = arith.extui %sign3A_265 : i1 to i32
    %sign3A_267 = arith.constant 0 : i32
    %sign3A_268 = arith.cmpi slt, %add3A_261, %sign3A_267 : i32
    %sign3A_269 = arith.extui %sign3A_268 : i1 to i32
    %sign3A_270 = arith.subi %sign3A_266, %sign3A_269 : i32
    %sign3A_271 = arith.constant 0 : i32
    %sign3A_272 = arith.cmpi sgt, %jit3A_262, %sign3A_271 : i32
    %sign3A_273 = arith.extui %sign3A_272 : i1 to i32
    %sign3A_274 = arith.constant 0 : i32
    %sign3A_275 = arith.cmpi slt, %jit3A_262, %sign3A_274 : i32
    %sign3A_276 = arith.extui %sign3A_275 : i1 to i32
    %sign3A_277 = arith.subi %sign3A_273, %sign3A_276 : i32
    %ne3A_278 = arith.cmpi ne, %sign3A_270, %sign3A_277 : i32
    %rem3A_279 = arith.remsi %add3A_261, %jit3A_262 : i32
    %ne3A_280 = arith.constant 0 : i32
    %ne3A_281 = arith.cmpi ne, %rem3A_279, %ne3A_280 : i32
    %and3A_282 = arith.andi %ne3A_278, %ne3A_281 : i1
    %sub3A_283 = arith.constant 1 : i32
    %sub3A_284 = arith.subi %div3A_263, %sub3A_283 : i32
    %select_n3A_285 = arith.select %and3A_282, %sub3A_284, %div3A_263 : i32
    %mul3A_286 = arith.constant 8 : i32
    %mul3A_287 = arith.muli %select_n3A_285, %mul3A_286 : i32
    %sub3A_288 = arith.constant 6160 : i32
    %sub3A_289 = arith.subi %sub3A_288, %multiple_of3A_252 : i32
    %min3A_290 = arith.minsi %mul3A_287, %sub3A_289 : i32
    %jit3A_291 = arith.constant 64 : i32
    %div3A_292 = arith.divsi %min3A_290, %jit3A_291 : i32
    %sign3A_293 = arith.constant 0 : i32
    %sign3A_294 = arith.cmpi sgt, %min3A_290, %sign3A_293 : i32
    %sign3A_295 = arith.extui %sign3A_294 : i1 to i32
    %sign3A_296 = arith.constant 0 : i32
    %sign3A_297 = arith.cmpi slt, %min3A_290, %sign3A_296 : i32
    %sign3A_298 = arith.extui %sign3A_297 : i1 to i32
    %sign3A_299 = arith.subi %sign3A_295, %sign3A_298 : i32
    %sign3A_300 = arith.constant 0 : i32
    %sign3A_301 = arith.cmpi sgt, %jit3A_291, %sign3A_300 : i32
    %sign3A_302 = arith.extui %sign3A_301 : i1 to i32
    %sign3A_303 = arith.constant 0 : i32
    %sign3A_304 = arith.cmpi slt, %jit3A_291, %sign3A_303 : i32
    %sign3A_305 = arith.extui %sign3A_304 : i1 to i32
    %sign3A_306 = arith.subi %sign3A_302, %sign3A_305 : i32
    %ne3A_307 = arith.cmpi ne, %sign3A_299, %sign3A_306 : i32
    %rem3A_308 = arith.remsi %min3A_290, %jit3A_291 : i32
    %ne3A_309 = arith.constant 0 : i32
    %ne3A_310 = arith.cmpi ne, %rem3A_308, %ne3A_309 : i32
    %and3A_311 = arith.andi %ne3A_307, %ne3A_310 : i1
    %sub3A_312 = arith.constant 1 : i32
    %sub3A_313 = arith.subi %div3A_292, %sub3A_312 : i32
    %select_n3A_314 = arith.select %and3A_311, %sub3A_313, %div3A_292 : i32
    %while3A = arith.constant 0 : i32
    %while3A_315 = arith.constant 0 : i32
    %while3A_316 = arith.subi %select_n3A_314, %while3A : i32
    %while3A_317 = arith.addi %while3A, %while3A_316 : i32
    %while3A_318 = arith.constant 1 : i32
    %while3A_319 = arith.divsi %while3A_316, %while3A_318 : i32
    %while3A_320 = arith.muli %while3A_319, %while3A_318 : i32
    %while3A_321 = arith.addi %while3A, %while3A_320 : i32
    %while3A_322 = arith.constant 1 : i32
    %while3A_323 = scf.for %while3A_384 = %while3A to %while3A_321 step %while3A_322 iter_args(%while3A_385 = %while3A_315) -> (i32)  : i32 {
      %mul3A_386 = arith.constant 6160 : i32
      %mul3A_387 = arith.muli %select_n3A, %mul3A_386 : i32
      %add3A_388 = arith.addi %mul3A_387, %multiple_of3A_252 : i32
      %mul3A_389 = arith.constant 64 : i32
      %mul3A_390 = arith.muli %while3A_384, %mul3A_389 : i32
      %add3A_391 = arith.addi %add3A_388, %mul3A_390 : i32
      %multiple_of3A_392 = tpu.assume_multiple %add3A_391, 8 : i32
      %mul3A_393 = arith.constant 64 : i32
      %mul3A_394 = arith.muli %while3A_384, %mul3A_393 : i32
      %multiple_of3A_395 = tpu.assume_multiple %mul3A_394, 8 : i32
      "tpu.region"() ({
        %run_scoped3A = tpu.sem_alloc : memref<!tpu.dma_semaphore, #tpu.memory_space<semaphore_mem>>
        %dma_start3A = tpu.memref_slice %arg13[%multiple_of3A_395] : memref<6160xi32, #tpu.memory_space<vmem>> -> memref<64xi32, #tpu.memory_space<vmem>>
        %dma_start3A_400 = tpu.memref_slice %arg21[%multiple_of3A_392] : memref<24640xi32, #tpu.memory_space<vmem_shared>> -> memref<64xi32, #tpu.memory_space<vmem_shared>>
        %dma_start3A_401 = tpu.memref_slice %arg21[%multiple_of3A_392] : memref<24640xi32, #tpu.memory_space<vmem_shared>> -> memref<64xi32, #tpu.memory_space<vmem_shared>>
        %dma_start3A_402 = tpu.memref_slice %arg13[%multiple_of3A_395] : memref<6160xi32, #tpu.memory_space<vmem>> -> memref<64xi32, #tpu.memory_space<vmem>>
        tpu.enqueue_dma source(%dma_start3A_402 : memref<64xi32, #tpu.memory_space<vmem>>) target(%dma_start3A_401 : memref<64xi32, #tpu.memory_space<vmem_shared>>) target_semaphore(%run_scoped3A : memref<!tpu.dma_semaphore, #tpu.memory_space<semaphore_mem>>)
        %dma_wait3A = tpu.memref_slice %arg13[%multiple_of3A_395] : memref<6160xi32, #tpu.memory_space<vmem>> -> memref<64xi32, #tpu.memory_space<vmem>>
        %dma_wait3A_403 = tpu.memref_slice %arg21[%multiple_of3A_392] : memref<24640xi32, #tpu.memory_space<vmem_shared>> -> memref<64xi32, #tpu.memory_space<vmem_shared>>
        %dma_wait3A_404 = tpu.memref_slice %arg21[%multiple_of3A_392] : memref<24640xi32, #tpu.memory_space<vmem_shared>> -> memref<64xi32, #tpu.memory_space<vmem_shared>>
        %dma_wait3A_405 = tpu.memref_slice %arg13[%multiple_of3A_395] : memref<6160xi32, #tpu.memory_space<vmem>> -> memref<64xi32, #tpu.memory_space<vmem>>
        tpu.wait_dma2 semaphore(%run_scoped3A : memref<!tpu.dma_semaphore, #tpu.memory_space<semaphore_mem>>) src(%dma_wait3A_405 : memref<64xi32, #tpu.memory_space<vmem>>) dst(%dma_wait3A_404 : memref<64xi32, #tpu.memory_space<vmem_shared>>)
        tpu.yield
      }) : () -> ()
      %mul3A_396 = arith.constant 64 : i32
      %mul3A_397 = arith.muli %while3A_384, %mul3A_396 : i32
      %multiple_of3A_398 = tpu.assume_multiple %mul3A_397, 8 : i32
      "tpu.region"() ({
        %run_scoped3A = tpu.sem_alloc : memref<!tpu.dma_semaphore, #tpu.memory_space<semaphore_mem>>
        %dma_start3A = tpu.memref_slice %arg14[%multiple_of3A_398] : memref<6160xi32, #tpu.memory_space<vmem>> -> memref<64xi32, #tpu.memory_space<vmem>>
        %dma_start3A_400 = tpu.memref_slice %arg22[%multiple_of3A_392] : memref<24640xi32, #tpu.memory_space<vmem_shared>> -> memref<64xi32, #tpu.memory_space<vmem_shared>>
        %dma_start3A_401 = tpu.memref_slice %arg22[%multiple_of3A_392] : memref<24640xi32, #tpu.memory_space<vmem_shared>> -> memref<64xi32, #tpu.memory_space<vmem_shared>>
        %dma_start3A_402 = tpu.memref_slice %arg14[%multiple_of3A_398] : memref<6160xi32, #tpu.memory_space<vmem>> -> memref<64xi32, #tpu.memory_space<vmem>>
        tpu.enqueue_dma source(%dma_start3A_402 : memref<64xi32, #tpu.memory_space<vmem>>) target(%dma_start3A_401 : memref<64xi32, #tpu.memory_space<vmem_shared>>) target_semaphore(%run_scoped3A : memref<!tpu.dma_semaphore, #tpu.memory_space<semaphore_mem>>)
        %dma_wait3A = tpu.memref_slice %arg14[%multiple_of3A_398] : memref<6160xi32, #tpu.memory_space<vmem>> -> memref<64xi32, #tpu.memory_space<vmem>>
        %dma_wait3A_403 = tpu.memref_slice %arg22[%multiple_of3A_392] : memref<24640xi32, #tpu.memory_space<vmem_shared>> -> memref<64xi32, #tpu.memory_space<vmem_shared>>
        %dma_wait3A_404 = tpu.memref_slice %arg22[%multiple_of3A_392] : memref<24640xi32, #tpu.memory_space<vmem_shared>> -> memref<64xi32, #tpu.memory_space<vmem_shared>>
        %dma_wait3A_405 = tpu.memref_slice %arg14[%multiple_of3A_398] : memref<6160xi32, #tpu.memory_space<vmem>> -> memref<64xi32, #tpu.memory_space<vmem>>
        tpu.wait_dma2 semaphore(%run_scoped3A : memref<!tpu.dma_semaphore, #tpu.memory_space<semaphore_mem>>) src(%dma_wait3A_405 : memref<64xi32, #tpu.memory_space<vmem>>) dst(%dma_wait3A_404 : memref<64xi32, #tpu.memory_space<vmem_shared>>)
        tpu.yield
      }) : () -> ()
      %while3A_399 = arith.constant 0 : i32
      scf.yield %while3A_399 : i32
    }
    %while3A_324 = arith.constant 1 : i32
    %while3A_325 = scf.for %while3A_384 = %while3A_321 to %while3A_317 step %while3A_324 iter_args(%while3A_385 = %while3A_323) -> (i32)  : i32 {
      %mul3A_386 = arith.constant 6160 : i32
      %mul3A_387 = arith.muli %select_n3A, %mul3A_386 : i32
      %add3A_388 = arith.addi %mul3A_387, %multiple_of3A_252 : i32
      %mul3A_389 = arith.constant 64 : i32
      %mul3A_390 = arith.muli %while3A_384, %mul3A_389 : i32
      %add3A_391 = arith.addi %add3A_388, %mul3A_390 : i32
      %multiple_of3A_392 = tpu.assume_multiple %add3A_391, 8 : i32
      %mul3A_393 = arith.constant 64 : i32
      %mul3A_394 = arith.muli %while3A_384, %mul3A_393 : i32
      %multiple_of3A_395 = tpu.assume_multiple %mul3A_394, 8 : i32
      "tpu.region"() ({
        %run_scoped3A = tpu.sem_alloc : memref<!tpu.dma_semaphore, #tpu.memory_space<semaphore_mem>>
        %dma_start3A = tpu.memref_slice %arg13[%multiple_of3A_395] : memref<6160xi32, #tpu.memory_space<vmem>> -> memref<64xi32, #tpu.memory_space<vmem>>
        %dma_start3A_400 = tpu.memref_slice %arg21[%multiple_of3A_392] : memref<24640xi32, #tpu.memory_space<vmem_shared>> -> memref<64xi32, #tpu.memory_space<vmem_shared>>
        %dma_start3A_401 = tpu.memref_slice %arg21[%multiple_of3A_392] : memref<24640xi32, #tpu.memory_space<vmem_shared>> -> memref<64xi32, #tpu.memory_space<vmem_shared>>
        %dma_start3A_402 = tpu.memref_slice %arg13[%multiple_of3A_395] : memref<6160xi32, #tpu.memory_space<vmem>> -> memref<64xi32, #tpu.memory_space<vmem>>
        tpu.enqueue_dma source(%dma_start3A_402 : memref<64xi32, #tpu.memory_space<vmem>>) target(%dma_start3A_401 : memref<64xi32, #tpu.memory_space<vmem_shared>>) target_semaphore(%run_scoped3A : memref<!tpu.dma_semaphore, #tpu.memory_space<semaphore_mem>>)
        %dma_wait3A = tpu.memref_slice %arg13[%multiple_of3A_395] : memref<6160xi32, #tpu.memory_space<vmem>> -> memref<64xi32, #tpu.memory_space<vmem>>
        %dma_wait3A_403 = tpu.memref_slice %arg21[%multiple_of3A_392] : memref<24640xi32, #tpu.memory_space<vmem_shared>> -> memref<64xi32, #tpu.memory_space<vmem_shared>>
        %dma_wait3A_404 = tpu.memref_slice %arg21[%multiple_of3A_392] : memref<24640xi32, #tpu.memory_space<vmem_shared>> -> memref<64xi32, #tpu.memory_space<vmem_shared>>
        %dma_wait3A_405 = tpu.memref_slice %arg13[%multiple_of3A_395] : memref<6160xi32, #tpu.memory_space<vmem>> -> memref<64xi32, #tpu.memory_space<vmem>>
        tpu.wait_dma2 semaphore(%run_scoped3A : memref<!tpu.dma_semaphore, #tpu.memory_space<semaphore_mem>>) src(%dma_wait3A_405 : memref<64xi32, #tpu.memory_space<vmem>>) dst(%dma_wait3A_404 : memref<64xi32, #tpu.memory_space<vmem_shared>>)
        tpu.yield
      }) : () -> ()
      %mul3A_396 = arith.constant 64 : i32
      %mul3A_397 = arith.muli %while3A_384, %mul3A_396 : i32
      %multiple_of3A_398 = tpu.assume_multiple %mul3A_397, 8 : i32
      "tpu.region"() ({
        %run_scoped3A = tpu.sem_alloc : memref<!tpu.dma_semaphore, #tpu.memory_space<semaphore_mem>>
        %dma_start3A = tpu.memref_slice %arg14[%multiple_of3A_398] : memref<6160xi32, #tpu.memory_space<vmem>> -> memref<64xi32, #tpu.memory_space<vmem>>
        %dma_start3A_400 = tpu.memref_slice %arg22[%multiple_of3A_392] : memref<24640xi32, #tpu.memory_space<vmem_shared>> -> memref<64xi32, #tpu.memory_space<vmem_shared>>
        %dma_start3A_401 = tpu.memref_slice %arg22[%multiple_of3A_392] : memref<24640xi32, #tpu.memory_space<vmem_shared>> -> memref<64xi32, #tpu.memory_space<vmem_shared>>
        %dma_start3A_402 = tpu.memref_slice %arg14[%multiple_of3A_398] : memref<6160xi32, #tpu.memory_space<vmem>> -> memref<64xi32, #tpu.memory_space<vmem>>
        tpu.enqueue_dma source(%dma_start3A_402 : memref<64xi32, #tpu.memory_space<vmem>>) target(%dma_start3A_401 : memref<64xi32, #tpu.memory_space<vmem_shared>>) target_semaphore(%run_scoped3A : memref<!tpu.dma_semaphore, #tpu.memory_space<semaphore_mem>>)
        %dma_wait3A = tpu.memref_slice %arg14[%multiple_of3A_398] : memref<6160xi32, #tpu.memory_space<vmem>> -> memref<64xi32, #tpu.memory_space<vmem>>
        %dma_wait3A_403 = tpu.memref_slice %arg22[%multiple_of3A_392] : memref<24640xi32, #tpu.memory_space<vmem_shared>> -> memref<64xi32, #tpu.memory_space<vmem_shared>>
        %dma_wait3A_404 = tpu.memref_slice %arg22[%multiple_of3A_392] : memref<24640xi32, #tpu.memory_space<vmem_shared>> -> memref<64xi32, #tpu.memory_space<vmem_shared>>
        %dma_wait3A_405 = tpu.memref_slice %arg14[%multiple_of3A_398] : memref<6160xi32, #tpu.memory_space<vmem>> -> memref<64xi32, #tpu.memory_space<vmem>>
        tpu.wait_dma2 semaphore(%run_scoped3A : memref<!tpu.dma_semaphore, #tpu.memory_space<semaphore_mem>>) src(%dma_wait3A_405 : memref<64xi32, #tpu.memory_space<vmem>>) dst(%dma_wait3A_404 : memref<64xi32, #tpu.memory_space<vmem_shared>>)
        tpu.yield
      }) : () -> ()
      %while3A_399 = arith.constant 0 : i32
      scf.yield %while3A_399 : i32
    }
    %jit3A_326 = arith.constant 64 : i32
    %eq3A_327 = arith.constant 0 : i32
    %eq3A_328 = arith.cmpi eq, %jit3A_326, %eq3A_327 : i32
    %jit3A_329 = arith.constant 1 : i32
    %select_n3A_330 = arith.select %eq3A_328, %jit3A_329, %jit3A_326 : i32
    %rem3A_331 = arith.remsi %min3A_290, %select_n3A_330 : i32
    %ne3A_332 = arith.constant 0 : i32
    %ne3A_333 = arith.cmpi ne, %rem3A_331, %ne3A_332 : i32
    %lt3A_334 = arith.constant 0 : i32
    %lt3A_335 = arith.cmpi slt, %rem3A_331, %lt3A_334 : i32
    %lt3A_336 = arith.constant 0 : i32
    %lt3A_337 = arith.cmpi slt, %select_n3A_330, %lt3A_336 : i32
    %ne3A_338 = arith.xori %lt3A_335, %lt3A_337 : i1
    %and3A_339 = arith.andi %ne3A_338, %ne3A_333 : i1
    %add3A_340 = arith.addi %rem3A_331, %select_n3A_330 : i32
    %select_n3A_341 = arith.select %and3A_339, %add3A_340, %rem3A_331 : i32
    %jit3A_342 = arith.constant 8 : i32
    %div3A_343 = arith.divsi %select_n3A_341, %jit3A_342 : i32
    %sign3A_344 = arith.constant 0 : i32
    %sign3A_345 = arith.cmpi sgt, %select_n3A_341, %sign3A_344 : i32
    %sign3A_346 = arith.extui %sign3A_345 : i1 to i32
    %sign3A_347 = arith.constant 0 : i32
    %sign3A_348 = arith.cmpi slt, %select_n3A_341, %sign3A_347 : i32
    %sign3A_349 = arith.extui %sign3A_348 : i1 to i32
    %sign3A_350 = arith.subi %sign3A_346, %sign3A_349 : i32
    %sign3A_351 = arith.constant 0 : i32
    %sign3A_352 = arith.cmpi sgt, %jit3A_342, %sign3A_351 : i32
    %sign3A_353 = arith.extui %sign3A_352 : i1 to i32
    %sign3A_354 = arith.constant 0 : i32
    %sign3A_355 = arith.cmpi slt, %jit3A_342, %sign3A_354 : i32
    %sign3A_356 = arith.extui %sign3A_355 : i1 to i32
    %sign3A_357 = arith.subi %sign3A_353, %sign3A_356 : i32
    %ne3A_358 = arith.cmpi ne, %sign3A_350, %sign3A_357 : i32
    %rem3A_359 = arith.remsi %select_n3A_341, %jit3A_342 : i32
    %ne3A_360 = arith.constant 0 : i32
    %ne3A_361 = arith.cmpi ne, %rem3A_359, %ne3A_360 : i32
    %and3A_362 = arith.andi %ne3A_358, %ne3A_361 : i1
    %sub3A_363 = arith.constant 1 : i32
    %sub3A_364 = arith.subi %div3A_343, %sub3A_363 : i32
    %select_n3A_365 = arith.select %and3A_362, %sub3A_364, %div3A_343 : i32
    %while3A_366 = arith.constant 0 : i32
    %while3A_367 = arith.constant 0 : i32
    %while3A_368 = arith.subi %select_n3A_365, %while3A_366 : i32
    %while3A_369 = arith.addi %while3A_366, %while3A_368 : i32
    %while3A_370 = arith.constant 1 : i32
    %while3A_371 = arith.divsi %while3A_368, %while3A_370 : i32
    %while3A_372 = arith.muli %while3A_371, %while3A_370 : i32
    %while3A_373 = arith.addi %while3A_366, %while3A_372 : i32
    %while3A_374 = arith.constant 1 : i32
    %while3A_375 = scf.for %while3A_384 = %while3A_366 to %while3A_373 step %while3A_374 iter_args(%while3A_385 = %while3A_367) -> (i32)  : i32 {
      %mul3A_386 = arith.constant 64 : i32
      %mul3A_387 = arith.muli %select_n3A_314, %mul3A_386 : i32
      %mul3A_388 = arith.constant 8 : i32
      %mul3A_389 = arith.muli %while3A_384, %mul3A_388 : i32
      %add3A_390 = arith.addi %mul3A_387, %mul3A_389 : i32
      %mul3A_391 = arith.constant 6160 : i32
      %mul3A_392 = arith.muli %select_n3A, %mul3A_391 : i32
      %add3A_393 = arith.addi %mul3A_392, %multiple_of3A_252 : i32
      %add3A_394 = arith.addi %add3A_393, %add3A_390 : i32
      %multiple_of3A_395 = tpu.assume_multiple %add3A_394, 8 : i32
      %multiple_of3A_396 = tpu.assume_multiple %add3A_390, 8 : i32
      "tpu.region"() ({
        %run_scoped3A = tpu.sem_alloc : memref<!tpu.dma_semaphore, #tpu.memory_space<semaphore_mem>>
        %dma_start3A = tpu.memref_slice %arg13[%multiple_of3A_396] : memref<6160xi32, #tpu.memory_space<vmem>> -> memref<8xi32, #tpu.memory_space<vmem>>
        %dma_start3A_398 = tpu.memref_slice %arg21[%multiple_of3A_395] : memref<24640xi32, #tpu.memory_space<vmem_shared>> -> memref<8xi32, #tpu.memory_space<vmem_shared>>
        %dma_start3A_399 = tpu.memref_slice %arg21[%multiple_of3A_395] : memref<24640xi32, #tpu.memory_space<vmem_shared>> -> memref<8xi32, #tpu.memory_space<vmem_shared>>
        %dma_start3A_400 = tpu.memref_slice %arg13[%multiple_of3A_396] : memref<6160xi32, #tpu.memory_space<vmem>> -> memref<8xi32, #tpu.memory_space<vmem>>
        tpu.enqueue_dma source(%dma_start3A_400 : memref<8xi32, #tpu.memory_space<vmem>>) target(%dma_start3A_399 : memref<8xi32, #tpu.memory_space<vmem_shared>>) target_semaphore(%run_scoped3A : memref<!tpu.dma_semaphore, #tpu.memory_space<semaphore_mem>>)
        %dma_wait3A = tpu.memref_slice %arg13[%multiple_of3A_396] : memref<6160xi32, #tpu.memory_space<vmem>> -> memref<8xi32, #tpu.memory_space<vmem>>
        %dma_wait3A_401 = tpu.memref_slice %arg21[%multiple_of3A_395] : memref<24640xi32, #tpu.memory_space<vmem_shared>> -> memref<8xi32, #tpu.memory_space<vmem_shared>>
        %dma_wait3A_402 = tpu.memref_slice %arg21[%multiple_of3A_395] : memref<24640xi32, #tpu.memory_space<vmem_shared>> -> memref<8xi32, #tpu.memory_space<vmem_shared>>
        %dma_wait3A_403 = tpu.memref_slice %arg13[%multiple_of3A_396] : memref<6160xi32, #tpu.memory_space<vmem>> -> memref<8xi32, #tpu.memory_space<vmem>>
        tpu.wait_dma2 semaphore(%run_scoped3A : memref<!tpu.dma_semaphore, #tpu.memory_space<semaphore_mem>>) src(%dma_wait3A_403 : memref<8xi32, #tpu.memory_space<vmem>>) dst(%dma_wait3A_402 : memref<8xi32, #tpu.memory_space<vmem_shared>>)
        tpu.yield
      }) : () -> ()
      "tpu.region"() ({
        %run_scoped3A = tpu.sem_alloc : memref<!tpu.dma_semaphore, #tpu.memory_space<semaphore_mem>>
        %dma_start3A = tpu.memref_slice %arg14[%multiple_of3A_396] : memref<6160xi32, #tpu.memory_space<vmem>> -> memref<8xi32, #tpu.memory_space<vmem>>
        %dma_start3A_398 = tpu.memref_slice %arg22[%multiple_of3A_395] : memref<24640xi32, #tpu.memory_space<vmem_shared>> -> memref<8xi32, #tpu.memory_space<vmem_shared>>
        %dma_start3A_399 = tpu.memref_slice %arg22[%multiple_of3A_395] : memref<24640xi32, #tpu.memory_space<vmem_shared>> -> memref<8xi32, #tpu.memory_space<vmem_shared>>
        %dma_start3A_400 = tpu.memref_slice %arg14[%multiple_of3A_396] : memref<6160xi32, #tpu.memory_space<vmem>> -> memref<8xi32, #tpu.memory_space<vmem>>
        tpu.enqueue_dma source(%dma_start3A_400 : memref<8xi32, #tpu.memory_space<vmem>>) target(%dma_start3A_399 : memref<8xi32, #tpu.memory_space<vmem_shared>>) target_semaphore(%run_scoped3A : memref<!tpu.dma_semaphore, #tpu.memory_space<semaphore_mem>>)
        %dma_wait3A = tpu.memref_slice %arg14[%multiple_of3A_396] : memref<6160xi32, #tpu.memory_space<vmem>> -> memref<8xi32, #tpu.memory_space<vmem>>
        %dma_wait3A_401 = tpu.memref_slice %arg22[%multiple_of3A_395] : memref<24640xi32, #tpu.memory_space<vmem_shared>> -> memref<8xi32, #tpu.memory_space<vmem_shared>>
        %dma_wait3A_402 = tpu.memref_slice %arg22[%multiple_of3A_395] : memref<24640xi32, #tpu.memory_space<vmem_shared>> -> memref<8xi32, #tpu.memory_space<vmem_shared>>
        %dma_wait3A_403 = tpu.memref_slice %arg14[%multiple_of3A_396] : memref<6160xi32, #tpu.memory_space<vmem>> -> memref<8xi32, #tpu.memory_space<vmem>>
        tpu.wait_dma2 semaphore(%run_scoped3A : memref<!tpu.dma_semaphore, #tpu.memory_space<semaphore_mem>>) src(%dma_wait3A_403 : memref<8xi32, #tpu.memory_space<vmem>>) dst(%dma_wait3A_402 : memref<8xi32, #tpu.memory_space<vmem_shared>>)
        tpu.yield
      }) : () -> ()
      %while3A_397 = arith.constant 0 : i32
      scf.yield %while3A_397 : i32
    }
    %while3A_376 = arith.constant 1 : i32
    %while3A_377 = scf.for %while3A_384 = %while3A_373 to %while3A_369 step %while3A_376 iter_args(%while3A_385 = %while3A_375) -> (i32)  : i32 {
      %mul3A_386 = arith.constant 64 : i32
      %mul3A_387 = arith.muli %select_n3A_314, %mul3A_386 : i32
      %mul3A_388 = arith.constant 8 : i32
      %mul3A_389 = arith.muli %while3A_384, %mul3A_388 : i32
      %add3A_390 = arith.addi %mul3A_387, %mul3A_389 : i32
      %mul3A_391 = arith.constant 6160 : i32
      %mul3A_392 = arith.muli %select_n3A, %mul3A_391 : i32
      %add3A_393 = arith.addi %mul3A_392, %multiple_of3A_252 : i32
      %add3A_394 = arith.addi %add3A_393, %add3A_390 : i32
      %multiple_of3A_395 = tpu.assume_multiple %add3A_394, 8 : i32
      %multiple_of3A_396 = tpu.assume_multiple %add3A_390, 8 : i32
      "tpu.region"() ({
        %run_scoped3A = tpu.sem_alloc : memref<!tpu.dma_semaphore, #tpu.memory_space<semaphore_mem>>
        %dma_start3A = tpu.memref_slice %arg13[%multiple_of3A_396] : memref<6160xi32, #tpu.memory_space<vmem>> -> memref<8xi32, #tpu.memory_space<vmem>>
        %dma_start3A_398 = tpu.memref_slice %arg21[%multiple_of3A_395] : memref<24640xi32, #tpu.memory_space<vmem_shared>> -> memref<8xi32, #tpu.memory_space<vmem_shared>>
        %dma_start3A_399 = tpu.memref_slice %arg21[%multiple_of3A_395] : memref<24640xi32, #tpu.memory_space<vmem_shared>> -> memref<8xi32, #tpu.memory_space<vmem_shared>>
        %dma_start3A_400 = tpu.memref_slice %arg13[%multiple_of3A_396] : memref<6160xi32, #tpu.memory_space<vmem>> -> memref<8xi32, #tpu.memory_space<vmem>>
        tpu.enqueue_dma source(%dma_start3A_400 : memref<8xi32, #tpu.memory_space<vmem>>) target(%dma_start3A_399 : memref<8xi32, #tpu.memory_space<vmem_shared>>) target_semaphore(%run_scoped3A : memref<!tpu.dma_semaphore, #tpu.memory_space<semaphore_mem>>)
        %dma_wait3A = tpu.memref_slice %arg13[%multiple_of3A_396] : memref<6160xi32, #tpu.memory_space<vmem>> -> memref<8xi32, #tpu.memory_space<vmem>>
        %dma_wait3A_401 = tpu.memref_slice %arg21[%multiple_of3A_395] : memref<24640xi32, #tpu.memory_space<vmem_shared>> -> memref<8xi32, #tpu.memory_space<vmem_shared>>
        %dma_wait3A_402 = tpu.memref_slice %arg21[%multiple_of3A_395] : memref<24640xi32, #tpu.memory_space<vmem_shared>> -> memref<8xi32, #tpu.memory_space<vmem_shared>>
        %dma_wait3A_403 = tpu.memref_slice %arg13[%multiple_of3A_396] : memref<6160xi32, #tpu.memory_space<vmem>> -> memref<8xi32, #tpu.memory_space<vmem>>
        tpu.wait_dma2 semaphore(%run_scoped3A : memref<!tpu.dma_semaphore, #tpu.memory_space<semaphore_mem>>) src(%dma_wait3A_403 : memref<8xi32, #tpu.memory_space<vmem>>) dst(%dma_wait3A_402 : memref<8xi32, #tpu.memory_space<vmem_shared>>)
        tpu.yield
      }) : () -> ()
      "tpu.region"() ({
        %run_scoped3A = tpu.sem_alloc : memref<!tpu.dma_semaphore, #tpu.memory_space<semaphore_mem>>
        %dma_start3A = tpu.memref_slice %arg14[%multiple_of3A_396] : memref<6160xi32, #tpu.memory_space<vmem>> -> memref<8xi32, #tpu.memory_space<vmem>>
        %dma_start3A_398 = tpu.memref_slice %arg22[%multiple_of3A_395] : memref<24640xi32, #tpu.memory_space<vmem_shared>> -> memref<8xi32, #tpu.memory_space<vmem_shared>>
        %dma_start3A_399 = tpu.memref_slice %arg22[%multiple_of3A_395] : memref<24640xi32, #tpu.memory_space<vmem_shared>> -> memref<8xi32, #tpu.memory_space<vmem_shared>>
        %dma_start3A_400 = tpu.memref_slice %arg14[%multiple_of3A_396] : memref<6160xi32, #tpu.memory_space<vmem>> -> memref<8xi32, #tpu.memory_space<vmem>>
        tpu.enqueue_dma source(%dma_start3A_400 : memref<8xi32, #tpu.memory_space<vmem>>) target(%dma_start3A_399 : memref<8xi32, #tpu.memory_space<vmem_shared>>) target_semaphore(%run_scoped3A : memref<!tpu.dma_semaphore, #tpu.memory_space<semaphore_mem>>)
        %dma_wait3A = tpu.memref_slice %arg14[%multiple_of3A_396] : memref<6160xi32, #tpu.memory_space<vmem>> -> memref<8xi32, #tpu.memory_space<vmem>>
        %dma_wait3A_401 = tpu.memref_slice %arg22[%multiple_of3A_395] : memref<24640xi32, #tpu.memory_space<vmem_shared>> -> memref<8xi32, #tpu.memory_space<vmem_shared>>
        %dma_wait3A_402 = tpu.memref_slice %arg22[%multiple_of3A_395] : memref<24640xi32, #tpu.memory_space<vmem_shared>> -> memref<8xi32, #tpu.memory_space<vmem_shared>>
        %dma_wait3A_403 = tpu.memref_slice %arg14[%multiple_of3A_396] : memref<6160xi32, #tpu.memory_space<vmem>> -> memref<8xi32, #tpu.memory_space<vmem>>
        tpu.wait_dma2 semaphore(%run_scoped3A : memref<!tpu.dma_semaphore, #tpu.memory_space<semaphore_mem>>) src(%dma_wait3A_403 : memref<8xi32, #tpu.memory_space<vmem>>) dst(%dma_wait3A_402 : memref<8xi32, #tpu.memory_space<vmem_shared>>)
        tpu.yield
      }) : () -> ()
      %while3A_397 = arith.constant 0 : i32
      scf.yield %while3A_397 : i32
    }
    %barrier3A_378 = arith.constant 0 : index
    tpu.barrier barrier_id(%barrier3A_378)
    %eq3A_379 = arith.constant 0 : i32
    %eq3A_380 = arith.cmpi eq, %select_n3A_28, %eq3A_379 : i32
    %convert_element_type3A_381 = arith.extui %eq3A_380 : i1 to i32
    %cond3A_382 = arith.constant 0 : i32
    %cond3A_383 = arith.cmpi ne, %convert_element_type3A_381, %cond3A_382 : i32
    scf.if %cond3A_383 {
      %mul3A_384 = arith.constant 6160 : i32
      %mul3A_385 = arith.muli %select_n3A, %mul3A_384 : i32
      %multiple_of3A_386 = tpu.assume_multiple %mul3A_385, 8 : i32
      "tpu.region"() ({
        %run_scoped3A = tpu.sem_alloc : memref<!tpu.dma_semaphore, #tpu.memory_space<semaphore_mem>>
        %dma_start3A = tpu.memref_slice %arg21[%multiple_of3A_386] : memref<24640xi32, #tpu.memory_space<vmem_shared>> -> memref<6160xi32, #tpu.memory_space<vmem_shared>>
        %dma_start3A_502 = tpu.memref_slice %arg21[%multiple_of3A_386] : memref<24640xi32, #tpu.memory_space<vmem_shared>> -> memref<6160xi32, #tpu.memory_space<vmem_shared>>
        tpu.enqueue_dma source(%dma_start3A_502 : memref<6160xi32, #tpu.memory_space<vmem_shared>>) target(%arg13 : memref<6160xi32, #tpu.memory_space<vmem>>) target_semaphore(%run_scoped3A : memref<!tpu.dma_semaphore, #tpu.memory_space<semaphore_mem>>)
        %dma_wait3A = tpu.memref_slice %arg21[%multiple_of3A_386] : memref<24640xi32, #tpu.memory_space<vmem_shared>> -> memref<6160xi32, #tpu.memory_space<vmem_shared>>
        %dma_wait3A_503 = tpu.memref_slice %arg21[%multiple_of3A_386] : memref<24640xi32, #tpu.memory_space<vmem_shared>> -> memref<6160xi32, #tpu.memory_space<vmem_shared>>
        tpu.wait_dma2 semaphore(%run_scoped3A : memref<!tpu.dma_semaphore, #tpu.memory_space<semaphore_mem>>) src(%dma_wait3A_503 : memref<6160xi32, #tpu.memory_space<vmem_shared>>) dst(%arg13 : memref<6160xi32, #tpu.memory_space<vmem>>)
        tpu.yield
      }) : () -> ()
      "tpu.region"() ({
        %run_scoped3A = tpu.sem_alloc : memref<!tpu.dma_semaphore, #tpu.memory_space<semaphore_mem>>
        %dma_start3A = tpu.memref_slice %arg22[%multiple_of3A_386] : memref<24640xi32, #tpu.memory_space<vmem_shared>> -> memref<6160xi32, #tpu.memory_space<vmem_shared>>
        %dma_start3A_502 = tpu.memref_slice %arg22[%multiple_of3A_386] : memref<24640xi32, #tpu.memory_space<vmem_shared>> -> memref<6160xi32, #tpu.memory_space<vmem_shared>>
        tpu.enqueue_dma source(%dma_start3A_502 : memref<6160xi32, #tpu.memory_space<vmem_shared>>) target(%arg14 : memref<6160xi32, #tpu.memory_space<vmem>>) target_semaphore(%run_scoped3A : memref<!tpu.dma_semaphore, #tpu.memory_space<semaphore_mem>>)
        %dma_wait3A = tpu.memref_slice %arg22[%multiple_of3A_386] : memref<24640xi32, #tpu.memory_space<vmem_shared>> -> memref<6160xi32, #tpu.memory_space<vmem_shared>>
        %dma_wait3A_503 = tpu.memref_slice %arg22[%multiple_of3A_386] : memref<24640xi32, #tpu.memory_space<vmem_shared>> -> memref<6160xi32, #tpu.memory_space<vmem_shared>>
        tpu.wait_dma2 semaphore(%run_scoped3A : memref<!tpu.dma_semaphore, #tpu.memory_space<semaphore_mem>>) src(%dma_wait3A_503 : memref<6160xi32, #tpu.memory_space<vmem_shared>>) dst(%arg14 : memref<6160xi32, #tpu.memory_space<vmem>>)
        tpu.yield
      }) : () -> ()
      %mul3A_387 = arith.constant 385 : i32
      %mul3A_388 = vector.broadcast %mul3A_387 : i32 to vector<16xi32>
      %mul3A_389 = arith.muli %iota3A, %mul3A_388 : vector<16xi32>
      %scan3A_390 = arith.constant 0 : i32
      %scan3A_391 = arith.constant 0 : i32
      %scan3A_392 = arith.constant 256 : i32
      %scan3A_393 = arith.addi %scan3A_391, %scan3A_392 : i32
      %scan3A_394 = arith.constant 1 : i32
      %scan3A_395 = scf.for %scan3A_502 = %scan3A_391 to %scan3A_393 step %scan3A_394 iter_args(%scan3A_503 = %scan3A_390) -> (i32)  : i32 {
        %mul3A_504 = arith.constant 16 : i32
        %mul3A_505 = arith.muli %scan3A_502, %mul3A_504 : i32
        %swap3A = arith.index_cast %mul3A_505 : i32 to index
        %swap3A_506 = tpu.vector_load %arg10[%swap3A] {strides = array<i32>} : memref<4096xi32, #tpu.memory_space<vmem>>, vector<16xi32>,
        tpu.vector_store %arg10[%swap3A], %broadcast_in_dim3A_31 {strides = array<i32>} : memref<4096xi32, #tpu.memory_space<vmem>>, vector<16xi32>,
        %scan3A_507 = arith.constant 0 : i32
        scf.yield %scan3A_507 : i32
      }
      %scan3A_396 = arith.constant 256 : i32
      %scan3A_397 = arith.constant 0 : i32
      %scan3A_398 = arith.constant 0 : i32
      %scan3A_399 = arith.constant 385 : i32
      %scan3A_400 = arith.addi %scan3A_398, %scan3A_399 : i32
      %scan3A_401 = arith.constant 1 : i32
      %scan3A_402 = scf.for %scan3A_502 = %scan3A_398 to %scan3A_400 step %scan3A_401 iter_args(%scan3A_503 = %scan3A_397) -> (i32)  : i32 {
        %add3A_504 = vector.broadcast %scan3A_502 : i32 to vector<16xi32>
        %add3A_505 = arith.addi %mul3A_389, %add3A_504 : vector<16xi32>
        %gather3A = tpu.vector_load_idx %arg13[%add3A_505] : memref<6160xi32, #tpu.memory_space<vmem>>[vector<16xi32>], vector<16xi32>,
        %shift_right_logical3A = arith.constant 0 : i32
        %shift_right_logical3A_506 = vector.broadcast %shift_right_logical3A : i32 to vector<16xi32>
        %shift_right_logical3A_507 = arith.shrui %gather3A, %shift_right_logical3A_506 : vector<16xi32>
        %and3A_508 = arith.constant 255 : i32
        %and3A_509 = vector.broadcast %and3A_508 : i32 to vector<16xi32>
        %and3A_510 = arith.andi %shift_right_logical3A_507, %and3A_509 : vector<16xi32>
        %mul3A_511 = arith.constant 256 : i32
        %mul3A_512 = vector.broadcast %mul3A_511 : i32 to vector<16xi32>
        %mul3A_513 = arith.muli %iota3A, %mul3A_512 : vector<16xi32>
        %add3A_514 = arith.addi %mul3A_513, %and3A_510 : vector<16xi32>
        tpu.vector_store_idx %arg10[%add3A_514], %broadcast_in_dim3A_33 {add = true} : memref<4096xi32, #tpu.memory_space<vmem>>[vector<16xi32>], vector<16xi32>,
        %scan3A_515 = arith.constant 0 : i32
        scf.yield %scan3A_515 : i32
      }
      %scan3A_403 = arith.constant 385 : i32
      %scan3A_404 = arith.constant 0 : i32
      %scan3A_405 = arith.constant 0 : i32
      %scan3A_406 = arith.constant 16 : i32
      %scan3A_407 = arith.addi %scan3A_405, %scan3A_406 : i32
      %scan3A_408 = arith.constant 1 : i32
      %scan3A_409 = scf.for %scan3A_502 = %scan3A_405 to %scan3A_407 step %scan3A_408 iter_args(%scan3A_503 = %scan3A_404) -> (i32)  : i32 {
        %sub3A_504 = arith.constant 15 : i32
        %sub3A_505 = arith.subi %sub3A_504, %scan3A_502 : i32
        %mul3A_506 = arith.constant 16 : i32
        %mul3A_507 = arith.muli %sub3A_505, %mul3A_506 : i32
        %add3A_508 = arith.constant 0 : i32
        %add3A_509 = arith.addi %add3A_508, %mul3A_507 : i32
        %get3A = arith.index_cast %add3A_509 : i32 to index
        %get3A_510 = tpu.vector_load %arg10[%get3A] {strides = array<i32>} : memref<4096xi32, #tpu.memory_space<vmem>>, vector<16xi32>,
        %add3A_511 = arith.addi %broadcast_in_dim3A_31, %get3A_510 : vector<16xi32>
        %mul3A_512 = arith.constant 16 : i32
        %mul3A_513 = arith.muli %sub3A_505, %mul3A_512 : i32
        %add3A_514 = arith.constant 256 : i32
        %add3A_515 = arith.addi %add3A_514, %mul3A_513 : i32
        %get3A_516 = arith.index_cast %add3A_515 : i32 to index
        %get3A_517 = tpu.vector_load %arg10[%get3A_516] {strides = array<i32>} : memref<4096xi32, #tpu.memory_space<vmem>>, vector<16xi32>,
        %add3A_518 = arith.addi %add3A_511, %get3A_517 : vector<16xi32>
        %mul3A_519 = arith.constant 16 : i32
        %mul3A_520 = arith.muli %sub3A_505, %mul3A_519 : i32
        %add3A_521 = arith.constant 512 : i32
        %add3A_522 = arith.addi %add3A_521, %mul3A_520 : i32
        %get3A_523 = arith.index_cast %add3A_522 : i32 to index
        %get3A_524 = tpu.vector_load %arg10[%get3A_523] {strides = array<i32>} : memref<4096xi32, #tpu.memory_space<vmem>>, vector<16xi32>,
        %add3A_525 = arith.addi %add3A_518, %get3A_524 : vector<16xi32>
        %mul3A_526 = arith.constant 16 : i32
        %mul3A_527 = arith.muli %sub3A_505, %mul3A_526 : i32
        %add3A_528 = arith.constant 768 : i32
        %add3A_529 = arith.addi %add3A_528, %mul3A_527 : i32
        %get3A_530 = arith.index_cast %add3A_529 : i32 to index
        %get3A_531 = tpu.vector_load %arg10[%get3A_530] {strides = array<i32>} : memref<4096xi32, #tpu.memory_space<vmem>>, vector<16xi32>,
        %add3A_532 = arith.addi %add3A_525, %get3A_531 : vector<16xi32>
        %mul3A_533 = arith.constant 16 : i32
        %mul3A_534 = arith.muli %sub3A_505, %mul3A_533 : i32
        %add3A_535 = arith.constant 1024 : i32
        %add3A_536 = arith.addi %add3A_535, %mul3A_534 : i32
        %get3A_537 = arith.index_cast %add3A_536 : i32 to index
        %get3A_538 = tpu.vector_load %arg10[%get3A_537] {strides = array<i32>} : memref<4096xi32, #tpu.memory_space<vmem>>, vector<16xi32>,
        %add3A_539 = arith.addi %add3A_532, %get3A_538 : vector<16xi32>
        %mul3A_540 = arith.constant 16 : i32
        %mul3A_541 = arith.muli %sub3A_505, %mul3A_540 : i32
        %add3A_542 = arith.constant 1280 : i32
        %add3A_543 = arith.addi %add3A_542, %mul3A_541 : i32
        %get3A_544 = arith.index_cast %add3A_543 : i32 to index
        %get3A_545 = tpu.vector_load %arg10[%get3A_544] {strides = array<i32>} : memref<4096xi32, #tpu.memory_space<vmem>>, vector<16xi32>,
        %add3A_546 = arith.addi %add3A_539, %get3A_545 : vector<16xi32>
        %mul3A_547 = arith.constant 16 : i32
        %mul3A_548 = arith.muli %sub3A_505, %mul3A_547 : i32
        %add3A_549 = arith.constant 1536 : i32
        %add3A_550 = arith.addi %add3A_549, %mul3A_548 : i32
        %get3A_551 = arith.index_cast %add3A_550 : i32 to index
        %get3A_552 = tpu.vector_load %arg10[%get3A_551] {strides = array<i32>} : memref<4096xi32, #tpu.memory_space<vmem>>, vector<16xi32>,
        %add3A_553 = arith.addi %add3A_546, %get3A_552 : vector<16xi32>
        %mul3A_554 = arith.constant 16 : i32
        %mul3A_555 = arith.muli %sub3A_505, %mul3A_554 : i32
        %add3A_556 = arith.constant 1792 : i32
        %add3A_557 = arith.addi %add3A_556, %mul3A_555 : i32
        %get3A_558 = arith.index_cast %add3A_557 : i32 to index
        %get3A_559 = tpu.vector_load %arg10[%get3A_558] {strides = array<i32>} : memref<4096xi32, #tpu.memory_space<vmem>>, vector<16xi32>,
        %add3A_560 = arith.addi %add3A_553, %get3A_559 : vector<16xi32>
        %mul3A_561 = arith.constant 16 : i32
        %mul3A_562 = arith.muli %sub3A_505, %mul3A_561 : i32
        %add3A_563 = arith.constant 2048 : i32
        %add3A_564 = arith.addi %add3A_563, %mul3A_562 : i32
        %get3A_565 = arith.index_cast %add3A_564 : i32 to index
        %get3A_566 = tpu.vector_load %arg10[%get3A_565] {strides = array<i32>} : memref<4096xi32, #tpu.memory_space<vmem>>, vector<16xi32>,
        %add3A_567 = arith.addi %add3A_560, %get3A_566 : vector<16xi32>
        %mul3A_568 = arith.constant 16 : i32
        %mul3A_569 = arith.muli %sub3A_505, %mul3A_568 : i32
        %add3A_570 = arith.constant 2304 : i32
        %add3A_571 = arith.addi %add3A_570, %mul3A_569 : i32
        %get3A_572 = arith.index_cast %add3A_571 : i32 to index
        %get3A_573 = tpu.vector_load %arg10[%get3A_572] {strides = array<i32>} : memref<4096xi32, #tpu.memory_space<vmem>>, vector<16xi32>,
        %add3A_574 = arith.addi %add3A_567, %get3A_573 : vector<16xi32>
        %mul3A_575 = arith.constant 16 : i32
        %mul3A_576 = arith.muli %sub3A_505, %mul3A_575 : i32
        %add3A_577 = arith.constant 2560 : i32
        %add3A_578 = arith.addi %add3A_577, %mul3A_576 : i32
        %get3A_579 = arith.index_cast %add3A_578 : i32 to index
        %get3A_580 = tpu.vector_load %arg10[%get3A_579] {strides = array<i32>} : memref<4096xi32, #tpu.memory_space<vmem>>, vector<16xi32>,
        %add3A_581 = arith.addi %add3A_574, %get3A_580 : vector<16xi32>
        %mul3A_582 = arith.constant 16 : i32
        %mul3A_583 = arith.muli %sub3A_505, %mul3A_582 : i32
        %add3A_584 = arith.constant 2816 : i32
        %add3A_585 = arith.addi %add3A_584, %mul3A_583 : i32
        %get3A_586 = arith.index_cast %add3A_585 : i32 to index
        %get3A_587 = tpu.vector_load %arg10[%get3A_586] {strides = array<i32>} : memref<4096xi32, #tpu.memory_space<vmem>>, vector<16xi32>,
        %add3A_588 = arith.addi %add3A_581, %get3A_587 : vector<16xi32>
        %mul3A_589 = arith.constant 16 : i32
        %mul3A_590 = arith.muli %sub3A_505, %mul3A_589 : i32
        %add3A_591 = arith.constant 3072 : i32
        %add3A_592 = arith.addi %add3A_591, %mul3A_590 : i32
        %get3A_593 = arith.index_cast %add3A_592 : i32 to index
        %get3A_594 = tpu.vector_load %arg10[%get3A_593] {strides = array<i32>} : memref<4096xi32, #tpu.memory_space<vmem>>, vector<16xi32>,
        %add3A_595 = arith.addi %add3A_588, %get3A_594 : vector<16xi32>
        %mul3A_596 = arith.constant 16 : i32
        %mul3A_597 = arith.muli %sub3A_505, %mul3A_596 : i32
        %add3A_598 = arith.constant 3328 : i32
        %add3A_599 = arith.addi %add3A_598, %mul3A_597 : i32
        %get3A_600 = arith.index_cast %add3A_599 : i32 to index
        %get3A_601 = tpu.vector_load %arg10[%get3A_600] {strides = array<i32>} : memref<4096xi32, #tpu.memory_space<vmem>>, vector<16xi32>,
        %add3A_602 = arith.addi %add3A_595, %get3A_601 : vector<16xi32>
        %mul3A_603 = arith.constant 16 : i32
        %mul3A_604 = arith.muli %sub3A_505, %mul3A_603 : i32
        %add3A_605 = arith.constant 3584 : i32
        %add3A_606 = arith.addi %add3A_605, %mul3A_604 : i32
        %get3A_607 = arith.index_cast %add3A_606 : i32 to index
        %get3A_608 = tpu.vector_load %arg10[%get3A_607] {strides = array<i32>} : memref<4096xi32, #tpu.memory_space<vmem>>, vector<16xi32>,
        %add3A_609 = arith.addi %add3A_602, %get3A_608 : vector<16xi32>
        %mul3A_610 = arith.constant 16 : i32
        %mul3A_611 = arith.muli %sub3A_505, %mul3A_610 : i32
        %add3A_612 = arith.constant 3840 : i32
        %add3A_613 = arith.addi %add3A_612, %mul3A_611 : i32
        %get3A_614 = arith.index_cast %add3A_613 : i32 to index
        %get3A_615 = tpu.vector_load %arg10[%get3A_614] {strides = array<i32>} : memref<4096xi32, #tpu.memory_space<vmem>>, vector<16xi32>,
        %add3A_616 = arith.addi %add3A_609, %get3A_615 : vector<16xi32>
        %rev3A = arith.constant 15 : i32
        %rev3A_617 = vector.broadcast %rev3A : i32 to vector<16xi32>
        %rev3A_618 = tpu.iota {dimensions = array<i32: 0>} : vector<16xi32>
        %rev3A_619 = arith.subi %rev3A_617, %rev3A_618 : vector<16xi32>
        %rev3A_620 = tpu.dynamic_gather %add3A_616[%rev3A_619] in [0] : vector<16xi32>, vector<16xi32> -> vector<16xi32>
        %broadcast_in_dim3A_621 = arith.constant true
        %broadcast_in_dim3A_622 = vector.broadcast %broadcast_in_dim3A_621 : i1 to vector<16xi1>
        %masked_cumsum3A = tpu.scan <sum>, %rev3A_620 masked %broadcast_in_dim3A_622 : vector<16xi32>, vector<16xi1> -> vector<16xi32>
        %rev3A_623 = arith.constant 15 : i32
        %rev3A_624 = vector.broadcast %rev3A_623 : i32 to vector<16xi32>
        %rev3A_625 = tpu.iota {dimensions = array<i32: 0>} : vector<16xi32>
        %rev3A_626 = arith.subi %rev3A_624, %rev3A_625 : vector<16xi32>
        %rev3A_627 = tpu.dynamic_gather %masked_cumsum3A[%rev3A_626] in [0] : vector<16xi32>, vector<16xi32> -> vector<16xi32>
        %add3A_628 = vector.broadcast %scan3A_503 : i32 to vector<16xi32>
        %add3A_629 = arith.addi %rev3A_627, %add3A_628 : vector<16xi32>
        %sub3A_630 = arith.subi %add3A_629, %add3A_616 : vector<16xi32>
        %mul3A_631 = arith.constant 16 : i32
        %mul3A_632 = arith.muli %sub3A_505, %mul3A_631 : i32
        %swap3A = arith.index_cast %mul3A_632 : i32 to index
        %swap3A_633 = tpu.vector_load %arg11[%swap3A] {strides = array<i32>} : memref<256xi32, #tpu.memory_space<vmem>>, vector<16xi32>,
        tpu.vector_store %arg11[%swap3A], %sub3A_630 {strides = array<i32>} : memref<256xi32, #tpu.memory_space<vmem>>, vector<16xi32>,
        %reduce_sum3A = arith.constant true
        %reduce_sum3A_634 = vector.broadcast %reduce_sum3A : i1 to vector<16xi1>
        %reduce_sum3A_635 = tpu.scan <sum>, %add3A_616 masked %reduce_sum3A_634 : vector<16xi32>, vector<16xi1> -> vector<16xi32>
        %reduce_sum3A_636 = vector.extract %reduce_sum3A_635[15] : i32 from vector<16xi32>
        %add3A_637 = arith.addi %scan3A_503, %reduce_sum3A_636 : i32
        scf.yield %add3A_637 : i32
      }
      %scan3A_410 = arith.constant 16 : i32
      %scan3A_411 = arith.constant 0 : i32
      %scan3A_412 = arith.constant 0 : i32
      %scan3A_413 = arith.constant 16 : i32
      %scan3A_414 = arith.addi %scan3A_412, %scan3A_413 : i32
      %scan3A_415 = arith.constant 1 : i32
      %scan3A_416 = scf.for %scan3A_502 = %scan3A_412 to %scan3A_414 step %scan3A_415 iter_args(%scan3A_503 = %scan3A_411) -> (i32)  : i32 {
        %mul3A_504 = arith.constant 16 : i32
        %mul3A_505 = arith.muli %scan3A_502, %mul3A_504 : i32
        %get3A = arith.index_cast %mul3A_505 : i32 to index
        %get3A_506 = tpu.vector_load %arg11[%get3A] {strides = array<i32>} : memref<256xi32, #tpu.memory_space<vmem>>, vector<16xi32>,
        %mul3A_507 = arith.constant 16 : i32
        %mul3A_508 = arith.muli %scan3A_502, %mul3A_507 : i32
        %add3A_509 = arith.constant 0 : i32
        %add3A_510 = arith.addi %add3A_509, %mul3A_508 : i32
        %swap3A = arith.index_cast %add3A_510 : i32 to index
        %swap3A_511 = tpu.vector_load %arg12[%swap3A] {strides = array<i32>} : memref<4096xi32, #tpu.memory_space<vmem>>, vector<16xi32>,
        tpu.vector_store %arg12[%swap3A], %get3A_506 {strides = array<i32>} : memref<4096xi32, #tpu.memory_space<vmem>>, vector<16xi32>,
        %mul3A_512 = arith.constant 16 : i32
        %mul3A_513 = arith.muli %scan3A_502, %mul3A_512 : i32
        %add3A_514 = arith.constant 0 : i32
        %add3A_515 = arith.addi %add3A_514, %mul3A_513 : i32
        %get3A_516 = arith.index_cast %add3A_515 : i32 to index
        %get3A_517 = tpu.vector_load %arg10[%get3A_516] {strides = array<i32>} : memref<4096xi32, #tpu.memory_space<vmem>>, vector<16xi32>,
        %add3A_518 = arith.addi %get3A_506, %get3A_517 : vector<16xi32>
        %mul3A_519 = arith.constant 16 : i32
        %mul3A_520 = arith.muli %scan3A_502, %mul3A_519 : i32
        %add3A_521 = arith.constant 256 : i32
        %add3A_522 = arith.addi %add3A_521, %mul3A_520 : i32
        %swap3A_523 = arith.index_cast %add3A_522 : i32 to index
        %swap3A_524 = tpu.vector_load %arg12[%swap3A_523] {strides = array<i32>} : memref<4096xi32, #tpu.memory_space<vmem>>, vector<16xi32>,
        tpu.vector_store %arg12[%swap3A_523], %add3A_518 {strides = array<i32>} : memref<4096xi32, #tpu.memory_space<vmem>>, vector<16xi32>,
        %mul3A_525 = arith.constant 16 : i32
        %mul3A_526 = arith.muli %scan3A_502, %mul3A_525 : i32
        %add3A_527 = arith.constant 256 : i32
        %add3A_528 = arith.addi %add3A_527, %mul3A_526 : i32
        %get3A_529 = arith.index_cast %add3A_528 : i32 to index
        %get3A_530 = tpu.vector_load %arg10[%get3A_529] {strides = array<i32>} : memref<4096xi32, #tpu.memory_space<vmem>>, vector<16xi32>,
        %add3A_531 = arith.addi %add3A_518, %get3A_530 : vector<16xi32>
        %mul3A_532 = arith.constant 16 : i32
        %mul3A_533 = arith.muli %scan3A_502, %mul3A_532 : i32
        %add3A_534 = arith.constant 512 : i32
        %add3A_535 = arith.addi %add3A_534, %mul3A_533 : i32
        %swap3A_536 = arith.index_cast %add3A_535 : i32 to index
        %swap3A_537 = tpu.vector_load %arg12[%swap3A_536] {strides = array<i32>} : memref<4096xi32, #tpu.memory_space<vmem>>, vector<16xi32>,
        tpu.vector_store %arg12[%swap3A_536], %add3A_531 {strides = array<i32>} : memref<4096xi32, #tpu.memory_space<vmem>>, vector<16xi32>,
        %mul3A_538 = arith.constant 16 : i32
        %mul3A_539 = arith.muli %scan3A_502, %mul3A_538 : i32
        %add3A_540 = arith.constant 512 : i32
        %add3A_541 = arith.addi %add3A_540, %mul3A_539 : i32
        %get3A_542 = arith.index_cast %add3A_541 : i32 to index
        %get3A_543 = tpu.vector_load %arg10[%get3A_542] {strides = array<i32>} : memref<4096xi32, #tpu.memory_space<vmem>>, vector<16xi32>,
        %add3A_544 = arith.addi %add3A_531, %get3A_543 : vector<16xi32>
        %mul3A_545 = arith.constant 16 : i32
        %mul3A_546 = arith.muli %scan3A_502, %mul3A_545 : i32
        %add3A_547 = arith.constant 768 : i32
        %add3A_548 = arith.addi %add3A_547, %mul3A_546 : i32
        %swap3A_549 = arith.index_cast %add3A_548 : i32 to index
        %swap3A_550 = tpu.vector_load %arg12[%swap3A_549] {strides = array<i32>} : memref<4096xi32, #tpu.memory_space<vmem>>, vector<16xi32>,
        tpu.vector_store %arg12[%swap3A_549], %add3A_544 {strides = array<i32>} : memref<4096xi32, #tpu.memory_space<vmem>>, vector<16xi32>,
        %mul3A_551 = arith.constant 16 : i32
        %mul3A_552 = arith.muli %scan3A_502, %mul3A_551 : i32
        %add3A_553 = arith.constant 768 : i32
        %add3A_554 = arith.addi %add3A_553, %mul3A_552 : i32
        %get3A_555 = arith.index_cast %add3A_554 : i32 to index
        %get3A_556 = tpu.vector_load %arg10[%get3A_555] {strides = array<i32>} : memref<4096xi32, #tpu.memory_space<vmem>>, vector<16xi32>,
        %add3A_557 = arith.addi %add3A_544, %get3A_556 : vector<16xi32>
        %mul3A_558 = arith.constant 16 : i32
        %mul3A_559 = arith.muli %scan3A_502, %mul3A_558 : i32
        %add3A_560 = arith.constant 1024 : i32
        %add3A_561 = arith.addi %add3A_560, %mul3A_559 : i32
        %swap3A_562 = arith.index_cast %add3A_561 : i32 to index
        %swap3A_563 = tpu.vector_load %arg12[%swap3A_562] {strides = array<i32>} : memref<4096xi32, #tpu.memory_space<vmem>>, vector<16xi32>,
        tpu.vector_store %arg12[%swap3A_562], %add3A_557 {strides = array<i32>} : memref<4096xi32, #tpu.memory_space<vmem>>, vector<16xi32>,
        %mul3A_564 = arith.constant 16 : i32
        %mul3A_565 = arith.muli %scan3A_502, %mul3A_564 : i32
        %add3A_566 = arith.constant 1024 : i32
        %add3A_567 = arith.addi %add3A_566, %mul3A_565 : i32
        %get3A_568 = arith.index_cast %add3A_567 : i32 to index
        %get3A_569 = tpu.vector_load %arg10[%get3A_568] {strides = array<i32>} : memref<4096xi32, #tpu.memory_space<vmem>>, vector<16xi32>,
        %add3A_570 = arith.addi %add3A_557, %get3A_569 : vector<16xi32>
        %mul3A_571 = arith.constant 16 : i32
        %mul3A_572 = arith.muli %scan3A_502, %mul3A_571 : i32
        %add3A_573 = arith.constant 1280 : i32
        %add3A_574 = arith.addi %add3A_573, %mul3A_572 : i32
        %swap3A_575 = arith.index_cast %add3A_574 : i32 to index
        %swap3A_576 = tpu.vector_load %arg12[%swap3A_575] {strides = array<i32>} : memref<4096xi32, #tpu.memory_space<vmem>>, vector<16xi32>,
        tpu.vector_store %arg12[%swap3A_575], %add3A_570 {strides = array<i32>} : memref<4096xi32, #tpu.memory_space<vmem>>, vector<16xi32>,
        %mul3A_577 = arith.constant 16 : i32
        %mul3A_578 = arith.muli %scan3A_502, %mul3A_577 : i32
        %add3A_579 = arith.constant 1280 : i32
        %add3A_580 = arith.addi %add3A_579, %mul3A_578 : i32
        %get3A_581 = arith.index_cast %add3A_580 : i32 to index
        %get3A_582 = tpu.vector_load %arg10[%get3A_581] {strides = array<i32>} : memref<4096xi32, #tpu.memory_space<vmem>>, vector<16xi32>,
        %add3A_583 = arith.addi %add3A_570, %get3A_582 : vector<16xi32>
        %mul3A_584 = arith.constant 16 : i32
        %mul3A_585 = arith.muli %scan3A_502, %mul3A_584 : i32
        %add3A_586 = arith.constant 1536 : i32
        %add3A_587 = arith.addi %add3A_586, %mul3A_585 : i32
        %swap3A_588 = arith.index_cast %add3A_587 : i32 to index
        %swap3A_589 = tpu.vector_load %arg12[%swap3A_588] {strides = array<i32>} : memref<4096xi32, #tpu.memory_space<vmem>>, vector<16xi32>,
        tpu.vector_store %arg12[%swap3A_588], %add3A_583 {strides = array<i32>} : memref<4096xi32, #tpu.memory_space<vmem>>, vector<16xi32>,
        %mul3A_590 = arith.constant 16 : i32
        %mul3A_591 = arith.muli %scan3A_502, %mul3A_590 : i32
        %add3A_592 = arith.constant 1536 : i32
        %add3A_593 = arith.addi %add3A_592, %mul3A_591 : i32
        %get3A_594 = arith.index_cast %add3A_593 : i32 to index
        %get3A_595 = tpu.vector_load %arg10[%get3A_594] {strides = array<i32>} : memref<4096xi32, #tpu.memory_space<vmem>>, vector<16xi32>,
        %add3A_596 = arith.addi %add3A_583, %get3A_595 : vector<16xi32>
        %mul3A_597 = arith.constant 16 : i32
        %mul3A_598 = arith.muli %scan3A_502, %mul3A_597 : i32
        %add3A_599 = arith.constant 1792 : i32
        %add3A_600 = arith.addi %add3A_599, %mul3A_598 : i32
        %swap3A_601 = arith.index_cast %add3A_600 : i32 to index
        %swap3A_602 = tpu.vector_load %arg12[%swap3A_601] {strides = array<i32>} : memref<4096xi32, #tpu.memory_space<vmem>>, vector<16xi32>,
        tpu.vector_store %arg12[%swap3A_601], %add3A_596 {strides = array<i32>} : memref<4096xi32, #tpu.memory_space<vmem>>, vector<16xi32>,
        %mul3A_603 = arith.constant 16 : i32
        %mul3A_604 = arith.muli %scan3A_502, %mul3A_603 : i32
        %add3A_605 = arith.constant 1792 : i32
        %add3A_606 = arith.addi %add3A_605, %mul3A_604 : i32
        %get3A_607 = arith.index_cast %add3A_606 : i32 to index
        %get3A_608 = tpu.vector_load %arg10[%get3A_607] {strides = array<i32>} : memref<4096xi32, #tpu.memory_space<vmem>>, vector<16xi32>,
        %add3A_609 = arith.addi %add3A_596, %get3A_608 : vector<16xi32>
        %mul3A_610 = arith.constant 16 : i32
        %mul3A_611 = arith.muli %scan3A_502, %mul3A_610 : i32
        %add3A_612 = arith.constant 2048 : i32
        %add3A_613 = arith.addi %add3A_612, %mul3A_611 : i32
        %swap3A_614 = arith.index_cast %add3A_613 : i32 to index
        %swap3A_615 = tpu.vector_load %arg12[%swap3A_614] {strides = array<i32>} : memref<4096xi32, #tpu.memory_space<vmem>>, vector<16xi32>,
        tpu.vector_store %arg12[%swap3A_614], %add3A_609 {strides = array<i32>} : memref<4096xi32, #tpu.memory_space<vmem>>, vector<16xi32>,
        %mul3A_616 = arith.constant 16 : i32
        %mul3A_617 = arith.muli %scan3A_502, %mul3A_616 : i32
        %add3A_618 = arith.constant 2048 : i32
        %add3A_619 = arith.addi %add3A_618, %mul3A_617 : i32
        %get3A_620 = arith.index_cast %add3A_619 : i32 to index
        %get3A_621 = tpu.vector_load %arg10[%get3A_620] {strides = array<i32>} : memref<4096xi32, #tpu.memory_space<vmem>>, vector<16xi32>,
        %add3A_622 = arith.addi %add3A_609, %get3A_621 : vector<16xi32>
        %mul3A_623 = arith.constant 16 : i32
        %mul3A_624 = arith.muli %scan3A_502, %mul3A_623 : i32
        %add3A_625 = arith.constant 2304 : i32
        %add3A_626 = arith.addi %add3A_625, %mul3A_624 : i32
        %swap3A_627 = arith.index_cast %add3A_626 : i32 to index
        %swap3A_628 = tpu.vector_load %arg12[%swap3A_627] {strides = array<i32>} : memref<4096xi32, #tpu.memory_space<vmem>>, vector<16xi32>,
        tpu.vector_store %arg12[%swap3A_627], %add3A_622 {strides = array<i32>} : memref<4096xi32, #tpu.memory_space<vmem>>, vector<16xi32>,
        %mul3A_629 = arith.constant 16 : i32
        %mul3A_630 = arith.muli %scan3A_502, %mul3A_629 : i32
        %add3A_631 = arith.constant 2304 : i32
        %add3A_632 = arith.addi %add3A_631, %mul3A_630 : i32
        %get3A_633 = arith.index_cast %add3A_632 : i32 to index
        %get3A_634 = tpu.vector_load %arg10[%get3A_633] {strides = array<i32>} : memref<4096xi32, #tpu.memory_space<vmem>>, vector<16xi32>,
        %add3A_635 = arith.addi %add3A_622, %get3A_634 : vector<16xi32>
        %mul3A_636 = arith.constant 16 : i32
        %mul3A_637 = arith.muli %scan3A_502, %mul3A_636 : i32
        %add3A_638 = arith.constant 2560 : i32
        %add3A_639 = arith.addi %add3A_638, %mul3A_637 : i32
        %swap3A_640 = arith.index_cast %add3A_639 : i32 to index
        %swap3A_641 = tpu.vector_load %arg12[%swap3A_640] {strides = array<i32>} : memref<4096xi32, #tpu.memory_space<vmem>>, vector<16xi32>,
        tpu.vector_store %arg12[%swap3A_640], %add3A_635 {strides = array<i32>} : memref<4096xi32, #tpu.memory_space<vmem>>, vector<16xi32>,
        %mul3A_642 = arith.constant 16 : i32
        %mul3A_643 = arith.muli %scan3A_502, %mul3A_642 : i32
        %add3A_644 = arith.constant 2560 : i32
        %add3A_645 = arith.addi %add3A_644, %mul3A_643 : i32
        %get3A_646 = arith.index_cast %add3A_645 : i32 to index
        %get3A_647 = tpu.vector_load %arg10[%get3A_646] {strides = array<i32>} : memref<4096xi32, #tpu.memory_space<vmem>>, vector<16xi32>,
        %add3A_648 = arith.addi %add3A_635, %get3A_647 : vector<16xi32>
        %mul3A_649 = arith.constant 16 : i32
        %mul3A_650 = arith.muli %scan3A_502, %mul3A_649 : i32
        %add3A_651 = arith.constant 2816 : i32
        %add3A_652 = arith.addi %add3A_651, %mul3A_650 : i32
        %swap3A_653 = arith.index_cast %add3A_652 : i32 to index
        %swap3A_654 = tpu.vector_load %arg12[%swap3A_653] {strides = array<i32>} : memref<4096xi32, #tpu.memory_space<vmem>>, vector<16xi32>,
        tpu.vector_store %arg12[%swap3A_653], %add3A_648 {strides = array<i32>} : memref<4096xi32, #tpu.memory_space<vmem>>, vector<16xi32>,
        %mul3A_655 = arith.constant 16 : i32
        %mul3A_656 = arith.muli %scan3A_502, %mul3A_655 : i32
        %add3A_657 = arith.constant 2816 : i32
        %add3A_658 = arith.addi %add3A_657, %mul3A_656 : i32
        %get3A_659 = arith.index_cast %add3A_658 : i32 to index
        %get3A_660 = tpu.vector_load %arg10[%get3A_659] {strides = array<i32>} : memref<4096xi32, #tpu.memory_space<vmem>>, vector<16xi32>,
        %add3A_661 = arith.addi %add3A_648, %get3A_660 : vector<16xi32>
        %mul3A_662 = arith.constant 16 : i32
        %mul3A_663 = arith.muli %scan3A_502, %mul3A_662 : i32
        %add3A_664 = arith.constant 3072 : i32
        %add3A_665 = arith.addi %add3A_664, %mul3A_663 : i32
        %swap3A_666 = arith.index_cast %add3A_665 : i32 to index
        %swap3A_667 = tpu.vector_load %arg12[%swap3A_666] {strides = array<i32>} : memref<4096xi32, #tpu.memory_space<vmem>>, vector<16xi32>,
        tpu.vector_store %arg12[%swap3A_666], %add3A_661 {strides = array<i32>} : memref<4096xi32, #tpu.memory_space<vmem>>, vector<16xi32>,
        %mul3A_668 = arith.constant 16 : i32
        %mul3A_669 = arith.muli %scan3A_502, %mul3A_668 : i32
        %add3A_670 = arith.constant 3072 : i32
        %add3A_671 = arith.addi %add3A_670, %mul3A_669 : i32
        %get3A_672 = arith.index_cast %add3A_671 : i32 to index
        %get3A_673 = tpu.vector_load %arg10[%get3A_672] {strides = array<i32>} : memref<4096xi32, #tpu.memory_space<vmem>>, vector<16xi32>,
        %add3A_674 = arith.addi %add3A_661, %get3A_673 : vector<16xi32>
        %mul3A_675 = arith.constant 16 : i32
        %mul3A_676 = arith.muli %scan3A_502, %mul3A_675 : i32
        %add3A_677 = arith.constant 3328 : i32
        %add3A_678 = arith.addi %add3A_677, %mul3A_676 : i32
        %swap3A_679 = arith.index_cast %add3A_678 : i32 to index
        %swap3A_680 = tpu.vector_load %arg12[%swap3A_679] {strides = array<i32>} : memref<4096xi32, #tpu.memory_space<vmem>>, vector<16xi32>,
        tpu.vector_store %arg12[%swap3A_679], %add3A_674 {strides = array<i32>} : memref<4096xi32, #tpu.memory_space<vmem>>, vector<16xi32>,
        %mul3A_681 = arith.constant 16 : i32
        %mul3A_682 = arith.muli %scan3A_502, %mul3A_681 : i32
        %add3A_683 = arith.constant 3328 : i32
        %add3A_684 = arith.addi %add3A_683, %mul3A_682 : i32
        %get3A_685 = arith.index_cast %add3A_684 : i32 to index
        %get3A_686 = tpu.vector_load %arg10[%get3A_685] {strides = array<i32>} : memref<4096xi32, #tpu.memory_space<vmem>>, vector<16xi32>,
        %add3A_687 = arith.addi %add3A_674, %get3A_686 : vector<16xi32>
        %mul3A_688 = arith.constant 16 : i32
        %mul3A_689 = arith.muli %scan3A_502, %mul3A_688 : i32
        %add3A_690 = arith.constant 3584 : i32
        %add3A_691 = arith.addi %add3A_690, %mul3A_689 : i32
        %swap3A_692 = arith.index_cast %add3A_691 : i32 to index
        %swap3A_693 = tpu.vector_load %arg12[%swap3A_692] {strides = array<i32>} : memref<4096xi32, #tpu.memory_space<vmem>>, vector<16xi32>,
        tpu.vector_store %arg12[%swap3A_692], %add3A_687 {strides = array<i32>} : memref<4096xi32, #tpu.memory_space<vmem>>, vector<16xi32>,
        %mul3A_694 = arith.constant 16 : i32
        %mul3A_695 = arith.muli %scan3A_502, %mul3A_694 : i32
        %add3A_696 = arith.constant 3584 : i32
        %add3A_697 = arith.addi %add3A_696, %mul3A_695 : i32
        %get3A_698 = arith.index_cast %add3A_697 : i32 to index
        %get3A_699 = tpu.vector_load %arg10[%get3A_698] {strides = array<i32>} : memref<4096xi32, #tpu.memory_space<vmem>>, vector<16xi32>,
        %add3A_700 = arith.addi %add3A_687, %get3A_699 : vector<16xi32>
        %mul3A_701 = arith.constant 16 : i32
        %mul3A_702 = arith.muli %scan3A_502, %mul3A_701 : i32
        %add3A_703 = arith.constant 3840 : i32
        %add3A_704 = arith.addi %add3A_703, %mul3A_702 : i32
        %swap3A_705 = arith.index_cast %add3A_704 : i32 to index
        %swap3A_706 = tpu.vector_load %arg12[%swap3A_705] {strides = array<i32>} : memref<4096xi32, #tpu.memory_space<vmem>>, vector<16xi32>,
        tpu.vector_store %arg12[%swap3A_705], %add3A_700 {strides = array<i32>} : memref<4096xi32, #tpu.memory_space<vmem>>, vector<16xi32>,
        %mul3A_707 = arith.constant 16 : i32
        %mul3A_708 = arith.muli %scan3A_502, %mul3A_707 : i32
        %add3A_709 = arith.constant 3840 : i32
        %add3A_710 = arith.addi %add3A_709, %mul3A_708 : i32
        %get3A_711 = arith.index_cast %add3A_710 : i32 to index
        %get3A_712 = tpu.vector_load %arg10[%get3A_711] {strides = array<i32>} : memref<4096xi32, #tpu.memory_space<vmem>>, vector<16xi32>,
        %add3A_713 = arith.addi %add3A_700, %get3A_712 : vector<16xi32>
        %scan3A_714 = arith.constant 0 : i32
        scf.yield %scan3A_714 : i32
      }
      %scan3A_417 = arith.constant 16 : i32
      %scan3A_418 = arith.constant 0 : i32
      %scan3A_419 = arith.constant 0 : i32
      %scan3A_420 = arith.constant 385 : i32
      %scan3A_421 = arith.addi %scan3A_419, %scan3A_420 : i32
      %scan3A_422 = arith.constant 1 : i32
      %scan3A_423 = scf.for %scan3A_502 = %scan3A_419 to %scan3A_421 step %scan3A_422 iter_args(%scan3A_503 = %scan3A_418) -> (i32)  : i32 {
        %add3A_504 = vector.broadcast %scan3A_502 : i32 to vector<16xi32>
        %add3A_505 = arith.addi %mul3A_389, %add3A_504 : vector<16xi32>
        %gather3A = tpu.vector_load_idx %arg13[%add3A_505] : memref<6160xi32, #tpu.memory_space<vmem>>[vector<16xi32>], vector<16xi32>,
        %add3A_506 = vector.broadcast %scan3A_502 : i32 to vector<16xi32>
        %add3A_507 = arith.addi %mul3A_389, %add3A_506 : vector<16xi32>
        %gather3A_508 = tpu.vector_load_idx %arg14[%add3A_507] : memref<6160xi32, #tpu.memory_space<vmem>>[vector<16xi32>], vector<16xi32>,
        %shift_right_logical3A = arith.constant 0 : i32
        %shift_right_logical3A_509 = vector.broadcast %shift_right_logical3A : i32 to vector<16xi32>
        %shift_right_logical3A_510 = arith.shrui %gather3A, %shift_right_logical3A_509 : vector<16xi32>
        %and3A_511 = arith.constant 255 : i32
        %and3A_512 = vector.broadcast %and3A_511 : i32 to vector<16xi32>
        %and3A_513 = arith.andi %shift_right_logical3A_510, %and3A_512 : vector<16xi32>
        %mul3A_514 = arith.constant 256 : i32
        %mul3A_515 = vector.broadcast %mul3A_514 : i32 to vector<16xi32>
        %mul3A_516 = arith.muli %iota3A, %mul3A_515 : vector<16xi32>
        %add3A_517 = arith.addi %mul3A_516, %and3A_513 : vector<16xi32>
        %gather3A_518 = tpu.vector_load_idx %arg12[%add3A_517] : memref<4096xi32, #tpu.memory_space<vmem>>[vector<16xi32>], vector<16xi32>,
        tpu.vector_store_idx %arg15[%gather3A_518], %gather3A : memref<6160xi32, #tpu.memory_space<vmem>>[vector<16xi32>], vector<16xi32>,
        tpu.vector_store_idx %arg16[%gather3A_518], %gather3A_508 : memref<6160xi32, #tpu.memory_space<vmem>>[vector<16xi32>], vector<16xi32>,
        %add3A_519 = arith.constant 1 : i32
        %add3A_520 = vector.broadcast %add3A_519 : i32 to vector<16xi32>
        %add3A_521 = arith.addi %gather3A_518, %add3A_520 : vector<16xi32>
        tpu.vector_store_idx %arg12[%add3A_517], %add3A_521 : memref<4096xi32, #tpu.memory_space<vmem>>[vector<16xi32>], vector<16xi32>,
        %scan3A_522 = arith.constant 0 : i32
        scf.yield %scan3A_522 : i32
      }
      %scan3A_424 = arith.constant 385 : i32
      %scan3A_425 = arith.constant 0 : i32
      %scan3A_426 = arith.constant 0 : i32
      %scan3A_427 = arith.constant 256 : i32
      %scan3A_428 = arith.addi %scan3A_426, %scan3A_427 : i32
      %scan3A_429 = arith.constant 1 : i32
      %scan3A_430 = scf.for %scan3A_502 = %scan3A_426 to %scan3A_428 step %scan3A_429 iter_args(%scan3A_503 = %scan3A_425) -> (i32)  : i32 {
        %mul3A_504 = arith.constant 16 : i32
        %mul3A_505 = arith.muli %scan3A_502, %mul3A_504 : i32
        %swap3A = arith.index_cast %mul3A_505 : i32 to index
        %swap3A_506 = tpu.vector_load %arg10[%swap3A] {strides = array<i32>} : memref<4096xi32, #tpu.memory_space<vmem>>, vector<16xi32>,
        tpu.vector_store %arg10[%swap3A], %broadcast_in_dim3A_31 {strides = array<i32>} : memref<4096xi32, #tpu.memory_space<vmem>>, vector<16xi32>,
        %scan3A_507 = arith.constant 0 : i32
        scf.yield %scan3A_507 : i32
      }
      %scan3A_431 = arith.constant 256 : i32
      %scan3A_432 = arith.constant 0 : i32
      %scan3A_433 = arith.constant 0 : i32
      %scan3A_434 = arith.constant 385 : i32
      %scan3A_435 = arith.addi %scan3A_433, %scan3A_434 : i32
      %scan3A_436 = arith.constant 1 : i32
      %scan3A_437 = scf.for %scan3A_502 = %scan3A_433 to %scan3A_435 step %scan3A_436 iter_args(%scan3A_503 = %scan3A_432) -> (i32)  : i32 {
        %add3A_504 = vector.broadcast %scan3A_502 : i32 to vector<16xi32>
        %add3A_505 = arith.addi %mul3A_389, %add3A_504 : vector<16xi32>
        %gather3A = tpu.vector_load_idx %arg15[%add3A_505] : memref<6160xi32, #tpu.memory_space<vmem>>[vector<16xi32>], vector<16xi32>,
        %shift_right_logical3A = arith.constant 8 : i32
        %shift_right_logical3A_506 = vector.broadcast %shift_right_logical3A : i32 to vector<16xi32>
        %shift_right_logical3A_507 = arith.shrui %gather3A, %shift_right_logical3A_506 : vector<16xi32>
        %and3A_508 = arith.constant 255 : i32
        %and3A_509 = vector.broadcast %and3A_508 : i32 to vector<16xi32>
        %and3A_510 = arith.andi %shift_right_logical3A_507, %and3A_509 : vector<16xi32>
        %mul3A_511 = arith.constant 256 : i32
        %mul3A_512 = vector.broadcast %mul3A_511 : i32 to vector<16xi32>
        %mul3A_513 = arith.muli %iota3A, %mul3A_512 : vector<16xi32>
        %add3A_514 = arith.addi %mul3A_513, %and3A_510 : vector<16xi32>
        tpu.vector_store_idx %arg10[%add3A_514], %broadcast_in_dim3A_33 {add = true} : memref<4096xi32, #tpu.memory_space<vmem>>[vector<16xi32>], vector<16xi32>,
        %scan3A_515 = arith.constant 0 : i32
        scf.yield %scan3A_515 : i32
      }
      %scan3A_438 = arith.constant 385 : i32
      %scan3A_439 = arith.constant 0 : i32
      %scan3A_440 = arith.constant 0 : i32
      %scan3A_441 = arith.constant 16 : i32
      %scan3A_442 = arith.addi %scan3A_440, %scan3A_441 : i32
      %scan3A_443 = arith.constant 1 : i32
      %scan3A_444 = scf.for %scan3A_502 = %scan3A_440 to %scan3A_442 step %scan3A_443 iter_args(%scan3A_503 = %scan3A_439) -> (i32)  : i32 {
        %sub3A_504 = arith.constant 15 : i32
        %sub3A_505 = arith.subi %sub3A_504, %scan3A_502 : i32
        %mul3A_506 = arith.constant 16 : i32
        %mul3A_507 = arith.muli %sub3A_505, %mul3A_506 : i32
        %add3A_508 = arith.constant 0 : i32
        %add3A_509 = arith.addi %add3A_508, %mul3A_507 : i32
        %get3A = arith.index_cast %add3A_509 : i32 to index
        %get3A_510 = tpu.vector_load %arg10[%get3A] {strides = array<i32>} : memref<4096xi32, #tpu.memory_space<vmem>>, vector<16xi32>,
        %add3A_511 = arith.addi %broadcast_in_dim3A_31, %get3A_510 : vector<16xi32>
        %mul3A_512 = arith.constant 16 : i32
        %mul3A_513 = arith.muli %sub3A_505, %mul3A_512 : i32
        %add3A_514 = arith.constant 256 : i32
        %add3A_515 = arith.addi %add3A_514, %mul3A_513 : i32
        %get3A_516 = arith.index_cast %add3A_515 : i32 to index
        %get3A_517 = tpu.vector_load %arg10[%get3A_516] {strides = array<i32>} : memref<4096xi32, #tpu.memory_space<vmem>>, vector<16xi32>,
        %add3A_518 = arith.addi %add3A_511, %get3A_517 : vector<16xi32>
        %mul3A_519 = arith.constant 16 : i32
        %mul3A_520 = arith.muli %sub3A_505, %mul3A_519 : i32
        %add3A_521 = arith.constant 512 : i32
        %add3A_522 = arith.addi %add3A_521, %mul3A_520 : i32
        %get3A_523 = arith.index_cast %add3A_522 : i32 to index
        %get3A_524 = tpu.vector_load %arg10[%get3A_523] {strides = array<i32>} : memref<4096xi32, #tpu.memory_space<vmem>>, vector<16xi32>,
        %add3A_525 = arith.addi %add3A_518, %get3A_524 : vector<16xi32>
        %mul3A_526 = arith.constant 16 : i32
        %mul3A_527 = arith.muli %sub3A_505, %mul3A_526 : i32
        %add3A_528 = arith.constant 768 : i32
        %add3A_529 = arith.addi %add3A_528, %mul3A_527 : i32
        %get3A_530 = arith.index_cast %add3A_529 : i32 to index
        %get3A_531 = tpu.vector_load %arg10[%get3A_530] {strides = array<i32>} : memref<4096xi32, #tpu.memory_space<vmem>>, vector<16xi32>,
        %add3A_532 = arith.addi %add3A_525, %get3A_531 : vector<16xi32>
        %mul3A_533 = arith.constant 16 : i32
        %mul3A_534 = arith.muli %sub3A_505, %mul3A_533 : i32
        %add3A_535 = arith.constant 1024 : i32
        %add3A_536 = arith.addi %add3A_535, %mul3A_534 : i32
        %get3A_537 = arith.index_cast %add3A_536 : i32 to index
        %get3A_538 = tpu.vector_load %arg10[%get3A_537] {strides = array<i32>} : memref<4096xi32, #tpu.memory_space<vmem>>, vector<16xi32>,
        %add3A_539 = arith.addi %add3A_532, %get3A_538 : vector<16xi32>
        %mul3A_540 = arith.constant 16 : i32
        %mul3A_541 = arith.muli %sub3A_505, %mul3A_540 : i32
        %add3A_542 = arith.constant 1280 : i32
        %add3A_543 = arith.addi %add3A_542, %mul3A_541 : i32
        %get3A_544 = arith.index_cast %add3A_543 : i32 to index
        %get3A_545 = tpu.vector_load %arg10[%get3A_544] {strides = array<i32>} : memref<4096xi32, #tpu.memory_space<vmem>>, vector<16xi32>,
        %add3A_546 = arith.addi %add3A_539, %get3A_545 : vector<16xi32>
        %mul3A_547 = arith.constant 16 : i32
        %mul3A_548 = arith.muli %sub3A_505, %mul3A_547 : i32
        %add3A_549 = arith.constant 1536 : i32
        %add3A_550 = arith.addi %add3A_549, %mul3A_548 : i32
        %get3A_551 = arith.index_cast %add3A_550 : i32 to index
        %get3A_552 = tpu.vector_load %arg10[%get3A_551] {strides = array<i32>} : memref<4096xi32, #tpu.memory_space<vmem>>, vector<16xi32>,
        %add3A_553 = arith.addi %add3A_546, %get3A_552 : vector<16xi32>
        %mul3A_554 = arith.constant 16 : i32
        %mul3A_555 = arith.muli %sub3A_505, %mul3A_554 : i32
        %add3A_556 = arith.constant 1792 : i32
        %add3A_557 = arith.addi %add3A_556, %mul3A_555 : i32
        %get3A_558 = arith.index_cast %add3A_557 : i32 to index
        %get3A_559 = tpu.vector_load %arg10[%get3A_558] {strides = array<i32>} : memref<4096xi32, #tpu.memory_space<vmem>>, vector<16xi32>,
        %add3A_560 = arith.addi %add3A_553, %get3A_559 : vector<16xi32>
        %mul3A_561 = arith.constant 16 : i32
        %mul3A_562 = arith.muli %sub3A_505, %mul3A_561 : i32
        %add3A_563 = arith.constant 2048 : i32
        %add3A_564 = arith.addi %add3A_563, %mul3A_562 : i32
        %get3A_565 = arith.index_cast %add3A_564 : i32 to index
        %get3A_566 = tpu.vector_load %arg10[%get3A_565] {strides = array<i32>} : memref<4096xi32, #tpu.memory_space<vmem>>, vector<16xi32>,
        %add3A_567 = arith.addi %add3A_560, %get3A_566 : vector<16xi32>
        %mul3A_568 = arith.constant 16 : i32
        %mul3A_569 = arith.muli %sub3A_505, %mul3A_568 : i32
        %add3A_570 = arith.constant 2304 : i32
        %add3A_571 = arith.addi %add3A_570, %mul3A_569 : i32
        %get3A_572 = arith.index_cast %add3A_571 : i32 to index
        %get3A_573 = tpu.vector_load %arg10[%get3A_572] {strides = array<i32>} : memref<4096xi32, #tpu.memory_space<vmem>>, vector<16xi32>,
        %add3A_574 = arith.addi %add3A_567, %get3A_573 : vector<16xi32>
        %mul3A_575 = arith.constant 16 : i32
        %mul3A_576 = arith.muli %sub3A_505, %mul3A_575 : i32
        %add3A_577 = arith.constant 2560 : i32
        %add3A_578 = arith.addi %add3A_577, %mul3A_576 : i32
        %get3A_579 = arith.index_cast %add3A_578 : i32 to index
        %get3A_580 = tpu.vector_load %arg10[%get3A_579] {strides = array<i32>} : memref<4096xi32, #tpu.memory_space<vmem>>, vector<16xi32>,
        %add3A_581 = arith.addi %add3A_574, %get3A_580 : vector<16xi32>
        %mul3A_582 = arith.constant 16 : i32
        %mul3A_583 = arith.muli %sub3A_505, %mul3A_582 : i32
        %add3A_584 = arith.constant 2816 : i32
        %add3A_585 = arith.addi %add3A_584, %mul3A_583 : i32
        %get3A_586 = arith.index_cast %add3A_585 : i32 to index
        %get3A_587 = tpu.vector_load %arg10[%get3A_586] {strides = array<i32>} : memref<4096xi32, #tpu.memory_space<vmem>>, vector<16xi32>,
        %add3A_588 = arith.addi %add3A_581, %get3A_587 : vector<16xi32>
        %mul3A_589 = arith.constant 16 : i32
        %mul3A_590 = arith.muli %sub3A_505, %mul3A_589 : i32
        %add3A_591 = arith.constant 3072 : i32
        %add3A_592 = arith.addi %add3A_591, %mul3A_590 : i32
        %get3A_593 = arith.index_cast %add3A_592 : i32 to index
        %get3A_594 = tpu.vector_load %arg10[%get3A_593] {strides = array<i32>} : memref<4096xi32, #tpu.memory_space<vmem>>, vector<16xi32>,
        %add3A_595 = arith.addi %add3A_588, %get3A_594 : vector<16xi32>
        %mul3A_596 = arith.constant 16 : i32
        %mul3A_597 = arith.muli %sub3A_505, %mul3A_596 : i32
        %add3A_598 = arith.constant 3328 : i32
        %add3A_599 = arith.addi %add3A_598, %mul3A_597 : i32
        %get3A_600 = arith.index_cast %add3A_599 : i32 to index
        %get3A_601 = tpu.vector_load %arg10[%get3A_600] {strides = array<i32>} : memref<4096xi32, #tpu.memory_space<vmem>>, vector<16xi32>,
        %add3A_602 = arith.addi %add3A_595, %get3A_601 : vector<16xi32>
        %mul3A_603 = arith.constant 16 : i32
        %mul3A_604 = arith.muli %sub3A_505, %mul3A_603 : i32
        %add3A_605 = arith.constant 3584 : i32
        %add3A_606 = arith.addi %add3A_605, %mul3A_604 : i32
        %get3A_607 = arith.index_cast %add3A_606 : i32 to index
        %get3A_608 = tpu.vector_load %arg10[%get3A_607] {strides = array<i32>} : memref<4096xi32, #tpu.memory_space<vmem>>, vector<16xi32>,
        %add3A_609 = arith.addi %add3A_602, %get3A_608 : vector<16xi32>
        %mul3A_610 = arith.constant 16 : i32
        %mul3A_611 = arith.muli %sub3A_505, %mul3A_610 : i32
        %add3A_612 = arith.constant 3840 : i32
        %add3A_613 = arith.addi %add3A_612, %mul3A_611 : i32
        %get3A_614 = arith.index_cast %add3A_613 : i32 to index
        %get3A_615 = tpu.vector_load %arg10[%get3A_614] {strides = array<i32>} : memref<4096xi32, #tpu.memory_space<vmem>>, vector<16xi32>,
        %add3A_616 = arith.addi %add3A_609, %get3A_615 : vector<16xi32>
        %rev3A = arith.constant 15 : i32
        %rev3A_617 = vector.broadcast %rev3A : i32 to vector<16xi32>
        %rev3A_618 = tpu.iota {dimensions = array<i32: 0>} : vector<16xi32>
        %rev3A_619 = arith.subi %rev3A_617, %rev3A_618 : vector<16xi32>
        %rev3A_620 = tpu.dynamic_gather %add3A_616[%rev3A_619] in [0] : vector<16xi32>, vector<16xi32> -> vector<16xi32>
        %broadcast_in_dim3A_621 = arith.constant true
        %broadcast_in_dim3A_622 = vector.broadcast %broadcast_in_dim3A_621 : i1 to vector<16xi1>
        %masked_cumsum3A = tpu.scan <sum>, %rev3A_620 masked %broadcast_in_dim3A_622 : vector<16xi32>, vector<16xi1> -> vector<16xi32>
        %rev3A_623 = arith.constant 15 : i32
        %rev3A_624 = vector.broadcast %rev3A_623 : i32 to vector<16xi32>
        %rev3A_625 = tpu.iota {dimensions = array<i32: 0>} : vector<16xi32>
        %rev3A_626 = arith.subi %rev3A_624, %rev3A_625 : vector<16xi32>
        %rev3A_627 = tpu.dynamic_gather %masked_cumsum3A[%rev3A_626] in [0] : vector<16xi32>, vector<16xi32> -> vector<16xi32>
        %add3A_628 = vector.broadcast %scan3A_503 : i32 to vector<16xi32>
        %add3A_629 = arith.addi %rev3A_627, %add3A_628 : vector<16xi32>
        %sub3A_630 = arith.subi %add3A_629, %add3A_616 : vector<16xi32>
        %mul3A_631 = arith.constant 16 : i32
        %mul3A_632 = arith.muli %sub3A_505, %mul3A_631 : i32
        %swap3A = arith.index_cast %mul3A_632 : i32 to index
        %swap3A_633 = tpu.vector_load %arg11[%swap3A] {strides = array<i32>} : memref<256xi32, #tpu.memory_space<vmem>>, vector<16xi32>,
        tpu.vector_store %arg11[%swap3A], %sub3A_630 {strides = array<i32>} : memref<256xi32, #tpu.memory_space<vmem>>, vector<16xi32>,
        %reduce_sum3A = arith.constant true
        %reduce_sum3A_634 = vector.broadcast %reduce_sum3A : i1 to vector<16xi1>
        %reduce_sum3A_635 = tpu.scan <sum>, %add3A_616 masked %reduce_sum3A_634 : vector<16xi32>, vector<16xi1> -> vector<16xi32>
        %reduce_sum3A_636 = vector.extract %reduce_sum3A_635[15] : i32 from vector<16xi32>
        %add3A_637 = arith.addi %scan3A_503, %reduce_sum3A_636 : i32
        scf.yield %add3A_637 : i32
      }
      %scan3A_445 = arith.constant 16 : i32
      %scan3A_446 = arith.constant 0 : i32
      %scan3A_447 = arith.constant 0 : i32
      %scan3A_448 = arith.constant 16 : i32
      %scan3A_449 = arith.addi %scan3A_447, %scan3A_448 : i32
      %scan3A_450 = arith.constant 1 : i32
      %scan3A_451 = scf.for %scan3A_502 = %scan3A_447 to %scan3A_449 step %scan3A_450 iter_args(%scan3A_503 = %scan3A_446) -> (i32)  : i32 {
        %mul3A_504 = arith.constant 16 : i32
        %mul3A_505 = arith.muli %scan3A_502, %mul3A_504 : i32
        %get3A = arith.index_cast %mul3A_505 : i32 to index
        %get3A_506 = tpu.vector_load %arg11[%get3A] {strides = array<i32>} : memref<256xi32, #tpu.memory_space<vmem>>, vector<16xi32>,
        %mul3A_507 = arith.constant 16 : i32
        %mul3A_508 = arith.muli %scan3A_502, %mul3A_507 : i32
        %add3A_509 = arith.constant 0 : i32
        %add3A_510 = arith.addi %add3A_509, %mul3A_508 : i32
        %swap3A = arith.index_cast %add3A_510 : i32 to index
        %swap3A_511 = tpu.vector_load %arg12[%swap3A] {strides = array<i32>} : memref<4096xi32, #tpu.memory_space<vmem>>, vector<16xi32>,
        tpu.vector_store %arg12[%swap3A], %get3A_506 {strides = array<i32>} : memref<4096xi32, #tpu.memory_space<vmem>>, vector<16xi32>,
        %mul3A_512 = arith.constant 16 : i32
        %mul3A_513 = arith.muli %scan3A_502, %mul3A_512 : i32
        %add3A_514 = arith.constant 0 : i32
        %add3A_515 = arith.addi %add3A_514, %mul3A_513 : i32
        %get3A_516 = arith.index_cast %add3A_515 : i32 to index
        %get3A_517 = tpu.vector_load %arg10[%get3A_516] {strides = array<i32>} : memref<4096xi32, #tpu.memory_space<vmem>>, vector<16xi32>,
        %add3A_518 = arith.addi %get3A_506, %get3A_517 : vector<16xi32>
        %mul3A_519 = arith.constant 16 : i32
        %mul3A_520 = arith.muli %scan3A_502, %mul3A_519 : i32
        %add3A_521 = arith.constant 256 : i32
        %add3A_522 = arith.addi %add3A_521, %mul3A_520 : i32
        %swap3A_523 = arith.index_cast %add3A_522 : i32 to index
        %swap3A_524 = tpu.vector_load %arg12[%swap3A_523] {strides = array<i32>} : memref<4096xi32, #tpu.memory_space<vmem>>, vector<16xi32>,
        tpu.vector_store %arg12[%swap3A_523], %add3A_518 {strides = array<i32>} : memref<4096xi32, #tpu.memory_space<vmem>>, vector<16xi32>,
        %mul3A_525 = arith.constant 16 : i32
        %mul3A_526 = arith.muli %scan3A_502, %mul3A_525 : i32
        %add3A_527 = arith.constant 256 : i32
        %add3A_528 = arith.addi %add3A_527, %mul3A_526 : i32
        %get3A_529 = arith.index_cast %add3A_528 : i32 to index
        %get3A_530 = tpu.vector_load %arg10[%get3A_529] {strides = array<i32>} : memref<4096xi32, #tpu.memory_space<vmem>>, vector<16xi32>,
        %add3A_531 = arith.addi %add3A_518, %get3A_530 : vector<16xi32>
        %mul3A_532 = arith.constant 16 : i32
        %mul3A_533 = arith.muli %scan3A_502, %mul3A_532 : i32
        %add3A_534 = arith.constant 512 : i32
        %add3A_535 = arith.addi %add3A_534, %mul3A_533 : i32
        %swap3A_536 = arith.index_cast %add3A_535 : i32 to index
        %swap3A_537 = tpu.vector_load %arg12[%swap3A_536] {strides = array<i32>} : memref<4096xi32, #tpu.memory_space<vmem>>, vector<16xi32>,
        tpu.vector_store %arg12[%swap3A_536], %add3A_531 {strides = array<i32>} : memref<4096xi32, #tpu.memory_space<vmem>>, vector<16xi32>,
        %mul3A_538 = arith.constant 16 : i32
        %mul3A_539 = arith.muli %scan3A_502, %mul3A_538 : i32
        %add3A_540 = arith.constant 512 : i32
        %add3A_541 = arith.addi %add3A_540, %mul3A_539 : i32
        %get3A_542 = arith.index_cast %add3A_541 : i32 to index
        %get3A_543 = tpu.vector_load %arg10[%get3A_542] {strides = array<i32>} : memref<4096xi32, #tpu.memory_space<vmem>>, vector<16xi32>,
        %add3A_544 = arith.addi %add3A_531, %get3A_543 : vector<16xi32>
        %mul3A_545 = arith.constant 16 : i32
        %mul3A_546 = arith.muli %scan3A_502, %mul3A_545 : i32
        %add3A_547 = arith.constant 768 : i32
        %add3A_548 = arith.addi %add3A_547, %mul3A_546 : i32
        %swap3A_549 = arith.index_cast %add3A_548 : i32 to index
        %swap3A_550 = tpu.vector_load %arg12[%swap3A_549] {strides = array<i32>} : memref<4096xi32, #tpu.memory_space<vmem>>, vector<16xi32>,
        tpu.vector_store %arg12[%swap3A_549], %add3A_544 {strides = array<i32>} : memref<4096xi32, #tpu.memory_space<vmem>>, vector<16xi32>,
        %mul3A_551 = arith.constant 16 : i32
        %mul3A_552 = arith.muli %scan3A_502, %mul3A_551 : i32
        %add3A_553 = arith.constant 768 : i32
        %add3A_554 = arith.addi %add3A_553, %mul3A_552 : i32
        %get3A_555 = arith.index_cast %add3A_554 : i32 to index
        %get3A_556 = tpu.vector_load %arg10[%get3A_555] {strides = array<i32>} : memref<4096xi32, #tpu.memory_space<vmem>>, vector<16xi32>,
        %add3A_557 = arith.addi %add3A_544, %get3A_556 : vector<16xi32>
        %mul3A_558 = arith.constant 16 : i32
        %mul3A_559 = arith.muli %scan3A_502, %mul3A_558 : i32
        %add3A_560 = arith.constant 1024 : i32
        %add3A_561 = arith.addi %add3A_560, %mul3A_559 : i32
        %swap3A_562 = arith.index_cast %add3A_561 : i32 to index
        %swap3A_563 = tpu.vector_load %arg12[%swap3A_562] {strides = array<i32>} : memref<4096xi32, #tpu.memory_space<vmem>>, vector<16xi32>,
        tpu.vector_store %arg12[%swap3A_562], %add3A_557 {strides = array<i32>} : memref<4096xi32, #tpu.memory_space<vmem>>, vector<16xi32>,
        %mul3A_564 = arith.constant 16 : i32
        %mul3A_565 = arith.muli %scan3A_502, %mul3A_564 : i32
        %add3A_566 = arith.constant 1024 : i32
        %add3A_567 = arith.addi %add3A_566, %mul3A_565 : i32
        %get3A_568 = arith.index_cast %add3A_567 : i32 to index
        %get3A_569 = tpu.vector_load %arg10[%get3A_568] {strides = array<i32>} : memref<4096xi32, #tpu.memory_space<vmem>>, vector<16xi32>,
        %add3A_570 = arith.addi %add3A_557, %get3A_569 : vector<16xi32>
        %mul3A_571 = arith.constant 16 : i32
        %mul3A_572 = arith.muli %scan3A_502, %mul3A_571 : i32
        %add3A_573 = arith.constant 1280 : i32
        %add3A_574 = arith.addi %add3A_573, %mul3A_572 : i32
        %swap3A_575 = arith.index_cast %add3A_574 : i32 to index
        %swap3A_576 = tpu.vector_load %arg12[%swap3A_575] {strides = array<i32>} : memref<4096xi32, #tpu.memory_space<vmem>>, vector<16xi32>,
        tpu.vector_store %arg12[%swap3A_575], %add3A_570 {strides = array<i32>} : memref<4096xi32, #tpu.memory_space<vmem>>, vector<16xi32>,
        %mul3A_577 = arith.constant 16 : i32
        %mul3A_578 = arith.muli %scan3A_502, %mul3A_577 : i32
        %add3A_579 = arith.constant 1280 : i32
        %add3A_580 = arith.addi %add3A_579, %mul3A_578 : i32
        %get3A_581 = arith.index_cast %add3A_580 : i32 to index
        %get3A_582 = tpu.vector_load %arg10[%get3A_581] {strides = array<i32>} : memref<4096xi32, #tpu.memory_space<vmem>>, vector<16xi32>,
        %add3A_583 = arith.addi %add3A_570, %get3A_582 : vector<16xi32>
        %mul3A_584 = arith.constant 16 : i32
        %mul3A_585 = arith.muli %scan3A_502, %mul3A_584 : i32
        %add3A_586 = arith.constant 1536 : i32
        %add3A_587 = arith.addi %add3A_586, %mul3A_585 : i32
        %swap3A_588 = arith.index_cast %add3A_587 : i32 to index
        %swap3A_589 = tpu.vector_load %arg12[%swap3A_588] {strides = array<i32>} : memref<4096xi32, #tpu.memory_space<vmem>>, vector<16xi32>,
        tpu.vector_store %arg12[%swap3A_588], %add3A_583 {strides = array<i32>} : memref<4096xi32, #tpu.memory_space<vmem>>, vector<16xi32>,
        %mul3A_590 = arith.constant 16 : i32
        %mul3A_591 = arith.muli %scan3A_502, %mul3A_590 : i32
        %add3A_592 = arith.constant 1536 : i32
        %add3A_593 = arith.addi %add3A_592, %mul3A_591 : i32
        %get3A_594 = arith.index_cast %add3A_593 : i32 to index
        %get3A_595 = tpu.vector_load %arg10[%get3A_594] {strides = array<i32>} : memref<4096xi32, #tpu.memory_space<vmem>>, vector<16xi32>,
        %add3A_596 = arith.addi %add3A_583, %get3A_595 : vector<16xi32>
        %mul3A_597 = arith.constant 16 : i32
        %mul3A_598 = arith.muli %scan3A_502, %mul3A_597 : i32
        %add3A_599 = arith.constant 1792 : i32
        %add3A_600 = arith.addi %add3A_599, %mul3A_598 : i32
        %swap3A_601 = arith.index_cast %add3A_600 : i32 to index
        %swap3A_602 = tpu.vector_load %arg12[%swap3A_601] {strides = array<i32>} : memref<4096xi32, #tpu.memory_space<vmem>>, vector<16xi32>,
        tpu.vector_store %arg12[%swap3A_601], %add3A_596 {strides = array<i32>} : memref<4096xi32, #tpu.memory_space<vmem>>, vector<16xi32>,
        %mul3A_603 = arith.constant 16 : i32
        %mul3A_604 = arith.muli %scan3A_502, %mul3A_603 : i32
        %add3A_605 = arith.constant 1792 : i32
        %add3A_606 = arith.addi %add3A_605, %mul3A_604 : i32
        %get3A_607 = arith.index_cast %add3A_606 : i32 to index
        %get3A_608 = tpu.vector_load %arg10[%get3A_607] {strides = array<i32>} : memref<4096xi32, #tpu.memory_space<vmem>>, vector<16xi32>,
        %add3A_609 = arith.addi %add3A_596, %get3A_608 : vector<16xi32>
        %mul3A_610 = arith.constant 16 : i32
        %mul3A_611 = arith.muli %scan3A_502, %mul3A_610 : i32
        %add3A_612 = arith.constant 2048 : i32
        %add3A_613 = arith.addi %add3A_612, %mul3A_611 : i32
        %swap3A_614 = arith.index_cast %add3A_613 : i32 to index
        %swap3A_615 = tpu.vector_load %arg12[%swap3A_614] {strides = array<i32>} : memref<4096xi32, #tpu.memory_space<vmem>>, vector<16xi32>,
        tpu.vector_store %arg12[%swap3A_614], %add3A_609 {strides = array<i32>} : memref<4096xi32, #tpu.memory_space<vmem>>, vector<16xi32>,
        %mul3A_616 = arith.constant 16 : i32
        %mul3A_617 = arith.muli %scan3A_502, %mul3A_616 : i32
        %add3A_618 = arith.constant 2048 : i32
        %add3A_619 = arith.addi %add3A_618, %mul3A_617 : i32
        %get3A_620 = arith.index_cast %add3A_619 : i32 to index
        %get3A_621 = tpu.vector_load %arg10[%get3A_620] {strides = array<i32>} : memref<4096xi32, #tpu.memory_space<vmem>>, vector<16xi32>,
        %add3A_622 = arith.addi %add3A_609, %get3A_621 : vector<16xi32>
        %mul3A_623 = arith.constant 16 : i32
        %mul3A_624 = arith.muli %scan3A_502, %mul3A_623 : i32
        %add3A_625 = arith.constant 2304 : i32
        %add3A_626 = arith.addi %add3A_625, %mul3A_624 : i32
        %swap3A_627 = arith.index_cast %add3A_626 : i32 to index
        %swap3A_628 = tpu.vector_load %arg12[%swap3A_627] {strides = array<i32>} : memref<4096xi32, #tpu.memory_space<vmem>>, vector<16xi32>,
        tpu.vector_store %arg12[%swap3A_627], %add3A_622 {strides = array<i32>} : memref<4096xi32, #tpu.memory_space<vmem>>, vector<16xi32>,
        %mul3A_629 = arith.constant 16 : i32
        %mul3A_630 = arith.muli %scan3A_502, %mul3A_629 : i32
        %add3A_631 = arith.constant 2304 : i32
        %add3A_632 = arith.addi %add3A_631, %mul3A_630 : i32
        %get3A_633 = arith.index_cast %add3A_632 : i32 to index
        %get3A_634 = tpu.vector_load %arg10[%get3A_633] {strides = array<i32>} : memref<4096xi32, #tpu.memory_space<vmem>>, vector<16xi32>,
        %add3A_635 = arith.addi %add3A_622, %get3A_634 : vector<16xi32>
        %mul3A_636 = arith.constant 16 : i32
        %mul3A_637 = arith.muli %scan3A_502, %mul3A_636 : i32
        %add3A_638 = arith.constant 2560 : i32
        %add3A_639 = arith.addi %add3A_638, %mul3A_637 : i32
        %swap3A_640 = arith.index_cast %add3A_639 : i32 to index
        %swap3A_641 = tpu.vector_load %arg12[%swap3A_640] {strides = array<i32>} : memref<4096xi32, #tpu.memory_space<vmem>>, vector<16xi32>,
        tpu.vector_store %arg12[%swap3A_640], %add3A_635 {strides = array<i32>} : memref<4096xi32, #tpu.memory_space<vmem>>, vector<16xi32>,
        %mul3A_642 = arith.constant 16 : i32
        %mul3A_643 = arith.muli %scan3A_502, %mul3A_642 : i32
        %add3A_644 = arith.constant 2560 : i32
        %add3A_645 = arith.addi %add3A_644, %mul3A_643 : i32
        %get3A_646 = arith.index_cast %add3A_645 : i32 to index
        %get3A_647 = tpu.vector_load %arg10[%get3A_646] {strides = array<i32>} : memref<4096xi32, #tpu.memory_space<vmem>>, vector<16xi32>,
        %add3A_648 = arith.addi %add3A_635, %get3A_647 : vector<16xi32>
        %mul3A_649 = arith.constant 16 : i32
        %mul3A_650 = arith.muli %scan3A_502, %mul3A_649 : i32
        %add3A_651 = arith.constant 2816 : i32
        %add3A_652 = arith.addi %add3A_651, %mul3A_650 : i32
        %swap3A_653 = arith.index_cast %add3A_652 : i32 to index
        %swap3A_654 = tpu.vector_load %arg12[%swap3A_653] {strides = array<i32>} : memref<4096xi32, #tpu.memory_space<vmem>>, vector<16xi32>,
        tpu.vector_store %arg12[%swap3A_653], %add3A_648 {strides = array<i32>} : memref<4096xi32, #tpu.memory_space<vmem>>, vector<16xi32>,
        %mul3A_655 = arith.constant 16 : i32
        %mul3A_656 = arith.muli %scan3A_502, %mul3A_655 : i32
        %add3A_657 = arith.constant 2816 : i32
        %add3A_658 = arith.addi %add3A_657, %mul3A_656 : i32
        %get3A_659 = arith.index_cast %add3A_658 : i32 to index
        %get3A_660 = tpu.vector_load %arg10[%get3A_659] {strides = array<i32>} : memref<4096xi32, #tpu.memory_space<vmem>>, vector<16xi32>,
        %add3A_661 = arith.addi %add3A_648, %get3A_660 : vector<16xi32>
        %mul3A_662 = arith.constant 16 : i32
        %mul3A_663 = arith.muli %scan3A_502, %mul3A_662 : i32
        %add3A_664 = arith.constant 3072 : i32
        %add3A_665 = arith.addi %add3A_664, %mul3A_663 : i32
        %swap3A_666 = arith.index_cast %add3A_665 : i32 to index
        %swap3A_667 = tpu.vector_load %arg12[%swap3A_666] {strides = array<i32>} : memref<4096xi32, #tpu.memory_space<vmem>>, vector<16xi32>,
        tpu.vector_store %arg12[%swap3A_666], %add3A_661 {strides = array<i32>} : memref<4096xi32, #tpu.memory_space<vmem>>, vector<16xi32>,
        %mul3A_668 = arith.constant 16 : i32
        %mul3A_669 = arith.muli %scan3A_502, %mul3A_668 : i32
        %add3A_670 = arith.constant 3072 : i32
        %add3A_671 = arith.addi %add3A_670, %mul3A_669 : i32
        %get3A_672 = arith.index_cast %add3A_671 : i32 to index
        %get3A_673 = tpu.vector_load %arg10[%get3A_672] {strides = array<i32>} : memref<4096xi32, #tpu.memory_space<vmem>>, vector<16xi32>,
        %add3A_674 = arith.addi %add3A_661, %get3A_673 : vector<16xi32>
        %mul3A_675 = arith.constant 16 : i32
        %mul3A_676 = arith.muli %scan3A_502, %mul3A_675 : i32
        %add3A_677 = arith.constant 3328 : i32
        %add3A_678 = arith.addi %add3A_677, %mul3A_676 : i32
        %swap3A_679 = arith.index_cast %add3A_678 : i32 to index
        %swap3A_680 = tpu.vector_load %arg12[%swap3A_679] {strides = array<i32>} : memref<4096xi32, #tpu.memory_space<vmem>>, vector<16xi32>,
        tpu.vector_store %arg12[%swap3A_679], %add3A_674 {strides = array<i32>} : memref<4096xi32, #tpu.memory_space<vmem>>, vector<16xi32>,
        %mul3A_681 = arith.constant 16 : i32
        %mul3A_682 = arith.muli %scan3A_502, %mul3A_681 : i32
        %add3A_683 = arith.constant 3328 : i32
        %add3A_684 = arith.addi %add3A_683, %mul3A_682 : i32
        %get3A_685 = arith.index_cast %add3A_684 : i32 to index
        %get3A_686 = tpu.vector_load %arg10[%get3A_685] {strides = array<i32>} : memref<4096xi32, #tpu.memory_space<vmem>>, vector<16xi32>,
        %add3A_687 = arith.addi %add3A_674, %get3A_686 : vector<16xi32>
        %mul3A_688 = arith.constant 16 : i32
        %mul3A_689 = arith.muli %scan3A_502, %mul3A_688 : i32
        %add3A_690 = arith.constant 3584 : i32
        %add3A_691 = arith.addi %add3A_690, %mul3A_689 : i32
        %swap3A_692 = arith.index_cast %add3A_691 : i32 to index
        %swap3A_693 = tpu.vector_load %arg12[%swap3A_692] {strides = array<i32>} : memref<4096xi32, #tpu.memory_space<vmem>>, vector<16xi32>,
        tpu.vector_store %arg12[%swap3A_692], %add3A_687 {strides = array<i32>} : memref<4096xi32, #tpu.memory_space<vmem>>, vector<16xi32>,
        %mul3A_694 = arith.constant 16 : i32
        %mul3A_695 = arith.muli %scan3A_502, %mul3A_694 : i32
        %add3A_696 = arith.constant 3584 : i32
        %add3A_697 = arith.addi %add3A_696, %mul3A_695 : i32
        %get3A_698 = arith.index_cast %add3A_697 : i32 to index
        %get3A_699 = tpu.vector_load %arg10[%get3A_698] {strides = array<i32>} : memref<4096xi32, #tpu.memory_space<vmem>>, vector<16xi32>,
        %add3A_700 = arith.addi %add3A_687, %get3A_699 : vector<16xi32>
        %mul3A_701 = arith.constant 16 : i32
        %mul3A_702 = arith.muli %scan3A_502, %mul3A_701 : i32
        %add3A_703 = arith.constant 3840 : i32
        %add3A_704 = arith.addi %add3A_703, %mul3A_702 : i32
        %swap3A_705 = arith.index_cast %add3A_704 : i32 to index
        %swap3A_706 = tpu.vector_load %arg12[%swap3A_705] {strides = array<i32>} : memref<4096xi32, #tpu.memory_space<vmem>>, vector<16xi32>,
        tpu.vector_store %arg12[%swap3A_705], %add3A_700 {strides = array<i32>} : memref<4096xi32, #tpu.memory_space<vmem>>, vector<16xi32>,
        %mul3A_707 = arith.constant 16 : i32
        %mul3A_708 = arith.muli %scan3A_502, %mul3A_707 : i32
        %add3A_709 = arith.constant 3840 : i32
        %add3A_710 = arith.addi %add3A_709, %mul3A_708 : i32
        %get3A_711 = arith.index_cast %add3A_710 : i32 to index
        %get3A_712 = tpu.vector_load %arg10[%get3A_711] {strides = array<i32>} : memref<4096xi32, #tpu.memory_space<vmem>>, vector<16xi32>,
        %add3A_713 = arith.addi %add3A_700, %get3A_712 : vector<16xi32>
        %scan3A_714 = arith.constant 0 : i32
        scf.yield %scan3A_714 : i32
      }
      %scan3A_452 = arith.constant 16 : i32
      %scan3A_453 = arith.constant 0 : i32
      %scan3A_454 = arith.constant 0 : i32
      %scan3A_455 = arith.constant 385 : i32
      %scan3A_456 = arith.addi %scan3A_454, %scan3A_455 : i32
      %scan3A_457 = arith.constant 1 : i32
      %scan3A_458 = scf.for %scan3A_502 = %scan3A_454 to %scan3A_456 step %scan3A_457 iter_args(%scan3A_503 = %scan3A_453) -> (i32)  : i32 {
        %add3A_504 = vector.broadcast %scan3A_502 : i32 to vector<16xi32>
        %add3A_505 = arith.addi %mul3A_389, %add3A_504 : vector<16xi32>
        %gather3A = tpu.vector_load_idx %arg15[%add3A_505] : memref<6160xi32, #tpu.memory_space<vmem>>[vector<16xi32>], vector<16xi32>,
        %add3A_506 = vector.broadcast %scan3A_502 : i32 to vector<16xi32>
        %add3A_507 = arith.addi %mul3A_389, %add3A_506 : vector<16xi32>
        %gather3A_508 = tpu.vector_load_idx %arg16[%add3A_507] : memref<6160xi32, #tpu.memory_space<vmem>>[vector<16xi32>], vector<16xi32>,
        %shift_right_logical3A = arith.constant 8 : i32
        %shift_right_logical3A_509 = vector.broadcast %shift_right_logical3A : i32 to vector<16xi32>
        %shift_right_logical3A_510 = arith.shrui %gather3A, %shift_right_logical3A_509 : vector<16xi32>
        %and3A_511 = arith.constant 255 : i32
        %and3A_512 = vector.broadcast %and3A_511 : i32 to vector<16xi32>
        %and3A_513 = arith.andi %shift_right_logical3A_510, %and3A_512 : vector<16xi32>
        %mul3A_514 = arith.constant 256 : i32
        %mul3A_515 = vector.broadcast %mul3A_514 : i32 to vector<16xi32>
        %mul3A_516 = arith.muli %iota3A, %mul3A_515 : vector<16xi32>
        %add3A_517 = arith.addi %mul3A_516, %and3A_513 : vector<16xi32>
        %gather3A_518 = tpu.vector_load_idx %arg12[%add3A_517] : memref<4096xi32, #tpu.memory_space<vmem>>[vector<16xi32>], vector<16xi32>,
        tpu.vector_store_idx %arg13[%gather3A_518], %gather3A : memref<6160xi32, #tpu.memory_space<vmem>>[vector<16xi32>], vector<16xi32>,
        tpu.vector_store_idx %arg14[%gather3A_518], %gather3A_508 : memref<6160xi32, #tpu.memory_space<vmem>>[vector<16xi32>], vector<16xi32>,
        %add3A_519 = arith.constant 1 : i32
        %add3A_520 = vector.broadcast %add3A_519 : i32 to vector<16xi32>
        %add3A_521 = arith.addi %gather3A_518, %add3A_520 : vector<16xi32>
        tpu.vector_store_idx %arg12[%add3A_517], %add3A_521 : memref<4096xi32, #tpu.memory_space<vmem>>[vector<16xi32>], vector<16xi32>,
        %scan3A_522 = arith.constant 0 : i32
        scf.yield %scan3A_522 : i32
      }
      %scan3A_459 = arith.constant 385 : i32
      %scan3A_460 = arith.constant 0 : i32
      %scan3A_461 = arith.constant 0 : i32
      %scan3A_462 = arith.constant 256 : i32
      %scan3A_463 = arith.addi %scan3A_461, %scan3A_462 : i32
      %scan3A_464 = arith.constant 1 : i32
      %scan3A_465 = scf.for %scan3A_502 = %scan3A_461 to %scan3A_463 step %scan3A_464 iter_args(%scan3A_503 = %scan3A_460) -> (i32)  : i32 {
        %mul3A_504 = arith.constant 16 : i32
        %mul3A_505 = arith.muli %scan3A_502, %mul3A_504 : i32
        %swap3A = arith.index_cast %mul3A_505 : i32 to index
        %swap3A_506 = tpu.vector_load %arg10[%swap3A] {strides = array<i32>} : memref<4096xi32, #tpu.memory_space<vmem>>, vector<16xi32>,
        tpu.vector_store %arg10[%swap3A], %broadcast_in_dim3A_31 {strides = array<i32>} : memref<4096xi32, #tpu.memory_space<vmem>>, vector<16xi32>,
        %scan3A_507 = arith.constant 0 : i32
        scf.yield %scan3A_507 : i32
      }
      %scan3A_466 = arith.constant 256 : i32
      %scan3A_467 = arith.constant 0 : i32
      %scan3A_468 = arith.constant 0 : i32
      %scan3A_469 = arith.constant 385 : i32
      %scan3A_470 = arith.addi %scan3A_468, %scan3A_469 : i32
      %scan3A_471 = arith.constant 1 : i32
      %scan3A_472 = scf.for %scan3A_502 = %scan3A_468 to %scan3A_470 step %scan3A_471 iter_args(%scan3A_503 = %scan3A_467) -> (i32)  : i32 {
        %add3A_504 = vector.broadcast %scan3A_502 : i32 to vector<16xi32>
        %add3A_505 = arith.addi %mul3A_389, %add3A_504 : vector<16xi32>
        %gather3A = tpu.vector_load_idx %arg13[%add3A_505] : memref<6160xi32, #tpu.memory_space<vmem>>[vector<16xi32>], vector<16xi32>,
        %shift_right_logical3A = arith.constant 16 : i32
        %shift_right_logical3A_506 = vector.broadcast %shift_right_logical3A : i32 to vector<16xi32>
        %shift_right_logical3A_507 = arith.shrui %gather3A, %shift_right_logical3A_506 : vector<16xi32>
        %and3A_508 = arith.constant 255 : i32
        %and3A_509 = vector.broadcast %and3A_508 : i32 to vector<16xi32>
        %and3A_510 = arith.andi %shift_right_logical3A_507, %and3A_509 : vector<16xi32>
        %mul3A_511 = arith.constant 256 : i32
        %mul3A_512 = vector.broadcast %mul3A_511 : i32 to vector<16xi32>
        %mul3A_513 = arith.muli %iota3A, %mul3A_512 : vector<16xi32>
        %add3A_514 = arith.addi %mul3A_513, %and3A_510 : vector<16xi32>
        tpu.vector_store_idx %arg10[%add3A_514], %broadcast_in_dim3A_33 {add = true} : memref<4096xi32, #tpu.memory_space<vmem>>[vector<16xi32>], vector<16xi32>,
        %scan3A_515 = arith.constant 0 : i32
        scf.yield %scan3A_515 : i32
      }
      %scan3A_473 = arith.constant 385 : i32
      %scan3A_474 = arith.constant 0 : i32
      %scan3A_475 = arith.constant 0 : i32
      %scan3A_476 = arith.constant 16 : i32
      %scan3A_477 = arith.addi %scan3A_475, %scan3A_476 : i32
      %scan3A_478 = arith.constant 1 : i32
      %scan3A_479 = scf.for %scan3A_502 = %scan3A_475 to %scan3A_477 step %scan3A_478 iter_args(%scan3A_503 = %scan3A_474) -> (i32)  : i32 {
        %sub3A_504 = arith.constant 15 : i32
        %sub3A_505 = arith.subi %sub3A_504, %scan3A_502 : i32
        %mul3A_506 = arith.constant 16 : i32
        %mul3A_507 = arith.muli %sub3A_505, %mul3A_506 : i32
        %add3A_508 = arith.constant 0 : i32
        %add3A_509 = arith.addi %add3A_508, %mul3A_507 : i32
        %get3A = arith.index_cast %add3A_509 : i32 to index
        %get3A_510 = tpu.vector_load %arg10[%get3A] {strides = array<i32>} : memref<4096xi32, #tpu.memory_space<vmem>>, vector<16xi32>,
        %add3A_511 = arith.addi %broadcast_in_dim3A_31, %get3A_510 : vector<16xi32>
        %mul3A_512 = arith.constant 16 : i32
        %mul3A_513 = arith.muli %sub3A_505, %mul3A_512 : i32
        %add3A_514 = arith.constant 256 : i32
        %add3A_515 = arith.addi %add3A_514, %mul3A_513 : i32
        %get3A_516 = arith.index_cast %add3A_515 : i32 to index
        %get3A_517 = tpu.vector_load %arg10[%get3A_516] {strides = array<i32>} : memref<4096xi32, #tpu.memory_space<vmem>>, vector<16xi32>,
        %add3A_518 = arith.addi %add3A_511, %get3A_517 : vector<16xi32>
        %mul3A_519 = arith.constant 16 : i32
        %mul3A_520 = arith.muli %sub3A_505, %mul3A_519 : i32
        %add3A_521 = arith.constant 512 : i32
        %add3A_522 = arith.addi %add3A_521, %mul3A_520 : i32
        %get3A_523 = arith.index_cast %add3A_522 : i32 to index
        %get3A_524 = tpu.vector_load %arg10[%get3A_523] {strides = array<i32>} : memref<4096xi32, #tpu.memory_space<vmem>>, vector<16xi32>,
        %add3A_525 = arith.addi %add3A_518, %get3A_524 : vector<16xi32>
        %mul3A_526 = arith.constant 16 : i32
        %mul3A_527 = arith.muli %sub3A_505, %mul3A_526 : i32
        %add3A_528 = arith.constant 768 : i32
        %add3A_529 = arith.addi %add3A_528, %mul3A_527 : i32
        %get3A_530 = arith.index_cast %add3A_529 : i32 to index
        %get3A_531 = tpu.vector_load %arg10[%get3A_530] {strides = array<i32>} : memref<4096xi32, #tpu.memory_space<vmem>>, vector<16xi32>,
        %add3A_532 = arith.addi %add3A_525, %get3A_531 : vector<16xi32>
        %mul3A_533 = arith.constant 16 : i32
        %mul3A_534 = arith.muli %sub3A_505, %mul3A_533 : i32
        %add3A_535 = arith.constant 1024 : i32
        %add3A_536 = arith.addi %add3A_535, %mul3A_534 : i32
        %get3A_537 = arith.index_cast %add3A_536 : i32 to index
        %get3A_538 = tpu.vector_load %arg10[%get3A_537] {strides = array<i32>} : memref<4096xi32, #tpu.memory_space<vmem>>, vector<16xi32>,
        %add3A_539 = arith.addi %add3A_532, %get3A_538 : vector<16xi32>
        %mul3A_540 = arith.constant 16 : i32
        %mul3A_541 = arith.muli %sub3A_505, %mul3A_540 : i32
        %add3A_542 = arith.constant 1280 : i32
        %add3A_543 = arith.addi %add3A_542, %mul3A_541 : i32
        %get3A_544 = arith.index_cast %add3A_543 : i32 to index
        %get3A_545 = tpu.vector_load %arg10[%get3A_544] {strides = array<i32>} : memref<4096xi32, #tpu.memory_space<vmem>>, vector<16xi32>,
        %add3A_546 = arith.addi %add3A_539, %get3A_545 : vector<16xi32>
        %mul3A_547 = arith.constant 16 : i32
        %mul3A_548 = arith.muli %sub3A_505, %mul3A_547 : i32
        %add3A_549 = arith.constant 1536 : i32
        %add3A_550 = arith.addi %add3A_549, %mul3A_548 : i32
        %get3A_551 = arith.index_cast %add3A_550 : i32 to index
        %get3A_552 = tpu.vector_load %arg10[%get3A_551] {strides = array<i32>} : memref<4096xi32, #tpu.memory_space<vmem>>, vector<16xi32>,
        %add3A_553 = arith.addi %add3A_546, %get3A_552 : vector<16xi32>
        %mul3A_554 = arith.constant 16 : i32
        %mul3A_555 = arith.muli %sub3A_505, %mul3A_554 : i32
        %add3A_556 = arith.constant 1792 : i32
        %add3A_557 = arith.addi %add3A_556, %mul3A_555 : i32
        %get3A_558 = arith.index_cast %add3A_557 : i32 to index
        %get3A_559 = tpu.vector_load %arg10[%get3A_558] {strides = array<i32>} : memref<4096xi32, #tpu.memory_space<vmem>>, vector<16xi32>,
        %add3A_560 = arith.addi %add3A_553, %get3A_559 : vector<16xi32>
        %mul3A_561 = arith.constant 16 : i32
        %mul3A_562 = arith.muli %sub3A_505, %mul3A_561 : i32
        %add3A_563 = arith.constant 2048 : i32
        %add3A_564 = arith.addi %add3A_563, %mul3A_562 : i32
        %get3A_565 = arith.index_cast %add3A_564 : i32 to index
        %get3A_566 = tpu.vector_load %arg10[%get3A_565] {strides = array<i32>} : memref<4096xi32, #tpu.memory_space<vmem>>, vector<16xi32>,
        %add3A_567 = arith.addi %add3A_560, %get3A_566 : vector<16xi32>
        %mul3A_568 = arith.constant 16 : i32
        %mul3A_569 = arith.muli %sub3A_505, %mul3A_568 : i32
        %add3A_570 = arith.constant 2304 : i32
        %add3A_571 = arith.addi %add3A_570, %mul3A_569 : i32
        %get3A_572 = arith.index_cast %add3A_571 : i32 to index
        %get3A_573 = tpu.vector_load %arg10[%get3A_572] {strides = array<i32>} : memref<4096xi32, #tpu.memory_space<vmem>>, vector<16xi32>,
        %add3A_574 = arith.addi %add3A_567, %get3A_573 : vector<16xi32>
        %mul3A_575 = arith.constant 16 : i32
        %mul3A_576 = arith.muli %sub3A_505, %mul3A_575 : i32
        %add3A_577 = arith.constant 2560 : i32
        %add3A_578 = arith.addi %add3A_577, %mul3A_576 : i32
        %get3A_579 = arith.index_cast %add3A_578 : i32 to index
        %get3A_580 = tpu.vector_load %arg10[%get3A_579] {strides = array<i32>} : memref<4096xi32, #tpu.memory_space<vmem>>, vector<16xi32>,
        %add3A_581 = arith.addi %add3A_574, %get3A_580 : vector<16xi32>
        %mul3A_582 = arith.constant 16 : i32
        %mul3A_583 = arith.muli %sub3A_505, %mul3A_582 : i32
        %add3A_584 = arith.constant 2816 : i32
        %add3A_585 = arith.addi %add3A_584, %mul3A_583 : i32
        %get3A_586 = arith.index_cast %add3A_585 : i32 to index
        %get3A_587 = tpu.vector_load %arg10[%get3A_586] {strides = array<i32>} : memref<4096xi32, #tpu.memory_space<vmem>>, vector<16xi32>,
        %add3A_588 = arith.addi %add3A_581, %get3A_587 : vector<16xi32>
        %mul3A_589 = arith.constant 16 : i32
        %mul3A_590 = arith.muli %sub3A_505, %mul3A_589 : i32
        %add3A_591 = arith.constant 3072 : i32
        %add3A_592 = arith.addi %add3A_591, %mul3A_590 : i32
        %get3A_593 = arith.index_cast %add3A_592 : i32 to index
        %get3A_594 = tpu.vector_load %arg10[%get3A_593] {strides = array<i32>} : memref<4096xi32, #tpu.memory_space<vmem>>, vector<16xi32>,
        %add3A_595 = arith.addi %add3A_588, %get3A_594 : vector<16xi32>
        %mul3A_596 = arith.constant 16 : i32
        %mul3A_597 = arith.muli %sub3A_505, %mul3A_596 : i32
        %add3A_598 = arith.constant 3328 : i32
        %add3A_599 = arith.addi %add3A_598, %mul3A_597 : i32
        %get3A_600 = arith.index_cast %add3A_599 : i32 to index
        %get3A_601 = tpu.vector_load %arg10[%get3A_600] {strides = array<i32>} : memref<4096xi32, #tpu.memory_space<vmem>>, vector<16xi32>,
        %add3A_602 = arith.addi %add3A_595, %get3A_601 : vector<16xi32>
        %mul3A_603 = arith.constant 16 : i32
        %mul3A_604 = arith.muli %sub3A_505, %mul3A_603 : i32
        %add3A_605 = arith.constant 3584 : i32
        %add3A_606 = arith.addi %add3A_605, %mul3A_604 : i32
        %get3A_607 = arith.index_cast %add3A_606 : i32 to index
        %get3A_608 = tpu.vector_load %arg10[%get3A_607] {strides = array<i32>} : memref<4096xi32, #tpu.memory_space<vmem>>, vector<16xi32>,
        %add3A_609 = arith.addi %add3A_602, %get3A_608 : vector<16xi32>
        %mul3A_610 = arith.constant 16 : i32
        %mul3A_611 = arith.muli %sub3A_505, %mul3A_610 : i32
        %add3A_612 = arith.constant 3840 : i32
        %add3A_613 = arith.addi %add3A_612, %mul3A_611 : i32
        %get3A_614 = arith.index_cast %add3A_613 : i32 to index
        %get3A_615 = tpu.vector_load %arg10[%get3A_614] {strides = array<i32>} : memref<4096xi32, #tpu.memory_space<vmem>>, vector<16xi32>,
        %add3A_616 = arith.addi %add3A_609, %get3A_615 : vector<16xi32>
        %rev3A = arith.constant 15 : i32
        %rev3A_617 = vector.broadcast %rev3A : i32 to vector<16xi32>
        %rev3A_618 = tpu.iota {dimensions = array<i32: 0>} : vector<16xi32>
        %rev3A_619 = arith.subi %rev3A_617, %rev3A_618 : vector<16xi32>
        %rev3A_620 = tpu.dynamic_gather %add3A_616[%rev3A_619] in [0] : vector<16xi32>, vector<16xi32> -> vector<16xi32>
        %broadcast_in_dim3A_621 = arith.constant true
        %broadcast_in_dim3A_622 = vector.broadcast %broadcast_in_dim3A_621 : i1 to vector<16xi1>
        %masked_cumsum3A = tpu.scan <sum>, %rev3A_620 masked %broadcast_in_dim3A_622 : vector<16xi32>, vector<16xi1> -> vector<16xi32>
        %rev3A_623 = arith.constant 15 : i32
        %rev3A_624 = vector.broadcast %rev3A_623 : i32 to vector<16xi32>
        %rev3A_625 = tpu.iota {dimensions = array<i32: 0>} : vector<16xi32>
        %rev3A_626 = arith.subi %rev3A_624, %rev3A_625 : vector<16xi32>
        %rev3A_627 = tpu.dynamic_gather %masked_cumsum3A[%rev3A_626] in [0] : vector<16xi32>, vector<16xi32> -> vector<16xi32>
        %add3A_628 = vector.broadcast %scan3A_503 : i32 to vector<16xi32>
        %add3A_629 = arith.addi %rev3A_627, %add3A_628 : vector<16xi32>
        %sub3A_630 = arith.subi %add3A_629, %add3A_616 : vector<16xi32>
        %mul3A_631 = arith.constant 16 : i32
        %mul3A_632 = arith.muli %sub3A_505, %mul3A_631 : i32
        %swap3A = arith.index_cast %mul3A_632 : i32 to index
        %swap3A_633 = tpu.vector_load %arg11[%swap3A] {strides = array<i32>} : memref<256xi32, #tpu.memory_space<vmem>>, vector<16xi32>,
        tpu.vector_store %arg11[%swap3A], %sub3A_630 {strides = array<i32>} : memref<256xi32, #tpu.memory_space<vmem>>, vector<16xi32>,
        %reduce_sum3A = arith.constant true
        %reduce_sum3A_634 = vector.broadcast %reduce_sum3A : i1 to vector<16xi1>
        %reduce_sum3A_635 = tpu.scan <sum>, %add3A_616 masked %reduce_sum3A_634 : vector<16xi32>, vector<16xi1> -> vector<16xi32>
        %reduce_sum3A_636 = vector.extract %reduce_sum3A_635[15] : i32 from vector<16xi32>
        %add3A_637 = arith.addi %scan3A_503, %reduce_sum3A_636 : i32
        scf.yield %add3A_637 : i32
      }
      %scan3A_480 = arith.constant 16 : i32
      %scan3A_481 = arith.constant 0 : i32
      %scan3A_482 = arith.constant 0 : i32
      %scan3A_483 = arith.constant 16 : i32
      %scan3A_484 = arith.addi %scan3A_482, %scan3A_483 : i32
      %scan3A_485 = arith.constant 1 : i32
      %scan3A_486 = scf.for %scan3A_502 = %scan3A_482 to %scan3A_484 step %scan3A_485 iter_args(%scan3A_503 = %scan3A_481) -> (i32)  : i32 {
        %mul3A_504 = arith.constant 16 : i32
        %mul3A_505 = arith.muli %scan3A_502, %mul3A_504 : i32
        %get3A = arith.index_cast %mul3A_505 : i32 to index
        %get3A_506 = tpu.vector_load %arg11[%get3A] {strides = array<i32>} : memref<256xi32, #tpu.memory_space<vmem>>, vector<16xi32>,
        %mul3A_507 = arith.constant 16 : i32
        %mul3A_508 = arith.muli %scan3A_502, %mul3A_507 : i32
        %add3A_509 = arith.constant 0 : i32
        %add3A_510 = arith.addi %add3A_509, %mul3A_508 : i32
        %swap3A = arith.index_cast %add3A_510 : i32 to index
        %swap3A_511 = tpu.vector_load %arg12[%swap3A] {strides = array<i32>} : memref<4096xi32, #tpu.memory_space<vmem>>, vector<16xi32>,
        tpu.vector_store %arg12[%swap3A], %get3A_506 {strides = array<i32>} : memref<4096xi32, #tpu.memory_space<vmem>>, vector<16xi32>,
        %mul3A_512 = arith.constant 16 : i32
        %mul3A_513 = arith.muli %scan3A_502, %mul3A_512 : i32
        %add3A_514 = arith.constant 0 : i32
        %add3A_515 = arith.addi %add3A_514, %mul3A_513 : i32
        %get3A_516 = arith.index_cast %add3A_515 : i32 to index
        %get3A_517 = tpu.vector_load %arg10[%get3A_516] {strides = array<i32>} : memref<4096xi32, #tpu.memory_space<vmem>>, vector<16xi32>,
        %add3A_518 = arith.addi %get3A_506, %get3A_517 : vector<16xi32>
        %mul3A_519 = arith.constant 16 : i32
        %mul3A_520 = arith.muli %scan3A_502, %mul3A_519 : i32
        %add3A_521 = arith.constant 256 : i32
        %add3A_522 = arith.addi %add3A_521, %mul3A_520 : i32
        %swap3A_523 = arith.index_cast %add3A_522 : i32 to index
        %swap3A_524 = tpu.vector_load %arg12[%swap3A_523] {strides = array<i32>} : memref<4096xi32, #tpu.memory_space<vmem>>, vector<16xi32>,
        tpu.vector_store %arg12[%swap3A_523], %add3A_518 {strides = array<i32>} : memref<4096xi32, #tpu.memory_space<vmem>>, vector<16xi32>,
        %mul3A_525 = arith.constant 16 : i32
        %mul3A_526 = arith.muli %scan3A_502, %mul3A_525 : i32
        %add3A_527 = arith.constant 256 : i32
        %add3A_528 = arith.addi %add3A_527, %mul3A_526 : i32
        %get3A_529 = arith.index_cast %add3A_528 : i32 to index
        %get3A_530 = tpu.vector_load %arg10[%get3A_529] {strides = array<i32>} : memref<4096xi32, #tpu.memory_space<vmem>>, vector<16xi32>,
        %add3A_531 = arith.addi %add3A_518, %get3A_530 : vector<16xi32>
        %mul3A_532 = arith.constant 16 : i32
        %mul3A_533 = arith.muli %scan3A_502, %mul3A_532 : i32
        %add3A_534 = arith.constant 512 : i32
        %add3A_535 = arith.addi %add3A_534, %mul3A_533 : i32
        %swap3A_536 = arith.index_cast %add3A_535 : i32 to index
        %swap3A_537 = tpu.vector_load %arg12[%swap3A_536] {strides = array<i32>} : memref<4096xi32, #tpu.memory_space<vmem>>, vector<16xi32>,
        tpu.vector_store %arg12[%swap3A_536], %add3A_531 {strides = array<i32>} : memref<4096xi32, #tpu.memory_space<vmem>>, vector<16xi32>,
        %mul3A_538 = arith.constant 16 : i32
        %mul3A_539 = arith.muli %scan3A_502, %mul3A_538 : i32
        %add3A_540 = arith.constant 512 : i32
        %add3A_541 = arith.addi %add3A_540, %mul3A_539 : i32
        %get3A_542 = arith.index_cast %add3A_541 : i32 to index
        %get3A_543 = tpu.vector_load %arg10[%get3A_542] {strides = array<i32>} : memref<4096xi32, #tpu.memory_space<vmem>>, vector<16xi32>,
        %add3A_544 = arith.addi %add3A_531, %get3A_543 : vector<16xi32>
        %mul3A_545 = arith.constant 16 : i32
        %mul3A_546 = arith.muli %scan3A_502, %mul3A_545 : i32
        %add3A_547 = arith.constant 768 : i32
        %add3A_548 = arith.addi %add3A_547, %mul3A_546 : i32
        %swap3A_549 = arith.index_cast %add3A_548 : i32 to index
        %swap3A_550 = tpu.vector_load %arg12[%swap3A_549] {strides = array<i32>} : memref<4096xi32, #tpu.memory_space<vmem>>, vector<16xi32>,
        tpu.vector_store %arg12[%swap3A_549], %add3A_544 {strides = array<i32>} : memref<4096xi32, #tpu.memory_space<vmem>>, vector<16xi32>,
        %mul3A_551 = arith.constant 16 : i32
        %mul3A_552 = arith.muli %scan3A_502, %mul3A_551 : i32
        %add3A_553 = arith.constant 768 : i32
        %add3A_554 = arith.addi %add3A_553, %mul3A_552 : i32
        %get3A_555 = arith.index_cast %add3A_554 : i32 to index
        %get3A_556 = tpu.vector_load %arg10[%get3A_555] {strides = array<i32>} : memref<4096xi32, #tpu.memory_space<vmem>>, vector<16xi32>,
        %add3A_557 = arith.addi %add3A_544, %get3A_556 : vector<16xi32>
        %mul3A_558 = arith.constant 16 : i32
        %mul3A_559 = arith.muli %scan3A_502, %mul3A_558 : i32
        %add3A_560 = arith.constant 1024 : i32
        %add3A_561 = arith.addi %add3A_560, %mul3A_559 : i32
        %swap3A_562 = arith.index_cast %add3A_561 : i32 to index
        %swap3A_563 = tpu.vector_load %arg12[%swap3A_562] {strides = array<i32>} : memref<4096xi32, #tpu.memory_space<vmem>>, vector<16xi32>,
        tpu.vector_store %arg12[%swap3A_562], %add3A_557 {strides = array<i32>} : memref<4096xi32, #tpu.memory_space<vmem>>, vector<16xi32>,
        %mul3A_564 = arith.constant 16 : i32
        %mul3A_565 = arith.muli %scan3A_502, %mul3A_564 : i32
        %add3A_566 = arith.constant 1024 : i32
        %add3A_567 = arith.addi %add3A_566, %mul3A_565 : i32
        %get3A_568 = arith.index_cast %add3A_567 : i32 to index
        %get3A_569 = tpu.vector_load %arg10[%get3A_568] {strides = array<i32>} : memref<4096xi32, #tpu.memory_space<vmem>>, vector<16xi32>,
        %add3A_570 = arith.addi %add3A_557, %get3A_569 : vector<16xi32>
        %mul3A_571 = arith.constant 16 : i32
        %mul3A_572 = arith.muli %scan3A_502, %mul3A_571 : i32
        %add3A_573 = arith.constant 1280 : i32
        %add3A_574 = arith.addi %add3A_573, %mul3A_572 : i32
        %swap3A_575 = arith.index_cast %add3A_574 : i32 to index
        %swap3A_576 = tpu.vector_load %arg12[%swap3A_575] {strides = array<i32>} : memref<4096xi32, #tpu.memory_space<vmem>>, vector<16xi32>,
        tpu.vector_store %arg12[%swap3A_575], %add3A_570 {strides = array<i32>} : memref<4096xi32, #tpu.memory_space<vmem>>, vector<16xi32>,
        %mul3A_577 = arith.constant 16 : i32
        %mul3A_578 = arith.muli %scan3A_502, %mul3A_577 : i32
        %add3A_579 = arith.constant 1280 : i32
        %add3A_580 = arith.addi %add3A_579, %mul3A_578 : i32
        %get3A_581 = arith.index_cast %add3A_580 : i32 to index
        %get3A_582 = tpu.vector_load %arg10[%get3A_581] {strides = array<i32>} : memref<4096xi32, #tpu.memory_space<vmem>>, vector<16xi32>,
        %add3A_583 = arith.addi %add3A_570, %get3A_582 : vector<16xi32>
        %mul3A_584 = arith.constant 16 : i32
        %mul3A_585 = arith.muli %scan3A_502, %mul3A_584 : i32
        %add3A_586 = arith.constant 1536 : i32
        %add3A_587 = arith.addi %add3A_586, %mul3A_585 : i32
        %swap3A_588 = arith.index_cast %add3A_587 : i32 to index
        %swap3A_589 = tpu.vector_load %arg12[%swap3A_588] {strides = array<i32>} : memref<4096xi32, #tpu.memory_space<vmem>>, vector<16xi32>,
        tpu.vector_store %arg12[%swap3A_588], %add3A_583 {strides = array<i32>} : memref<4096xi32, #tpu.memory_space<vmem>>, vector<16xi32>,
        %mul3A_590 = arith.constant 16 : i32
        %mul3A_591 = arith.muli %scan3A_502, %mul3A_590 : i32
        %add3A_592 = arith.constant 1536 : i32
        %add3A_593 = arith.addi %add3A_592, %mul3A_591 : i32
        %get3A_594 = arith.index_cast %add3A_593 : i32 to index
        %get3A_595 = tpu.vector_load %arg10[%get3A_594] {strides = array<i32>} : memref<4096xi32, #tpu.memory_space<vmem>>, vector<16xi32>,
        %add3A_596 = arith.addi %add3A_583, %get3A_595 : vector<16xi32>
        %mul3A_597 = arith.constant 16 : i32
        %mul3A_598 = arith.muli %scan3A_502, %mul3A_597 : i32
        %add3A_599 = arith.constant 1792 : i32
        %add3A_600 = arith.addi %add3A_599, %mul3A_598 : i32
        %swap3A_601 = arith.index_cast %add3A_600 : i32 to index
        %swap3A_602 = tpu.vector_load %arg12[%swap3A_601] {strides = array<i32>} : memref<4096xi32, #tpu.memory_space<vmem>>, vector<16xi32>,
        tpu.vector_store %arg12[%swap3A_601], %add3A_596 {strides = array<i32>} : memref<4096xi32, #tpu.memory_space<vmem>>, vector<16xi32>,
        %mul3A_603 = arith.constant 16 : i32
        %mul3A_604 = arith.muli %scan3A_502, %mul3A_603 : i32
        %add3A_605 = arith.constant 1792 : i32
        %add3A_606 = arith.addi %add3A_605, %mul3A_604 : i32
        %get3A_607 = arith.index_cast %add3A_606 : i32 to index
        %get3A_608 = tpu.vector_load %arg10[%get3A_607] {strides = array<i32>} : memref<4096xi32, #tpu.memory_space<vmem>>, vector<16xi32>,
        %add3A_609 = arith.addi %add3A_596, %get3A_608 : vector<16xi32>
        %mul3A_610 = arith.constant 16 : i32
        %mul3A_611 = arith.muli %scan3A_502, %mul3A_610 : i32
        %add3A_612 = arith.constant 2048 : i32
        %add3A_613 = arith.addi %add3A_612, %mul3A_611 : i32
        %swap3A_614 = arith.index_cast %add3A_613 : i32 to index
        %swap3A_615 = tpu.vector_load %arg12[%swap3A_614] {strides = array<i32>} : memref<4096xi32, #tpu.memory_space<vmem>>, vector<16xi32>,
        tpu.vector_store %arg12[%swap3A_614], %add3A_609 {strides = array<i32>} : memref<4096xi32, #tpu.memory_space<vmem>>, vector<16xi32>,
        %mul3A_616 = arith.constant 16 : i32
        %mul3A_617 = arith.muli %scan3A_502, %mul3A_616 : i32
        %add3A_618 = arith.constant 2048 : i32
        %add3A_619 = arith.addi %add3A_618, %mul3A_617 : i32
        %get3A_620 = arith.index_cast %add3A_619 : i32 to index
        %get3A_621 = tpu.vector_load %arg10[%get3A_620] {strides = array<i32>} : memref<4096xi32, #tpu.memory_space<vmem>>, vector<16xi32>,
        %add3A_622 = arith.addi %add3A_609, %get3A_621 : vector<16xi32>
        %mul3A_623 = arith.constant 16 : i32
        %mul3A_624 = arith.muli %scan3A_502, %mul3A_623 : i32
        %add3A_625 = arith.constant 2304 : i32
        %add3A_626 = arith.addi %add3A_625, %mul3A_624 : i32
        %swap3A_627 = arith.index_cast %add3A_626 : i32 to index
        %swap3A_628 = tpu.vector_load %arg12[%swap3A_627] {strides = array<i32>} : memref<4096xi32, #tpu.memory_space<vmem>>, vector<16xi32>,
        tpu.vector_store %arg12[%swap3A_627], %add3A_622 {strides = array<i32>} : memref<4096xi32, #tpu.memory_space<vmem>>, vector<16xi32>,
        %mul3A_629 = arith.constant 16 : i32
        %mul3A_630 = arith.muli %scan3A_502, %mul3A_629 : i32
        %add3A_631 = arith.constant 2304 : i32
        %add3A_632 = arith.addi %add3A_631, %mul3A_630 : i32
        %get3A_633 = arith.index_cast %add3A_632 : i32 to index
        %get3A_634 = tpu.vector_load %arg10[%get3A_633] {strides = array<i32>} : memref<4096xi32, #tpu.memory_space<vmem>>, vector<16xi32>,
        %add3A_635 = arith.addi %add3A_622, %get3A_634 : vector<16xi32>
        %mul3A_636 = arith.constant 16 : i32
        %mul3A_637 = arith.muli %scan3A_502, %mul3A_636 : i32
        %add3A_638 = arith.constant 2560 : i32
        %add3A_639 = arith.addi %add3A_638, %mul3A_637 : i32
        %swap3A_640 = arith.index_cast %add3A_639 : i32 to index
        %swap3A_641 = tpu.vector_load %arg12[%swap3A_640] {strides = array<i32>} : memref<4096xi32, #tpu.memory_space<vmem>>, vector<16xi32>,
        tpu.vector_store %arg12[%swap3A_640], %add3A_635 {strides = array<i32>} : memref<4096xi32, #tpu.memory_space<vmem>>, vector<16xi32>,
        %mul3A_642 = arith.constant 16 : i32
        %mul3A_643 = arith.muli %scan3A_502, %mul3A_642 : i32
        %add3A_644 = arith.constant 2560 : i32
        %add3A_645 = arith.addi %add3A_644, %mul3A_643 : i32
        %get3A_646 = arith.index_cast %add3A_645 : i32 to index
        %get3A_647 = tpu.vector_load %arg10[%get3A_646] {strides = array<i32>} : memref<4096xi32, #tpu.memory_space<vmem>>, vector<16xi32>,
        %add3A_648 = arith.addi %add3A_635, %get3A_647 : vector<16xi32>
        %mul3A_649 = arith.constant 16 : i32
        %mul3A_650 = arith.muli %scan3A_502, %mul3A_649 : i32
        %add3A_651 = arith.constant 2816 : i32
        %add3A_652 = arith.addi %add3A_651, %mul3A_650 : i32
        %swap3A_653 = arith.index_cast %add3A_652 : i32 to index
        %swap3A_654 = tpu.vector_load %arg12[%swap3A_653] {strides = array<i32>} : memref<4096xi32, #tpu.memory_space<vmem>>, vector<16xi32>,
        tpu.vector_store %arg12[%swap3A_653], %add3A_648 {strides = array<i32>} : memref<4096xi32, #tpu.memory_space<vmem>>, vector<16xi32>,
        %mul3A_655 = arith.constant 16 : i32
        %mul3A_656 = arith.muli %scan3A_502, %mul3A_655 : i32
        %add3A_657 = arith.constant 2816 : i32
        %add3A_658 = arith.addi %add3A_657, %mul3A_656 : i32
        %get3A_659 = arith.index_cast %add3A_658 : i32 to index
        %get3A_660 = tpu.vector_load %arg10[%get3A_659] {strides = array<i32>} : memref<4096xi32, #tpu.memory_space<vmem>>, vector<16xi32>,
        %add3A_661 = arith.addi %add3A_648, %get3A_660 : vector<16xi32>
        %mul3A_662 = arith.constant 16 : i32
        %mul3A_663 = arith.muli %scan3A_502, %mul3A_662 : i32
        %add3A_664 = arith.constant 3072 : i32
        %add3A_665 = arith.addi %add3A_664, %mul3A_663 : i32
        %swap3A_666 = arith.index_cast %add3A_665 : i32 to index
        %swap3A_667 = tpu.vector_load %arg12[%swap3A_666] {strides = array<i32>} : memref<4096xi32, #tpu.memory_space<vmem>>, vector<16xi32>,
        tpu.vector_store %arg12[%swap3A_666], %add3A_661 {strides = array<i32>} : memref<4096xi32, #tpu.memory_space<vmem>>, vector<16xi32>,
        %mul3A_668 = arith.constant 16 : i32
        %mul3A_669 = arith.muli %scan3A_502, %mul3A_668 : i32
        %add3A_670 = arith.constant 3072 : i32
        %add3A_671 = arith.addi %add3A_670, %mul3A_669 : i32
        %get3A_672 = arith.index_cast %add3A_671 : i32 to index
        %get3A_673 = tpu.vector_load %arg10[%get3A_672] {strides = array<i32>} : memref<4096xi32, #tpu.memory_space<vmem>>, vector<16xi32>,
        %add3A_674 = arith.addi %add3A_661, %get3A_673 : vector<16xi32>
        %mul3A_675 = arith.constant 16 : i32
        %mul3A_676 = arith.muli %scan3A_502, %mul3A_675 : i32
        %add3A_677 = arith.constant 3328 : i32
        %add3A_678 = arith.addi %add3A_677, %mul3A_676 : i32
        %swap3A_679 = arith.index_cast %add3A_678 : i32 to index
        %swap3A_680 = tpu.vector_load %arg12[%swap3A_679] {strides = array<i32>} : memref<4096xi32, #tpu.memory_space<vmem>>, vector<16xi32>,
        tpu.vector_store %arg12[%swap3A_679], %add3A_674 {strides = array<i32>} : memref<4096xi32, #tpu.memory_space<vmem>>, vector<16xi32>,
        %mul3A_681 = arith.constant 16 : i32
        %mul3A_682 = arith.muli %scan3A_502, %mul3A_681 : i32
        %add3A_683 = arith.constant 3328 : i32
        %add3A_684 = arith.addi %add3A_683, %mul3A_682 : i32
        %get3A_685 = arith.index_cast %add3A_684 : i32 to index
        %get3A_686 = tpu.vector_load %arg10[%get3A_685] {strides = array<i32>} : memref<4096xi32, #tpu.memory_space<vmem>>, vector<16xi32>,
        %add3A_687 = arith.addi %add3A_674, %get3A_686 : vector<16xi32>
        %mul3A_688 = arith.constant 16 : i32
        %mul3A_689 = arith.muli %scan3A_502, %mul3A_688 : i32
        %add3A_690 = arith.constant 3584 : i32
        %add3A_691 = arith.addi %add3A_690, %mul3A_689 : i32
        %swap3A_692 = arith.index_cast %add3A_691 : i32 to index
        %swap3A_693 = tpu.vector_load %arg12[%swap3A_692] {strides = array<i32>} : memref<4096xi32, #tpu.memory_space<vmem>>, vector<16xi32>,
        tpu.vector_store %arg12[%swap3A_692], %add3A_687 {strides = array<i32>} : memref<4096xi32, #tpu.memory_space<vmem>>, vector<16xi32>,
        %mul3A_694 = arith.constant 16 : i32
        %mul3A_695 = arith.muli %scan3A_502, %mul3A_694 : i32
        %add3A_696 = arith.constant 3584 : i32
        %add3A_697 = arith.addi %add3A_696, %mul3A_695 : i32
        %get3A_698 = arith.index_cast %add3A_697 : i32 to index
        %get3A_699 = tpu.vector_load %arg10[%get3A_698] {strides = array<i32>} : memref<4096xi32, #tpu.memory_space<vmem>>, vector<16xi32>,
        %add3A_700 = arith.addi %add3A_687, %get3A_699 : vector<16xi32>
        %mul3A_701 = arith.constant 16 : i32
        %mul3A_702 = arith.muli %scan3A_502, %mul3A_701 : i32
        %add3A_703 = arith.constant 3840 : i32
        %add3A_704 = arith.addi %add3A_703, %mul3A_702 : i32
        %swap3A_705 = arith.index_cast %add3A_704 : i32 to index
        %swap3A_706 = tpu.vector_load %arg12[%swap3A_705] {strides = array<i32>} : memref<4096xi32, #tpu.memory_space<vmem>>, vector<16xi32>,
        tpu.vector_store %arg12[%swap3A_705], %add3A_700 {strides = array<i32>} : memref<4096xi32, #tpu.memory_space<vmem>>, vector<16xi32>,
        %mul3A_707 = arith.constant 16 : i32
        %mul3A_708 = arith.muli %scan3A_502, %mul3A_707 : i32
        %add3A_709 = arith.constant 3840 : i32
        %add3A_710 = arith.addi %add3A_709, %mul3A_708 : i32
        %get3A_711 = arith.index_cast %add3A_710 : i32 to index
        %get3A_712 = tpu.vector_load %arg10[%get3A_711] {strides = array<i32>} : memref<4096xi32, #tpu.memory_space<vmem>>, vector<16xi32>,
        %add3A_713 = arith.addi %add3A_700, %get3A_712 : vector<16xi32>
        %scan3A_714 = arith.constant 0 : i32
        scf.yield %scan3A_714 : i32
      }
      %scan3A_487 = arith.constant 16 : i32
      %scan3A_488 = arith.constant 0 : i32
      %scan3A_489 = arith.constant 0 : i32
      %scan3A_490 = arith.constant 385 : i32
      %scan3A_491 = arith.addi %scan3A_489, %scan3A_490 : i32
      %scan3A_492 = arith.constant 1 : i32
      %scan3A_493 = scf.for %scan3A_502 = %scan3A_489 to %scan3A_491 step %scan3A_492 iter_args(%scan3A_503 = %scan3A_488) -> (i32)  : i32 {
        %add3A_504 = vector.broadcast %scan3A_502 : i32 to vector<16xi32>
        %add3A_505 = arith.addi %mul3A_389, %add3A_504 : vector<16xi32>
        %gather3A = tpu.vector_load_idx %arg13[%add3A_505] : memref<6160xi32, #tpu.memory_space<vmem>>[vector<16xi32>], vector<16xi32>,
        %add3A_506 = vector.broadcast %scan3A_502 : i32 to vector<16xi32>
        %add3A_507 = arith.addi %mul3A_389, %add3A_506 : vector<16xi32>
        %gather3A_508 = tpu.vector_load_idx %arg14[%add3A_507] : memref<6160xi32, #tpu.memory_space<vmem>>[vector<16xi32>], vector<16xi32>,
        %shift_right_logical3A = arith.constant 16 : i32
        %shift_right_logical3A_509 = vector.broadcast %shift_right_logical3A : i32 to vector<16xi32>
        %shift_right_logical3A_510 = arith.shrui %gather3A, %shift_right_logical3A_509 : vector<16xi32>
        %and3A_511 = arith.constant 255 : i32
        %and3A_512 = vector.broadcast %and3A_511 : i32 to vector<16xi32>
        %and3A_513 = arith.andi %shift_right_logical3A_510, %and3A_512 : vector<16xi32>
        %mul3A_514 = arith.constant 256 : i32
        %mul3A_515 = vector.broadcast %mul3A_514 : i32 to vector<16xi32>
        %mul3A_516 = arith.muli %iota3A, %mul3A_515 : vector<16xi32>
        %add3A_517 = arith.addi %mul3A_516, %and3A_513 : vector<16xi32>
        %gather3A_518 = tpu.vector_load_idx %arg12[%add3A_517] : memref<4096xi32, #tpu.memory_space<vmem>>[vector<16xi32>], vector<16xi32>,
        tpu.vector_store_idx %arg15[%gather3A_518], %gather3A : memref<6160xi32, #tpu.memory_space<vmem>>[vector<16xi32>], vector<16xi32>,
        tpu.vector_store_idx %arg16[%gather3A_518], %gather3A_508 : memref<6160xi32, #tpu.memory_space<vmem>>[vector<16xi32>], vector<16xi32>,
        %add3A_519 = arith.constant 1 : i32
        %add3A_520 = vector.broadcast %add3A_519 : i32 to vector<16xi32>
        %add3A_521 = arith.addi %gather3A_518, %add3A_520 : vector<16xi32>
        tpu.vector_store_idx %arg12[%add3A_517], %add3A_521 : memref<4096xi32, #tpu.memory_space<vmem>>[vector<16xi32>], vector<16xi32>,
        %scan3A_522 = arith.constant 0 : i32
        scf.yield %scan3A_522 : i32
      }
      %scan3A_494 = arith.constant 385 : i32
      %scan3A_495 = arith.constant 0 : i32
      %scan3A_496 = arith.constant 0 : i32
      %scan3A_497 = arith.constant 256 : i32
      %scan3A_498 = arith.addi %scan3A_496, %scan3A_497 : i32
      %scan3A_499 = arith.constant 1 : i32
      %scan3A_500 = scf.for %scan3A_502 = %scan3A_496 to %scan3A_498 step %scan3A_499 iter_args(%scan3A_503 = %scan3A_495) -> (i32)  : i32 {
        %mul3A_504 = arith.constant 16 : i32
        %mul3A_505 = arith.muli %scan3A_502, %mul3A_504 : i32
        %get3A = arith.index_cast %mul3A_505 : i32 to index
        %get3A_506 = tpu.vector_load %arg15[%get3A] {strides = array<i32>} : memref<6160xi32, #tpu.memory_space<vmem>>, vector<16xi32>,
        %mul3A_507 = arith.constant 16 : i32
        %mul3A_508 = arith.muli %scan3A_502, %mul3A_507 : i32
        %get3A_509 = arith.index_cast %mul3A_508 : i32 to index
        %get3A_510 = tpu.vector_load %arg16[%get3A_509] {strides = array<i32>} : memref<6160xi32, #tpu.memory_space<vmem>>, vector<16xi32>,
        %gt3A_511 = arith.constant 0 : i32
        %gt3A_512 = vector.broadcast %gt3A_511 : i32 to vector<16xi32>
        %gt3A_513 = arith.cmpi sgt, %get3A_506, %gt3A_512 : vector<16xi32>
        %convert_element_type3A_514 = arith.sitofp %get3A_506 : vector<16xi32> to vector<16xf32>
        %mul3A_515 = arith.constant 5.96046448E-8 : f32
        %mul3A_516 = vector.broadcast %mul3A_515 : f32 to vector<16xf32>
        %mul3A_517 = arith.mulf %convert_element_type3A_514, %mul3A_516 : vector<16xf32>
        %jit3A_518 = arith.constant -1.000000e+00 : f32
        %broadcast_in_dim3A_519 = vector.broadcast %jit3A_518 : f32 to vector<16xf32>
        %select_n3A_520 = arith.select %gt3A_513, %mul3A_517, %broadcast_in_dim3A_519 : vector<16xi1>, vector<16xf32>
        %and3A_521 = arith.constant 511 : i32
        %and3A_522 = vector.broadcast %and3A_521 : i32 to vector<16xi32>
        %and3A_523 = arith.andi %get3A_510, %and3A_522 : vector<16xi32>
        %convert_element_type3A_524 = arith.sitofp %and3A_523 : vector<16xi32> to vector<16xf32>
        %jit3A_525 = arith.constant 0.000000e+00 : f32
        %broadcast_in_dim3A_526 = vector.broadcast %jit3A_525 : f32 to vector<16xf32>
        %select_n3A_527 = arith.select %gt3A_513, %convert_element_type3A_524, %broadcast_in_dim3A_526 : vector<16xi1>, vector<16xf32>
        %shift_right_logical3A = arith.constant 9 : i32
        %shift_right_logical3A_528 = vector.broadcast %shift_right_logical3A : i32 to vector<16xi32>
        %shift_right_logical3A_529 = arith.shrui %get3A_510, %shift_right_logical3A_528 : vector<16xi32>
        %convert_element_type3A_530 = arith.sitofp %shift_right_logical3A_529 : vector<16xi32> to vector<16xf32>
        %jit3A_531 = arith.constant 0.000000e+00 : f32
        %broadcast_in_dim3A_532 = vector.broadcast %jit3A_531 : f32 to vector<16xf32>
        %select_n3A_533 = arith.select %gt3A_513, %convert_element_type3A_530, %broadcast_in_dim3A_532 : vector<16xi1>, vector<16xf32>
        %mul3A_534 = arith.constant 16 : i32
        %mul3A_535 = arith.muli %scan3A_502, %mul3A_534 : i32
        %swap3A = arith.index_cast %mul3A_535 : i32 to index
        %swap3A_536 = tpu.vector_load %arg19[%swap3A] {strides = array<i32>} : memref<4096xf32, #tpu.memory_space<vmem>>, vector<16xf32>,
        tpu.vector_store %arg19[%swap3A], %select_n3A_520 {strides = array<i32>} : memref<4096xf32, #tpu.memory_space<vmem>>, vector<16xf32>,
        %mul3A_537 = arith.constant 16 : i32
        %mul3A_538 = arith.muli %scan3A_502, %mul3A_537 : i32
        %swap3A_539 = arith.index_cast %mul3A_538 : i32 to index
        %swap3A_540 = tpu.vector_load %arg17[%swap3A_539] {strides = array<i32>} : memref<4096xf32, #tpu.memory_space<vmem>>, vector<16xf32>,
        tpu.vector_store %arg17[%swap3A_539], %select_n3A_527 {strides = array<i32>} : memref<4096xf32, #tpu.memory_space<vmem>>, vector<16xf32>,
        %mul3A_541 = arith.constant 16 : i32
        %mul3A_542 = arith.muli %scan3A_502, %mul3A_541 : i32
        %swap3A_543 = arith.index_cast %mul3A_542 : i32 to index
        %swap3A_544 = tpu.vector_load %arg18[%swap3A_543] {strides = array<i32>} : memref<4096xf32, #tpu.memory_space<vmem>>, vector<16xf32>,
        tpu.vector_store %arg18[%swap3A_543], %select_n3A_533 {strides = array<i32>} : memref<4096xf32, #tpu.memory_space<vmem>>, vector<16xf32>,
        %scan3A_545 = arith.constant 0 : i32
        scf.yield %scan3A_545 : i32
      }
      %scan3A_501 = arith.constant 256 : i32
      "tpu.region"() ({
        %run_scoped3A = tpu.sem_alloc : memref<!tpu.dma_semaphore, #tpu.memory_space<semaphore_mem>>
        %dma_start3A = arith.constant 0 : i32
        %dma_start3A_502 = tpu.memref_slice %arg5[%add3A_30, %dma_start3A] : memref<8x4096xf32, #tpu.memory_space<hbm>> -> memref<1x4096xf32, #tpu.memory_space<hbm>>
        %dma_start3A_503 = tpu.memref_squeeze %dma_start3A_502 : memref<1x4096xf32, #tpu.memory_space<hbm>> -> memref<4096xf32, #tpu.memory_space<hbm>>
        %dma_start3A_504 = arith.constant 0 : i32
        %dma_start3A_505 = tpu.memref_slice %arg5[%add3A_30, %dma_start3A_504] : memref<8x4096xf32, #tpu.memory_space<hbm>> -> memref<1x4096xf32, #tpu.memory_space<hbm>>
        %dma_start3A_506 = tpu.memref_squeeze %dma_start3A_505 : memref<1x4096xf32, #tpu.memory_space<hbm>> -> memref<4096xf32, #tpu.memory_space<hbm>>
        tpu.enqueue_dma source(%arg19 : memref<4096xf32, #tpu.memory_space<vmem>>) target(%dma_start3A_506 : memref<4096xf32, #tpu.memory_space<hbm>>) target_semaphore(%run_scoped3A : memref<!tpu.dma_semaphore, #tpu.memory_space<semaphore_mem>>)
        %dma_wait3A = arith.constant 0 : i32
        %dma_wait3A_507 = tpu.memref_slice %arg5[%add3A_30, %dma_wait3A] : memref<8x4096xf32, #tpu.memory_space<hbm>> -> memref<1x4096xf32, #tpu.memory_space<hbm>>
        %dma_wait3A_508 = tpu.memref_squeeze %dma_wait3A_507 : memref<1x4096xf32, #tpu.memory_space<hbm>> -> memref<4096xf32, #tpu.memory_space<hbm>>
        %dma_wait3A_509 = arith.constant 0 : i32
        %dma_wait3A_510 = tpu.memref_slice %arg5[%add3A_30, %dma_wait3A_509] : memref<8x4096xf32, #tpu.memory_space<hbm>> -> memref<1x4096xf32, #tpu.memory_space<hbm>>
        %dma_wait3A_511 = tpu.memref_squeeze %dma_wait3A_510 : memref<1x4096xf32, #tpu.memory_space<hbm>> -> memref<4096xf32, #tpu.memory_space<hbm>>
        tpu.wait_dma2 semaphore(%run_scoped3A : memref<!tpu.dma_semaphore, #tpu.memory_space<semaphore_mem>>) src(%arg19 : memref<4096xf32, #tpu.memory_space<vmem>>) dst(%dma_wait3A_511 : memref<4096xf32, #tpu.memory_space<hbm>>)
        tpu.yield
      }) : () -> ()
      "tpu.region"() ({
        %run_scoped3A = tpu.sem_alloc : memref<!tpu.dma_semaphore, #tpu.memory_space<semaphore_mem>>
        %dma_start3A = arith.constant 0 : i32
        %dma_start3A_502 = tpu.memref_slice %arg3[%add3A_30, %dma_start3A] : memref<8x4096xf32, #tpu.memory_space<hbm>> -> memref<1x4096xf32, #tpu.memory_space<hbm>>
        %dma_start3A_503 = tpu.memref_squeeze %dma_start3A_502 : memref<1x4096xf32, #tpu.memory_space<hbm>> -> memref<4096xf32, #tpu.memory_space<hbm>>
        %dma_start3A_504 = arith.constant 0 : i32
        %dma_start3A_505 = tpu.memref_slice %arg3[%add3A_30, %dma_start3A_504] : memref<8x4096xf32, #tpu.memory_space<hbm>> -> memref<1x4096xf32, #tpu.memory_space<hbm>>
        %dma_start3A_506 = tpu.memref_squeeze %dma_start3A_505 : memref<1x4096xf32, #tpu.memory_space<hbm>> -> memref<4096xf32, #tpu.memory_space<hbm>>
        tpu.enqueue_dma source(%arg17 : memref<4096xf32, #tpu.memory_space<vmem>>) target(%dma_start3A_506 : memref<4096xf32, #tpu.memory_space<hbm>>) target_semaphore(%run_scoped3A : memref<!tpu.dma_semaphore, #tpu.memory_space<semaphore_mem>>)
        %dma_wait3A = arith.constant 0 : i32
        %dma_wait3A_507 = tpu.memref_slice %arg3[%add3A_30, %dma_wait3A] : memref<8x4096xf32, #tpu.memory_space<hbm>> -> memref<1x4096xf32, #tpu.memory_space<hbm>>
        %dma_wait3A_508 = tpu.memref_squeeze %dma_wait3A_507 : memref<1x4096xf32, #tpu.memory_space<hbm>> -> memref<4096xf32, #tpu.memory_space<hbm>>
        %dma_wait3A_509 = arith.constant 0 : i32
        %dma_wait3A_510 = tpu.memref_slice %arg3[%add3A_30, %dma_wait3A_509] : memref<8x4096xf32, #tpu.memory_space<hbm>> -> memref<1x4096xf32, #tpu.memory_space<hbm>>
        %dma_wait3A_511 = tpu.memref_squeeze %dma_wait3A_510 : memref<1x4096xf32, #tpu.memory_space<hbm>> -> memref<4096xf32, #tpu.memory_space<hbm>>
        tpu.wait_dma2 semaphore(%run_scoped3A : memref<!tpu.dma_semaphore, #tpu.memory_space<semaphore_mem>>) src(%arg17 : memref<4096xf32, #tpu.memory_space<vmem>>) dst(%dma_wait3A_511 : memref<4096xf32, #tpu.memory_space<hbm>>)
        tpu.yield
      }) : () -> ()
      "tpu.region"() ({
        %run_scoped3A = tpu.sem_alloc : memref<!tpu.dma_semaphore, #tpu.memory_space<semaphore_mem>>
        %dma_start3A = arith.constant 0 : i32
        %dma_start3A_502 = tpu.memref_slice %arg4[%add3A_30, %dma_start3A] : memref<8x4096xf32, #tpu.memory_space<hbm>> -> memref<1x4096xf32, #tpu.memory_space<hbm>>
        %dma_start3A_503 = tpu.memref_squeeze %dma_start3A_502 : memref<1x4096xf32, #tpu.memory_space<hbm>> -> memref<4096xf32, #tpu.memory_space<hbm>>
        %dma_start3A_504 = arith.constant 0 : i32
        %dma_start3A_505 = tpu.memref_slice %arg4[%add3A_30, %dma_start3A_504] : memref<8x4096xf32, #tpu.memory_space<hbm>> -> memref<1x4096xf32, #tpu.memory_space<hbm>>
        %dma_start3A_506 = tpu.memref_squeeze %dma_start3A_505 : memref<1x4096xf32, #tpu.memory_space<hbm>> -> memref<4096xf32, #tpu.memory_space<hbm>>
        tpu.enqueue_dma source(%arg18 : memref<4096xf32, #tpu.memory_space<vmem>>) target(%dma_start3A_506 : memref<4096xf32, #tpu.memory_space<hbm>>) target_semaphore(%run_scoped3A : memref<!tpu.dma_semaphore, #tpu.memory_space<semaphore_mem>>)
        %dma_wait3A = arith.constant 0 : i32
        %dma_wait3A_507 = tpu.memref_slice %arg4[%add3A_30, %dma_wait3A] : memref<8x4096xf32, #tpu.memory_space<hbm>> -> memref<1x4096xf32, #tpu.memory_space<hbm>>
        %dma_wait3A_508 = tpu.memref_squeeze %dma_wait3A_507 : memref<1x4096xf32, #tpu.memory_space<hbm>> -> memref<4096xf32, #tpu.memory_space<hbm>>
        %dma_wait3A_509 = arith.constant 0 : i32
        %dma_wait3A_510 = tpu.memref_slice %arg4[%add3A_30, %dma_wait3A_509] : memref<8x4096xf32, #tpu.memory_space<hbm>> -> memref<1x4096xf32, #tpu.memory_space<hbm>>
        %dma_wait3A_511 = tpu.memref_squeeze %dma_wait3A_510 : memref<1x4096xf32, #tpu.memory_space<hbm>> -> memref<4096xf32, #tpu.memory_space<hbm>>
        tpu.wait_dma2 semaphore(%run_scoped3A : memref<!tpu.dma_semaphore, #tpu.memory_space<semaphore_mem>>) src(%arg18 : memref<4096xf32, #tpu.memory_space<vmem>>) dst(%dma_wait3A_511 : memref<4096xf32, #tpu.memory_space<hbm>>)
        tpu.yield
      }) : () -> ()
    } else {
    }
    return
  }
}

module attributes {stable_mosaic.version = 14 : i64} {
  func.func @_nms_kernel(%arg0: i32, %arg1: memref<1x512x512xf32, #tpu.memory_space<vmem>>, %arg2: memref<1x512x512xf32, #tpu.memory_space<vmem>>) attributes {dimension_semantics = [#tpu.dimension_semantics<arbitrary>], iteration_bounds = array<i64: 8>, scalar_prefetch = 0 : i64, scratch_operands = 0 : i64, tpu.core_type = #tpu.core_type<tc>, window_params = [{transform_indices = @transform_0, window_bounds = array<i64: 1, 512, 512>}, {transform_indices = @transform_1, window_bounds = array<i64: 1, 512, 512>}]} {
    %get3A = arith.constant 0 : index
    %get3A_0 = arith.constant 0 : index
    %get3A_1 = arith.constant 0 : index
    %get3A_2 = vector.load %arg1[%get3A, %get3A_0, %get3A_1] : memref<1x512x512xf32, #tpu.memory_space<vmem>>, vector<1x512x512xf32>
    %get3A_3 = vector.shape_cast %get3A_2 : vector<1x512x512xf32> to vector<512x512xf32>
    %slice3A = vector.extract_strided_slice %get3A_3 {offsets = [0, 1], sizes = [512, 511], strides = [1, 1]} : vector<512x512xf32> to vector<512x511xf32>
    %broadcast_in_dim3A = arith.constant 0xFF800000 : f32
    %broadcast_in_dim3A_4 = vector.broadcast %broadcast_in_dim3A : f32 to vector<512x1xf32>
    %concatenate3A = tpu.concatenate %slice3A, %broadcast_in_dim3A_4 in 1 : vector<512x511xf32>, vector<512x1xf32> -> vector<512x512xf32>
    %broadcast_in_dim3A_5 = arith.constant 0xFF800000 : f32
    %broadcast_in_dim3A_6 = vector.broadcast %broadcast_in_dim3A_5 : f32 to vector<512x1xf32>
    %slice3A_7 = vector.extract_strided_slice %get3A_3 {offsets = [0, 0], sizes = [512, 511], strides = [1, 1]} : vector<512x512xf32> to vector<512x511xf32>
    %concatenate3A_8 = tpu.concatenate %broadcast_in_dim3A_6, %slice3A_7 in 1 : vector<512x1xf32>, vector<512x511xf32> -> vector<512x512xf32>
    %max3A = arith.maximumf %concatenate3A, %concatenate3A_8 : vector<512x512xf32>
    %max3A_9 = arith.maximumf %get3A_3, %max3A : vector<512x512xf32>
    %slice3A_10 = vector.extract_strided_slice %get3A_3 {offsets = [0, 2], sizes = [512, 510], strides = [1, 1]} : vector<512x512xf32> to vector<512x510xf32>
    %broadcast_in_dim3A_11 = arith.constant 0xFF800000 : f32
    %broadcast_in_dim3A_12 = vector.broadcast %broadcast_in_dim3A_11 : f32 to vector<512x2xf32>
    %concatenate3A_13 = tpu.concatenate %slice3A_10, %broadcast_in_dim3A_12 in 1 : vector<512x510xf32>, vector<512x2xf32> -> vector<512x512xf32>
    %broadcast_in_dim3A_14 = arith.constant 0xFF800000 : f32
    %broadcast_in_dim3A_15 = vector.broadcast %broadcast_in_dim3A_14 : f32 to vector<512x2xf32>
    %slice3A_16 = vector.extract_strided_slice %get3A_3 {offsets = [0, 0], sizes = [512, 510], strides = [1, 1]} : vector<512x512xf32> to vector<512x510xf32>
    %concatenate3A_17 = tpu.concatenate %broadcast_in_dim3A_15, %slice3A_16 in 1 : vector<512x2xf32>, vector<512x510xf32> -> vector<512x512xf32>
    %max3A_18 = arith.maximumf %concatenate3A_13, %concatenate3A_17 : vector<512x512xf32>
    %max3A_19 = arith.maximumf %max3A_9, %max3A_18 : vector<512x512xf32>
    %slice3A_20 = vector.extract_strided_slice %max3A_19 {offsets = [1, 0], sizes = [511, 512], strides = [1, 1]} : vector<512x512xf32> to vector<511x512xf32>
    %broadcast_in_dim3A_21 = arith.constant 0xFF800000 : f32
    %broadcast_in_dim3A_22 = vector.broadcast %broadcast_in_dim3A_21 : f32 to vector<1x512xf32>
    %concatenate3A_23 = tpu.concatenate %slice3A_20, %broadcast_in_dim3A_22 in 0 : vector<511x512xf32>, vector<1x512xf32> -> vector<512x512xf32>
    %broadcast_in_dim3A_24 = arith.constant 0xFF800000 : f32
    %broadcast_in_dim3A_25 = vector.broadcast %broadcast_in_dim3A_24 : f32 to vector<1x512xf32>
    %slice3A_26 = vector.extract_strided_slice %max3A_19 {offsets = [0, 0], sizes = [511, 512], strides = [1, 1]} : vector<512x512xf32> to vector<511x512xf32>
    %concatenate3A_27 = tpu.concatenate %broadcast_in_dim3A_25, %slice3A_26 in 0 : vector<1x512xf32>, vector<511x512xf32> -> vector<512x512xf32>
    %max3A_28 = arith.maximumf %concatenate3A_23, %concatenate3A_27 : vector<512x512xf32>
    %max3A_29 = arith.maximumf %max3A_19, %max3A_28 : vector<512x512xf32>
    %slice3A_30 = vector.extract_strided_slice %max3A_19 {offsets = [2, 0], sizes = [510, 512], strides = [1, 1]} : vector<512x512xf32> to vector<510x512xf32>
    %broadcast_in_dim3A_31 = arith.constant 0xFF800000 : f32
    %broadcast_in_dim3A_32 = vector.broadcast %broadcast_in_dim3A_31 : f32 to vector<2x512xf32>
    %concatenate3A_33 = tpu.concatenate %slice3A_30, %broadcast_in_dim3A_32 in 0 : vector<510x512xf32>, vector<2x512xf32> -> vector<512x512xf32>
    %broadcast_in_dim3A_34 = arith.constant 0xFF800000 : f32
    %broadcast_in_dim3A_35 = vector.broadcast %broadcast_in_dim3A_34 : f32 to vector<2x512xf32>
    %slice3A_36 = vector.extract_strided_slice %max3A_19 {offsets = [0, 0], sizes = [510, 512], strides = [1, 1]} : vector<512x512xf32> to vector<510x512xf32>
    %concatenate3A_37 = tpu.concatenate %broadcast_in_dim3A_35, %slice3A_36 in 0 : vector<2x512xf32>, vector<510x512xf32> -> vector<512x512xf32>
    %max3A_38 = arith.maximumf %concatenate3A_33, %concatenate3A_37 : vector<512x512xf32>
    %max3A_39 = arith.maximumf %max3A_29, %max3A_38 : vector<512x512xf32>
    %eq3A = arith.cmpf oeq, %get3A_3, %max3A_39 : vector<512x512xf32>
    %gt3A = arith.constant 5.000000e-02 : f32
    %gt3A_40 = vector.broadcast %gt3A : f32 to vector<512x512xf32>
    %gt3A_41 = arith.cmpf ogt, %get3A_3, %gt3A_40 : vector<512x512xf32>
    %and3A = arith.andi %eq3A, %gt3A_41 : vector<512x512xi1>
    %jit3A = arith.constant -1.000000e+00 : f32
    %broadcast_in_dim3A_42 = vector.broadcast %jit3A : f32 to vector<512x512xf32>
    %select_n3A = arith.select %and3A, %get3A_3, %broadcast_in_dim3A_42 : vector<512x512xi1>, vector<512x512xf32>
    %swap3A = arith.constant 0 : index
    %swap3A_43 = arith.constant 0 : index
    %swap3A_44 = arith.constant 0 : index
    %swap3A_45 = vector.load %arg2[%swap3A, %swap3A_43, %swap3A_44] : memref<1x512x512xf32, #tpu.memory_space<vmem>>, vector<1x512x512xf32>
    %swap3A_46 = vector.shape_cast %swap3A_45 : vector<1x512x512xf32> to vector<512x512xf32>
    %swap3A_47 = vector.shape_cast %select_n3A : vector<512x512xf32> to vector<1x512x512xf32>
    tpu.vector_store %arg2[%swap3A, %swap3A_43, %swap3A_44], %swap3A_47 {strides = array<i32>} : memref<1x512x512xf32, #tpu.memory_space<vmem>>, vector<1x512x512xf32>,
    return
  }
  func.func @transform_0(%arg0: i32) -> (i32, i32, i32) {
    %c0_i32 = arith.constant 0 : i32
    %c0_i32_0 = arith.constant 0 : i32
    %c0_i32_1 = arith.constant 0 : i32
    return %arg0, %c0_i32, %c0_i32_0 : i32, i32, i32
  }
  func.func @transform_1(%arg0: i32) -> (i32, i32, i32) {
    %c0_i32 = arith.constant 0 : i32
    %c0_i32_0 = arith.constant 0 : i32
    %c0_i32_1 = arith.constant 0 : i32
    return %arg0, %c0_i32, %c0_i32_0 : i32, i32, i32
  }
}

</mosaic_0001>

<sc_bundles>
// kernel: kernel.4.cloned.1.call-start
scs
__scs_entry_jumppad:
0x0: {  	(pc) =	sbr.rel $0x88, $3  }
0x1: {  	(tag) =	ssettag $0x0;
	lr =	simm.s32 $0x1  }
0x2: {  	[smem:$0x3FA0] =	sst lr;
	_ =	strace $0xD0000000  }
0x3: {  	_ = 	snop  }
0x4: {  	_ = 	snop  }
0x5: {  	_ = 	snop  }
0x6: {  	_ = 	snop  }
0x7: {  	_ = 	snop  }
__scs_overlays_trampoline_lowered:
0x8: {  	[smem:$0x3FAF] =	sst s0  }
0x9: {  	[smem:$0x3FB0] =	sst s1  }
0xa: {  	[smem:$0x3FB1] =	sst s2  }
0xb: {  	[smem:$0x3FB2] =	sst s3  }
0xc: {  	[smem:$0x3FB3] =	sst s4  }
0xd: {  	[smem:$0x3FB4] =	sst s5  }
0xe: {  	[smem:$0x3FB5] =	sst s6  }
0xf: {  	[smem:$0x3FB6] =	sst s7  }
0x10: {  	[smem:$0x3FB7] =	sst s8  }
0x11: {  	[smem:$0x3FB8] =	sst s9;
	s0 =	simm.s32 @!p0 $0x0  }
0x12: {  	s1 =	sld [smem:$0x3F9E];
	s0 =	simm.s32 @p0 $0x1  }
0x13: {  	[smem:$0x3FB9] =	sst s0;
	s0 =	simm.s32 @!p1 $0x0  }
0x14: {  	s2 =	sld [smem:$0x3F9D];
	s0 =	simm.s32 @p1 $0x1  }
0x15: {  	[smem:$0x3FBA] =	sst s0;
	s0 =	simm.s32 @!p2 $0x0  }
0x16: {  	s3 =	sld [smem:$0x3FDB];
	s0 =	simm.s32 @p2 $0x1  }
0x17: {  	s4 =	simm.s32 $0x1BF5;
	[smem:$0x3FBC] =	sst s0  }
0x18: {  	s0 =	sld [smem:$0x3F9F];
	_ =	swait.ge [sflag:s4], $0x0  }
0x19: {  	s7 =	sld [smem:$0x3FA0]  }
0x1a: {  	s8 =	sadd.s32 $0xFFFFE003, lr  }
0x1b: {  	s9 =	sadd.s32 $0xFFFFFEF7, lr;
	s5 =	simm.s32 $0xFFFFFFFF;
	p2 =	slt.u32 s8, $0xFFFFF086  }
0x1c: {  	p1 =	slt.u32 s9, $0xF7A;
	s5 =	simm.s32 @!p2 $0x0  }
0x1d: {  	s5 =	simm.s32 @p1 $0x1;
	p0 =	seq.s32 s7, s2  }
0x1e: {  	s7 =	smul.u32 @!p0 $0xF7A, s2;
	p2 =	seq.s32 @!p0 s5, $0x0  }
0x1f: {  	s9 =	smul.u32 $0xF7A, s1;
	s8 =	simm.s32 @!p0 $0x1BF5;
	p2 =	por !p2, p0  }
0x20: {  	[sflag:s8] =	ssyncset.s32 @!p0 $0xFFFFF086;
	s6 =	sadd.s32 @!p0 s3, s7;
	s7 =	simm.s32 @!p0 $0x108  }
0x21: {  	s3 =	sadd.s32 s3, s9;
	s6 =	sadd.s32 @!p0 $0x88, s6;
	s7 =	simm.s32 @p2 $0x1082  }
0x22: {  	[simem:s7], [sflag:s8] =	dma.local @!p0 [hbm:s6], $0xF7A  }
0x23: {  	s9 =	sor.u32 $0xD0000000, s2;
	s6 =	simm.s32 $0x108;
	_ =	swait.ge @!p0 [sflag:s8], $0x0  }
0x24: {  	s3 =	sadd.s32 $0x88, s3;
	s6 =	simm.s32 @!p1 $0x1082;
	[sflag:s4] =	ssyncset.s32 $0xFFFFF086  }
0x25: {  	[simem:s6], [sflag:s4] =	dma.local [hbm:s3], $0xF7A  }
0x26: {  	[smem:$0x3FA0] =	sst s1;
	(tag) =	ssettag s2;
	_ =	strace s9  }
0x27: {  	s1 =	sld [smem:$0x3FB0]  }
0x28: {  	s2 =	sld [smem:$0x3FB1]  }
0x29: {  	s4 =	sld [smem:$0x3FB3]  }
0x2a: {  	p0 =	seq.s32 s5, $0x0;
	s5 =	sld [smem:$0x3FB4]  }
0x2b: {  	s6 =	sld [smem:$0x3FB5]  }
0x2c: {  	s7 =	sld [smem:$0x3FB6]  }
0x2d: {  	s3 =	simm.s32 $0x108;
	s8 =	sld [smem:$0x3FB7]  }
0x2e: {  	s3 =	simm.s32 @!p0 $0x1082;
	s9 =	sld [smem:$0x3FB8]  }
0x2f: {  	lr =	sadd.s32 s0, s3;
	s0 =	sld [smem:$0x3FAF]  }
0x30: {  	s3 =	sld [smem:$0x3FB2]  }
0x31: {  	[smem:$0x3FBB] =	sst s10  }
0x32: {  	s10 =	sld [smem:$0x3FB9];
	_ =	sdelay $0x3  }
0x33: {  	p0 =	seq.s32 s10, $0x1;
	s10 =	sld [smem:$0x3FBB];
	_ =	sdelay $0x3  }
0x34: {  	[smem:$0x3FBB] =	sst s10  }
0x35: {  	s10 =	sld [smem:$0x3FBA];
	_ =	sdelay $0x3  }
0x36: {  	p1 =	seq.s32 s10, $0x1;
	s10 =	sld [smem:$0x3FBB];
	_ =	sdelay $0x3  }
0x37: {  	[smem:$0x3FBB] =	sst s10  }
0x38: {  	s10 =	sld [smem:$0x3FBC]  }
0x39: {  	_ = 	snop;
	(pc) =	sbr.ind lr, $3  }
0x3a: {  	_ = 	snop  }
0x3b: {  	_ = 	snop  }
0x3c: {  	p2 =	seq.s32 s10, $0x1;
	s10 =	sld [smem:$0x3FBB]  }
0x3d: {  	_ =	shalt  }
0x3e: {  	_ =	shalt  }
0x3f: {  	_ =	shalt  }
0x40: {  	_ =	shalt  }
0x41: {  	_ =	shalt  }
0x42: {  	_ =	shalt  }
0x43: {  	_ =	shalt  }
0x44: {  	_ =	shalt  }
0x45: {  	_ =	shalt  }
0x46: {  	_ =	shalt  }
0x47: {  	_ =	shalt  }
0x48: {  	_ =	shalt  }
0x49: {  	_ =	shalt  }
0x4a: {  	_ =	shalt  }
0x4b: {  	_ =	shalt  }
0x4c: {  	_ =	shalt  }
0x4d: {  	_ =	shalt  }
0x4e: {  	_ =	shalt  }
0x4f: {  	_ =	shalt  }
0x50: {  	_ =	shalt  }
0x51: {  	_ =	shalt  }
0x52: {  	_ =	shalt  }
0x53: {  	_ =	shalt  }
0x54: {  	_ =	shalt  }
0x55: {  	_ =	shalt  }
0x56: {  	_ =	shalt  }
0x57: {  	_ =	shalt  }
0x58: {  	_ =	shalt  }
0x59: {  	_ =	shalt  }
0x5a: {  	_ =	shalt  }
0x5b: {  	_ =	shalt  }
0x5c: {  	_ =	shalt  }
0x5d: {  	_ =	shalt  }
0x5e: {  	_ =	shalt  }
0x5f: {  	_ =	shalt  }
0x60: {  	_ =	shalt  }
0x61: {  	_ =	shalt  }
0x62: {  	_ =	shalt  }
0x63: {  	_ =	shalt  }
0x64: {  	_ =	shalt  }
0x65: {  	_ =	shalt  }
0x66: {  	_ =	shalt  }
0x67: {  	_ =	shalt  }
0x68: {  	_ =	shalt  }
0x69: {  	_ =	shalt  }
0x6a: {  	_ =	shalt  }
0x6b: {  	_ =	shalt  }
0x6c: {  	_ =	shalt  }
0x6d: {  	_ =	shalt  }
0x6e: {  	_ =	shalt  }
0x6f: {  	_ =	shalt  }
0x70: {  	_ =	shalt  }
0x71: {  	_ =	shalt  }
0x72: {  	_ =	shalt  }
0x73: {  	_ =	shalt  }
0x74: {  	_ =	shalt  }
0x75: {  	_ =	shalt  }
0x76: {  	_ =	shalt  }
0x77: {  	_ =	shalt  }
0x78: {  	_ =	shalt  }
0x79: {  	_ =	shalt  }
0x7a: {  	_ =	shalt  }
0x7b: {  	_ =	shalt  }
0x7c: {  	_ =	shalt  }
0x7d: {  	_ =	shalt  }
0x7e: {  	_ =	shalt  }
0x7f: {  	_ =	shalt  }
0x80: {  	_ =	shalt  }
0x81: {  	_ =	shalt  }
0x82: {  	_ =	shalt  }
0x83: {  	_ =	shalt  }
0x84: {  	_ =	shalt  }
0x85: {  	_ =	shalt  }
0x86: {  	_ =	shalt  }
0x87: {  	_ =	shalt  }
.Lfunc_end0:
.L_simem_size_0:
called_computation_lowered:
.L_overlay_start_0:
0x88: {  	s2 =	sld [smem:$0x3FD9]  }
0x89: {  	s3 =	sld [smem:$0x3FFE];
	_ =	sdelay $0x1  }
0x8a: {  	s1 =	srdreg.scid  }
0x8b: {  	s0 =	sand.u32 $0x1, s1  }
0x8c: {  	s14 =	sshll.u32 s0, $0xA;
	s2 =	sadd.s32 s3, s2  }
0x8d: {  	s2 =	sadd.s32 s2, s14  }
0x8e: {  	[smem:$0x3FC7] =	sst s2  }
0x8f: {  	_ = 	snop  }
0x90: {  	s2 =	sld [smem:$0x3FD0];
	_ =	sdelay $0x2  }
0x91: {  	s15 =	simm.s32 $0xA;
	s4 =	simm.s32 $0x10  }
0x92: {  	[smem:s4], [sflag:s15] =	dma.local [hbm:s2], $0x1  }
0x93: {  	_ =	swait.eq [sflag:s15], $0x1  }
0x94: {  	[sflag:s15] =	ssyncset.done $0x0  }
0x95: {  	s16 =	sld [smem:$0x10];
	[sflag:s15] =	ssyncadd.s32 $0xFFFFFFFF  }
0x96: {  	s17 =	sld [smem:$0x11];
	(tm) =	ssettm $0x1  }
0x97: {  	s18 =	sld [smem:$0x3FFB];
	_ =	sdelay $0x3  }
0x98: {  	_ =	strace s18  }
0x99: {  	s4 =	sld [smem:$0x3FFC];
	_ =	sdelay $0x3  }
0x9a: {  	_ =	strace s4  }
0x9b: {  	s4 =	sld [smem:$0x3FFD];
	_ =	sdelay $0x3  }
0x9c: {  	_ =	strace s4  }
0x9d: {  	_ =	strace $0x8FFFFFFF  }
0x9e: {  	s19 =	sld [smem:$0x3FDB];
	_ =	sdelay $0x1  }
0x9f: {  	s5 =	simm.s32 $_scs_section_size  }
0xa0: {  	s6 =	simm.s32 $_size__tile_overlayer_lowered;
	s7 =	simm.s32 $_tile_overlayer_lowered  }
0xa1: {  	s22 =	simm.s32 $0x1BFF;
	s21 =	sshll.u32 s7, $0x1;
	s4 =	sadd.s32 s5, s19  }
0xa2: {  	s8 =	simm.s32 $0x0;
	s20 =	sshll.u32 s6, $0x1;
	s6 =	sadd.s32 s21, s4  }
0xa3: {  	[timem:s8], [sflag:s22] =	dma.local [hbm:s6], s20  }
0xa4: {  	_ =	swait.ge [sflag:s22], s20  }
0xa5: {  	s5 =	ssub.s32 $0x0, s20;
	[sflag:s22] =	ssyncset.done $0x0  }
0xa6: {  	[sflag:s22] =	ssyncadd.s32 s5;
	_ =	sdelay $0x1  }
0xa7: {  	s23 =	simm.s32 $0x1B8B  }
0xa8: {  	_ =	swait.ge [sflag:s23], $0x1  }
0xa9: {  	[sflag:s23] =	ssyncset.done $0x0  }
0xaa: {  	s25 =	simm.s32 $0x1B8E;
	s24 =	sld [smem:$0x3FFE];
	[sflag:s23] =	ssyncadd.s32 $0xFFFFFFFF  }
0xab: {  	s26 =	simm.s32 $execute0_lowered;
	[smem:$0x3FD2] =	sst s25  }
0xac: {  	s6 =	sshll.u32 s26, $0x1;
	_ =	strace $0x80000046;
	[dreg:$0x1] =	wrdreg $0xFFFFFFFF  }
0xad: {  	s28 =	simm.s32 $_size_execute0_lowered;
	s4 =	sadd.s32 s4, s6;
	[dreg:$0x0] =	wrdreg $0x0  }
0xae: {  	s6 =	sshll.u32 s28, $0x1;
	[dreg:$0x2] =	wrdreg s4  }
0xaf: {  	[dreg:$0x3] =	wrdreg s6  }
0xb0: {  	[dreg:$0x4] =	wrdreg $0xC0  }
0xb1: {  	_ =	task [dreg:s8], $0x5FFFF  }
0xb2: {  	[dreg:$0x1] =	wrdreg $0xFFFFFFFF  }
0xb3: {  	[dreg:$0x0] =	wrdreg $0x60  }
0xb4: {  	[dreg:$0x2] =	wrdreg s24  }
0xb5: {  	[dreg:$0x3] =	wrdreg s16  }
0xb6: {  	[dreg:$0x4] =	wrdreg s17  }
0xb7: {  	[dreg:$0x5] =	wrdreg $0x1DD000  }
0xb8: {  	[dreg:$0x6] =	wrdreg $0x1DF000  }
0xb9: {  	[dreg:$0x7] =	wrdreg $0x1E5080  }
0xba: {  	[dreg:$0x8] =	wrdreg $0x9  }
0xbb: {  	_ =	task.clear_ibuf [dreg:s8], $0x9FFFF;
	_ =	strace $0x90000046  }
0xbc: {  	s29 =	simm.s32 $0x9;
	_ =	strace $0x80000048  }
0xbd: {  	_ =	swait.ge [sflag:s29], $0x1  }
0xbe: {  	[sflag:s29] =	ssyncadd.s32 $0xFFFFFFFF  }
0xbf: {  	_ =	strace $0x90000048  }
0xc0: {  	_ =	sfence  }
0xc1: {  	s30 =	sld [smem:$0x0];
	_ =	sdelay $0x2  }
0xc2: {  	s31 =	sshll.u32 s1, $0xD;
	s1 =	sshrl.u32 s1, $0x2  }
0xc3: {  	s3 =	sand.u32 $0x4000, s31;
	s1 =	sadd.s32 s1, s30  }
0xc4: {  	s0 =	sor.u32 s3, s0;
	s1 =	sshll.u32 s1, $0x11  }
0xc5: {  	s0 =	sor.u32 s1, s0  }
0xc6: {  	s0 =	sadd.s32 $0x8F2B, s0  }
0xc7: {  	[sflag:s0] =	ssyncadd.remote.s32 $0x1  }
0xc8: {  	_ =	sfence.sel $0xFFFF  }
0xc9: {  	[dreg:$0x0] =	wrdreg $0xFFFFFFFF;
	(pc) =	sbr.abs _section_cstart, $3  }
0xca: {  	[dreg:$0x1] =	wrdreg $0xFFFFFFFF  }
0xcb: {  	_ =	task.clear_ibuf [dreg:s8], $0x2FFFF;
	_ =	strace $0x9FFFFFFF  }
0xcc: {  	(tm) =	ssettm $0x7FFFFFFF  }
0xcd: {  	_ =	shalt  }
tec
execute0_lowered:
.L_overlay_start_1:
0x0: {  	(tag) =	ssettag $0x1  }
0x1: {  	s0 =	rddreg [dreg:$0x0]  }
0x2: {  	s1 =	rddreg [dreg:$0x1]  }
0x3: {  	s2 =	rddreg [dreg:$0x2]  }
0x4: {  	s3 =	rddreg [dreg:$0x3]  }
0x5: {  	s17 =	rddreg [dreg:$0x4]  }
0x6: {  	s19 =	rddreg [dreg:$0x5]  }
0x7: {  	s4 =	srdreg.scid;
	s8 =	stileid.u32  }
0x8: {  	s7 =	simm.s32 $0x0;
	s21 =	simm.s32 $0x80;
	s30 =	simm.s32 $0x14B00  }
0x9: {  	s31 =	simm.s32 $0x16380;
	s4 =	sand.u32 $0x1, s4;
	s14 =	sshrl.u32 s8, $0x2  }
0xa: {  	s15 =	sand.u32 $0x3, s8;
	[smem:$0x7FF] =	sst s7;
	s8 =	sshll.u32 s8, $0x9  }
0xb: {  	s5 =	sshll.u32 s4, $0x9;
	s6 =	sshll.u32 s14, $0x7;
	s22 =	sshll.u32 s15, $0x13  }
0xc: {  	_ =	strace $0x80000047;
	s4 =	ssub.s32 $0x2, s4;
	s25 =	smul.u32 $0x1810, s14  }
0xd: {  	s8 =	sadd.s32 s8, s3;
	s11 =	sshll.u32 s14, $0xB;
	s26 =	smul.u32 $0x6040, s14  }
0xe: {  	p0 =	sne.s32 s15, $0x0;
	p1 =	seq.s32 s15, $0x3;
	p2 =	sgt.u32 s15, $0x1  }
0xf: {  	p3 =	seq.s32 s15, $0x0;
	s5 =	sor.u32 s5, s6;
	s23 =	sshrl.u32 s4, $0x1  }
0x10: {  	s11 =	sadd.s32 s11, s3;
	s3 =	simm.s32 $0x19480;
	s6 =	sor.u32 s22, s5  }
0x11: {  	s16 =	sshrl.u32 s5, $0x3;
	s4 =	ssub.s32 s4, s23;
	s5 =	sshll.u32 s15, $0x10  }
0x12: {  	s9 =	sadd.s32 s25, s17;
	[dreg:$0x7] =	wrdreg s25;
	s10 =	sadd.s32 s25, s19  }
0x13: {  	s12 =	sadd.s32 $0x200, s11;
	s13 =	sadd.s32 $0x400, s11;
	s14 =	sadd.s32 $0x600, s11  }
0x14: {  	s28 =	sshrl.u32 s26, $0x2;
	s22 =	simm.s32 $0x400;
	s23 =	simm.s32 $0x1  }
0x15: {  	s15 =	simm.s32 $0x0;
	s6 =	sshrl.u32 s6, $0x3;
	s2 =	sadd.s32 s2, s16  }
0x16: {  	s1 =	sadd.s32 s1, s16;
	s29 =	sadd.s32 s28, s19;
	[dreg:$0x9] =	wrdreg s2  }
.Ltmp0:
0x17: {  	s24 =	sadd.s32 s6, s0;
	[dreg:$0xa] =	wrdreg s1;
	(pc) =	sbr.rel .LBB2_1-.Ltmp0, $4  }
0x18: {  	v0 =	vlaneseq.u32;
	s0 =	sadd.s32 s16, s0;
	[dreg:$0xc] =	wrdreg s29;
	s7 =	sadd.s32 $0xA00, s24  }
0x19: {  	v1 =	vimm.s32 $0x0;
	v4 =	vmul.u32 $0xFFFFFFFF, v0;
	s18 =	smax.u32 s4, $0x1;
	s0 =	sadd.s32 $0x40A00, s0;
	[dreg:$0x8] =	wrdreg s7  }
0x1a: {  	v3 =	vimm.s32 $0x1;
	v2 =	vmul.u32 $0x200, v0;
	v5 =	vor.u32 $0x1800, v0;
	s1 =	simm.s32 $0x13B00;
	[dreg:$0xb] =	wrdreg s0;
	s0 =	sadd.s32 s28, s17  }
0x1b: {  	v6 =	vmul.u32 $0x181, v0;
	v7 =	vmul.u32 $0x100, v0;
	v4 =	vadd.s32 $0xF, v4;
	s2 =	simm.s32 $0x17C00;
	[dreg:$0xd] =	wrdreg s0;
	s0 =	simm.s32 $0x12A00  }
.LBB2_56:
0x1c: {  	v13 =	vand.u32 $0x1FF, v9  }
0x1d: {  	v12 =	vcvt.s32.f32 v8;
	v60 =	vshrl.u32 v9, $0x9;
	v61 =	vcvt.s32.f32 v13  }
0x1e: {  	[tilespmem:s16+$0x1AD00] =	vst v11;
	vm0 =	vgt.s32 v8, $0x0;
	v8 =	vcvt.s32.f32 v60  }
0x1f: {  	[tilespmem:s16+$0x1BD00] =	vst v10;
	v12 =	vmul.f32 $5.960464480e-08, v12;
	v63 =	vnsel vm0, $0x0, v61  }
0x20: {  	v8 =	vnsel vm0, $0x0, v8;
	[tilespmem:s4+$0x1AD00] =	vst v63  }
0x21: {  	v62 =	vnsel vm0, $0xBF800000, v12;
	[tilespmem:s4+$0x1BD00] =	vst v8  }
0x22: {  	s24 =	rddreg [dreg:$0x9];
	s6 =	simm.s32 $0x1CD00;
	[tilespmem:s4+$0x1CD00] =	vst v62  }
0x23: {  	[hbm4b:s24+s21] =	stream.strided.scatter [tilespmem:s6], [sflag:$0x1], $0x1000, s22, s21, $0x38;
	[tilespmem:$0x1EB10] =	vst v63  }
0x24: {  	_ =	swait.ge [sflag:s23], $0x1000  }
0x25: {  	[sflag:s23] =	ssyncset.done $0x0  }
0x26: {  	s26 =	simm.s32 $0x1AD00;
	s25 =	rddreg [dreg:$0xa];
	[sflag:s23] =	ssyncadd.s32 $0xFFFFF000  }
0x27: {  	[hbm4b:s25+s21] =	stream.strided.scatter [tilespmem:s26], [sflag:$0x1], $0x1000, s22, s21, $0x38;
	[tilespmem:$0x1EB10] =	vst v63  }
0x28: {  	_ =	swait.ge [sflag:s23], $0x1000  }
0x29: {  	[sflag:s23] =	ssyncset.done $0x0  }
0x2a: {  	s29 =	simm.s32 $0x1BD00;
	s28 =	rddreg [dreg:$0xb];
	[sflag:s23] =	ssyncadd.s32 $0xFFFFF000  }
0x2b: {  	[hbm4b:s28+s21] =	stream.strided.scatter [tilespmem:s29], [sflag:$0x1], $0x1000, s22, s21, $0x38;
	[tilespmem:$0x1EB10] =	vst v63  }
0x2c: {  	_ =	swait.ge [sflag:s23], $0x1000  }
0x2d: {  	[sflag:s23] =	ssyncset.done $0x0  }
0x2e: {  	[sflag:s23] =	ssyncadd.s32 $0xFFFFF000  }
.LBB2_57:
0x2f: {  	s15 =	sadd.s32 $0x1, s15  }
0x30: {  	p4 =	sne.s32 s15, s18  }
.Ltmp1:
0x31: {  	_ = 	snop;
	(pc) =	sbr.rel @!p4 .LBB2_58-.Ltmp1, $1  }
0x32: {  	_ =	sdelay $0x3  }
.LBB2_1:
0x33: {  	s4 =	simm.s32 $0x0;
	s6 =	rddreg [dreg:$0x8]  }
0x34: {  	[tilespmem:s4], [sflag:$0x1] =	stream.strided.gather [hbm4b:s6+s21], $0x10000, s22, s21, $0x38;
	[tilespmem:$0x1EB10] =	vst v63  }
0x35: {  	_ =	swait.ge [sflag:s23], $0x10000  }
0x36: {  	[sflag:s23] =	ssyncset.done $0x0  }
0x37: {  	s16 =	simm.s32 $0x0;
	s4 =	simm.s32 $0x40;
	[sflag:s23] =	ssyncadd.s32 $0xFFFF0000  }
.LBB2_2:
0x38: {  	p4 =	sne.s32 s4, $0x7FC0;
	[tilespmem:s16+$0x10000] =	vst v1;
	s16 =	smov.u32 s4;
	s4 =	sadd.s32 $0x40, s4  }
.Ltmp2:
0x39: {  	(pc) =	sbr.rel @p4 .LBB2_2-.Ltmp2, $2  }
0x3a: {  	_ =	sdelay $0x2  }
0x3b: {  	s16 =	sshra.s32 s16, $0x2  }
0x3c: {  	[tilespmem:s16+$0x10000] =	vst v1;
	s4 =	simm.s32 $0x0;
	s16 =	simm.s32 $0x40;
	s17 =	simm.s32 $0x0  }
.LBB2_4:
0x3d: {  	p4 =	sne.s32 s16, $0x6000;
	[tilespmem:s17+$0x14B00] =	vst v1;
	s19 =	smov.u32 s16;
	s16 =	sadd.s32 $0x40, s16  }
.Ltmp3:
0x3e: {  	[tilespmem:s17+$0x16380] =	vst v1;
	(pc) =	sbr.rel @p4 .LBB2_4-.Ltmp3, $2  }
0x3f: {  	_ =	sdelay $0x2  }
0x40: {  	s17 =	sshra.s32 s19, $0x2  }
0x41: {  	[tilespmem:s17+$0x14B00] =	vst v1  }
0x42: {  	[tilespmem:s17+$0x16380] =	vst v1  }
.LBB2_6:
0x43: {  	s16 =	sshra.s32 s4, $0x2  }
0x44: {  	v8 =	vld [tilespmem:s16+$0x0];
	_ =	sdelay $0x4  }
0x45: {  	v9 =	vmul.f32 $1.677721600e+07, v8;
	_ =	sdelay $0x1  }
0x46: {  	v9 =	vtrunc.f32 v9  }
0x47: {  	v9 =	vcvt.f32.s32 v9;
	_ =	sdelay $0x1  }
0x48: {  	v9 =	vshrl.u32 v9, $0xF  }
0x49: {  	vm0 =	vgt.f32 v8, $0.0e+00;
	v8 =	vadd.s32 v2, v9  }
0x4a: {  	p4 =	sne.s32 s4, $0x3FFC0;
	v8 =	vsel vm0, v8, v2  }
.Ltmp4:
0x4b: {  	_ = 	snop;
	(pc) =	sbr.rel @p4 .LBB2_6-.Ltmp4, $3  }
0x4c: {  	_ =	sdelay $0x1  }
0x4d: {  	s16 =	simm.s32 $0x10000  }
0x4e: {  	s4 =	sadd.s32 $0x40, s4;
	[tilespmem:v8+s16+$0x0] =	vst.idx.add.s32.msk vm0, v3  }
0x4f: {  	s4 =	simm.s32 $0x0  }
0x50: {  	v9 =	vld [tilespmem:s16+$0x0];
	s4 =	sand.u32 $0x1F0, s4  }
0x51: {  	v8 =	vld [tilespmem:s4+$0x10200]  }
0x52: {  	v10 =	vld [tilespmem:s4+$0x10400]  }
0x53: {  	v11 =	vld [tilespmem:s4+$0x10600]  }
0x54: {  	v12 =	vld [tilespmem:s4+$0x10800]  }
0x55: {  	v13 =	vld [tilespmem:s4+$0x10A00]  }
0x56: {  	v8 =	vadd.s32 v9, v8;
	v9 =	vld [tilespmem:s4+$0x10C00]  }
0x57: {  	v8 =	vadd.s32 v10, v8;
	v10 =	vld [tilespmem:s4+$0x10E00]  }
0x58: {  	v8 =	vadd.s32 v11, v8;
	v11 =	vld [tilespmem:s4+$0x11000]  }
0x59: {  	v60 =	vld [tilespmem:s4+$0x11200];
	v8 =	vadd.s32 v12, v8  }
0x5a: {  	v61 =	vld [tilespmem:s4+$0x11400];
	v8 =	vadd.s32 v13, v8  }
0x5b: {  	v8 =	vadd.s32 v9, v8;
	v9 =	vld [tilespmem:s4+$0x11600]  }
0x5c: {  	v8 =	vadd.s32 v10, v8;
	v10 =	vld [tilespmem:s4+$0x11800]  }
0x5d: {  	v8 =	vadd.s32 v11, v8;
	v11 =	vld [tilespmem:s4+$0x11A00]  }
0x5e: {  	v62 =	vld [tilespmem:s4+$0x11C00];
	v8 =	vadd.s32 v60, v8  }
0x5f: {  	v63 =	vld [tilespmem:s4+$0x11E00];
	v8 =	vadd.s32 v61, v8  }
0x60: {  	v8 =	vadd.s32 v9, v8  }
0x61: {  	v8 =	vadd.s32 v10, v8  }
0x62: {  	v8 =	vadd.s32 v11, v8  }
0x63: {  	v8 =	vadd.s32 v62, v8  }
0x64: {  	s16 =	simm.s32 $0x12800;
	s29 =	simm.s32 $0x10;
	v8 =	vadd.s32 v63, v8  }
0x65: {  	s4 =	sand.u32 $0x1F0, s29;
	[tilespmem:s16+$0x0] =	vst v8  }
0x66: {  	s19 =	simm.s32 $0x20;
	s17 =	simm.s32 $0x10010;
	v8 =	vld [tilespmem:s4+$0x10200]  }
.LBB2_8:
0x67: {  	p4 =	sne.s32 s19, $0x1F0;
	v9 =	vld [tilespmem:s17+$0x0]  }
0x68: {  	v10 =	vld [tilespmem:s4+$0x10400]  }
0x69: {  	v11 =	vld [tilespmem:s4+$0x10600]  }
0x6a: {  	v12 =	vld [tilespmem:s4+$0x10800]  }
0x6b: {  	v13 =	vld [tilespmem:s4+$0x10A00]  }
0x6c: {  	v8 =	vadd.s32 v9, v8;
	v9 =	vld [tilespmem:s4+$0x10C00]  }
0x6d: {  	v8 =	vadd.s32 v10, v8;
	v10 =	vld [tilespmem:s4+$0x10E00]  }
0x6e: {  	v8 =	vadd.s32 v11, v8;
	v11 =	vld [tilespmem:s4+$0x11000]  }
0x6f: {  	v8 =	vadd.s32 v12, v8;
	v12 =	vld [tilespmem:s4+$0x11200]  }
0x70: {  	v8 =	vadd.s32 v13, v8;
	v13 =	vld [tilespmem:s4+$0x11400]  }
0x71: {  	v8 =	vadd.s32 v9, v8;
	v9 =	vld [tilespmem:s4+$0x11600]  }
0x72: {  	v8 =	vadd.s32 v10, v8;
	v10 =	vld [tilespmem:s4+$0x11800]  }
0x73: {  	v8 =	vadd.s32 v11, v8;
	v11 =	vld [tilespmem:s4+$0x11A00]  }
0x74: {  	v8 =	vadd.s32 v12, v8;
	v12 =	vld [tilespmem:s4+$0x11C00]  }
0x75: {  	v8 =	vadd.s32 v13, v8;
	v13 =	vld [tilespmem:s4+$0x11E00]  }
0x76: {  	v8 =	vadd.s32 v9, v8  }
0x77: {  	v8 =	vadd.s32 v10, v8  }
.Ltmp5:
0x78: {  	v8 =	vadd.s32 v11, v8;
	(pc) =	sbr.rel @p4 .LBB2_8-.Ltmp5, $4  }
0x79: {  	v8 =	vadd.s32 v12, v8  }
0x7a: {  	s16 =	sadd.s32 $0x10, s16;
	v8 =	vadd.s32 v13, v8  }
0x7b: {  	s4 =	sand.u32 $0x1F0, s19;
	[tilespmem:s16+$0x0] =	vst v8  }
0x7c: {  	s17 =	sadd.s32 $0x10, s17;
	s19 =	sadd.s32 $0x10, s19;
	v8 =	vld [tilespmem:s4+$0x10200]  }
0x7d: {  	v9 =	vld [tilespmem:s17+$0x0]  }
0x7e: {  	v10 =	vld [tilespmem:s4+$0x10400]  }
0x7f: {  	v11 =	vld [tilespmem:s4+$0x10600]  }
0x80: {  	v12 =	vld [tilespmem:s4+$0x10800]  }
0x81: {  	v13 =	vld [tilespmem:s4+$0x10A00]  }
0x82: {  	v8 =	vadd.s32 v9, v8;
	v9 =	vld [tilespmem:s4+$0x10C00]  }
0x83: {  	v8 =	vadd.s32 v10, v8;
	v10 =	vld [tilespmem:s4+$0x10E00]  }
0x84: {  	v8 =	vadd.s32 v11, v8;
	v11 =	vld [tilespmem:s4+$0x11000]  }
0x85: {  	v8 =	vadd.s32 v12, v8;
	v12 =	vld [tilespmem:s4+$0x11200]  }
0x86: {  	v8 =	vadd.s32 v13, v8;
	v13 =	vld [tilespmem:s4+$0x11400]  }
0x87: {  	v8 =	vadd.s32 v9, v8;
	v9 =	vld [tilespmem:s4+$0x11600]  }
0x88: {  	v8 =	vadd.s32 v10, v8;
	v10 =	vld [tilespmem:s4+$0x11800]  }
0x89: {  	v8 =	vadd.s32 v11, v8;
	v11 =	vld [tilespmem:s4+$0x11A00]  }
0x8a: {  	v8 =	vadd.s32 v12, v8;
	v12 =	vld [tilespmem:s4+$0x11C00]  }
0x8b: {  	v8 =	vadd.s32 v13, v8;
	v13 =	vld [tilespmem:s4+$0x11E00]  }
0x8c: {  	v8 =	vadd.s32 v9, v8  }
0x8d: {  	v8 =	vadd.s32 v10, v8  }
0x8e: {  	v8 =	vadd.s32 v11, v8  }
0x8f: {  	v8 =	vadd.s32 v12, v8  }
0x90: {  	s19 =	sadd.s32 $0x10, s16;
	v8 =	vadd.s32 v13, v8  }
0x91: {  	s20 =	simm.s32 $0x12800;
	[tilespmem:s19+$0x0] =	vst v8  }
0x92: {  	[spmem:s8] =	stream.linear.scatter [tilespmem:s20], [sflag:$0x1], $0x200, $0x38;
	[tilespmem:$0x1EB10] =	vst v63  }
0x93: {  	_ =	swait.ge [sflag:s23], $0x200  }
0x94: {  	[sflag:s23] =	ssyncset.done $0x0  }
0x95: {  	s4 =	simm.s32 @!p0 $0x14B00;
	[sflag:s23] =	ssyncadd.s32 $0xFFFFFE00  }
0x96: {  	[spmem:s9] =	stream.linear.scatter @!p0 [tilespmem:s4], [sflag:$0x1], $0x1810, $0x38;
	[tilespmem:$0x1EB10] =	vst v63  }
0x97: {  	s4 =	simm.s32 @!p0 $0x1  }
0x98: {  	_ =	swait.ge @!p0 [sflag:s4], $0x1810  }
0x99: {  	[sflag:s4] =	ssyncset.done @!p0 $0x0  }
0x9a: {  	s16 =	simm.s32 @!p0 $0x16380;
	[sflag:s4] =	ssyncadd.s32 @!p0 $0xFFFFE7F0  }
0x9b: {  	[spmem:s10] =	stream.linear.scatter @!p0 [tilespmem:s16], [sflag:$0x1], $0x1810, $0x38;
	[tilespmem:$0x1EB10] =	vst v63  }
0x9c: {  	_ =	swait.ge @!p0 [sflag:s4], $0x1810  }
0x9d: {  	[sflag:s4] =	ssyncset.done @!p0 $0x0  }
0x9e: {  	[sflag:s4] =	ssyncadd.s32 @!p0 $0xFFFFE7F0  }
0x9f: {  	s24 =	simm.s32 $0x12000;
	[bflag:$0x0] =	sbarrier.arrive $0xFFFF  }
0xa0: {  	[tilespmem:s24], [sflag:$0x1] =	stream.linear.gather [spmem:s11], $0x200, $0x38;
	[tilespmem:$0x1EB10] =	vst v63  }
0xa1: {  	_ =	swait.ge [sflag:s23], $0x200  }
0xa2: {  	[sflag:s23] =	ssyncset.done $0x0  }
0xa3: {  	s25 =	simm.s32 $0x12200;
	[sflag:s23] =	ssyncadd.s32 $0xFFFFFE00  }
0xa4: {  	[tilespmem:s25], [sflag:$0x1] =	stream.linear.gather [spmem:s12], $0x200, $0x38;
	[tilespmem:$0x1EB10] =	vst v63  }
0xa5: {  	_ =	swait.ge [sflag:s23], $0x200  }
0xa6: {  	[sflag:s23] =	ssyncset.done $0x0  }
0xa7: {  	s26 =	simm.s32 $0x12400;
	[sflag:s23] =	ssyncadd.s32 $0xFFFFFE00  }
0xa8: {  	[tilespmem:s26], [sflag:$0x1] =	stream.linear.gather [spmem:s13], $0x200, $0x38;
	[tilespmem:$0x1EB10] =	vst v63  }
0xa9: {  	_ =	swait.ge [sflag:s23], $0x200  }
0xaa: {  	[sflag:s23] =	ssyncset.done $0x0  }
0xab: {  	s6 =	simm.s32 $0x12600;
	[sflag:s23] =	ssyncadd.s32 $0xFFFFFE00  }
0xac: {  	[tilespmem:s6], [sflag:$0x1] =	stream.linear.gather [spmem:s14], $0x200, $0x38;
	[tilespmem:$0x1EB10] =	vst v63  }
0xad: {  	_ =	swait.ge [sflag:s23], $0x200  }
0xae: {  	[sflag:s23] =	ssyncset.done $0x0  }
0xaf: {  	s7 =	simm.s32 $0x125F0;
	[sflag:s23] =	ssyncadd.s32 $0xFFFFFE00  }
0xb0: {  	v8 =	vld [tilespmem:s7+$0xFFFFFC00]  }
0xb1: {  	v9 =	vld [tilespmem:s7+$0xFFFFFE00]  }
0xb2: {  	v10 =	vld [tilespmem:s7+$0x0]  }
0xb3: {  	v11 =	vld [tilespmem:s7+$0x200];
	_ =	sdelay $0x2  }
0xb4: {  	v8 =	vadd.s32 v8, v9  }
0xb5: {  	s16 =	simm.s32 $0x125E0;
	v8 =	vadd.s32 v10, v8  }
0xb6: {  	v9 =	vld [tilespmem:s16+$0xFFFFFC00];
	v8 =	vadd.s32 v11, v8  }
0xb7: {  	v10 =	vld [tilespmem:s16+$0xFFFFFE00];
	(xrf0) =	vadd.scan.msk.s32 $0xffff, v8  }
0xb8: {  	v11 =	vld [tilespmem:s16+$0x0]  }
0xb9: {  	v12 =	vld [tilespmem:s16+$0x200];
	_ =	sdelay $0x1  }
0xba: {  	v8 =	vperm.xlane v8, v4  }
0xbb: {  	v9 =	vadd.s32 v9, v10  }
0xbc: {  	s17 =	simm.s32 $0x125D0;
	(xrf0) =	vadd.scan.msk.s32 $0xffff, v8;
	v8 =	vadd.s32 v11, v9;
	v11, _, _ =	vpop (xrf0)  }
0xbd: {  	v10 =	vld [tilespmem:s17+$0xFFFFFE00];
	v8 =	vadd.s32 v12, v8;
	(v2sf) =	vpush v11, $0xF  }
0xbe: {  	v9 =	vld [tilespmem:s17+$0xFFFFFC00];
	(xrf0) =	vadd.scan.msk.s32 $0xffff, v8  }
0xbf: {  	v12 =	vld [tilespmem:s17+$0x0];
	_ =	sdelay $0x3  }
0xc0: {  	v8 =	vperm.xlane v8, v4;
	v11 =	vld [tilespmem:s17+$0x200];
	v13, _, _ =	vpop (xrf0);
	v9 =	vadd.s32 v9, v10  }
0xc1: {  	v9 =	vadd.s32 v12, v9;
	v12, _, _ =	vpop (xrf0)  }
0xc2: {  	(xrf0) =	vadd.scan.msk.s32 $0xffff, v8;
	v10 =	vperm.xlane v13, v4;
	(v2sf) =	vpush v12, $0xF  }
0xc3: {  	s16 =	simm.s32 $0x0  }
0xc4: {  	v8 =	vadd.s32 s16, v10  }
0xc5: {  	s19 =	simm.s32 $0x125C0;
	v9 =	vadd.s32 v11, v9;
	vm0 =	vgt.s32 v8, $0xFFF  }
0xc6: {  	v10 =	vld [tilespmem:s19+$0xFFFFFE00];
	(xrf0) =	vadd.scan.msk.s32 $0xffff, v9;
	v8 =	vsel vm0, $0x1, v1  }
0xc7: {  	(xrf0) =	vadd.scan.msk.s32 $0xffff, v8;
	v8 =	vld [tilespmem:s19+$0xFFFFFC00]  }
0xc8: {  	v12 =	vld [tilespmem:s19+$0x0];
	v9 =	vperm.xlane v9, v4;
	v11, _, _ =	vpop (xrf0)  }
0xc9: {  	v14 =	vld [tilespmem:s19+$0x200];
	v11 =	vperm.xlane v11, v4;
	s24 =	spop (v2sf)  }
0xca: {  	(xrf0) =	vadd.scan.msk.s32 $0xffff, v9;
	s17 =	sadd.s32 $0x0, s24  }
0xcb: {  	v11 =	vadd.s32 s17, v11  }
0xcc: {  	s20 =	simm.s32 $0x125B0;
	v13, _, _ =	vpop (xrf0);
	v8 =	vadd.s32 v8, v10;
	vm13 =	vgt.s32 v11, $0xFFF  }
0xcd: {  	v10 =	vld [tilespmem:s20+$0xFFFFFE00];
	(v2sf) =	vpush v13, $0xF;
	v9, _, _ =	vpop (xrf0);
	v8 =	vadd.s32 v12, v8;
	v13 =	vsel vm13, $0x1, v1  }
0xce: {  	(v2sf) =	vpush v9, $0xF;
	v9 =	vld [tilespmem:s20+$0xFFFFFC00];
	v8 =	vadd.s32 v14, v8  }
0xcf: {  	v12 =	vld [tilespmem:s20+$0x0];
	(xrf0) =	vadd.scan.msk.s32 $0xffff, v8  }
0xd0: {  	v11 =	vld [tilespmem:s20+$0x200];
	(xrf0) =	vadd.scan.msk.s32 $0xffff, v13;
	v13, _, _ =	vpop (xrf0)  }
0xd1: {  	v8 =	vperm.xlane v8, v4;
	s25 =	spop (v2sf);
	v13 =	vperm.xlane v13, v4  }
0xd2: {  	s17 =	sadd.s32 s17, s25  }
0xd3: {  	(xrf0) =	vadd.scan.msk.s32 $0xffff, v8;
	v8 =	vadd.s32 v9, v10;
	v10 =	vadd.s32 s17, v13  }
0xd4: {  	v8 =	vadd.s32 v12, v8  }
0xd5: {  	v8 =	vadd.s32 v11, v8;
	vm14 =	vgt.s32 v10, $0xFFF  }
0xd6: {  	s19 =	simm.s32 $0x125A0;
	(xrf0) =	vadd.scan.msk.s32 $0xffff, v8;
	v13 =	vsel vm14, $0x1, v1;
	v10, _, _ =	vpop (xrf0)  }
0xd7: {  	v9 =	vld [tilespmem:s19+$0xFFFFFC00];
	v14, _, _ =	vpop (xrf0);
	(xrf0) =	vadd.scan.msk.s32 $0xffff, v13;
	(v2sf) =	vpush v10, $0xF  }
0xd8: {  	v11 =	vld [tilespmem:s19+$0xFFFFFE00]  }
0xd9: {  	v12 =	vld [tilespmem:s19+$0x0]  }
0xda: {  	v15 =	vld [tilespmem:s19+$0x200];
	(v2sf) =	vpush v14, $0xF  }
0xdb: {  	v13, _, _ =	vpop (xrf0)  }
0xdc: {  	v8 =	vperm.xlane v8, v4;
	v10, _, _ =	vpop (xrf0)  }
0xdd: {  	s26 =	spop (v2sf);
	v9 =	vadd.s32 v9, v11;
	(v2sf) =	vpush v10, $0xF;
	v10, _, _ =	vpop (xrf0)  }
0xde: {  	s4 =	simm.s32 $0x12590;
	v9 =	vadd.s32 v12, v9;
	s20 =	spop (v2sf);
	(xrf0) =	vadd.scan.msk.s32 $0xffff, v8;
	v8 =	vperm.xlane v13, v4;
	(v2sf) =	vpush v10, $0xF  }
0xdf: {  	v16 =	vld [tilespmem:s4+$0xFFFFFC00];
	s19 =	sadd.s32 s17, s26;
	v12 =	vadd.s32 v15, v9  }
0xe0: {  	v13 =	vld [tilespmem:s4+$0xFFFFFE00];
	(xrf0) =	vadd.scan.msk.s32 $0xffff, v12;
	v8 =	vadd.s32 s19, v8  }
0xe1: {  	vm15 =	vgt.s32 v8, $0xFFF;
	v8 =	vld [tilespmem:s4+$0x0]  }
0xe2: {  	p4 =	por $0x0, $0x0;
	s29 =	simm.s32 $0x1DF;
	s28 =	simm.s32 $0x1CF;
	v9 =	vld [tilespmem:s4+$0x200];
	v11 =	vsel vm15, $0x1, v1  }
0xe3: {  	s24 =	simm.s32 $0x18F;
	s25 =	simm.s32 $0x19F;
	s6 =	sadd.s32 $0x1EF, s20;
	(xrf0) =	vadd.scan.msk.s32 $0xffff, v11  }
0xe4: {  	s26 =	simm.s32 $0x1BF;
	p5 =	sgt.s32 s20, $0x0;
	s6 =	smov.u32 @p4 s16  }
0xe5: {  	s17 =	simm.s32 $0x1AF;
	s20 =	simm.s32 $0x17F;
	s16 =	smov.u32 @p5 s6;
	v11 =	vadd.s32 v16, v13;
	v10 =	vperm.xlane v12, v4;
	v12, _, _ =	vpop (xrf0)  }
.LBB2_10:
0xe6: {  	p6 =	sne.s32 s20, $0xFFFFFFFF;
	v8 =	vadd.s32 v8, v11;
	s4 =	sadd.s32 $0xFFFFFFF0, s4;
	v11, _, _ =	vpop (xrf0);
	v12 =	vperm.xlane v12, v4;
	s6 =	spop (v2sf)  }
0xe7: {  	v13 =	vld [tilespmem:s4+$0xFFFFFC00];
	v14 =	vadd.s32 v9, v8;
	(xrf0) =	vadd.scan.msk.s32 $0xffff, v10;
	(v2sf) =	vpush v11, $0xF;
	s19 =	sadd.s32 s19, s6  }
0xe8: {  	v10 =	vld [tilespmem:s4+$0xFFFFFE00];
	(xrf0) =	vadd.scan.msk.s32 $0xffff, v14;
	v9 =	vadd.s32 s19, v12  }
.Ltmp6:
0xe9: {  	v8 =	vld [tilespmem:s4+$0x0];
	vm0 =	vgt.s32 v9, $0xFFF;
	v11, _, _ =	vpop (xrf0);
	s6 =	spop (v2sf);
	(pc) =	sbr.rel @p6 .LBB2_10-.Ltmp6, $4  }
0xea: {  	p4 =	por p4, p5;
	v9 =	vld [tilespmem:s4+$0x200];
	v12 =	vsel vm0, $0x1, v1;
	(v2sf) =	vpush v11, $0xF;
	s7 =	sadd.s32 s29, s6;
	s29 =	smov.u32 s28  }
0xeb: {  	p5 =	sgt.s32 s6, $0x0;
	s28 =	smov.u32 s26;
	(xrf0) =	vadd.scan.msk.s32 $0xffff, v12;
	s7 =	smov.u32 @p4 s16  }
0xec: {  	s26 =	smov.u32 s17;
	s17 =	smov.u32 s25;
	s16 =	smov.u32 @p5 s7  }
0xed: {  	s25 =	smov.u32 s24;
	s24 =	smov.u32 s20;
	s20 =	sadd.s32 $0xFFFFFFF0, s20;
	v11 =	vadd.s32 v13, v10;
	v10 =	vperm.xlane v14, v4;
	v12, _, _ =	vpop (xrf0)  }
0xee: {  	v13, _, _ =	vpop (xrf0)  }
0xef: {  	(v2sf) =	vpush v13, $0xF;
	_ =	sdelay $0x1  }
0xf0: {  	v12 =	vperm.xlane v12, v4;
	s4 =	spop (v2sf)  }
0xf1: {  	s4 =	sadd.s32 s19, s4  }
0xf2: {  	v8 =	vadd.s32 v8, v11;
	v11 =	vadd.s32 s4, v12  }
0xf3: {  	v8 =	vadd.s32 v9, v8;
	(xrf0) =	vadd.scan.msk.s32 $0xffff, v10;
	vm0 =	vgt.s32 v11, $0xFFF  }
0xf4: {  	(xrf0) =	vadd.scan.msk.s32 $0xffff, v8;
	v8 =	vperm.xlane v8, v4;
	v9 =	vsel vm0, $0x1, v1  }
0xf5: {  	(xrf0) =	vadd.scan.msk.s32 $0xffff, v9  }
0xf6: {  	(xrf0) =	vadd.scan.msk.s32 $0xffff, v8;
	_ =	sdelay $0x1  }
0xf7: {  	v8, _, _ =	vpop (xrf0)  }
0xf8: {  	s6 =	spop (v2sf);
	v9, _, _ =	vpop (xrf0)  }
0xf9: {  	v10, _, _ =	vpop (xrf0);
	v9 =	vperm.xlane v9, v4;
	s7 =	spop (v2sf)  }
0xfa: {  	s4 =	sadd.s32 s4, s7;
	v11, _, _ =	vpop (xrf0)  }
0xfb: {  	v9 =	vadd.s32 s4, v9;
	s7 =	spop (v2sf);
	v12, _, _ =	vpop (xrf0)  }
0xfc: {  	vm10 =	vgt.s32 v9, $0xFFF;
	v9 =	vperm.xlane v12, v4;
	s20 =	spop (v2sf)  }
0xfd: {  	s4 =	sadd.s32 s4, s20  }
0xfe: {  	v12 =	vsel vm10, $0x1, v1;
	v9 =	vadd.s32 s4, v9  }
0xff: {  	(xrf0) =	vadd.scan.msk.s32 $0xffff, v12;
	vm11 =	vgt.s32 v9, $0xFFF  }
0x100: {  	v9 =	vsel vm11, $0x1, v1  }
0x101: {  	(v2sf) =	vpush v8, $0xF;
	(xrf0) =	vadd.scan.msk.s32 $0xffff, v9  }
0x102: {  	(v2sf) =	vpush v10, $0xF  }
0x103: {  	(v2sf) =	vpush v11, $0xF;
	_ =	sdelay $0x1  }
0x104: {  	v8, _, _ =	vpop (xrf0)  }
0x105: {  	(v2sf) =	vpush v8, $0xF  }
0x106: {  	v8, _, _ =	vpop (xrf0)  }
0x107: {  	(v2sf) =	vpush v8, $0xF;
	_ =	sdelay $0x4  }
0x108: {  	p4 =	por p4, p5;
	p5 =	sgt.s32 s6, $0x0;
	s4 =	sadd.s32 s29, s6  }
0x109: {  	s4 =	smov.u32 @p4 s16;
	p4 =	por p4, p5  }
0x10a: {  	s16 =	smov.u32 @p5 s4;
	s4 =	sadd.s32 s28, s7;
	p5 =	sgt.s32 s7, $0x0  }
0x10b: {  	s4 =	smov.u32 @p4 s16;
	p4 =	por p4, p5;
	s28 =	spop (v2sf)  }
0x10c: {  	s16 =	smov.u32 @p5 s4;
	s6 =	sadd.s32 s26, s28;
	s29 =	spop (v2sf)  }
0x10d: {  	p5 =	sgt.s32 s28, $0x0;
	s6 =	smov.u32 @p4 s16;
	s7 =	spop (v2sf)  }
0x10e: {  	p4 =	por p4, p5;
	s16 =	smov.u32 @p5 s6;
	s6 =	sadd.s32 s17, s7  }
0x10f: {  	p5 =	sgt.s32 s7, $0x0;
	s6 =	smov.u32 @p4 s16  }
0x110: {  	p4 =	por p4, p5;
	s16 =	smov.u32 @p5 s6;
	s17 =	spop (v2sf)  }
0x111: {  	s6 =	sadd.s32 s25, s17;
	p5 =	sgt.s32 s17, $0x0;
	s17 =	simm.s32 $0x0  }
0x112: {  	s6 =	smov.u32 @p4 s16;
	p4 =	por p4, p5;
	s19 =	spop (v2sf)  }
0x113: {  	s20 =	sand.u32 $0x1F0, s17;
	s16 =	smov.u32 @p5 s6;
	s6 =	sadd.s32 s24, s19  }
0x114: {  	s25 =	simm.s32 $0x10;
	v9 =	vld [tilespmem:s20+$0x12400];
	p5 =	sgt.s32 s19, $0x0;
	s6 =	smov.u32 @p4 s16  }
0x115: {  	v10 =	vld [tilespmem:s20+$0x12200];
	s24 =	simm.s32 $0x12000;
	p4 =	por p4, p5;
	s16 =	smov.u32 @p5 s6  }
0x116: {  	s28 =	simm.s32 $0x20;
	s26 =	sand.u32 $0x1F0, s25;
	v11 =	vld [tilespmem:s24+$0x0];
	s16 =	simm.s32 @!p4 $0x0  }
0x117: {  	s29 =	sand.u32 $0x1F0, s28;
	v12 =	vor.u32 s17, v0;
	v13 =	vld [tilespmem:s26+$0x12400];
	v8 =	vmov s16  }
0x118: {  	v15 =	vld [tilespmem:s29+$0x12400];
	vm12 =	vlt.s32 v12, v8  }
0x119: {  	s7 =	simm.s32 $0x12010;
	v12 =	vld [tilespmem:s26+$0x12200];
	v9 =	vsel vm12, $0x0, v9  }
0x11a: {  	v14 =	vld [tilespmem:s7+$0x0];
	v10 =	vsel vm12, $0x0, v10;
	(xrf0) =	vadd.scan.msk.s32 $0xffff, v9;
	v9 =	vor.u32 s25, v0  }
0x11b: {  	(xrf0) =	vadd.scan.msk.s32 $0xffff, v10;
	v10 =	vsel vm12, $0x0, v11;
	vm13 =	vlt.s32 v9, v8;
	v9 =	vld [tilespmem:s29+$0x12200]  }
0x11c: {  	s19 =	simm.s32 $0x12020;
	(xrf0) =	vadd.scan.msk.s32 $0xffff, v10;
	v11 =	vsel vm13, $0x0, v13  }
0x11d: {  	v10 =	vld [tilespmem:s19+$0x0];
	(xrf0) =	vadd.scan.msk.s32 $0xffff, v11;
	v11 =	vor.u32 s28, v0  }
0x11e: {  	v12 =	vsel vm13, $0x0, v12;
	vm14 =	vlt.s32 v11, v8  }
0x11f: {  	s20 =	simm.s32 $0x30;
	v11 =	vsel vm14, $0x0, v15  }
0x120: {  	s24 =	sand.u32 $0x1F0, s20;
	v13 =	vsel vm13, $0x0, v14;
	(xrf0) =	vadd.scan.msk.s32 $0xffff, v12;
	v9 =	vsel vm14, $0x0, v9  }
0x121: {  	(xrf0) =	vadd.scan.msk.s32 $0xffff, v13;
	v13 =	vld [tilespmem:s24+$0x12400];
	v12, _, _ =	vpop (xrf0)  }
0x122: {  	(xrf0) =	vadd.scan.msk.s32 $0xffff, v11;
	(v2sf) =	vpush v12, $0xF;
	v10 =	vsel vm14, $0x0, v10;
	v11, _, _ =	vpop (xrf0)  }
0x123: {  	(xrf0) =	vadd.scan.msk.s32 $0xffff, v9;
	v9, _, _ =	vpop (xrf0);
	(v2sf) =	vpush v11, $0xF  }
0x124: {  	s25 =	simm.s32 $0x12030;
	(v2sf) =	vpush v9, $0xF;
	v9 =	vor.u32 s20, v0  }
0x125: {  	v14 =	vld [tilespmem:s25+$0x0];
	(xrf0) =	vadd.scan.msk.s32 $0xffff, v10;
	v10, _, _ =	vpop (xrf0);
	vm15 =	vlt.s32 v9, v8  }
0x126: {  	(v2sf) =	vpush v10, $0xF;
	v10 =	vsel vm15, $0x0, v13  }
0x127: {  	v11, _, _ =	vpop (xrf0)  }
0x128: {  	(v2sf) =	vpush v11, $0xF;
	v9, _, _ =	vpop (xrf0)  }
0x129: {  	(xrf0) =	vadd.scan.msk.s32 $0xffff, v10;
	(v2sf) =	vpush v9, $0xF;
	v10, _, _ =	vpop (xrf0)  }
0x12a: {  	v13 =	vsel vm15, $0x0, v14;
	v14, _, _ =	vpop (xrf0);
	(v2sf) =	vpush v10, $0xF  }
0x12b: {  	v12 =	vld [tilespmem:s24+$0x12200];
	(v2sf) =	vpush v14, $0xF;
	_ =	sdelay $0x2  }
0x12c: {  	s26 =	simm.s32 $0x40;
	s28 =	simm.s32 $0x12040  }
0x12d: {  	s29 =	sand.u32 $0x1F0, s26;
	v11 =	vld [tilespmem:s28+$0x0]  }
0x12e: {  	v12 =	vsel vm15, $0x0, v12;
	v9 =	vld [tilespmem:s29+$0x12200]  }
0x12f: {  	v10 =	vld [tilespmem:s29+$0x12400]  }
0x130: {  	s4 =	simm.s32 $0x50;
	(xrf0) =	vadd.scan.msk.s32 $0xffff, v12  }
0x131: {  	s19 =	simm.s32 $0x12050;
	s25 =	simm.s32 $0x0;
	(xrf0) =	vadd.scan.msk.s32 $0xffff, v13;
	v13 =	vor.u32 s26, v0;
	s26 =	simm.s32 $0x0;
	v12, _, _ =	vpop (xrf0)  }
.LBB2_12:
0x132: {  	s6 =	sand.u32 $0x1F0, s4  }
0x133: {  	v14 =	vld [tilespmem:s19+$0x0];
	vm0 =	vlt.s32 v13, v8;
	(v2sf) =	vpush v12, $0xF;
	s7 =	spop (v2sf);
	s20 =	smov.u32 s4;
	p4 =	sne.s32 s4, $0x1F0  }
.Ltmp7:
0x134: {  	s4 =	sadd.s32 $0x10, s4;
	v11 =	vsel vm0, $0x0, v11;
	v12 =	vsel vm0, $0x0, v9;
	v9 =	vld [tilespmem:s6+$0x12200];
	v16 =	vsel vm0, $0x0, v10;
	s17 =	sadd.s32 s17, s7;
	(pc) =	sbr.rel @p4 .LBB2_12-.Ltmp7, $4  }
0x135: {  	v10 =	vld [tilespmem:s6+$0x12400];
	(xrf0) =	vadd.scan.msk.s32 $0xffff, v16;
	v13, _, _ =	vpop (xrf0);
	s6 =	spop (v2sf)  }
0x136: {  	(xrf0) =	vadd.scan.msk.s32 $0xffff, v12;
	v15, _, _ =	vpop (xrf0);
	(v2sf) =	vpush v13, $0xF;
	s25 =	sadd.s32 s25, s6;
	s6 =	spop (v2sf)  }
0x137: {  	(xrf0) =	vadd.scan.msk.s32 $0xffff, v11;
	v12, _, _ =	vpop (xrf0);
	s26 =	sadd.s32 s26, s6  }
0x138: {  	s19 =	sadd.s32 $0x10, s19;
	v13 =	vor.u32 s20, v0;
	(v2sf) =	vpush v15, $0xF;
	v11 =	vmov v14  }
0x139: {  	s4 =	simm.s32 $0x0  }
0x13a: {  	v14 =	vld [tilespmem:s4+$0x0];
	_ =	sdelay $0x4  }
0x13b: {  	v15 =	vmul.f32 $1.677721600e+07, v14;
	_ =	sdelay $0x1  }
0x13c: {  	v15 =	vtrunc.f32 v15  }
0x13d: {  	s7 =	sshll.u32 s16, $0xF;
	v63 =	vcvt.f32.s32 v15  }
0x13e: {  	vm0 =	vlt.s32 v13, v8;
	v8 =	vmov s7  }
0x13f: {  	v10 =	vsel vm0, $0x0, v10;
	vm1 =	vgt.f32 v14, $0.0e+00;
	vm2 =	vle.s32 v8, v63  }
0x140: {  	v9 =	vsel vm0, $0x0, v9;
	(xrf0) =	vadd.scan.msk.s32 $0xffff, v10;
	v10 =	vsel vm0, $0x0, v11;
	vm14 =	vmand vm1, vm2  }
0x141: {  	(xrf0) =	vadd.scan.msk.s32 $0xffff, v9;
	v9 =	vsel vm14, $0x1, v1  }
0x142: {  	(xrf0) =	vadd.scan.msk.s32 $0xffff, v10  }
0x143: {  	(v2sf) =	vpush v12, $0xF;
	v10, _, _ =	vpop (xrf0);
	(xrf0) =	vadd.scan.msk.s32 $0xffff, v9  }
0x144: {  	(v2sf) =	vpush v10, $0xF;
	v9, _, _ =	vpop (xrf0)  }
0x145: {  	v10, _, _ =	vpop (xrf0);
	(v2sf) =	vpush v9, $0xF  }
0x146: {  	(v2sf) =	vpush v10, $0xF;
	v9, _, _ =	vpop (xrf0)  }
0x147: {  	v10, _, _ =	vpop (xrf0);
	(v2sf) =	vpush v9, $0xF  }
0x148: {  	v9, _, _ =	vpop (xrf0);
	(v2sf) =	vpush v10, $0xF  }
0x149: {  	s24 =	simm.s32 $0x0;
	(v2sf) =	vpush v9, $0xF;
	v9 =	vsel vm14, $0xFFFFFFFF, v1;
	v10, _, _ =	vpop (xrf0)  }
0x14a: {  	s16 =	spop (v2sf);
	v9 =	vadd.s32 s24, v9;
	(v2sf) =	vpush v10, $0xF  }
0x14b: {  	s6 =	spop (v2sf);
	v9 =	vadd.s32 v10, v9  }
0x14c: {  	s7 =	spop (v2sf);
	vm15 =	vlt.s32 v9, v5  }
0x14d: {  	s29 =	spop (v2sf);
	v9 =	vsel vm15, v9, v5  }
0x14e: {  	s19 =	spop (v2sf)  }
0x14f: {  	s20 =	spop (v2sf)  }
0x150: {  	s28 =	spop (v2sf)  }
0x151: {  	s4 =	sadd.s32 s17, s16;
	s6 =	sadd.s32 s25, s6;
	s17 =	spop (v2sf)  }
0x152: {  	s7 =	sadd.s32 s26, s7;
	s4 =	sadd.s32 s4, s29;
	s25 =	spop (v2sf);
	v10 =	vor.u32 s5, v0;
	[tilespmem:v9+s30+$0x0] =	vst.idx.msk vm14, v63  }
0x153: {  	s29 =	simm.s32 $0x10;
	s6 =	sadd.s32 s6, s19;
	s16 =	spop (v2sf);
	[tilespmem:v9+s31+$0x0] =	vst.idx.msk vm14, v10  }
0x154: {  	s7 =	sadd.s32 s7, s20;
	s4 =	sadd.s32 s4, s28;
	v9 =	vld [tilespmem:s29+$0x0];
	s29 =	spop (v2sf)  }
0x155: {  	s6 =	sadd.s32 s6, s17;
	s7 =	sadd.s32 s7, s25;
	s20 =	spop (v2sf)  }
0x156: {  	s25 =	simm.s32 $0x80;
	s4 =	sadd.s32 s4, s16;
	s26 =	spop (v2sf)  }
0x157: {  	s16 =	smov.u32 s5;
	s6 =	sadd.s32 s6, s29;
	s28 =	spop (v2sf)  }
0x158: {  	s7 =	sadd.s32 s7, s20;
	s17 =	sadd.s32 s4, s26;
	s29 =	spop (v2sf)  }
0x159: {  	s4 =	sadd.s32 s6, s28;
	s19 =	sadd.s32 s7, s29;
	v10 =	vmul.f32 $1.677721600e+07, v9;
	s20 =	spop (v2sf)  }
.LBB2_14:
0x15a: {  	s24 =	sadd.s32 s24, s20  }
0x15b: {  	v10 =	vtrunc.f32 v10;
	s16 =	sadd.s32 $0x10, s16;
	s6 =	smov.u32 s25;
	s7 =	sadd.s32 $0x40, s25  }
0x15c: {  	p4 =	sne.s32 s25, $0x3FFC0;
	v10 =	vcvt.f32.s32 v10;
	_ =	sdelay $0x1  }
0x15d: {  	vm0 =	vgt.f32 v9, $0.0e+00;
	vm1 =	vle.s32 v8, v10  }
0x15e: {  	vm0 =	vmand vm0, vm1  }
0x15f: {  	v9 =	vsel vm0, $0xFFFFFFFF, v1;
	v11 =	vsel vm0, $0x1, v1  }
0x160: {  	(xrf0) =	vadd.scan.msk.s32 $0xffff, v11;
	_ =	sdelay $0x5  }
0x161: {  	v9 =	vadd.s32 s24, v9;
	v11, _, _ =	vpop (xrf0)  }
0x162: {  	v9 =	vadd.s32 v11, v9;
	(v2sf) =	vpush v11, $0xF  }
0x163: {  	vm1 =	vlt.s32 v9, v5  }
0x164: {  	v9 =	vsel vm1, v9, v5;
	_ =	sdelay $0x4  }
0x165: {  	v11 =	vor.u32 s16, v0;
	[tilespmem:v9+s30+$0x0] =	vst.idx.msk vm0, v10  }
0x166: {  	s6 =	sshra.s32 s6, $0x2;
	[tilespmem:v9+s31+$0x0] =	vst.idx.msk vm0, v11  }
0x167: {  	v9 =	vld [tilespmem:s6+$0x0];
	_ =	sdelay $0x1  }
.Ltmp8:
0x168: {  	(pc) =	sbr.rel @p4 .LBB2_14-.Ltmp8, $3  }
0x169: {  	_ =	sdelay $0x1  }
0x16a: {  	v10 =	vmul.f32 $1.677721600e+07, v9  }
0x16b: {  	s25 =	smov.u32 s7;
	s20 =	spop (v2sf)  }
0x16c: {  	v10 =	vtrunc.f32 v10  }
0x16d: {  	v10 =	vcvt.f32.s32 v10;
	_ =	sdelay $0x1  }
0x16e: {  	vm0 =	vgt.f32 v9, $0.0e+00;
	vm1 =	vle.s32 v8, v10  }
0x16f: {  	vm0 =	vmand vm0, vm1  }
0x170: {  	v8 =	vsel vm0, $0x1, v1  }
0x171: {  	(xrf0) =	vadd.scan.msk.s32 $0xffff, v8;
	_ =	sdelay $0x5  }
0x172: {  	v8, _, _ =	vpop (xrf0)  }
0x173: {  	(v2sf) =	vpush v8, $0xF;
	_ =	sdelay $0x1  }
0x174: {  	s6 =	sadd.s32 $0x7, s19;
	s4 =	sadd.s32 $0x7, s4;
	s17 =	sadd.s32 $0x7, s17  }
0x175: {  	s7 =	sshra.s32 s6, $0x1F;
	s19 =	sand.u32 $0x7, s6;
	p5 =	slt.s32 s6, $0x1  }
0x176: {  	s28 =	sand.u32 $0x7, s4;
	s29 =	sshra.s32 s4, $0x1F;
	p6 =	slt.s32 s4, $0x1  }
0x177: {  	s25 =	sand.u32 $0x7, s17;
	s26 =	sshra.s32 s17, $0x1F;
	p4 =	sne.s32 s19, $0x0  }
0x178: {  	s7 =	sshrl.u32 s7, $0x1D;
	s19 =	sadd.s32 s24, s20;
	s24 =	sshrl.u32 s29, $0x1D  }
0x179: {  	s20 =	simm.s32 $0x1;
	s6 =	sadd.s32 s7, s6;
	p4 =	por !p5, !p4  }
0x17a: {  	s7 =	simm.s32 $0x1;
	p5 =	sne.s32 s28, $0x0;
	s4 =	sadd.s32 s24, s4  }
0x17b: {  	p4 =	por !p4, !p4;
	s6 =	sshrl.u32 s6, $0x3;
	s4 =	sshrl.u32 s4, $0x3  }
0x17c: {  	s7 =	simm.s32 @!p4 $0x0;
	p4 =	por !p6, !p5;
	p5 =	sne.s32 s25, $0x0  }
0x17d: {  	p6 =	slt.s32 s17, $0x1;
	s6 =	ssub.s32 s6, s7;
	p4 =	por !p4, !p4  }
0x17e: {  	s7 =	sshrl.u32 s26, $0x1D;
	s20 =	simm.s32 @!p4 $0x0;
	p4 =	por !p6, !p5  }
0x17f: {  	s7 =	sadd.s32 s7, s17;
	s17 =	simm.s32 $0x1;
	s6 =	sshll.u32 s6, $0x3  }
0x180: {  	p4 =	por !p4, !p4;
	s4 =	ssub.s32 s4, s20;
	s7 =	sshrl.u32 s7, $0x3  }
0x181: {  	s6 =	simm.s32 @p3 $0x0;
	s17 =	simm.s32 @!p4 $0x0;
	s28 =	spop (v2sf)  }
0x182: {  	s4 =	sshll.u32 s4, $0x3;
	s7 =	ssub.s32 s7, s17;
	s17 =	sadd.s32 s19, s28  }
0x183: {  	s4 =	simm.s32 @!p2 $0x0;
	s7 =	sshll.u32 s7, $0x3;
	s29 =	sadd.s32 $0x7, s17  }
0x184: {  	s4 =	sadd.s32 s6, s4;
	s6 =	simm.s32 $0x1;
	s24 =	sand.u32 $0x7, s29  }
0x185: {  	s25 =	sshra.s32 s29, $0x1F;
	p6 =	slt.s32 s29, $0x1;
	p5 =	sne.s32 s24, $0x0  }
0x186: {  	s7 =	simm.s32 @!p1 $0x0;
	s26 =	sshrl.u32 s25, $0x1D;
	p4 =	por !p6, !p5  }
0x187: {  	s17 =	sadd.s32 s7, s4;
	s4 =	sadd.s32 s26, s29;
	p4 =	por !p4, !p4  }
0x188: {  	p5 =	slt.s32 s17, $0x1800;
	s4 =	sshrl.u32 s4, $0x3;
	s6 =	simm.s32 @!p4 $0x0  }
0x189: {  	s17 =	simm.s32 @!p5 $0x1800;
	s4 =	ssub.s32 s4, s6  }
0x18a: {  	s6 =	sshll.u32 s4, $0x3;
	s4 =	ssub.s32 $0x1810, s17  }
0x18b: {  	p4 =	slt.s32 s6, s4  }
0x18c: {  	s4 =	smov.u32 @p4 s6  }
0x18d: {  	s6 =	sshra.s32 s4, $0x1F  }
0x18e: {  	s6 =	sshrl.u32 s6, $0x1A  }
0x18f: {  	s6 =	sadd.s32 s6, s4  }
0x190: {  	s28 =	sand.u32 $0xFFFFFFC0, s6  }
0x191: {  	v62 =	vsel vm0, $0xFFFFFFFF, v1;
	p4 =	slt.s32 s4, $0x1;
	p6 =	sne.s32 s4, s28  }
0x192: {  	v9 =	vadd.s32 s19, v62;
	p4 =	por !p4, !p6  }
0x193: {  	v8 =	vadd.s32 v8, v9;
	s7 =	simm.s32 $0x1;
	p4 =	por !p4, !p4  }
0x194: {  	vm15 =	vlt.s32 v8, v5;
	s6 =	sshra.s32 s6, $0x6;
	s7 =	simm.s32 @!p4 $0x0  }
0x195: {  	v8 =	vsel vm15, v8, v5;
	s29 =	sadd.s32 $0x10, s16;
	s16 =	ssub.s32 s6, s7  }
0x196: {  	p4 =	slt.s32 s16, $0x1  }
.Ltmp9:
0x197: {  	_ = 	snop;
	(pc) =	sbr.rel @p4 .LBB2_19-.Ltmp9, $3  }
0x198: {  	_ =	sdelay $0x1  }
0x199: {  	[tilespmem:v8+s30+$0x0] =	vst.idx.msk vm0, v10;
	v63 =	vor.u32 s29, v0  }
0x19a: {  	[tilespmem:v8+s31+$0x0] =	vst.idx.msk vm0, v63  }
0x19b: {  	s6 =	sshll.u32 s17, $0x2  }
0x19c: {  	s7 =	rddreg [dreg:$0xd];
	s6 =	sshra.s32 s6, $0x2  }
0x19d: {  	s26 =	simm.s32 $0x14B00;
	s19 =	sadd.s32 s6, s7  }
0x19e: {  	[spmem:s19] =	stream.linear.scatter [tilespmem:s26], [sflag:$0x1], $0x40, $0x38;
	[tilespmem:$0x1EB10] =	vst v63  }
0x19f: {  	p4 =	sne.s32 s16, $0x1;
	_ =	swait.ge [sflag:s23], $0x40  }
.Ltmp10:
0x1a0: {  	[sflag:s23] =	ssyncset.done $0x0;
	s28 =	rddreg [dreg:$0xc];
	(pc) =	sbr.rel @!p4 .LBB2_18-.Ltmp10, $4  }
0x1a1: {  	s29 =	simm.s32 $0x16380;
	s20 =	sadd.s32 s6, s28;
	[sflag:s23] =	ssyncadd.s32 $0xFFFFFFC0  }
0x1a2: {  	[spmem:s20] =	stream.linear.scatter [tilespmem:s29], [sflag:$0x1], $0x40, $0x38;
	[tilespmem:$0x1EB10] =	vst v63  }
0x1a3: {  	s24 =	sadd.s32 $0xFFFFFFFF, s16;
	_ =	swait.ge [sflag:s23], $0x40  }
0x1a4: {  	s25 =	simm.s32 $0x14B40;
	s26 =	simm.s32 $0x163C0;
	[sflag:s23] =	ssyncset.done $0x0  }
.LBB2_17:
0x1a5: {  	[sflag:s23] =	ssyncadd.s32 $0xFFFFFFC0;
	s20 =	sadd.s32 $0x40, s20;
	s19 =	sadd.s32 $0x40, s19  }
0x1a6: {  	[spmem:s19] =	stream.linear.scatter [tilespmem:s25], [sflag:$0x1], $0x40, $0x38;
	[tilespmem:$0x1EB10] =	vst v63  }
0x1a7: {  	p4 =	sne.s32 s24, $0x1;
	s24 =	sadd.s32 $0xFFFFFFFF, s24;
	_ =	swait.ge [sflag:s23], $0x40  }
.Ltmp11:
0x1a8: {  	[sflag:s23] =	ssyncset.done $0x0;
	(pc) =	sbr.rel @p4 .LBB2_17-.Ltmp11, $4  }
0x1a9: {  	[sflag:s23] =	ssyncadd.s32 $0xFFFFFFC0  }
0x1aa: {  	[spmem:s20] =	stream.linear.scatter [tilespmem:s26], [sflag:$0x1], $0x40, $0x38;
	[tilespmem:$0x1EB10] =	vst v63  }
0x1ab: {  	_ =	swait.ge [sflag:s23], $0x40  }
0x1ac: {  	s25 =	sadd.s32 $0x40, s25;
	s26 =	sadd.s32 $0x40, s26;
	[sflag:s23] =	ssyncset.done $0x0  }
.LBB2_18:
0x1ad: {  	[sflag:s23] =	ssyncadd.s32 $0xFFFFFFC0  }
.LBB2_19:
0x1ae: {  	s4 =	sshrl.u32 s4, $0x3  }
0x1af: {  	s19 =	sand.u32 $0x7, s4  }
0x1b0: {  	p4 =	seq.s32 s19, $0x0  }
.Ltmp12:
0x1b1: {  	_ = 	snop;
	(pc) =	sbr.rel @p4 .LBB2_23-.Ltmp12, $1  }
0x1b2: {  	_ =	sdelay $0x3  }
0x1b3: {  	s6 =	rddreg [dreg:$0x7]  }
0x1b4: {  	s4 =	sshll.u32 s16, $0x6;
	s6 =	sadd.s32 s17, s6  }
0x1b5: {  	s4 =	sadd.s32 s4, s6  }
0x1b6: {  	s26 =	sshll.u32 s16, $0x8;
	s4 =	sshll.u32 s4, $0x2  }
0x1b7: {  	s28 =	rddreg [dreg:$0x4];
	s6 =	sshra.s32 s26, $0x2;
	s7 =	sshra.s32 s4, $0x2  }
0x1b8: {  	s4 =	sadd.s32 $0x14B00, s6;
	s20 =	sadd.s32 s7, s28  }
0x1b9: {  	[spmem:s20] =	stream.linear.scatter [tilespmem:s4], [sflag:$0x1], $0x8, $0x38;
	[tilespmem:$0x1EB10] =	vst v63  }
0x1ba: {  	_ =	swait.ge [sflag:s23], $0x8  }
0x1bb: {  	p4 =	sne.s32 s19, $0x1;
	[sflag:s23] =	ssyncset.done $0x0  }
.Ltmp13:
0x1bc: {  	s29 =	rddreg [dreg:$0x5];
	(pc) =	sbr.rel @!p4 .LBB2_22-.Ltmp13, $4  }
0x1bd: {  	s16 =	sadd.s32 $0x16380, s6;
	[sflag:s23] =	ssyncadd.s32 $0xFFFFFFF8;
	s6 =	sadd.s32 s7, s29  }
0x1be: {  	[spmem:s6] =	stream.linear.scatter [tilespmem:s16], [sflag:$0x1], $0x8, $0x38;
	[tilespmem:$0x1EB10] =	vst v63  }
0x1bf: {  	s17 =	sadd.s32 $0xFFFFFFFF, s19;
	_ =	swait.ge [sflag:s23], $0x8  }
0x1c0: {  	s20 =	sadd.s32 $0x8, s20;
	s19 =	sadd.s32 $0x8, s6;
	[sflag:s23] =	ssyncset.done $0x0  }
.LBB2_21:
0x1c1: {  	[sflag:s23] =	ssyncadd.s32 $0xFFFFFFF8;
	s16 =	sadd.s32 $0x8, s16;
	s4 =	sadd.s32 $0x8, s4  }
0x1c2: {  	[spmem:s20] =	stream.linear.scatter [tilespmem:s4], [sflag:$0x1], $0x8, $0x38;
	[tilespmem:$0x1EB10] =	vst v63  }
0x1c3: {  	p4 =	sne.s32 s17, $0x1;
	s17 =	sadd.s32 $0xFFFFFFFF, s17;
	_ =	swait.ge [sflag:s23], $0x8  }
.Ltmp14:
0x1c4: {  	[sflag:s23] =	ssyncset.done $0x0;
	(pc) =	sbr.rel @p4 .LBB2_21-.Ltmp14, $4  }
0x1c5: {  	[sflag:s23] =	ssyncadd.s32 $0xFFFFFFF8  }
0x1c6: {  	[spmem:s19] =	stream.linear.scatter [tilespmem:s16], [sflag:$0x1], $0x8, $0x38;
	[tilespmem:$0x1EB10] =	vst v63  }
0x1c7: {  	_ =	swait.ge [sflag:s23], $0x8  }
0x1c8: {  	s20 =	sadd.s32 $0x8, s20;
	s19 =	sadd.s32 $0x8, s19;
	[sflag:s23] =	ssyncset.done $0x0  }
.LBB2_22:
0x1c9: {  	[sflag:s23] =	ssyncadd.s32 $0xFFFFFFF8  }
.LBB2_23:
.Ltmp15:
0x1ca: {  	(pc) =	sbr.rel @p0 .LBB2_57-.Ltmp15, $2  }
0x1cb: {  	_ =	sdelay $0x1  }
0x1cc: {  	[bflag:$0x0] =	sbarrier.arrive $0xFFFF;
	_ =	sdelay $0x1  }
0x1cd: {  	[tilespmem:s30], [sflag:$0x1] =	stream.linear.gather [spmem:s9], $0x1810, $0x38;
	[tilespmem:$0x1EB10] =	vst v63  }
0x1ce: {  	_ =	swait.ge [sflag:s23], $0x1810  }
0x1cf: {  	[sflag:s23] =	ssyncset.done $0x0  }
0x1d0: {  	[sflag:s23] =	ssyncadd.s32 $0xFFFFE7F0  }
0x1d1: {  	[tilespmem:s31], [sflag:$0x1] =	stream.linear.gather [spmem:s10], $0x1810, $0x38;
	[tilespmem:$0x1EB10] =	vst v63  }
0x1d2: {  	_ =	swait.ge [sflag:s23], $0x1810  }
0x1d3: {  	s4 =	simm.s32 $0x0;
	[sflag:s23] =	ssyncset.done $0x0  }
0x1d4: {  	s16 =	simm.s32 $0x40;
	s17 =	simm.s32 $0x0;
	[sflag:s23] =	ssyncadd.s32 $0xFFFFE7F0  }
.LBB2_25:
0x1d5: {  	p4 =	sne.s32 s16, $0x3FC0;
	[tilespmem:s17+$0x12A00] =	vst v1;
	s6 =	smov.u32 s16;
	s16 =	sadd.s32 $0x40, s16  }
.Ltmp16:
0x1d6: {  	(pc) =	sbr.rel @p4 .LBB2_25-.Ltmp16, $2  }
0x1d7: {  	_ =	sdelay $0x2  }
0x1d8: {  	s17 =	sshra.s32 s6, $0x2  }
0x1d9: {  	v8 =	vadd.s32 s4, v6;
	_ =	sdelay $0x3  }
0x1da: {  	[tilespmem:s17+$0x12A00] =	vst v1  }
0x1db: {  	v8 =	vld.idx.msk [tilespmem:v8+s30+$0x0], $0xffff;
	_ =	sdelay $0x4  }
0x1dc: {  	v8 =	vand.u32 $0xFF, v8  }
0x1dd: {  	s29 =	simm.s32 $0x1;
	v8 =	vor.u32 v7, v8  }
0x1de: {  	s4 =	simm.s32 $0x2;
	v9 =	vadd.s32 s29, v6  }
.LBB2_27:
0x1df: {  	p4 =	sne.s32 s4, $0x180;
	_ =	sdelay $0x2  }
0x1e0: {  	[tilespmem:v8+s0+$0x0] =	vst.idx.add.s32.msk $0xffff, v3  }
0x1e1: {  	v8 =	vld.idx.msk [tilespmem:v9+s30+$0x0], $0xffff;
	_ =	sdelay $0x3  }
.Ltmp17:
0x1e2: {  	(pc) =	sbr.rel @p4 .LBB2_27-.Ltmp17, $4  }
0x1e3: {  	_ = 	snop  }
0x1e4: {  	v8 =	vand.u32 $0xFF, v8  }
0x1e5: {  	v8 =	vor.u32 v7, v8  }
0x1e6: {  	v9 =	vadd.s32 s4, v6;
	s4 =	sadd.s32 $0x1, s4  }
0x1e7: {  	_ =	sdelay $0x3  }
0x1e8: {  	[tilespmem:v8+s0+$0x0] =	vst.idx.add.s32.msk $0xffff, v3  }
0x1e9: {  	v8 =	vld.idx.msk [tilespmem:v9+s30+$0x0], $0xffff;
	_ =	sdelay $0x4  }
0x1ea: {  	v8 =	vand.u32 $0xFF, v8  }
0x1eb: {  	v8 =	vor.u32 v7, v8;
	_ =	sdelay $0x4  }
0x1ec: {  	s17 =	simm.s32 $0x0;
	[tilespmem:v8+s0+$0x0] =	vst.idx.add.s32.msk $0xffff, v3  }
0x1ed: {  	v8 =	vld [tilespmem:s17+$0x12AF0]  }
0x1ee: {  	v9 =	vld [tilespmem:s17+$0x12BF0]  }
0x1ef: {  	v10 =	vld [tilespmem:s17+$0x12CF0]  }
0x1f0: {  	v11 =	vld [tilespmem:s17+$0x12DF0]  }
0x1f1: {  	v12 =	vld [tilespmem:s17+$0x12EF0]  }
0x1f2: {  	v13 =	vld [tilespmem:s17+$0x12FF0]  }
0x1f3: {  	v8 =	vadd.s32 v8, v9;
	v9 =	vld [tilespmem:s17+$0x130F0]  }
0x1f4: {  	v8 =	vadd.s32 v10, v8;
	v10 =	vld [tilespmem:s17+$0x131F0]  }
0x1f5: {  	v8 =	vadd.s32 v11, v8;
	v11 =	vld [tilespmem:s17+$0x132F0]  }
0x1f6: {  	v8 =	vadd.s32 v12, v8;
	v12 =	vld [tilespmem:s17+$0x133F0]  }
0x1f7: {  	v8 =	vadd.s32 v13, v8;
	v13 =	vld [tilespmem:s17+$0x134F0]  }
0x1f8: {  	v8 =	vadd.s32 v9, v8;
	v9 =	vld [tilespmem:s17+$0x135F0]  }
0x1f9: {  	v8 =	vadd.s32 v10, v8;
	v10 =	vld [tilespmem:s17+$0x136F0]  }
0x1fa: {  	v8 =	vadd.s32 v11, v8;
	v11 =	vld [tilespmem:s17+$0x137F0]  }
0x1fb: {  	v8 =	vadd.s32 v12, v8;
	v12 =	vld [tilespmem:s17+$0x138F0]  }
0x1fc: {  	s16 =	simm.s32 $0xFFFFFFF0;
	v8 =	vadd.s32 v13, v8;
	v13 =	vld [tilespmem:s17+$0x139F0]  }
0x1fd: {  	v14 =	vld [tilespmem:s16+$0x12AF0];
	v8 =	vadd.s32 v9, v8  }
0x1fe: {  	v9 =	vld [tilespmem:s16+$0x12BF0];
	v8 =	vadd.s32 v10, v8  }
0x1ff: {  	v10 =	vld [tilespmem:s16+$0x12CF0];
	v8 =	vadd.s32 v11, v8  }
0x200: {  	v11 =	vld [tilespmem:s16+$0x12DF0];
	v8 =	vadd.s32 v12, v8  }
0x201: {  	v12 =	vld [tilespmem:s16+$0x12EF0];
	v13 =	vadd.s32 v13, v8  }
0x202: {  	v8 =	vld [tilespmem:s16+$0x12FF0];
	v15 =	vperm.xlane v13, v4;
	(xrf0) =	vadd.scan.msk.s32 $0xffff, v13  }
0x203: {  	v9 =	vadd.s32 v14, v9;
	v14 =	vld [tilespmem:s16+$0x130F0]  }
0x204: {  	v9 =	vadd.s32 v10, v9;
	v10 =	vld [tilespmem:s16+$0x131F0];
	(xrf0) =	vadd.scan.msk.s32 $0xffff, v15  }
0x205: {  	v9 =	vadd.s32 v11, v9;
	v11 =	vld [tilespmem:s16+$0x132F0]  }
0x206: {  	v9 =	vadd.s32 v12, v9;
	v12 =	vld [tilespmem:s16+$0x133F0]  }
0x207: {  	v15 =	vld [tilespmem:s16+$0x134F0];
	v8 =	vadd.s32 v8, v9  }
0x208: {  	v8 =	vadd.s32 v14, v8;
	v14 =	vld [tilespmem:s16+$0x135F0];
	v16, _, _ =	vpop (xrf0)  }
0x209: {  	v9 =	vld [tilespmem:s16+$0x136F0];
	v8 =	vadd.s32 v10, v8;
	(v2sf) =	vpush v16, $0xF  }
0x20a: {  	v10 =	vadd.s32 v11, v8;
	v8 =	vld [tilespmem:s16+$0x137F0];
	v11, _, _ =	vpop (xrf0)  }
0x20b: {  	s25 =	simm.s32 $0x0;
	v12 =	vadd.s32 v12, v10;
	v10 =	vld [tilespmem:s16+$0x138F0];
	v17 =	vperm.xlane v11, v4  }
0x20c: {  	s4 =	simm.s32 $0xFFFFFFE0;
	v18 =	vsub.s32 s25, v13;
	v13 =	vadd.s32 v15, v12;
	v12 =	vld [tilespmem:s16+$0x139F0]  }
0x20d: {  	s19 =	simm.s32 $0xFFFFFF40;
	s24 =	simm.s32 $0x0;
	v11 =	vld [tilespmem:s4+$0x12AF0];
	v13 =	vadd.s32 v14, v13;
	v14 =	vadd.s32 v17, v18  }
.LBB2_29:
0x20e: {  	p4 =	sne.s32 s19, $0xFFFFFC40;
	v15 =	vld [tilespmem:s4+$0x12BF0];
	v9 =	vadd.s32 v9, v13;
	[tilespmem:s17+$0x13AF0] =	vst v14;
	s17 =	smov.u32 s16;
	s16 =	smov.u32 s4  }
0x20f: {  	v13 =	vld [tilespmem:s16+$0x12CF0];
	v8 =	vadd.s32 v8, v9  }
0x210: {  	v9 =	vld [tilespmem:s16+$0x12DF0];
	v8 =	vadd.s32 v10, v8  }
0x211: {  	v10 =	vld [tilespmem:s16+$0x12EF0];
	v12 =	vadd.s32 v12, v8  }
0x212: {  	v8 =	vld [tilespmem:s16+$0x12FF0];
	v14 =	vperm.xlane v12, v4;
	(xrf0) =	vadd.scan.msk.s32 $0xffff, v12  }
0x213: {  	v11 =	vadd.s32 v11, v15;
	v15 =	vld [tilespmem:s16+$0x130F0]  }
0x214: {  	v11 =	vadd.s32 v13, v11;
	v13 =	vld [tilespmem:s16+$0x131F0];
	(xrf0) =	vadd.scan.msk.s32 $0xffff, v14  }
0x215: {  	v9 =	vadd.s32 v9, v11;
	v11 =	vld [tilespmem:s16+$0x132F0]  }
0x216: {  	v9 =	vadd.s32 v10, v9;
	v10 =	vld [tilespmem:s16+$0x133F0]  }
0x217: {  	v8 =	vadd.s32 v8, v9;
	v14 =	vld [tilespmem:s16+$0x134F0]  }
0x218: {  	v8 =	vadd.s32 v15, v8;
	v15 =	vld [tilespmem:s16+$0x135F0];
	v16, _, _ =	vpop (xrf0);
	s4 =	spop (v2sf)  }
.Ltmp18:
0x219: {  	v8 =	vadd.s32 v13, v8;
	v9 =	vld [tilespmem:s16+$0x136F0];
	(v2sf) =	vpush v16, $0xF;
	s24 =	sadd.s32 s24, s4;
	(pc) =	sbr.rel @p4 .LBB2_29-.Ltmp18, $4  }
0x21a: {  	v11 =	vadd.s32 v11, v8;
	v8 =	vld [tilespmem:s16+$0x137F0];
	v16 =	vsub.s32 s24, v12;
	v12, _, _ =	vpop (xrf0)  }
0x21b: {  	v11 =	vadd.s32 v10, v11;
	v10 =	vld [tilespmem:s16+$0x138F0];
	v17 =	vperm.xlane v12, v4  }
0x21c: {  	s4 =	sshra.s32 s19, $0x2;
	v13 =	vadd.s32 v14, v11;
	v12 =	vld [tilespmem:s16+$0x139F0]  }
0x21d: {  	s19 =	sadd.s32 $0xFFFFFFC0, s19;
	v11 =	vld [tilespmem:s4+$0x12AF0];
	v13 =	vadd.s32 v15, v13;
	v14 =	vadd.s32 v17, v16  }
0x21e: {  	v15 =	vld [tilespmem:s4+$0x12BF0];
	[tilespmem:s17+$0x13AF0] =	vst v14  }
0x21f: {  	v14 =	vld [tilespmem:s4+$0x12CF0]  }
0x220: {  	v9 =	vadd.s32 v9, v13;
	v54 =	vld [tilespmem:s4+$0x12DF0]  }
0x221: {  	v8 =	vadd.s32 v8, v9;
	v9 =	vld [tilespmem:s4+$0x12EF0]  }
0x222: {  	v8 =	vadd.s32 v10, v8;
	v10 =	vld [tilespmem:s4+$0x12FF0]  }
0x223: {  	v55 =	vld [tilespmem:s4+$0x130F0];
	v8 =	vadd.s32 v12, v8;
	v11 =	vadd.s32 v11, v15  }
0x224: {  	v56 =	vld [tilespmem:s4+$0x131F0];
	(xrf0) =	vadd.scan.msk.s32 $0xffff, v8;
	v11 =	vadd.s32 v14, v11  }
0x225: {  	v57 =	vld [tilespmem:s4+$0x132F0];
	v11 =	vadd.s32 v54, v11  }
0x226: {  	v9 =	vadd.s32 v9, v11;
	v11 =	vld [tilespmem:s4+$0x133F0]  }
0x227: {  	v9 =	vadd.s32 v10, v9;
	v10 =	vld [tilespmem:s4+$0x134F0]  }
0x228: {  	v58 =	vld [tilespmem:s4+$0x135F0];
	v9 =	vadd.s32 v55, v9  }
0x229: {  	v59 =	vld [tilespmem:s4+$0x136F0];
	v9 =	vadd.s32 v56, v9  }
0x22a: {  	v61 =	vld [tilespmem:s4+$0x137F0];
	v60, _, _ =	vpop (xrf0);
	v9 =	vadd.s32 v57, v9  }
0x22b: {  	(v2sf) =	vpush v60, $0xF;
	v9 =	vadd.s32 v11, v9;
	v11 =	vld [tilespmem:s4+$0x138F0]  }
0x22c: {  	v9 =	vadd.s32 v10, v9;
	v10 =	vld [tilespmem:s4+$0x139F0]  }
0x22d: {  	v9 =	vadd.s32 v58, v9  }
0x22e: {  	v9 =	vadd.s32 v59, v9  }
0x22f: {  	v9 =	vadd.s32 v61, v9  }
0x230: {  	v62 =	vperm.xlane v8, v4;
	v9 =	vadd.s32 v11, v9  }
0x231: {  	v9 =	vadd.s32 v10, v9  }
0x232: {  	(xrf0) =	vadd.scan.msk.s32 $0xffff, v62;
	v10 =	vperm.xlane v9, v4  }
0x233: {  	(xrf0) =	vadd.scan.msk.s32 $0xffff, v9  }
0x234: {  	(xrf0) =	vadd.scan.msk.s32 $0xffff, v10;
	_ =	sdelay $0x3  }
0x235: {  	v10, _, _ =	vpop (xrf0)  }
0x236: {  	s6 =	spop (v2sf);
	v11, _, _ =	vpop (xrf0)  }
0x237: {  	s6 =	sadd.s32 s24, s6;
	v10 =	vperm.xlane v10, v4;
	s7 =	spop (v2sf);
	v63, _, _ =	vpop (xrf0)  }
0x238: {  	v8 =	vsub.s32 s6, v8;
	s6 =	sadd.s32 s6, s7;
	v12 =	vperm.xlane v63, v4  }
0x239: {  	v8 =	vadd.s32 v10, v8;
	v9 =	vsub.s32 s6, v9  }
0x23a: {  	[tilespmem:s16+$0x13AF0] =	vst v8;
	v8 =	vadd.s32 v12, v9  }
0x23b: {  	s16 =	simm.s32 $0x13A00;
	[tilespmem:s4+$0x13AF0] =	vst v8  }
0x23c: {  	v8 =	vld [tilespmem:s16+$0x0];
	_ =	sdelay $0x3  }
0x23d: {  	s17 =	simm.s32 $0x14200  }
0x23e: {  	s24 =	simm.s32 $0x13100;
	[tilespmem:s17+$0xFFFFF900] =	vst v8  }
0x23f: {  	v9 =	vld [tilespmem:s24+$0xFFFFF900];
	_ =	sdelay $0x4  }
0x240: {  	v8 =	vadd.s32 v8, v9  }
0x241: {  	[tilespmem:s17+$0xFFFFFA00] =	vst v8  }
0x242: {  	v9 =	vld [tilespmem:s24+$0xFFFFFA00];
	_ =	sdelay $0x4  }
0x243: {  	v8 =	vadd.s32 v8, v9  }
0x244: {  	[tilespmem:s17+$0xFFFFFB00] =	vst v8  }
0x245: {  	v9 =	vld [tilespmem:s24+$0xFFFFFB00];
	_ =	sdelay $0x4  }
0x246: {  	v8 =	vadd.s32 v8, v9  }
0x247: {  	[tilespmem:s17+$0xFFFFFC00] =	vst v8  }
0x248: {  	v9 =	vld [tilespmem:s24+$0xFFFFFC00];
	_ =	sdelay $0x4  }
0x249: {  	v8 =	vadd.s32 v8, v9  }
0x24a: {  	[tilespmem:s17+$0xFFFFFD00] =	vst v8  }
0x24b: {  	v9 =	vld [tilespmem:s24+$0xFFFFFD00];
	_ =	sdelay $0x4  }
0x24c: {  	v8 =	vadd.s32 v8, v9  }
0x24d: {  	[tilespmem:s17+$0xFFFFFE00] =	vst v8  }
0x24e: {  	v9 =	vld [tilespmem:s24+$0xFFFFFE00];
	_ =	sdelay $0x4  }
0x24f: {  	v8 =	vadd.s32 v8, v9  }
0x250: {  	[tilespmem:s17+$0xFFFFFF00] =	vst v8  }
0x251: {  	v9 =	vld [tilespmem:s24+$0xFFFFFF00];
	_ =	sdelay $0x4  }
0x252: {  	v8 =	vadd.s32 v8, v9  }
0x253: {  	[tilespmem:s17+$0x0] =	vst v8  }
0x254: {  	v9 =	vld [tilespmem:s24+$0x0];
	_ =	sdelay $0x4  }
0x255: {  	v8 =	vadd.s32 v8, v9  }
0x256: {  	[tilespmem:s17+$0x100] =	vst v8  }
0x257: {  	v9 =	vld [tilespmem:s24+$0x100];
	_ =	sdelay $0x4  }
0x258: {  	v8 =	vadd.s32 v8, v9  }
0x259: {  	[tilespmem:s17+$0x200] =	vst v8  }
0x25a: {  	v9 =	vld [tilespmem:s24+$0x200];
	_ =	sdelay $0x4  }
0x25b: {  	v8 =	vadd.s32 v8, v9  }
0x25c: {  	[tilespmem:s17+$0x300] =	vst v8  }
0x25d: {  	v9 =	vld [tilespmem:s24+$0x300];
	_ =	sdelay $0x4  }
0x25e: {  	v8 =	vadd.s32 v8, v9  }
0x25f: {  	[tilespmem:s17+$0x400] =	vst v8  }
0x260: {  	v9 =	vld [tilespmem:s24+$0x400];
	_ =	sdelay $0x4  }
0x261: {  	v8 =	vadd.s32 v8, v9  }
0x262: {  	[tilespmem:s17+$0x500] =	vst v8  }
0x263: {  	v9 =	vld [tilespmem:s24+$0x500];
	_ =	sdelay $0x3  }
0x264: {  	(v2sf) =	vpush v11, $0xF  }
0x265: {  	v8 =	vadd.s32 v8, v9  }
0x266: {  	[tilespmem:s17+$0x600] =	vst v8  }
0x267: {  	v9 =	vld [tilespmem:s24+$0x600];
	_ =	sdelay $0x4  }
0x268: {  	v8 =	vadd.s32 v8, v9  }
0x269: {  	[tilespmem:s17+$0x700] =	vst v8  }
0x26a: {  	v9 =	vld [tilespmem:s24+$0x700];
	_ =	sdelay $0x4  }
0x26b: {  	s26 =	simm.s32 $0x10;
	s4 =	sand.u32 $0xF0, s25;
	s29 =	spop (v2sf);
	v8 =	vadd.s32 v8, v9  }
.LBB2_31:
0x26c: {  	[tilespmem:s4+$0x14A00] =	vst v8;
	s16 =	sadd.s32 $0x10, s16;
	s17 =	sadd.s32 $0x10, s17;
	s24 =	sadd.s32 $0x10, s24  }
0x26d: {  	p4 =	sne.s32 s26, $0xF0;
	s25 =	smov.u32 s26;
	s26 =	sadd.s32 $0x10, s26;
	v8 =	vld [tilespmem:s16+$0x0]  }
0x26e: {  	_ =	sdelay $0x3  }
0x26f: {  	[tilespmem:s17+$0xFFFFF900] =	vst v8  }
0x270: {  	v9 =	vld [tilespmem:s24+$0xFFFFF900];
	_ =	sdelay $0x4  }
0x271: {  	v8 =	vadd.s32 v8, v9  }
0x272: {  	[tilespmem:s17+$0xFFFFFA00] =	vst v8  }
0x273: {  	v9 =	vld [tilespmem:s24+$0xFFFFFA00];
	_ =	sdelay $0x4  }
0x274: {  	v8 =	vadd.s32 v8, v9  }
0x275: {  	[tilespmem:s17+$0xFFFFFB00] =	vst v8  }
0x276: {  	v9 =	vld [tilespmem:s24+$0xFFFFFB00];
	_ =	sdelay $0x4  }
0x277: {  	v8 =	vadd.s32 v8, v9  }
0x278: {  	[tilespmem:s17+$0xFFFFFC00] =	vst v8  }
0x279: {  	v9 =	vld [tilespmem:s24+$0xFFFFFC00];
	_ =	sdelay $0x4  }
0x27a: {  	v8 =	vadd.s32 v8, v9  }
0x27b: {  	[tilespmem:s17+$0xFFFFFD00] =	vst v8  }
0x27c: {  	v9 =	vld [tilespmem:s24+$0xFFFFFD00];
	_ =	sdelay $0x4  }
0x27d: {  	v8 =	vadd.s32 v8, v9  }
0x27e: {  	[tilespmem:s17+$0xFFFFFE00] =	vst v8  }
0x27f: {  	v9 =	vld [tilespmem:s24+$0xFFFFFE00];
	_ =	sdelay $0x4  }
0x280: {  	v8 =	vadd.s32 v8, v9  }
0x281: {  	[tilespmem:s17+$0xFFFFFF00] =	vst v8  }
0x282: {  	v9 =	vld [tilespmem:s24+$0xFFFFFF00];
	_ =	sdelay $0x4  }
0x283: {  	v8 =	vadd.s32 v8, v9  }
0x284: {  	[tilespmem:s17+$0x0] =	vst v8  }
0x285: {  	v9 =	vld [tilespmem:s24+$0x0];
	_ =	sdelay $0x4  }
0x286: {  	v8 =	vadd.s32 v8, v9  }
0x287: {  	[tilespmem:s17+$0x100] =	vst v8  }
0x288: {  	v9 =	vld [tilespmem:s24+$0x100];
	_ =	sdelay $0x4  }
0x289: {  	v8 =	vadd.s32 v8, v9  }
0x28a: {  	[tilespmem:s17+$0x200] =	vst v8  }
0x28b: {  	v9 =	vld [tilespmem:s24+$0x200];
	_ =	sdelay $0x4  }
0x28c: {  	v8 =	vadd.s32 v8, v9  }
0x28d: {  	[tilespmem:s17+$0x300] =	vst v8  }
0x28e: {  	v9 =	vld [tilespmem:s24+$0x300];
	_ =	sdelay $0x4  }
0x28f: {  	v8 =	vadd.s32 v8, v9  }
0x290: {  	[tilespmem:s17+$0x400] =	vst v8  }
0x291: {  	v9 =	vld [tilespmem:s24+$0x400];
	_ =	sdelay $0x4  }
0x292: {  	v8 =	vadd.s32 v8, v9  }
0x293: {  	[tilespmem:s17+$0x500] =	vst v8  }
0x294: {  	v9 =	vld [tilespmem:s24+$0x500];
	_ =	sdelay $0x4  }
0x295: {  	v8 =	vadd.s32 v8, v9  }
0x296: {  	[tilespmem:s17+$0x600] =	vst v8  }
0x297: {  	v9 =	vld [tilespmem:s24+$0x600];
	_ =	sdelay $0x4  }
0x298: {  	v8 =	vadd.s32 v8, v9  }
0x299: {  	[tilespmem:s17+$0x700] =	vst v8  }
0x29a: {  	v9 =	vld [tilespmem:s24+$0x700]  }
.Ltmp19:
0x29b: {  	(pc) =	sbr.rel @p4 .LBB2_31-.Ltmp19, $2  }
0x29c: {  	_ =	sdelay $0x2  }
0x29d: {  	s19 =	simm.s32 $0x0;
	s4 =	sand.u32 $0xF0, s25;
	v8 =	vadd.s32 v8, v9  }
0x29e: {  	v10 =	vadd.s32 s19, v6;
	_ =	sdelay $0x3  }
0x29f: {  	[tilespmem:s4+$0x14A00] =	vst v8  }
0x2a0: {  	v8 =	vld.idx.msk [tilespmem:v10+s30+$0x0], $0xffff;
	_ =	sdelay $0x4  }
0x2a1: {  	v9 =	vand.u32 $0xFF, v8  }
0x2a2: {  	v9 =	vor.u32 v7, v9;
	_ =	sdelay $0x4  }
0x2a3: {  	v11 =	vld.idx.msk [tilespmem:v9+s1+$0x0], $0xffff;
	_ =	sdelay $0x5  }
0x2a4: {  	v10 =	vld.idx.msk [tilespmem:v10+s31+$0x0], $0xffff  }
0x2a5: {  	s6 =	simm.s32 $0x1  }
0x2a6: {  	[tilespmem:v11+s2+$0x0] =	vst.idx.msk $0xffff, v8;
	v8 =	vadd.s32 s6, v6;
	_ =	sdelay $0x2  }
0x2a7: {  	s4 =	simm.s32 $0x2;
	[tilespmem:v11+s3+$0x0] =	vst.idx.msk $0xffff, v10;
	v10 =	vadd.s32 $0x1, v11  }
.LBB2_33:
0x2a8: {  	p4 =	sne.s32 s4, $0x180;
	[tilespmem:v9+s1+$0x0] =	vst.idx.msk $0xffff, v10;
	s6 =	smov.u32 s4;
	s4 =	sadd.s32 $0x1, s4  }
0x2a9: {  	v10 =	vld.idx.msk [tilespmem:v8+s30+$0x0], $0xffff;
	_ =	sdelay $0x5  }
0x2aa: {  	v9 =	vand.u32 $0xFF, v10  }
0x2ab: {  	v9 =	vor.u32 v7, v9;
	_ =	sdelay $0x4  }
0x2ac: {  	v11 =	vld.idx.msk [tilespmem:v9+s1+$0x0], $0xffff;
	_ =	sdelay $0x2  }
0x2ad: {  	v12 =	vld.idx.msk [tilespmem:v8+s31+$0x0], $0xffff;
	_ =	sdelay $0x1  }
.Ltmp20:
0x2ae: {  	(pc) =	sbr.rel @p4 .LBB2_33-.Ltmp20, $3  }
0x2af: {  	v8 =	vadd.s32 s6, v6;
	_ =	sdelay $0x1  }
0x2b0: {  	[tilespmem:v11+s2+$0x0] =	vst.idx.msk $0xffff, v10  }
0x2b1: {  	v10 =	vadd.s32 $0x1, v11;
	[tilespmem:v11+s3+$0x0] =	vst.idx.msk $0xffff, v12  }
0x2b2: {  	_ =	sdelay $0x3  }
0x2b3: {  	[tilespmem:v9+s1+$0x0] =	vst.idx.msk $0xffff, v10  }
0x2b4: {  	v9 =	vld.idx.msk [tilespmem:v8+s30+$0x0], $0xffff;
	_ =	sdelay $0x4  }
0x2b5: {  	v63 =	vand.u32 $0xFF, v9  }
0x2b6: {  	v10 =	vor.u32 v7, v63;
	_ =	sdelay $0x4  }
0x2b7: {  	v11 =	vld.idx.msk [tilespmem:v10+s1+$0x0], $0xffff;
	_ =	sdelay $0x3  }
0x2b8: {  	v8 =	vld.idx.msk [tilespmem:v8+s31+$0x0], $0xffff;
	_ =	sdelay $0x3  }
0x2b9: {  	[tilespmem:v11+s2+$0x0] =	vst.idx.msk $0xffff, v9  }
0x2ba: {  	[tilespmem:v11+s3+$0x0] =	vst.idx.msk $0xffff, v8;
	v8 =	vadd.s32 $0x1, v11  }
0x2bb: {  	s4 =	simm.s32 $0x40;
	s17 =	simm.s32 $0x0;
	[tilespmem:v10+s1+$0x0] =	vst.idx.msk $0xffff, v8  }
.LBB2_35:
0x2bc: {  	p4 =	sne.s32 s4, $0x3FC0;
	[tilespmem:s17+$0x12A00] =	vst v1;
	s6 =	smov.u32 s4;
	s4 =	sadd.s32 $0x40, s4  }
.Ltmp21:
0x2bd: {  	(pc) =	sbr.rel @p4 .LBB2_35-.Ltmp21, $2  }
0x2be: {  	_ =	sdelay $0x2  }
0x2bf: {  	s17 =	sshra.s32 s6, $0x2  }
0x2c0: {  	s16 =	simm.s32 $0x0  }
0x2c1: {  	v8 =	vadd.s32 s16, v6;
	_ =	sdelay $0x3  }
0x2c2: {  	[tilespmem:s17+$0x12A00] =	vst v1  }
0x2c3: {  	v8 =	vld.idx.msk [tilespmem:v8+s2+$0x0], $0xffff;
	_ =	sdelay $0x4  }
0x2c4: {  	v8 =	vshrl.u32 v8, $0x8  }
0x2c5: {  	v8 =	vand.u32 $0xFF, v8  }
0x2c6: {  	s4 =	simm.s32 $0x1;
	v8 =	vor.u32 v7, v8  }
0x2c7: {  	v9 =	vadd.s32 s4, v6;
	s4 =	simm.s32 $0x2  }
.LBB2_37:
0x2c8: {  	p4 =	sne.s32 s4, $0x180;
	_ =	sdelay $0x2  }
0x2c9: {  	[tilespmem:v8+s0+$0x0] =	vst.idx.add.s32.msk $0xffff, v3  }
0x2ca: {  	v8 =	vld.idx.msk [tilespmem:v9+s2+$0x0], $0xffff;
	_ =	sdelay $0x4  }
.Ltmp22:
0x2cb: {  	(pc) =	sbr.rel @p4 .LBB2_37-.Ltmp22, $4  }
0x2cc: {  	v8 =	vshrl.u32 v8, $0x8  }
0x2cd: {  	v8 =	vand.u32 $0xFF, v8  }
0x2ce: {  	v8 =	vor.u32 v7, v8  }
0x2cf: {  	v9 =	vadd.s32 s4, v6;
	s4 =	sadd.s32 $0x1, s4  }
0x2d0: {  	_ =	sdelay $0x3  }
0x2d1: {  	[tilespmem:v8+s0+$0x0] =	vst.idx.add.s32.msk $0xffff, v3  }
0x2d2: {  	v8 =	vld.idx.msk [tilespmem:v9+s2+$0x0], $0xffff;
	_ =	sdelay $0x4  }
0x2d3: {  	v8 =	vshrl.u32 v8, $0x8  }
0x2d4: {  	v8 =	vand.u32 $0xFF, v8  }
0x2d5: {  	v8 =	vor.u32 v7, v8;
	_ =	sdelay $0x4  }
0x2d6: {  	s24 =	simm.s32 $0x0;
	[tilespmem:v8+s0+$0x0] =	vst.idx.add.s32.msk $0xffff, v3  }
0x2d7: {  	v8 =	vld [tilespmem:s24+$0x12AF0]  }
0x2d8: {  	v9 =	vld [tilespmem:s24+$0x12BF0]  }
0x2d9: {  	v10 =	vld [tilespmem:s24+$0x12CF0]  }
0x2da: {  	v11 =	vld [tilespmem:s24+$0x12DF0]  }
0x2db: {  	v12 =	vld [tilespmem:s24+$0x12EF0]  }
0x2dc: {  	v13 =	vld [tilespmem:s24+$0x12FF0]  }
0x2dd: {  	v8 =	vadd.s32 v8, v9;
	v9 =	vld [tilespmem:s24+$0x130F0]  }
0x2de: {  	v8 =	vadd.s32 v10, v8;
	v10 =	vld [tilespmem:s24+$0x131F0]  }
0x2df: {  	v8 =	vadd.s32 v11, v8;
	v11 =	vld [tilespmem:s24+$0x132F0]  }
0x2e0: {  	v8 =	vadd.s32 v12, v8;
	v12 =	vld [tilespmem:s24+$0x133F0]  }
0x2e1: {  	v8 =	vadd.s32 v13, v8;
	v13 =	vld [tilespmem:s24+$0x134F0]  }
0x2e2: {  	v8 =	vadd.s32 v9, v8;
	v9 =	vld [tilespmem:s24+$0x135F0]  }
0x2e3: {  	v8 =	vadd.s32 v10, v8;
	v10 =	vld [tilespmem:s24+$0x136F0]  }
0x2e4: {  	v8 =	vadd.s32 v11, v8;
	v11 =	vld [tilespmem:s24+$0x137F0]  }
0x2e5: {  	v8 =	vadd.s32 v12, v8;
	v12 =	vld [tilespmem:s24+$0x138F0]  }
0x2e6: {  	s17 =	simm.s32 $0xFFFFFFF0;
	v8 =	vadd.s32 v13, v8;
	v13 =	vld [tilespmem:s24+$0x139F0]  }
0x2e7: {  	v14 =	vld [tilespmem:s17+$0x12AF0];
	v8 =	vadd.s32 v9, v8  }
0x2e8: {  	v9 =	vld [tilespmem:s17+$0x12BF0];
	v8 =	vadd.s32 v10, v8  }
0x2e9: {  	v10 =	vld [tilespmem:s17+$0x12CF0];
	v8 =	vadd.s32 v11, v8  }
0x2ea: {  	v11 =	vld [tilespmem:s17+$0x12DF0];
	v8 =	vadd.s32 v12, v8  }
0x2eb: {  	v12 =	vld [tilespmem:s17+$0x12EF0];
	v13 =	vadd.s32 v13, v8  }
0x2ec: {  	v8 =	vld [tilespmem:s17+$0x12FF0];
	v15 =	vperm.xlane v13, v4;
	(xrf0) =	vadd.scan.msk.s32 $0xffff, v13  }
0x2ed: {  	v9 =	vadd.s32 v14, v9;
	v14 =	vld [tilespmem:s17+$0x130F0]  }
0x2ee: {  	v9 =	vadd.s32 v10, v9;
	v10 =	vld [tilespmem:s17+$0x131F0];
	(xrf0) =	vadd.scan.msk.s32 $0xffff, v15  }
0x2ef: {  	v9 =	vadd.s32 v11, v9;
	v11 =	vld [tilespmem:s17+$0x132F0]  }
0x2f0: {  	v9 =	vadd.s32 v12, v9;
	v12 =	vld [tilespmem:s17+$0x133F0]  }
0x2f1: {  	v15 =	vld [tilespmem:s17+$0x134F0];
	v8 =	vadd.s32 v8, v9  }
0x2f2: {  	v8 =	vadd.s32 v14, v8;
	v14 =	vld [tilespmem:s17+$0x135F0];
	v16, _, _ =	vpop (xrf0)  }
0x2f3: {  	v9 =	vld [tilespmem:s17+$0x136F0];
	v8 =	vadd.s32 v10, v8;
	(v2sf) =	vpush v16, $0xF  }
0x2f4: {  	v10 =	vadd.s32 v11, v8;
	v8 =	vld [tilespmem:s17+$0x137F0];
	v11, _, _ =	vpop (xrf0)  }
0x2f5: {  	v12 =	vadd.s32 v12, v10;
	v10 =	vld [tilespmem:s17+$0x138F0];
	v17 =	vperm.xlane v11, v4  }
0x2f6: {  	s4 =	simm.s32 $0xFFFFFFE0;
	v18 =	vsub.s32 s16, v13;
	v13 =	vadd.s32 v15, v12;
	v12 =	vld [tilespmem:s17+$0x139F0]  }
0x2f7: {  	s19 =	simm.s32 $0xFFFFFF40;
	v11 =	vld [tilespmem:s4+$0x12AF0];
	v13 =	vadd.s32 v14, v13;
	v14 =	vadd.s32 v17, v18  }
.LBB2_39:
0x2f8: {  	p4 =	sne.s32 s19, $0xFFFFFC40;
	v15 =	vld [tilespmem:s4+$0x12BF0];
	v9 =	vadd.s32 v9, v13;
	[tilespmem:s24+$0x13AF0] =	vst v14;
	s24 =	smov.u32 s17;
	s17 =	smov.u32 s4  }
0x2f9: {  	v13 =	vld [tilespmem:s17+$0x12CF0];
	v8 =	vadd.s32 v8, v9  }
0x2fa: {  	v9 =	vld [tilespmem:s17+$0x12DF0];
	v8 =	vadd.s32 v10, v8  }
0x2fb: {  	v10 =	vld [tilespmem:s17+$0x12EF0];
	v12 =	vadd.s32 v12, v8  }
0x2fc: {  	v8 =	vld [tilespmem:s17+$0x12FF0];
	v14 =	vperm.xlane v12, v4;
	(xrf0) =	vadd.scan.msk.s32 $0xffff, v12  }
0x2fd: {  	v11 =	vadd.s32 v11, v15;
	v15 =	vld [tilespmem:s17+$0x130F0]  }
0x2fe: {  	v11 =	vadd.s32 v13, v11;
	v13 =	vld [tilespmem:s17+$0x131F0];
	(xrf0) =	vadd.scan.msk.s32 $0xffff, v14  }
0x2ff: {  	v9 =	vadd.s32 v9, v11;
	v11 =	vld [tilespmem:s17+$0x132F0]  }
0x300: {  	v9 =	vadd.s32 v10, v9;
	v10 =	vld [tilespmem:s17+$0x133F0]  }
0x301: {  	v8 =	vadd.s32 v8, v9;
	v14 =	vld [tilespmem:s17+$0x134F0]  }
0x302: {  	v8 =	vadd.s32 v15, v8;
	v15 =	vld [tilespmem:s17+$0x135F0];
	v16, _, _ =	vpop (xrf0);
	s4 =	spop (v2sf)  }
.Ltmp23:
0x303: {  	v8 =	vadd.s32 v13, v8;
	v9 =	vld [tilespmem:s17+$0x136F0];
	(v2sf) =	vpush v16, $0xF;
	s16 =	sadd.s32 s16, s4;
	(pc) =	sbr.rel @p4 .LBB2_39-.Ltmp23, $4  }
0x304: {  	v11 =	vadd.s32 v11, v8;
	v8 =	vld [tilespmem:s17+$0x137F0];
	v16 =	vsub.s32 s16, v12;
	v12, _, _ =	vpop (xrf0)  }
0x305: {  	v11 =	vadd.s32 v10, v11;
	v10 =	vld [tilespmem:s17+$0x138F0];
	v17 =	vperm.xlane v12, v4  }
0x306: {  	s4 =	sshra.s32 s19, $0x2;
	v13 =	vadd.s32 v14, v11;
	v12 =	vld [tilespmem:s17+$0x139F0]  }
0x307: {  	s19 =	sadd.s32 $0xFFFFFFC0, s19;
	v11 =	vld [tilespmem:s4+$0x12AF0];
	v13 =	vadd.s32 v15, v13;
	v14 =	vadd.s32 v17, v16  }
0x308: {  	v15 =	vld [tilespmem:s4+$0x12BF0];
	[tilespmem:s24+$0x13AF0] =	vst v14  }
0x309: {  	v14 =	vld [tilespmem:s4+$0x12CF0]  }
0x30a: {  	v9 =	vadd.s32 v9, v13;
	v54 =	vld [tilespmem:s4+$0x12DF0]  }
0x30b: {  	v8 =	vadd.s32 v8, v9;
	v9 =	vld [tilespmem:s4+$0x12EF0]  }
0x30c: {  	v8 =	vadd.s32 v10, v8;
	v10 =	vld [tilespmem:s4+$0x12FF0]  }
0x30d: {  	v55 =	vld [tilespmem:s4+$0x130F0];
	v8 =	vadd.s32 v12, v8;
	v11 =	vadd.s32 v11, v15  }
0x30e: {  	v56 =	vld [tilespmem:s4+$0x131F0];
	(xrf0) =	vadd.scan.msk.s32 $0xffff, v8;
	v11 =	vadd.s32 v14, v11  }
0x30f: {  	v57 =	vld [tilespmem:s4+$0x132F0];
	v11 =	vadd.s32 v54, v11  }
0x310: {  	v9 =	vadd.s32 v9, v11;
	v11 =	vld [tilespmem:s4+$0x133F0]  }
0x311: {  	v9 =	vadd.s32 v10, v9;
	v10 =	vld [tilespmem:s4+$0x134F0]  }
0x312: {  	v58 =	vld [tilespmem:s4+$0x135F0];
	v9 =	vadd.s32 v55, v9  }
0x313: {  	v59 =	vld [tilespmem:s4+$0x136F0];
	v9 =	vadd.s32 v56, v9  }
0x314: {  	v61 =	vld [tilespmem:s4+$0x137F0];
	v60, _, _ =	vpop (xrf0);
	v9 =	vadd.s32 v57, v9  }
0x315: {  	(v2sf) =	vpush v60, $0xF;
	v9 =	vadd.s32 v11, v9;
	v11 =	vld [tilespmem:s4+$0x138F0]  }
0x316: {  	v9 =	vadd.s32 v10, v9;
	v10 =	vld [tilespmem:s4+$0x139F0]  }
0x317: {  	v9 =	vadd.s32 v58, v9  }
0x318: {  	v9 =	vadd.s32 v59, v9  }
0x319: {  	v9 =	vadd.s32 v61, v9  }
0x31a: {  	v62 =	vperm.xlane v8, v4;
	v9 =	vadd.s32 v11, v9  }
0x31b: {  	v9 =	vadd.s32 v10, v9  }
0x31c: {  	(xrf0) =	vadd.scan.msk.s32 $0xffff, v62;
	v10 =	vperm.xlane v9, v4  }
0x31d: {  	(xrf0) =	vadd.scan.msk.s32 $0xffff, v9  }
0x31e: {  	(xrf0) =	vadd.scan.msk.s32 $0xffff, v10;
	_ =	sdelay $0x3  }
0x31f: {  	v10, _, _ =	vpop (xrf0)  }
0x320: {  	s6 =	spop (v2sf);
	v11, _, _ =	vpop (xrf0)  }
0x321: {  	s6 =	sadd.s32 s16, s6;
	v10 =	vperm.xlane v10, v4;
	s7 =	spop (v2sf);
	v63, _, _ =	vpop (xrf0)  }
0x322: {  	v8 =	vsub.s32 s6, v8;
	s6 =	sadd.s32 s6, s7;
	v12 =	vperm.xlane v63, v4  }
0x323: {  	v8 =	vadd.s32 v10, v8;
	v9 =	vsub.s32 s6, v9  }
0x324: {  	[tilespmem:s17+$0x13AF0] =	vst v8;
	v8 =	vadd.s32 v12, v9  }
0x325: {  	s16 =	simm.s32 $0x13A00;
	[tilespmem:s4+$0x13AF0] =	vst v8  }
0x326: {  	v8 =	vld [tilespmem:s16+$0x0];
	_ =	sdelay $0x3  }
0x327: {  	s17 =	simm.s32 $0x14200  }
0x328: {  	s24 =	simm.s32 $0x13100;
	[tilespmem:s17+$0xFFFFF900] =	vst v8  }
0x329: {  	v9 =	vld [tilespmem:s24+$0xFFFFF900];
	_ =	sdelay $0x4  }
0x32a: {  	v8 =	vadd.s32 v8, v9  }
0x32b: {  	[tilespmem:s17+$0xFFFFFA00] =	vst v8  }
0x32c: {  	v9 =	vld [tilespmem:s24+$0xFFFFFA00];
	_ =	sdelay $0x4  }
0x32d: {  	v8 =	vadd.s32 v8, v9  }
0x32e: {  	[tilespmem:s17+$0xFFFFFB00] =	vst v8  }
0x32f: {  	v9 =	vld [tilespmem:s24+$0xFFFFFB00];
	_ =	sdelay $0x4  }
0x330: {  	v8 =	vadd.s32 v8, v9  }
0x331: {  	[tilespmem:s17+$0xFFFFFC00] =	vst v8  }
0x332: {  	v9 =	vld [tilespmem:s24+$0xFFFFFC00];
	_ =	sdelay $0x4  }
0x333: {  	v8 =	vadd.s32 v8, v9  }
0x334: {  	[tilespmem:s17+$0xFFFFFD00] =	vst v8  }
0x335: {  	v9 =	vld [tilespmem:s24+$0xFFFFFD00];
	_ =	sdelay $0x4  }
0x336: {  	v8 =	vadd.s32 v8, v9  }
0x337: {  	[tilespmem:s17+$0xFFFFFE00] =	vst v8  }
0x338: {  	v9 =	vld [tilespmem:s24+$0xFFFFFE00];
	_ =	sdelay $0x4  }
0x339: {  	v8 =	vadd.s32 v8, v9  }
0x33a: {  	[tilespmem:s17+$0xFFFFFF00] =	vst v8  }
0x33b: {  	v9 =	vld [tilespmem:s24+$0xFFFFFF00];
	_ =	sdelay $0x4  }
0x33c: {  	v8 =	vadd.s32 v8, v9  }
0x33d: {  	[tilespmem:s17+$0x0] =	vst v8  }
0x33e: {  	v9 =	vld [tilespmem:s24+$0x0];
	_ =	sdelay $0x4  }
0x33f: {  	v8 =	vadd.s32 v8, v9  }
0x340: {  	[tilespmem:s17+$0x100] =	vst v8  }
0x341: {  	v9 =	vld [tilespmem:s24+$0x100];
	_ =	sdelay $0x4  }
0x342: {  	v8 =	vadd.s32 v8, v9  }
0x343: {  	[tilespmem:s17+$0x200] =	vst v8  }
0x344: {  	v9 =	vld [tilespmem:s24+$0x200];
	_ =	sdelay $0x4  }
0x345: {  	v8 =	vadd.s32 v8, v9  }
0x346: {  	[tilespmem:s17+$0x300] =	vst v8  }
0x347: {  	v9 =	vld [tilespmem:s24+$0x300];
	_ =	sdelay $0x4  }
0x348: {  	v8 =	vadd.s32 v8, v9  }
0x349: {  	[tilespmem:s17+$0x400] =	vst v8  }
0x34a: {  	v9 =	vld [tilespmem:s24+$0x400];
	_ =	sdelay $0x4  }
0x34b: {  	v8 =	vadd.s32 v8, v9  }
0x34c: {  	[tilespmem:s17+$0x500] =	vst v8  }
0x34d: {  	v9 =	vld [tilespmem:s24+$0x500];
	_ =	sdelay $0x3  }
0x34e: {  	(v2sf) =	vpush v11, $0xF  }
0x34f: {  	v8 =	vadd.s32 v8, v9  }
0x350: {  	[tilespmem:s17+$0x600] =	vst v8  }
0x351: {  	v9 =	vld [tilespmem:s24+$0x600];
	_ =	sdelay $0x4  }
0x352: {  	v8 =	vadd.s32 v8, v9  }
0x353: {  	[tilespmem:s17+$0x700] =	vst v8  }
0x354: {  	v9 =	vld [tilespmem:s24+$0x700];
	_ =	sdelay $0x3  }
0x355: {  	s25 =	simm.s32 $0x0  }
0x356: {  	s26 =	simm.s32 $0x10;
	s4 =	sand.u32 $0xF0, s25;
	s29 =	spop (v2sf);
	v8 =	vadd.s32 v8, v9  }
.LBB2_41:
0x357: {  	[tilespmem:s4+$0x14A00] =	vst v8;
	s16 =	sadd.s32 $0x10, s16;
	s17 =	sadd.s32 $0x10, s17;
	s24 =	sadd.s32 $0x10, s24  }
0x358: {  	p4 =	sne.s32 s26, $0xF0;
	s28 =	smov.u32 s26;
	s26 =	sadd.s32 $0x10, s26;
	v8 =	vld [tilespmem:s16+$0x0]  }
0x359: {  	_ =	sdelay $0x3  }
0x35a: {  	[tilespmem:s17+$0xFFFFF900] =	vst v8  }
0x35b: {  	v9 =	vld [tilespmem:s24+$0xFFFFF900];
	_ =	sdelay $0x4  }
0x35c: {  	v8 =	vadd.s32 v8, v9  }
0x35d: {  	[tilespmem:s17+$0xFFFFFA00] =	vst v8  }
0x35e: {  	v9 =	vld [tilespmem:s24+$0xFFFFFA00];
	_ =	sdelay $0x4  }
0x35f: {  	v8 =	vadd.s32 v8, v9  }
0x360: {  	[tilespmem:s17+$0xFFFFFB00] =	vst v8  }
0x361: {  	v9 =	vld [tilespmem:s24+$0xFFFFFB00];
	_ =	sdelay $0x4  }
0x362: {  	v8 =	vadd.s32 v8, v9  }
0x363: {  	[tilespmem:s17+$0xFFFFFC00] =	vst v8  }
0x364: {  	v9 =	vld [tilespmem:s24+$0xFFFFFC00];
	_ =	sdelay $0x4  }
0x365: {  	v8 =	vadd.s32 v8, v9  }
0x366: {  	[tilespmem:s17+$0xFFFFFD00] =	vst v8  }
0x367: {  	v9 =	vld [tilespmem:s24+$0xFFFFFD00];
	_ =	sdelay $0x4  }
0x368: {  	v8 =	vadd.s32 v8, v9  }
0x369: {  	[tilespmem:s17+$0xFFFFFE00] =	vst v8  }
0x36a: {  	v9 =	vld [tilespmem:s24+$0xFFFFFE00];
	_ =	sdelay $0x4  }
0x36b: {  	v8 =	vadd.s32 v8, v9  }
0x36c: {  	[tilespmem:s17+$0xFFFFFF00] =	vst v8  }
0x36d: {  	v9 =	vld [tilespmem:s24+$0xFFFFFF00];
	_ =	sdelay $0x4  }
0x36e: {  	v8 =	vadd.s32 v8, v9  }
0x36f: {  	[tilespmem:s17+$0x0] =	vst v8  }
0x370: {  	v9 =	vld [tilespmem:s24+$0x0];
	_ =	sdelay $0x4  }
0x371: {  	v8 =	vadd.s32 v8, v9  }
0x372: {  	[tilespmem:s17+$0x100] =	vst v8  }
0x373: {  	v9 =	vld [tilespmem:s24+$0x100];
	_ =	sdelay $0x4  }
0x374: {  	v8 =	vadd.s32 v8, v9  }
0x375: {  	[tilespmem:s17+$0x200] =	vst v8  }
0x376: {  	v9 =	vld [tilespmem:s24+$0x200];
	_ =	sdelay $0x4  }
0x377: {  	v8 =	vadd.s32 v8, v9  }
0x378: {  	[tilespmem:s17+$0x300] =	vst v8  }
0x379: {  	v9 =	vld [tilespmem:s24+$0x300];
	_ =	sdelay $0x4  }
0x37a: {  	v8 =	vadd.s32 v8, v9  }
0x37b: {  	[tilespmem:s17+$0x400] =	vst v8  }
0x37c: {  	v9 =	vld [tilespmem:s24+$0x400];
	_ =	sdelay $0x4  }
0x37d: {  	v8 =	vadd.s32 v8, v9  }
0x37e: {  	[tilespmem:s17+$0x500] =	vst v8  }
0x37f: {  	v9 =	vld [tilespmem:s24+$0x500];
	_ =	sdelay $0x4  }
0x380: {  	v8 =	vadd.s32 v8, v9  }
0x381: {  	[tilespmem:s17+$0x600] =	vst v8  }
0x382: {  	v9 =	vld [tilespmem:s24+$0x600];
	_ =	sdelay $0x4  }
0x383: {  	v8 =	vadd.s32 v8, v9  }
0x384: {  	[tilespmem:s17+$0x700] =	vst v8  }
0x385: {  	v9 =	vld [tilespmem:s24+$0x700]  }
.Ltmp24:
0x386: {  	(pc) =	sbr.rel @p4 .LBB2_41-.Ltmp24, $2  }
0x387: {  	_ =	sdelay $0x2  }
0x388: {  	s4 =	sand.u32 $0xF0, s28;
	v8 =	vadd.s32 v8, v9  }
0x389: {  	v10 =	vadd.s32 s25, v6;
	_ =	sdelay $0x3  }
0x38a: {  	[tilespmem:s4+$0x14A00] =	vst v8  }
0x38b: {  	v8 =	vld.idx.msk [tilespmem:v10+s2+$0x0], $0xffff;
	_ =	sdelay $0x4  }
0x38c: {  	v9 =	vshrl.u32 v8, $0x8  }
0x38d: {  	v9 =	vand.u32 $0xFF, v9  }
0x38e: {  	v9 =	vor.u32 v7, v9;
	_ =	sdelay $0x4  }
0x38f: {  	v11 =	vld.idx.msk [tilespmem:v9+s1+$0x0], $0xffff;
	_ =	sdelay $0x5  }
0x390: {  	v10 =	vld.idx.msk [tilespmem:v10+s3+$0x0], $0xffff  }
0x391: {  	s6 =	simm.s32 $0x1  }
0x392: {  	[tilespmem:v11+s30+$0x0] =	vst.idx.msk $0xffff, v8;
	v8 =	vadd.s32 s6, v6;
	_ =	sdelay $0x2  }
0x393: {  	s4 =	simm.s32 $0x2;
	[tilespmem:v11+s31+$0x0] =	vst.idx.msk $0xffff, v10;
	v10 =	vadd.s32 $0x1, v11  }
.LBB2_43:
0x394: {  	p4 =	sne.s32 s4, $0x180;
	[tilespmem:v9+s1+$0x0] =	vst.idx.msk $0xffff, v10;
	s6 =	smov.u32 s4;
	s4 =	sadd.s32 $0x1, s4  }
0x395: {  	v10 =	vld.idx.msk [tilespmem:v8+s2+$0x0], $0xffff;
	_ =	sdelay $0x5  }
0x396: {  	v9 =	vshrl.u32 v10, $0x8  }
0x397: {  	v9 =	vand.u32 $0xFF, v9  }
0x398: {  	v9 =	vor.u32 v7, v9;
	_ =	sdelay $0x4  }
0x399: {  	v11 =	vld.idx.msk [tilespmem:v9+s1+$0x0], $0xffff;
	_ =	sdelay $0x2  }
0x39a: {  	v12 =	vld.idx.msk [tilespmem:v8+s3+$0x0], $0xffff;
	_ =	sdelay $0x1  }
.Ltmp25:
0x39b: {  	(pc) =	sbr.rel @p4 .LBB2_43-.Ltmp25, $3  }
0x39c: {  	v8 =	vadd.s32 s6, v6;
	_ =	sdelay $0x1  }
0x39d: {  	[tilespmem:v11+s30+$0x0] =	vst.idx.msk $0xffff, v10  }
0x39e: {  	v10 =	vadd.s32 $0x1, v11;
	[tilespmem:v11+s31+$0x0] =	vst.idx.msk $0xffff, v12  }
0x39f: {  	_ =	sdelay $0x3  }
0x3a0: {  	[tilespmem:v9+s1+$0x0] =	vst.idx.msk $0xffff, v10  }
0x3a1: {  	v9 =	vld.idx.msk [tilespmem:v8+s2+$0x0], $0xffff;
	_ =	sdelay $0x4  }
0x3a2: {  	v63 =	vshrl.u32 v9, $0x8  }
0x3a3: {  	v10 =	vand.u32 $0xFF, v63  }
0x3a4: {  	v10 =	vor.u32 v7, v10;
	_ =	sdelay $0x4  }
0x3a5: {  	v11 =	vld.idx.msk [tilespmem:v10+s1+$0x0], $0xffff;
	_ =	sdelay $0x3  }
0x3a6: {  	v8 =	vld.idx.msk [tilespmem:v8+s3+$0x0], $0xffff;
	_ =	sdelay $0x3  }
0x3a7: {  	[tilespmem:v11+s30+$0x0] =	vst.idx.msk $0xffff, v9  }
0x3a8: {  	[tilespmem:v11+s31+$0x0] =	vst.idx.msk $0xffff, v8;
	v8 =	vadd.s32 $0x1, v11  }
0x3a9: {  	s4 =	simm.s32 $0x0;
	s16 =	simm.s32 $0x40;
	s17 =	simm.s32 $0x0;
	[tilespmem:v10+s1+$0x0] =	vst.idx.msk $0xffff, v8  }
.LBB2_45:
0x3aa: {  	p4 =	sne.s32 s16, $0x3FC0;
	[tilespmem:s17+$0x12A00] =	vst v1;
	s6 =	smov.u32 s16;
	s16 =	sadd.s32 $0x40, s16  }
.Ltmp26:
0x3ab: {  	(pc) =	sbr.rel @p4 .LBB2_45-.Ltmp26, $2  }
0x3ac: {  	_ =	sdelay $0x2  }
0x3ad: {  	s17 =	sshra.s32 s6, $0x2  }
0x3ae: {  	v8 =	vadd.s32 s4, v6;
	_ =	sdelay $0x3  }
0x3af: {  	[tilespmem:s17+$0x12A00] =	vst v1  }
0x3b0: {  	v8 =	vld.idx.msk [tilespmem:v8+s30+$0x0], $0xffff;
	_ =	sdelay $0x4  }
0x3b1: {  	v8 =	vshrl.u32 v8, $0x10  }
0x3b2: {  	v8 =	vand.u32 $0xFF, v8  }
0x3b3: {  	s29 =	simm.s32 $0x1;
	v8 =	vor.u32 v7, v8  }
0x3b4: {  	s4 =	simm.s32 $0x2;
	v9 =	vadd.s32 s29, v6  }
.LBB2_47:
0x3b5: {  	p4 =	sne.s32 s4, $0x180;
	_ =	sdelay $0x2  }
0x3b6: {  	[tilespmem:v8+s0+$0x0] =	vst.idx.add.s32.msk $0xffff, v3  }
0x3b7: {  	v8 =	vld.idx.msk [tilespmem:v9+s30+$0x0], $0xffff;
	_ =	sdelay $0x4  }
.Ltmp27:
0x3b8: {  	(pc) =	sbr.rel @p4 .LBB2_47-.Ltmp27, $4  }
0x3b9: {  	v8 =	vshrl.u32 v8, $0x10  }
0x3ba: {  	v8 =	vand.u32 $0xFF, v8  }
0x3bb: {  	v8 =	vor.u32 v7, v8  }
0x3bc: {  	v9 =	vadd.s32 s4, v6;
	s4 =	sadd.s32 $0x1, s4  }
0x3bd: {  	_ =	sdelay $0x3  }
0x3be: {  	[tilespmem:v8+s0+$0x0] =	vst.idx.add.s32.msk $0xffff, v3  }
0x3bf: {  	v8 =	vld.idx.msk [tilespmem:v9+s30+$0x0], $0xffff;
	_ =	sdelay $0x4  }
0x3c0: {  	v8 =	vshrl.u32 v8, $0x10  }
0x3c1: {  	v8 =	vand.u32 $0xFF, v8  }
0x3c2: {  	v8 =	vor.u32 v7, v8;
	_ =	sdelay $0x4  }
0x3c3: {  	s17 =	simm.s32 $0x0;
	[tilespmem:v8+s0+$0x0] =	vst.idx.add.s32.msk $0xffff, v3  }
0x3c4: {  	v8 =	vld [tilespmem:s17+$0x12AF0]  }
0x3c5: {  	v9 =	vld [tilespmem:s17+$0x12BF0]  }
0x3c6: {  	v10 =	vld [tilespmem:s17+$0x12CF0]  }
0x3c7: {  	v11 =	vld [tilespmem:s17+$0x12DF0]  }
0x3c8: {  	v12 =	vld [tilespmem:s17+$0x12EF0]  }
0x3c9: {  	v13 =	vld [tilespmem:s17+$0x12FF0]  }
0x3ca: {  	v8 =	vadd.s32 v8, v9;
	v9 =	vld [tilespmem:s17+$0x130F0]  }
0x3cb: {  	v8 =	vadd.s32 v10, v8;
	v10 =	vld [tilespmem:s17+$0x131F0]  }
0x3cc: {  	v8 =	vadd.s32 v11, v8;
	v11 =	vld [tilespmem:s17+$0x132F0]  }
0x3cd: {  	v8 =	vadd.s32 v12, v8;
	v12 =	vld [tilespmem:s17+$0x133F0]  }
0x3ce: {  	v8 =	vadd.s32 v13, v8;
	v13 =	vld [tilespmem:s17+$0x134F0]  }
0x3cf: {  	v8 =	vadd.s32 v9, v8;
	v9 =	vld [tilespmem:s17+$0x135F0]  }
0x3d0: {  	v8 =	vadd.s32 v10, v8;
	v10 =	vld [tilespmem:s17+$0x136F0]  }
0x3d1: {  	v8 =	vadd.s32 v11, v8;
	v11 =	vld [tilespmem:s17+$0x137F0]  }
0x3d2: {  	v8 =	vadd.s32 v12, v8;
	v12 =	vld [tilespmem:s17+$0x138F0]  }
0x3d3: {  	s16 =	simm.s32 $0xFFFFFFF0;
	v8 =	vadd.s32 v13, v8;
	v13 =	vld [tilespmem:s17+$0x139F0]  }
0x3d4: {  	v14 =	vld [tilespmem:s16+$0x12AF0];
	v8 =	vadd.s32 v9, v8  }
0x3d5: {  	v9 =	vld [tilespmem:s16+$0x12BF0];
	v8 =	vadd.s32 v10, v8  }
0x3d6: {  	v10 =	vld [tilespmem:s16+$0x12CF0];
	v8 =	vadd.s32 v11, v8  }
0x3d7: {  	v11 =	vld [tilespmem:s16+$0x12DF0];
	v8 =	vadd.s32 v12, v8  }
0x3d8: {  	v12 =	vld [tilespmem:s16+$0x12EF0];
	v13 =	vadd.s32 v13, v8  }
0x3d9: {  	v8 =	vld [tilespmem:s16+$0x12FF0];
	v15 =	vperm.xlane v13, v4;
	(xrf0) =	vadd.scan.msk.s32 $0xffff, v13  }
0x3da: {  	v9 =	vadd.s32 v14, v9;
	v14 =	vld [tilespmem:s16+$0x130F0]  }
0x3db: {  	v9 =	vadd.s32 v10, v9;
	v10 =	vld [tilespmem:s16+$0x131F0];
	(xrf0) =	vadd.scan.msk.s32 $0xffff, v15  }
0x3dc: {  	v9 =	vadd.s32 v11, v9;
	v11 =	vld [tilespmem:s16+$0x132F0]  }
0x3dd: {  	v9 =	vadd.s32 v12, v9;
	v12 =	vld [tilespmem:s16+$0x133F0]  }
0x3de: {  	v15 =	vld [tilespmem:s16+$0x134F0];
	v8 =	vadd.s32 v8, v9  }
0x3df: {  	v8 =	vadd.s32 v14, v8;
	v14 =	vld [tilespmem:s16+$0x135F0];
	v16, _, _ =	vpop (xrf0)  }
0x3e0: {  	v9 =	vld [tilespmem:s16+$0x136F0];
	v8 =	vadd.s32 v10, v8;
	(v2sf) =	vpush v16, $0xF  }
0x3e1: {  	v10 =	vadd.s32 v11, v8;
	v8 =	vld [tilespmem:s16+$0x137F0];
	v11, _, _ =	vpop (xrf0)  }
0x3e2: {  	s25 =	simm.s32 $0x0;
	v12 =	vadd.s32 v12, v10;
	v10 =	vld [tilespmem:s16+$0x138F0];
	v17 =	vperm.xlane v11, v4  }
0x3e3: {  	s4 =	simm.s32 $0xFFFFFFE0;
	v18 =	vsub.s32 s25, v13;
	v13 =	vadd.s32 v15, v12;
	v12 =	vld [tilespmem:s16+$0x139F0]  }
0x3e4: {  	s19 =	simm.s32 $0xFFFFFF40;
	s24 =	simm.s32 $0x0;
	v11 =	vld [tilespmem:s4+$0x12AF0];
	v13 =	vadd.s32 v14, v13;
	v14 =	vadd.s32 v17, v18  }
.LBB2_49:
0x3e5: {  	p4 =	sne.s32 s19, $0xFFFFFC40;
	v15 =	vld [tilespmem:s4+$0x12BF0];
	v9 =	vadd.s32 v9, v13;
	[tilespmem:s17+$0x13AF0] =	vst v14;
	s17 =	smov.u32 s16;
	s16 =	smov.u32 s4  }
0x3e6: {  	v13 =	vld [tilespmem:s16+$0x12CF0];
	v8 =	vadd.s32 v8, v9  }
0x3e7: {  	v9 =	vld [tilespmem:s16+$0x12DF0];
	v8 =	vadd.s32 v10, v8  }
0x3e8: {  	v10 =	vld [tilespmem:s16+$0x12EF0];
	v12 =	vadd.s32 v12, v8  }
0x3e9: {  	v8 =	vld [tilespmem:s16+$0x12FF0];
	v14 =	vperm.xlane v12, v4;
	(xrf0) =	vadd.scan.msk.s32 $0xffff, v12  }
0x3ea: {  	v11 =	vadd.s32 v11, v15;
	v15 =	vld [tilespmem:s16+$0x130F0]  }
0x3eb: {  	v11 =	vadd.s32 v13, v11;
	v13 =	vld [tilespmem:s16+$0x131F0];
	(xrf0) =	vadd.scan.msk.s32 $0xffff, v14  }
0x3ec: {  	v9 =	vadd.s32 v9, v11;
	v11 =	vld [tilespmem:s16+$0x132F0]  }
0x3ed: {  	v9 =	vadd.s32 v10, v9;
	v10 =	vld [tilespmem:s16+$0x133F0]  }
0x3ee: {  	v8 =	vadd.s32 v8, v9;
	v14 =	vld [tilespmem:s16+$0x134F0]  }
0x3ef: {  	v8 =	vadd.s32 v15, v8;
	v15 =	vld [tilespmem:s16+$0x135F0];
	v16, _, _ =	vpop (xrf0);
	s4 =	spop (v2sf)  }
.Ltmp28:
0x3f0: {  	v8 =	vadd.s32 v13, v8;
	v9 =	vld [tilespmem:s16+$0x136F0];
	(v2sf) =	vpush v16, $0xF;
	s24 =	sadd.s32 s24, s4;
	(pc) =	sbr.rel @p4 .LBB2_49-.Ltmp28, $4  }
0x3f1: {  	v11 =	vadd.s32 v11, v8;
	v8 =	vld [tilespmem:s16+$0x137F0];
	v16 =	vsub.s32 s24, v12;
	v12, _, _ =	vpop (xrf0)  }
0x3f2: {  	v11 =	vadd.s32 v10, v11;
	v10 =	vld [tilespmem:s16+$0x138F0];
	v17 =	vperm.xlane v12, v4  }
0x3f3: {  	s4 =	sshra.s32 s19, $0x2;
	v13 =	vadd.s32 v14, v11;
	v12 =	vld [tilespmem:s16+$0x139F0]  }
0x3f4: {  	s19 =	sadd.s32 $0xFFFFFFC0, s19;
	v11 =	vld [tilespmem:s4+$0x12AF0];
	v13 =	vadd.s32 v15, v13;
	v14 =	vadd.s32 v17, v16  }
0x3f5: {  	v15 =	vld [tilespmem:s4+$0x12BF0];
	[tilespmem:s17+$0x13AF0] =	vst v14  }
0x3f6: {  	v14 =	vld [tilespmem:s4+$0x12CF0]  }
0x3f7: {  	v9 =	vadd.s32 v9, v13;
	v54 =	vld [tilespmem:s4+$0x12DF0]  }
0x3f8: {  	v8 =	vadd.s32 v8, v9;
	v9 =	vld [tilespmem:s4+$0x12EF0]  }
0x3f9: {  	v8 =	vadd.s32 v10, v8;
	v10 =	vld [tilespmem:s4+$0x12FF0]  }
0x3fa: {  	v55 =	vld [tilespmem:s4+$0x130F0];
	v8 =	vadd.s32 v12, v8;
	v11 =	vadd.s32 v11, v15  }
0x3fb: {  	v56 =	vld [tilespmem:s4+$0x131F0];
	(xrf0) =	vadd.scan.msk.s32 $0xffff, v8;
	v11 =	vadd.s32 v14, v11  }
0x3fc: {  	v57 =	vld [tilespmem:s4+$0x132F0];
	v11 =	vadd.s32 v54, v11  }
0x3fd: {  	v9 =	vadd.s32 v9, v11;
	v11 =	vld [tilespmem:s4+$0x133F0]  }
0x3fe: {  	v9 =	vadd.s32 v10, v9;
	v10 =	vld [tilespmem:s4+$0x134F0]  }
0x3ff: {  	v58 =	vld [tilespmem:s4+$0x135F0];
	v9 =	vadd.s32 v55, v9  }
0x400: {  	v59 =	vld [tilespmem:s4+$0x136F0];
	v9 =	vadd.s32 v56, v9  }
0x401: {  	v61 =	vld [tilespmem:s4+$0x137F0];
	v60, _, _ =	vpop (xrf0);
	v9 =	vadd.s32 v57, v9  }
0x402: {  	(v2sf) =	vpush v60, $0xF;
	v9 =	vadd.s32 v11, v9;
	v11 =	vld [tilespmem:s4+$0x138F0]  }
0x403: {  	v9 =	vadd.s32 v10, v9;
	v10 =	vld [tilespmem:s4+$0x139F0]  }
0x404: {  	v9 =	vadd.s32 v58, v9  }
0x405: {  	v9 =	vadd.s32 v59, v9  }
0x406: {  	v9 =	vadd.s32 v61, v9  }
0x407: {  	v62 =	vperm.xlane v8, v4;
	v9 =	vadd.s32 v11, v9  }
0x408: {  	v9 =	vadd.s32 v10, v9  }
0x409: {  	(xrf0) =	vadd.scan.msk.s32 $0xffff, v62;
	v10 =	vperm.xlane v9, v4  }
0x40a: {  	(xrf0) =	vadd.scan.msk.s32 $0xffff, v9  }
0x40b: {  	(xrf0) =	vadd.scan.msk.s32 $0xffff, v10;
	_ =	sdelay $0x3  }
0x40c: {  	v10, _, _ =	vpop (xrf0)  }
0x40d: {  	s6 =	spop (v2sf);
	v11, _, _ =	vpop (xrf0)  }
0x40e: {  	s6 =	sadd.s32 s24, s6;
	v10 =	vperm.xlane v10, v4;
	s7 =	spop (v2sf);
	v63, _, _ =	vpop (xrf0)  }
0x40f: {  	v8 =	vsub.s32 s6, v8;
	s6 =	sadd.s32 s6, s7;
	v12 =	vperm.xlane v63, v4  }
0x410: {  	v8 =	vadd.s32 v10, v8;
	v9 =	vsub.s32 s6, v9  }
0x411: {  	[tilespmem:s16+$0x13AF0] =	vst v8;
	v8 =	vadd.s32 v12, v9  }
0x412: {  	s16 =	simm.s32 $0x13A00;
	[tilespmem:s4+$0x13AF0] =	vst v8  }
0x413: {  	v8 =	vld [tilespmem:s16+$0x0];
	_ =	sdelay $0x3  }
0x414: {  	s17 =	simm.s32 $0x14200  }
0x415: {  	s24 =	simm.s32 $0x13100;
	[tilespmem:s17+$0xFFFFF900] =	vst v8  }
0x416: {  	v9 =	vld [tilespmem:s24+$0xFFFFF900];
	_ =	sdelay $0x4  }
0x417: {  	v8 =	vadd.s32 v8, v9  }
0x418: {  	[tilespmem:s17+$0xFFFFFA00] =	vst v8  }
0x419: {  	v9 =	vld [tilespmem:s24+$0xFFFFFA00];
	_ =	sdelay $0x4  }
0x41a: {  	v8 =	vadd.s32 v8, v9  }
0x41b: {  	[tilespmem:s17+$0xFFFFFB00] =	vst v8  }
0x41c: {  	v9 =	vld [tilespmem:s24+$0xFFFFFB00];
	_ =	sdelay $0x4  }
0x41d: {  	v8 =	vadd.s32 v8, v9  }
0x41e: {  	[tilespmem:s17+$0xFFFFFC00] =	vst v8  }
0x41f: {  	v9 =	vld [tilespmem:s24+$0xFFFFFC00];
	_ =	sdelay $0x4  }
0x420: {  	v8 =	vadd.s32 v8, v9  }
0x421: {  	[tilespmem:s17+$0xFFFFFD00] =	vst v8  }
0x422: {  	v9 =	vld [tilespmem:s24+$0xFFFFFD00];
	_ =	sdelay $0x4  }
0x423: {  	v8 =	vadd.s32 v8, v9  }
0x424: {  	[tilespmem:s17+$0xFFFFFE00] =	vst v8  }
0x425: {  	v9 =	vld [tilespmem:s24+$0xFFFFFE00];
	_ =	sdelay $0x4  }
0x426: {  	v8 =	vadd.s32 v8, v9  }
0x427: {  	[tilespmem:s17+$0xFFFFFF00] =	vst v8  }
0x428: {  	v9 =	vld [tilespmem:s24+$0xFFFFFF00];
	_ =	sdelay $0x4  }
0x429: {  	v8 =	vadd.s32 v8, v9  }
0x42a: {  	[tilespmem:s17+$0x0] =	vst v8  }
0x42b: {  	v9 =	vld [tilespmem:s24+$0x0];
	_ =	sdelay $0x4  }
0x42c: {  	v8 =	vadd.s32 v8, v9  }
0x42d: {  	[tilespmem:s17+$0x100] =	vst v8  }
0x42e: {  	v9 =	vld [tilespmem:s24+$0x100];
	_ =	sdelay $0x4  }
0x42f: {  	v8 =	vadd.s32 v8, v9  }
0x430: {  	[tilespmem:s17+$0x200] =	vst v8  }
0x431: {  	v9 =	vld [tilespmem:s24+$0x200];
	_ =	sdelay $0x4  }
0x432: {  	v8 =	vadd.s32 v8, v9  }
0x433: {  	[tilespmem:s17+$0x300] =	vst v8  }
0x434: {  	v9 =	vld [tilespmem:s24+$0x300];
	_ =	sdelay $0x4  }
0x435: {  	v8 =	vadd.s32 v8, v9  }
0x436: {  	[tilespmem:s17+$0x400] =	vst v8  }
0x437: {  	v9 =	vld [tilespmem:s24+$0x400];
	_ =	sdelay $0x4  }
0x438: {  	v8 =	vadd.s32 v8, v9  }
0x439: {  	[tilespmem:s17+$0x500] =	vst v8  }
0x43a: {  	v9 =	vld [tilespmem:s24+$0x500];
	_ =	sdelay $0x3  }
0x43b: {  	(v2sf) =	vpush v11, $0xF  }
0x43c: {  	v8 =	vadd.s32 v8, v9  }
0x43d: {  	[tilespmem:s17+$0x600] =	vst v8  }
0x43e: {  	v9 =	vld [tilespmem:s24+$0x600];
	_ =	sdelay $0x4  }
0x43f: {  	v8 =	vadd.s32 v8, v9  }
0x440: {  	[tilespmem:s17+$0x700] =	vst v8  }
0x441: {  	v9 =	vld [tilespmem:s24+$0x700];
	_ =	sdelay $0x4  }
0x442: {  	s26 =	simm.s32 $0x10;
	s4 =	sand.u32 $0xF0, s25;
	s29 =	spop (v2sf);
	v8 =	vadd.s32 v8, v9  }
.LBB2_51:
0x443: {  	[tilespmem:s4+$0x14A00] =	vst v8;
	s16 =	sadd.s32 $0x10, s16;
	s17 =	sadd.s32 $0x10, s17;
	s24 =	sadd.s32 $0x10, s24  }
0x444: {  	p4 =	sne.s32 s26, $0xF0;
	s25 =	smov.u32 s26;
	s26 =	sadd.s32 $0x10, s26;
	v8 =	vld [tilespmem:s16+$0x0]  }
0x445: {  	_ =	sdelay $0x3  }
0x446: {  	[tilespmem:s17+$0xFFFFF900] =	vst v8  }
0x447: {  	v9 =	vld [tilespmem:s24+$0xFFFFF900];
	_ =	sdelay $0x4  }
0x448: {  	v8 =	vadd.s32 v8, v9  }
0x449: {  	[tilespmem:s17+$0xFFFFFA00] =	vst v8  }
0x44a: {  	v9 =	vld [tilespmem:s24+$0xFFFFFA00];
	_ =	sdelay $0x4  }
0x44b: {  	v8 =	vadd.s32 v8, v9  }
0x44c: {  	[tilespmem:s17+$0xFFFFFB00] =	vst v8  }
0x44d: {  	v9 =	vld [tilespmem:s24+$0xFFFFFB00];
	_ =	sdelay $0x4  }
0x44e: {  	v8 =	vadd.s32 v8, v9  }
0x44f: {  	[tilespmem:s17+$0xFFFFFC00] =	vst v8  }
0x450: {  	v9 =	vld [tilespmem:s24+$0xFFFFFC00];
	_ =	sdelay $0x4  }
0x451: {  	v8 =	vadd.s32 v8, v9  }
0x452: {  	[tilespmem:s17+$0xFFFFFD00] =	vst v8  }
0x453: {  	v9 =	vld [tilespmem:s24+$0xFFFFFD00];
	_ =	sdelay $0x4  }
0x454: {  	v8 =	vadd.s32 v8, v9  }
0x455: {  	[tilespmem:s17+$0xFFFFFE00] =	vst v8  }
0x456: {  	v9 =	vld [tilespmem:s24+$0xFFFFFE00];
	_ =	sdelay $0x4  }
0x457: {  	v8 =	vadd.s32 v8, v9  }
0x458: {  	[tilespmem:s17+$0xFFFFFF00] =	vst v8  }
0x459: {  	v9 =	vld [tilespmem:s24+$0xFFFFFF00];
	_ =	sdelay $0x4  }
0x45a: {  	v8 =	vadd.s32 v8, v9  }
0x45b: {  	[tilespmem:s17+$0x0] =	vst v8  }
0x45c: {  	v9 =	vld [tilespmem:s24+$0x0];
	_ =	sdelay $0x4  }
0x45d: {  	v8 =	vadd.s32 v8, v9  }
0x45e: {  	[tilespmem:s17+$0x100] =	vst v8  }
0x45f: {  	v9 =	vld [tilespmem:s24+$0x100];
	_ =	sdelay $0x4  }
0x460: {  	v8 =	vadd.s32 v8, v9  }
0x461: {  	[tilespmem:s17+$0x200] =	vst v8  }
0x462: {  	v9 =	vld [tilespmem:s24+$0x200];
	_ =	sdelay $0x4  }
0x463: {  	v8 =	vadd.s32 v8, v9  }
0x464: {  	[tilespmem:s17+$0x300] =	vst v8  }
0x465: {  	v9 =	vld [tilespmem:s24+$0x300];
	_ =	sdelay $0x4  }
0x466: {  	v8 =	vadd.s32 v8, v9  }
0x467: {  	[tilespmem:s17+$0x400] =	vst v8  }
0x468: {  	v9 =	vld [tilespmem:s24+$0x400];
	_ =	sdelay $0x4  }
0x469: {  	v8 =	vadd.s32 v8, v9  }
0x46a: {  	[tilespmem:s17+$0x500] =	vst v8  }
0x46b: {  	v9 =	vld [tilespmem:s24+$0x500];
	_ =	sdelay $0x4  }
0x46c: {  	v8 =	vadd.s32 v8, v9  }
0x46d: {  	[tilespmem:s17+$0x600] =	vst v8  }
0x46e: {  	v9 =	vld [tilespmem:s24+$0x600];
	_ =	sdelay $0x4  }
0x46f: {  	v8 =	vadd.s32 v8, v9  }
0x470: {  	[tilespmem:s17+$0x700] =	vst v8  }
0x471: {  	v9 =	vld [tilespmem:s24+$0x700]  }
.Ltmp29:
0x472: {  	(pc) =	sbr.rel @p4 .LBB2_51-.Ltmp29, $2  }
0x473: {  	_ =	sdelay $0x2  }
0x474: {  	s19 =	simm.s32 $0x0;
	s4 =	sand.u32 $0xF0, s25;
	v8 =	vadd.s32 v8, v9  }
0x475: {  	v10 =	vadd.s32 s19, v6;
	_ =	sdelay $0x3  }
0x476: {  	[tilespmem:s4+$0x14A00] =	vst v8  }
0x477: {  	v8 =	vld.idx.msk [tilespmem:v10+s30+$0x0], $0xffff;
	_ =	sdelay $0x4  }
0x478: {  	v9 =	vshrl.u32 v8, $0x10  }
0x479: {  	v9 =	vand.u32 $0xFF, v9  }
0x47a: {  	v9 =	vor.u32 v7, v9;
	_ =	sdelay $0x4  }
0x47b: {  	v11 =	vld.idx.msk [tilespmem:v9+s1+$0x0], $0xffff;
	_ =	sdelay $0x5  }
0x47c: {  	v10 =	vld.idx.msk [tilespmem:v10+s31+$0x0], $0xffff  }
0x47d: {  	s6 =	simm.s32 $0x1  }
0x47e: {  	[tilespmem:v11+s2+$0x0] =	vst.idx.msk $0xffff, v8;
	v8 =	vadd.s32 s6, v6;
	_ =	sdelay $0x2  }
0x47f: {  	s4 =	simm.s32 $0x2;
	[tilespmem:v11+s3+$0x0] =	vst.idx.msk $0xffff, v10;
	v10 =	vadd.s32 $0x1, v11  }
.LBB2_53:
0x480: {  	p4 =	sne.s32 s4, $0x180;
	[tilespmem:v9+s1+$0x0] =	vst.idx.msk $0xffff, v10;
	s6 =	smov.u32 s4;
	s4 =	sadd.s32 $0x1, s4  }
0x481: {  	v10 =	vld.idx.msk [tilespmem:v8+s30+$0x0], $0xffff;
	_ =	sdelay $0x5  }
0x482: {  	v9 =	vshrl.u32 v10, $0x10  }
0x483: {  	v9 =	vand.u32 $0xFF, v9  }
0x484: {  	v9 =	vor.u32 v7, v9;
	_ =	sdelay $0x4  }
0x485: {  	v11 =	vld.idx.msk [tilespmem:v9+s1+$0x0], $0xffff;
	_ =	sdelay $0x2  }
0x486: {  	v12 =	vld.idx.msk [tilespmem:v8+s31+$0x0], $0xffff;
	_ =	sdelay $0x1  }
.Ltmp30:
0x487: {  	(pc) =	sbr.rel @p4 .LBB2_53-.Ltmp30, $3  }
0x488: {  	v8 =	vadd.s32 s6, v6;
	_ =	sdelay $0x1  }
0x489: {  	[tilespmem:v11+s2+$0x0] =	vst.idx.msk $0xffff, v10  }
0x48a: {  	v10 =	vadd.s32 $0x1, v11;
	[tilespmem:v11+s3+$0x0] =	vst.idx.msk $0xffff, v12  }
0x48b: {  	_ =	sdelay $0x3  }
0x48c: {  	[tilespmem:v9+s1+$0x0] =	vst.idx.msk $0xffff, v10  }
0x48d: {  	v9 =	vld.idx.msk [tilespmem:v8+s30+$0x0], $0xffff;
	_ =	sdelay $0x4  }
0x48e: {  	v10 =	vshrl.u32 v9, $0x10  }
0x48f: {  	v10 =	vand.u32 $0xFF, v10  }
0x490: {  	v10 =	vor.u32 v7, v10;
	_ =	sdelay $0x4  }
0x491: {  	v11 =	vld.idx.msk [tilespmem:v10+s1+$0x0], $0xffff;
	_ =	sdelay $0x3  }
0x492: {  	v8 =	vld.idx.msk [tilespmem:v8+s31+$0x0], $0xffff;
	_ =	sdelay $0x3  }
0x493: {  	[tilespmem:v11+s2+$0x0] =	vst.idx.msk $0xffff, v9  }
0x494: {  	[tilespmem:v11+s3+$0x0] =	vst.idx.msk $0xffff, v8;
	v8 =	vadd.s32 $0x1, v11  }
0x495: {  	s16 =	simm.s32 $0x0;
	[tilespmem:v10+s1+$0x0] =	vst.idx.msk $0xffff, v8  }
0x496: {  	v9 =	vld [tilespmem:s16+$0x17C00]  }
0x497: {  	v8 =	vld [tilespmem:s16+$0x19480];
	_ =	sdelay $0x3  }
0x498: {  	s4 =	simm.s32 $0x10;
	v10 =	vcvt.s32.f32 v9  }
0x499: {  	v11 =	vand.u32 $0x1FF, v8;
	v12 =	vshrl.u32 v8, $0x9;
	v8 =	vld [tilespmem:s4+$0x17C00]  }
0x49a: {  	vm0 =	vgt.s32 v9, $0x0;
	v9 =	vld [tilespmem:s4+$0x19480];
	v10 =	vmul.f32 $5.960464480e-08, v10  }
0x49b: {  	v11 =	vcvt.s32.f32 v11;
	v12 =	vcvt.s32.f32 v12  }
0x49c: {  	v13 =	vnsel vm0, $0xBF800000, v10  }
0x49d: {  	s17 =	simm.s32 $0x80;
	v11 =	vnsel vm0, $0x0, v11;
	v10 =	vnsel vm0, $0x0, v12;
	[tilespmem:s16+$0x1CD00] =	vst v13  }
.LBB2_55:
0x49e: {  	s6 =	sshra.s32 s17, $0x2;
	p4 =	sne.s32 s17, $0x3FC0;
	s17 =	sadd.s32 $0x40, s17;
	v12 =	vcvt.s32.f32 v8;
	[tilespmem:s16+$0x1AD00] =	vst v11;
	v11 =	vmov v8  }
.Ltmp31:
0x49f: {  	v13 =	vand.u32 $0x1FF, v9;
	v14 =	vshrl.u32 v9, $0x9;
	v8 =	vld [tilespmem:s6+$0x17C00];
	[tilespmem:s16+$0x1BD00] =	vst v10;
	s16 =	smov.u32 s4;
	s4 =	smov.u32 s6;
	(pc) =	sbr.rel @p4 .LBB2_55-.Ltmp31, $4  }
0x4a0: {  	v9 =	vld [tilespmem:s4+$0x19480];
	v10 =	vmul.f32 $5.960464480e-08, v12;
	v12 =	vcvt.s32.f32 v13  }
0x4a1: {  	vm0 =	vgt.s32 v11, $0x0;
	v13 =	vcvt.s32.f32 v14  }
0x4a2: {  	v14 =	vnsel vm0, $0xBF800000, v10;
	v11 =	vnsel vm0, $0x0, v12  }
0x4a3: {  	v10 =	vnsel vm0, $0x0, v13;
	[tilespmem:s16+$0x1CD00] =	vst v14  }
.Ltmp32:
0x4a4: {  	_ = 	snop;
	(pc) =	sbr.rel .LBB2_56-.Ltmp32, $1  }
0x4a5: {  	_ =	sdelay $0x3  }
.LBB2_58:
0x4a6: {  	_ =	sfence.sel $0x180000  }
0x4a7: {  	[bflag:$0x0] =	sbarrier.arrive $0xFFFF  }
0x4a8: {  	_ =	strace $0x90000047  }
0x4a9: {  	s0 =	stileid.u32;
	[bflag:$0x2] =	sbarrier.arrive $0xFFFF  }
0x4aa: {  	p0 =	sne.s32 s0, $0x0;
	s0 =	rddreg [dreg:$0x6]  }
0x4ab: {  	s0 =	sadd.s32 @!p0 $0x100000, s0  }
0x4ac: {  	[sflag:s0] =	ssyncadd.tile.s32 @!p0 $0x1;
	_ =	shalt  }
.Lfunc_end2:
_tile_overlayer_lowered:
.L_overlay_start_2:
0x4ad: {  	(tag) =	ssettag $0x2  }
0x4ae: {  	s0 =	rddreg [dreg:$0x0];
	s2 =	stileid.u32  }
0x4af: {  	s1 =	rddreg [dreg:$0x1];
	p0 =	sne.s32 s2, $0x0  }
0x4b0: {  	s3 =	rddreg [dreg:$0x2];
	[bflag:$0x3] =	sbarrier.arrive $0xFFFF;
	s2 =	simm.s32 @!p0 $0x1C01  }
0x4b1: {  	[timem:s3], [sflag:s2] =	dma.local @!p0 [hbm:s0], s1  }
0x4b2: {  	s0 =	simm.s32 @!p0 $0x1  }
0x4b3: {  	_ =	swait.ge @!p0 [sflag:s0], s1  }
0x4b4: {  	s1 =	ssub.s32 @!p0 $0x0, s1;
	[sflag:s0] =	ssyncset.done @!p0 $0x0  }
0x4b5: {  	[sflag:s0] =	ssyncadd.s32 @!p0 s1  }
0x4b6: {  	[bflag:$0x3] =	sbarrier.arrive $0xFFFF  }
0x4b7: {  	_ =	shalt  }

</sc_bundles>
